<compile_context>
chip_gen: v7x
topology: tpu7x:2x2x1
jax: 0.10.2.dev20260603
libtpu: 0.0.44.dev20260713+nightly
codegen_flags: <defaults>
</compile_context>

<pallas_src>
import functools
import numpy as np
import jax
import jax.numpy as jnp
from jax import lax
from jax.experimental import pallas as pl
from jax.experimental.pallas import tpu as pltpu
from jax.experimental.pallas import tpu_sc as plsc

B, H, W = 2, 512, 512
MAX_KPTS = 1024
NUM_SCALES = 3
DIFF_ITERS = 3
KAPPA = 0.05
THRESHOLD = 0.001
AKAZE_NMS = 5
ORI_PATCH = 15
ORI_SIGMA = 2.5
NUM_PAIRS = 256
SINK_ITERS = 20
EPSILON = 1.0
UNUSED = 1.0
NMS_RADIUS = 3
SCORE_THRESH = 0.0
MAX_RADIUS = 16
BORDER = MAX_RADIUS

NEG = -1e30
NPAD = 1152



def _shift1e(x, d, axis):
    if axis == 0:
        if d == 1:
            return jnp.concatenate([x[1:, :], x[-1:, :]], axis=0)
        return jnp.concatenate([x[:1, :], x[:-1, :]], axis=0)
    if d == 1:
        return jnp.concatenate([x[:, 1:], x[:, -1:]], axis=1)
    return jnp.concatenate([x[:, :1], x[:, :-1]], axis=1)


def _shift(x, dy, dx):
    if dy != 0:
        x = _shift1e(x, dy, 0)
    if dx != 0:
        x = _shift1e(x, dx, 1)
    return x


def _maxpool(x, radius):
    up = x
    dn = x
    m = x
    for _ in range(radius):
        up = _shift1e(up, 1, 0)
        dn = _shift1e(dn, -1, 0)
        m = jnp.maximum(m, jnp.maximum(up, dn))
    up = m
    dn = m
    out = m
    for _ in range(radius):
        up = _shift1e(up, 1, 1)
        dn = _shift1e(dn, -1, 1)
        out = jnp.maximum(out, jnp.maximum(up, dn))
    return out


def _diffusion_step(L):
    Le = _shift(L, 0, 1)
    Lw = _shift(L, 0, -1)
    Ls = _shift(L, 1, 0)
    Ln = _shift(L, -1, 0)
    Lx = 0.5 * (Le - Lw)
    Ly = 0.5 * (Ls - Ln)
    g = jnp.exp(-((Lx * Lx + Ly * Ly) / (KAPPA * KAPPA)))
    fe = Le - L
    fw = L - Lw
    fs = Ls - L
    fn = L - Ln
    ge = 0.5 * (g + _shift(g, 0, 1))
    gw = 0.5 * (g + _shift(g, 0, -1))
    gs = 0.5 * (g + _shift(g, 1, 0))
    gn = 0.5 * (g + _shift(g, -1, 0))
    return L + 0.25 * (ge * fe - gw * fw + gs * fs - gn * fn)


def _hessian_response(L):
    Le = _shift(L, 0, 1)
    Lw = _shift(L, 0, -1)
    Ls = _shift(L, 1, 0)
    Ln = _shift(L, -1, 0)
    Lxx = Le - 2.0 * L + Lw
    Lyy = Ls - 2.0 * L + Ln
    Lxy = 0.25 * (_shift(L, 1, 1) - _shift(L, 1, -1)
                  - _shift(L, -1, 1) + _shift(L, -1, -1))
    return Lxx * Lyy - Lxy * Lxy


def _shiftz(x, d, axis):
    if d == 0:
        return x
    n = abs(d)
    if axis == 0:
        z = jnp.zeros((n, x.shape[1]), x.dtype)
        if d > 0:
            return jnp.concatenate([x[n:, :], z], axis=0)
        return jnp.concatenate([z, x[:-n, :]], axis=0)
    z = jnp.zeros((x.shape[0], n), x.dtype)
    if d > 0:
        return jnp.concatenate([x[:, n:], z], axis=1)
    return jnp.concatenate([z, x[:, :-n]], axis=1)


_rr = ORI_PATCH // 2
_ax = np.arange(-_rr, _rr + 1, dtype=np.float64)
_g1 = np.exp(-(_ax * _ax) / (2.0 * ORI_SIGMA * ORI_SIGMA)).astype(np.float32)
_W1D = (_g1 / _g1.sum()).tolist()


def _gauss_smooth(x):
    for axis in (1, 0):
        acc = _W1D[_rr] * x
        for t in range(1, _rr + 1):
            acc = acc + _W1D[_rr + t] * (_shiftz(x, t, axis)
                                         + _shiftz(x, -t, axis))
        x = acc
    return x


def _akaze_body(x_ref, ms_ref, cs_ref):
    L = x_ref[0]
    scores = jnp.zeros_like(L)
    for _s in range(NUM_SCALES):
        L = lax.fori_loop(0, DIFF_ITERS, lambda i, Lc: _diffusion_step(Lc), L)
        r = _hessian_response(L)
        keep = (r >= _maxpool(r, AKAZE_NMS // 2)) & (r > THRESHOLD)
        scores = jnp.maximum(scores, jnp.where(keep, r, 0.0))

    Lx = 0.5 * (_shift(L, 0, 1) - _shift(L, 0, -1))
    Ly = 0.5 * (_shift(L, 1, 0) - _shift(L, -1, 0))
    sx = _gauss_smooth(Lx)
    sy = _gauss_smooth(Ly)
    rn = jnp.sqrt(sx * sx + sy * sy)
    safe = rn > 0.0
    rs = jnp.maximum(rn, 1e-30)
    cs_ref[0, 0] = jnp.where(safe, sx / rs, 1.0)
    cs_ref[0, 1] = jnp.where(safe, sy / rs, 0.0)

    nms = scores >= _maxpool(scores, NMS_RADIUS)
    yy = lax.broadcasted_iota(jnp.int32, (H, W), 0)
    xx = lax.broadcasted_iota(jnp.int32, (H, W), 1)
    bm = ((yy >= BORDER) & (yy < H - BORDER)
          & (xx >= BORDER) & (xx < W - BORDER))
    valid = nms & (scores > SCORE_THRESH) & bm
    ms_ref[0] = jnp.where(valid, scores, -jnp.inf)


def _akaze_all(x):
    n = x.shape[0]
    return pl.pallas_call(
        _akaze_body,
        grid=(n,),
        in_specs=[pl.BlockSpec((1, H, W), lambda i: (i, 0, 0))],
        out_specs=[pl.BlockSpec((1, H, W), lambda i: (i, 0, 0)),
                   pl.BlockSpec((1, 2, H, W), lambda i: (i, 0, 0, 0))],
        out_shape=[jax.ShapeDtypeStruct((n, H, W), jnp.float32),
                   jax.ShapeDtypeStruct((n, 2, H, W), jnp.float32)],
    )(x)



def _sink_body(d1_ref, d2_ref, out_ref):
    d1 = d1_ref[0]
    d2 = d2_ref[0]
    G = lax.dot_general(d1, d2, (((1,), (1,)), ((), ())),
                        preferred_element_type=jnp.float32)
    sq1 = jnp.sum(d1 * d1, axis=1, keepdims=True)
    sq2 = jnp.sum(d2 * d2, axis=1, keepdims=True)
    d2m = sq1 + jnp.transpose(sq2) - 2.0 * G
    sc = -jnp.sqrt(jnp.clip(d2m, 0.0, None) + 1e-12)

    scp = jnp.concatenate(
        [jnp.concatenate([sc, jnp.zeros((MAX_KPTS, NPAD - MAX_KPTS),
                                        jnp.float32)], axis=1),
         jnp.zeros((NPAD - MAX_KPTS, NPAD), jnp.float32)], axis=0)
    ri = lax.broadcasted_iota(jnp.int32, (NPAD, NPAD), 0)
    ci = lax.broadcasted_iota(jnp.int32, (NPAD, NPAD), 1)
    main = (ri < MAX_KPTS) & (ci < MAX_KPTS)
    bins = (((ri == MAX_KPTS) & (ci <= MAX_KPTS))
            | ((ci == MAX_KPTS) & (ri <= MAX_KPTS)))
    Z = jnp.where(main, scp, jnp.where(bins, UNUSED, NEG)) / EPSILON

    norm = -np.log(2.0 * MAX_KPTS)
    li = lax.broadcasted_iota(jnp.int32, (NPAD, 1), 0)
    log_mu = jnp.where(li < MAX_KPTS, norm,
                       jnp.where(li == MAX_KPTS,
                                 np.log(float(MAX_KPTS)) + norm, NEG))
    log_nu = jnp.transpose(log_mu)

    def body(_i, uv):
        u, v = uv
        t = Z + v
        m = jnp.max(t, axis=1, keepdims=True)
        u = log_mu - (m + jnp.log(jnp.sum(jnp.exp(t - m), axis=1,
                                          keepdims=True)))
        t = Z + u
        m = jnp.max(t, axis=0, keepdims=True)
        v = log_nu - (m + jnp.log(jnp.sum(jnp.exp(t - m), axis=0,
                                          keepdims=True)))
        return (u, v)

    u, v = lax.fori_loop(0, SINK_ITERS, body,
                         (jnp.zeros((NPAD, 1), jnp.float32),
                          jnp.zeros((1, NPAD), jnp.float32)))
    out_ref[0] = jnp.exp(Z + u + v - norm)


def _sink_all(d1, d2):
    return pl.pallas_call(
        _sink_body,
        grid=(B,),
        in_specs=[pl.BlockSpec((1, MAX_KPTS, NUM_PAIRS), lambda i: (i, 0, 0)),
                  pl.BlockSpec((1, MAX_KPTS, NUM_PAIRS), lambda i: (i, 0, 0))],
        out_specs=pl.BlockSpec((1, NPAD, NPAD), lambda i: (i, 0, 0)),
        out_shape=jax.ShapeDtypeStruct((B, NPAD, NPAD), jnp.float32),
    )(d1, d2)



_NC, _NS = 2, 16
_NW = _NC * _NS


@functools.lru_cache(maxsize=None)
def _sc_gather_kernel(n_total, chunk, n_active):
    n_w = n_total // n_active
    n_chunks = n_w // chunk
    sub = chunk // 128
    mesh = plsc.VectorSubcoreMesh(core_axis_name="c", subcore_axis_name="s")

    def body(tbl_hbm, ridx_hbm, out_hbm, ridx_v, out_v, sem):
        wid = lax.axis_index("s") * _NC + lax.axis_index("c")
        base = wid * n_w

        def chunk_body(ci, carry):
            off = pl.multiple_of(base + ci * chunk, chunk)
            roff = pl.multiple_of(off // 128, sub)
            pltpu.sync_copy(ridx_hbm.at[pl.ds(roff, sub), :], ridx_v)
            cps = [pltpu.async_copy(tbl_hbm.at[ridx_v.at[j]],
                                    out_v.at[pl.ds(j * 128, 128)], sem)
                   for j in range(sub)]
            for cp in cps:
                cp.wait()
            pltpu.sync_copy(out_v, out_hbm.at[pl.ds(off, chunk)])
            return carry

        @pl.when(wid < n_active)
        def _():
            lax.fori_loop(0, n_chunks, chunk_body, 0)

    return pl.kernel(
        body,
        out_type=jax.ShapeDtypeStruct((n_total,), jnp.float32),
        mesh=mesh,
        scratch_types=[
            pltpu.VMEM((sub, 128), jnp.int32),
            pltpu.VMEM((chunk,), jnp.float32),
            pltpu.SemaphoreType.DMA,
        ],
    )


def _sc_gather(table_flat, idx):
    n = int(idx.shape[0])
    n_active = min(_NW, n // 1024)
    chunk = min(2048, n // n_active)
    rows = idx.reshape(n // 128, 128)
    return _sc_gather_kernel(n, chunk, n_active)(table_flat, rows)


def _descriptors(img_flat, cs, kpts, offsets, thresholds):
    nm = cs.shape[0]
    hw = H * W
    ky = kpts[..., 0]
    kx = kpts[..., 1]
    yi = jnp.clip(jnp.round(ky), 0, H - 1).astype(jnp.int32)
    xi = jnp.clip(jnp.round(kx), 0, W - 1).astype(jnp.int32)

    csofs = (jnp.arange(nm, dtype=jnp.int32) * 2 * hw)[:, None]
    kflat = yi * W + xi
    cidx = kflat + csofs
    tidx = jnp.stack([cidx, cidx + hw], axis=-1).reshape(-1)
    csv = _sc_gather(cs.reshape(-1), tidx).reshape(nm, MAX_KPTS, 2)
    c = csv[..., 0][..., None, None]
    s = csv[..., 1][..., None, None]

    ox = jnp.stack([offsets[:, 0], offsets[:, 2]], axis=-1)
    oy = jnp.stack([offsets[:, 1], offsets[:, 3]], axis=-1)
    rx = c * ox - s * oy
    ry = s * ox + c * oy
    yy = jnp.clip(jnp.round(ky[..., None, None] + ry), 0, H - 1)
    xx = jnp.clip(jnp.round(kx[..., None, None] + rx), 0, W - 1)
    bofs = (jnp.arange(nm, dtype=jnp.int32) * hw)[:, None, None, None]
    fidx = (yy.astype(jnp.int32) * W + xx.astype(jnp.int32) + bofs)
    vals = _sc_gather(img_flat, fidx.reshape(-1))
    vals = vals.reshape(nm, MAX_KPTS, NUM_PAIRS, 2)
    desc = vals[..., 0] - vals[..., 1] - thresholds
    return desc / (jnp.linalg.norm(desc, axis=-1, keepdims=True) + 1e-8)


def _select_kpts(ms):
    vals, idx = lax.top_k(ms.reshape(B, -1), MAX_KPTS)
    ys = idx // W
    xs = idx % W
    ok = jnp.isfinite(vals)
    kpts = jnp.where(ok[..., None], jnp.stack([ys, xs], -1), -1)
    return kpts.astype(jnp.float32)


def kernel(image1, image2, pair_offsets, pair_thresholds):
    ms1, cs1 = _akaze_all(image1[:, 0])
    ms2, cs2 = _akaze_all(image2[:, 0])
    kpts1 = _select_kpts(ms1)
    kpts2 = _select_kpts(ms2)
    d1 = _descriptors(image1.reshape(-1), cs1, kpts1,
                      pair_offsets, pair_thresholds)
    d2 = _descriptors(image2.reshape(-1), cs2, kpts2,
                      pair_offsets, pair_thresholds)
    probs_pad = _sink_all(d1, d2)
    probs = probs_pad[:, :MAX_KPTS + 1, :MAX_KPTS + 1]
    return kpts1, kpts2, probs

# --- scband reference (transcript-rebuilt; emitter-appended) ---
"""Pipeline reference for scband-akazesparse-badsinkhorn-matcher-40527311405307 (READ-ONLY COPY).

The authoritative reference and input builder live on the scoring server;
editing this copy changes nothing except your own understanding.
"""

import jax, jax.numpy as jnp
import numpy as np

B, H, W = 2, 512, 512
MAX_KPTS = 1024
NUM_SCALES = 3; DIFF_ITERS = 3; KAPPA = 0.05; THRESHOLD = 0.001
AKAZE_NMS = 5; ORI_PATCH = 15; ORI_SIGMA = 2.5
NUM_PAIRS = 256
SINK_ITERS = 20; EPSILON = 1.0; UNUSED = 1.0
NMS_RADIUS = 3; SCORE_THRESH = 0.0
MAX_RADIUS = 16; BORDER = MAX_RADIUS

def shift(x, dy, dx):
    p = jnp.pad(x, ((0,0),(1,1),(1,1)), mode='edge')
    h, w = x.shape[1], x.shape[2]
    return p[:, 1+dy:1+dy+h, 1+dx:1+dx+w]

def diffusion_step(L, kappa, dt=0.25):
    Lx = 0.5*(shift(L,0,1)-shift(L,0,-1))
    Ly = 0.5*(shift(L,1,0)-shift(L,-1,0))
    g = jnp.exp(-((Lx*Lx+Ly*Ly)/(kappa*kappa)))
    fe = shift(L,0,1)-L; fw = L-shift(L,0,-1)
    fs = shift(L,1,0)-L; fn = L-shift(L,-1,0)
    ge = 0.5*(g+shift(g,0,1)); gw = 0.5*(g+shift(g,0,-1))
    gs = 0.5*(g+shift(g,1,0)); gn = 0.5*(g+shift(g,-1,0))
    return L + dt*(ge*fe - gw*fw + gs*fs - gn*fn)

def hessian_response(L):
    Lxx = shift(L,0,1)-2.0*L+shift(L,0,-1)
    Lyy = shift(L,1,0)-2.0*L+shift(L,-1,0)
    Lxy = 0.25*(shift(L,1,1)-shift(L,1,-1)-shift(L,-1,1)+shift(L,-1,-1))
    return Lxx*Lyy - Lxy*Lxy

def maxpool2d(x, size):
    return jax.lax.reduce_window(x, -jnp.inf, jax.lax.max, (1,size,size), (1,1,1), 'SAME')

def conv2d_same(x, k):
    return jax.lax.conv_general_dilated(x[:,None], k[None,None].astype(x.dtype), (1,1), 'SAME')[:,0]

def akaze(img):
    L = img[:,0]
    resp = []
    for _s in range(NUM_SCALES):
        L = jax.lax.fori_loop(0, DIFF_ITERS, lambda _i, Lc: diffusion_step(Lc, KAPPA), L)
        r = hessian_response(L)
        keep = (r >= maxpool2d(r, AKAZE_NMS)) & (r > THRESHOLD)
        resp.append(jnp.where(keep, r, 0.0))
    scores = jnp.max(jnp.stack(resp,0),0)
    Lx = 0.5*(shift(L,0,1)-shift(L,0,-1))
    Ly = 0.5*(shift(L,1,0)-shift(L,-1,0))
    rr = ORI_PATCH//2
    ax = jnp.arange(-rr, rr+1, dtype=jnp.float32)
    g1 = jnp.exp(-(ax*ax)/(2.0*ORI_SIGMA*ORI_SIGMA))
    k2 = jnp.outer(g1,g1); k2 = k2/jnp.sum(k2)
    orient = jnp.arctan2(conv2d_same(Ly,k2), conv2d_same(Lx,k2))
    return scores[:,None], orient[:,None]

def apply_nms_maxpool(scores, radius):
    return scores >= maxpool2d(scores, 2*radius+1)

def select_topk_keypoints(scores, nms_mask, k, thr, margin):
    b,h,w = scores.shape
    yy = jnp.arange(h); xx = jnp.arange(w)
    bm = (yy[:,None]>=margin)&(yy[:,None]<h-margin)&(xx[None,:]>=margin)&(xx[None,:]<w-margin)
    valid = nms_mask & (scores>thr) & bm[None]
    ms = jnp.where(valid, scores, -jnp.inf)
    vals, idx = jax.lax.top_k(ms.reshape(b,-1), k)
    ys = idx // w; xs = idx % w
    ok = jnp.isfinite(vals)
    kpts = jnp.where(ok[...,None], jnp.stack([ys,xs],-1), -1)
    return kpts.astype(jnp.float32), vals

def sample_nearest(img, ys, xs):
    b,h,w = img.shape
    yi = jnp.clip(jnp.round(ys),0,h-1).astype(jnp.int32)
    xi = jnp.clip(jnp.round(xs),0,w-1).astype(jnp.int32)
    flat = img.reshape(b,-1)
    idx = (yi*w+xi).reshape(b,-1)
    return jnp.take_along_axis(flat, idx, axis=1).reshape(yi.shape)

def sparse_bad(img, kpts, orient, offsets, thresholds):
    I = img[:,0]; O = orient[:,0]
    ky = kpts[...,0]; kx = kpts[...,1]
    theta = sample_nearest(O, ky[...,None], kx[...,None])[...,0]
    c = jnp.cos(theta)[...,None]; s = jnp.sin(theta)[...,None]
    ox1, oy1, ox2, oy2 = offsets[:,0], offsets[:,1], offsets[:,2], offsets[:,3]
    rx1 = c*ox1 - s*oy1; ry1 = s*ox1 + c*oy1
    rx2 = c*ox2 - s*oy2; ry2 = s*ox2 + c*oy2
    v1 = sample_nearest(I, ky[...,None]+ry1, kx[...,None]+rx1)
    v2 = sample_nearest(I, ky[...,None]+ry2, kx[...,None]+rx2)
    desc = v1 - v2 - thresholds
    desc = desc / (jnp.linalg.norm(desc, axis=-1, keepdims=True) + 1e-8)
    return desc

def sinkhorn_match(d1, d2):
    b,k,_ = d1.shape
    sq1 = jnp.sum(d1*d1,-1); sq2 = jnp.sum(d2*d2,-1)
    d2m = sq1[:,:,None]+sq2[:,None,:]-2.0*jnp.einsum('bkd,bld->bkl', d1, d2)
    cost = jnp.sqrt(jnp.clip(d2m, 0.0, None)+1e-12)
    sc = -cost
    binr = jnp.full((b,k,1), UNUSED, sc.dtype)
    binc = jnp.full((b,1,k), UNUSED, sc.dtype)
    corner = jnp.full((b,1,1), UNUSED, sc.dtype)
    aug = jnp.concatenate([jnp.concatenate([sc,binr],2), jnp.concatenate([binc,corner],2)],1)
    Z = aug / EPSILON
    norm = -jnp.log(2.0*k)
    log_mu = jnp.concatenate([jnp.zeros(k), jnp.array([jnp.log(float(k))])]) + norm
    log_nu = log_mu
    u = jnp.zeros((b,k+1)); v = jnp.zeros((b,k+1))
    def sink_body(_i, uv):
        u, v = uv
        u = log_mu[None] - jax.nn.logsumexp(Z + v[:,None,:], axis=2)
        v = log_nu[None] - jax.nn.logsumexp(Z + u[:,:,None], axis=1)
        return (u, v)
    u, v = jax.lax.fori_loop(0, SINK_ITERS, sink_body, (u, v))
    return jnp.exp(Z + u[:,:,None] + v[:,None,:] - norm)

def setup_inputs(seed: int = 0):
    key = jax.random.key(seed)
    k1,k2,k3,k4 = jax.random.split(key,4)
    image1 = jax.random.normal(k1,(B,1,H,W),jnp.float32)
    image2 = jax.random.normal(k2,(B,1,H,W),jnp.float32)
    pair_offsets = jax.random.uniform(k3,(NUM_PAIRS,4),jnp.float32,-float(MAX_RADIUS-2),float(MAX_RADIUS-2))
    pair_thresholds = jax.random.normal(k4,(NUM_PAIRS,),jnp.float32)*0.05
    return {"image1":image1,"image2":image2,"pair_offsets":pair_offsets,"pair_thresholds":pair_thresholds}

def reference(image1, image2, pair_offsets, pair_thresholds):
    scores1, orient1 = akaze(image1)
    scores2, orient2 = akaze(image2)
    s1 = scores1[:,0]; s2 = scores2[:,0]
    m1 = apply_nms_maxpool(s1, NMS_RADIUS)
    m2 = apply_nms_maxpool(s2, NMS_RADIUS)
    kpts1,_ = select_topk_keypoints(s1, m1, MAX_KPTS, SCORE_THRESH, BORDER)
    kpts2,_ = select_topk_keypoints(s2, m2, MAX_KPTS, SCORE_THRESH, BORDER)
    d1 = sparse_bad(image1, kpts1, orient1, pair_offsets, pair_thresholds)
    d2 = sparse_bad(image2, kpts2, orient2, pair_offsets, pair_thresholds)
    probs = sinkhorn_match(d1, d2)
    return kpts1, kpts2, probs

if __name__ == "__main__":
    import jax
    _d = setup_inputs()
    print(jax.jit(kernel)(*tuple(_d.values())))

</pallas_src>

<mosaic_0001>
#map = affine_map<(d0, d1) -> (0)>
#map1 = affine_map<(d0, d1) -> (0, 0)>
module attributes {stable_mosaic.version = 14 : i64} {
  func.func @body(%arg0: i32, %arg1: i32, %arg2: memref<1048576xf32, #tpu.memory_space<hbm>>, %arg3: memref<32x128xi32, #tpu.memory_space<hbm>>, %arg4: memref<4096xf32, #tpu.memory_space<hbm>>, %arg5: memref<8x128xi32, #tpu.memory_space<vmem>>, %arg6: memref<1024xf32, #tpu.memory_space<vmem>>, %arg7: memref<!tpu.dma_semaphore, #tpu.memory_space<semaphore_mem>>) attributes {dimension_semantics = [#tpu.dimension_semantics<core_parallel>, #tpu.dimension_semantics<subcore_parallel>], iteration_bounds = array<i64: 2, 16>, scalar_prefetch = 0 : i64, scratch_operands = 3 : i64, tpu.core_type = #tpu.core_type<sc_vector_subcore>, window_params = [{transform_indices = #map}, {transform_indices = #map1}, {transform_indices = #map}]} {
    %mul3A = arith.constant 2 : i32
    %mul3A_0 = arith.muli %arg1, %mul3A : i32
    %add3A = arith.addi %mul3A_0, %arg0 : i32
    %mul3A_1 = arith.constant 1024 : i32
    %mul3A_2 = arith.muli %add3A, %mul3A_1 : i32
    %lt3A = arith.constant 4 : i32
    %lt3A_3 = arith.cmpi slt, %add3A, %lt3A : i32
    %convert_element_type3A = arith.extui %lt3A_3 : i1 to i32
    %cond3A = arith.constant 0 : i32
    %cond3A_4 = arith.cmpi ne, %convert_element_type3A, %cond3A : i32
    scf.if %cond3A_4 {
      %scan3A = arith.constant 0 : i32
      %scan3A_5 = arith.constant 0 : i32
      %mul3A_6 = arith.constant 1024 : i32
      %mul3A_7 = arith.muli %scan3A_5, %mul3A_6 : i32
      %add3A_8 = arith.addi %mul3A_2, %mul3A_7 : i32
      %multiple_of3A = tpu.assume_multiple %add3A_8, 1024 : i32
      %jit3A = arith.constant 128 : i32
      %div3A = arith.divsi %multiple_of3A, %jit3A : i32
      %sign3A = arith.constant 0 : i32
      %sign3A_9 = arith.cmpi sgt, %multiple_of3A, %sign3A : i32
      %sign3A_10 = arith.extui %sign3A_9 : i1 to i32
      %sign3A_11 = arith.constant 0 : i32
      %sign3A_12 = arith.cmpi slt, %multiple_of3A, %sign3A_11 : i32
      %sign3A_13 = arith.extui %sign3A_12 : i1 to i32
      %sign3A_14 = arith.subi %sign3A_10, %sign3A_13 : i32
      %sign3A_15 = arith.constant 0 : i32
      %sign3A_16 = arith.cmpi sgt, %jit3A, %sign3A_15 : i32
      %sign3A_17 = arith.extui %sign3A_16 : i1 to i32
      %sign3A_18 = arith.constant 0 : i32
      %sign3A_19 = arith.cmpi slt, %jit3A, %sign3A_18 : i32
      %sign3A_20 = arith.extui %sign3A_19 : i1 to i32
      %sign3A_21 = arith.subi %sign3A_17, %sign3A_20 : i32
      %ne3A = arith.cmpi ne, %sign3A_14, %sign3A_21 : i32
      %rem3A = arith.remsi %multiple_of3A, %jit3A : i32
      %ne3A_22 = arith.constant 0 : i32
      %ne3A_23 = arith.cmpi ne, %rem3A, %ne3A_22 : i32
      %and3A = arith.andi %ne3A, %ne3A_23 : i1
      %sub3A = arith.constant 1 : i32
      %sub3A_24 = arith.subi %div3A, %sub3A : i32
      %select_n3A = arith.select %and3A, %sub3A_24, %div3A : i32
      %multiple_of3A_25 = tpu.assume_multiple %select_n3A, 8 : i32
      "tpu.region"() ({
        %run_scoped3A = tpu.sem_alloc : memref<!tpu.dma_semaphore, #tpu.memory_space<semaphore_mem>>
        %dma_start3A_153 = arith.constant 0 : i32
        %dma_start3A_154 = tpu.memref_slice %arg3[%multiple_of3A_25, %dma_start3A_153] : memref<32x128xi32, #tpu.memory_space<hbm>> -> memref<8x128xi32, #tpu.memory_space<hbm>>
        %dma_start3A_155 = arith.constant 0 : i32
        %dma_start3A_156 = tpu.memref_slice %arg3[%multiple_of3A_25, %dma_start3A_155] : memref<32x128xi32, #tpu.memory_space<hbm>> -> memref<8x128xi32, #tpu.memory_space<hbm>>
        tpu.enqueue_dma source(%dma_start3A_156 : memref<8x128xi32, #tpu.memory_space<hbm>>) target(%arg5 : memref<8x128xi32, #tpu.memory_space<vmem>>) target_semaphore(%run_scoped3A : memref<!tpu.dma_semaphore, #tpu.memory_space<semaphore_mem>>)
        %dma_wait3A_157 = arith.constant 0 : i32
        %dma_wait3A_158 = tpu.memref_slice %arg3[%multiple_of3A_25, %dma_wait3A_157] : memref<32x128xi32, #tpu.memory_space<hbm>> -> memref<8x128xi32, #tpu.memory_space<hbm>>
        %dma_wait3A_159 = arith.constant 0 : i32
        %dma_wait3A_160 = tpu.memref_slice %arg3[%multiple_of3A_25, %dma_wait3A_159] : memref<32x128xi32, #tpu.memory_space<hbm>> -> memref<8x128xi32, #tpu.memory_space<hbm>>
        tpu.wait_dma2 semaphore(%run_scoped3A : memref<!tpu.dma_semaphore, #tpu.memory_space<semaphore_mem>>) src(%dma_wait3A_160 : memref<8x128xi32, #tpu.memory_space<hbm>>) dst(%arg5 : memref<8x128xi32, #tpu.memory_space<vmem>>)
        tpu.yield
      }) : () -> ()
      %dma_start3A = arith.constant 0 : i32
      %dma_start3A_26 = arith.constant 0 : i32
      %dma_start3A_27 = tpu.memref_slice %arg6[%dma_start3A_26] : memref<1024xf32, #tpu.memory_space<vmem>> -> memref<128xf32, #tpu.memory_space<vmem>>
      %dma_start3A_28 = arith.constant 0 : i32
      %dma_start3A_29 = tpu.memref_slice %arg5[%dma_start3A, %dma_start3A_28] : memref<8x128xi32, #tpu.memory_space<vmem>> -> memref<1x128xi32, #tpu.memory_space<vmem>>
      %dma_start3A_30 = tpu.memref_squeeze %dma_start3A_29 : memref<1x128xi32, #tpu.memory_space<vmem>> -> memref<128xi32, #tpu.memory_space<vmem>>
      %dma_start3A_31 = arith.constant 0 : i32
      %dma_start3A_32 = tpu.memref_slice %arg2[%dma_start3A_31] : memref<1048576xf32, #tpu.memory_space<hbm>> -> memref<1048576xf32, #tpu.memory_space<hbm>>
      tpu.enqueue_indirect_dma source(%dma_start3A_32 : memref<1048576xf32, #tpu.memory_space<hbm>>) target(%dma_start3A_27 : memref<128xf32, #tpu.memory_space<vmem>>) offsets(%dma_start3A_30 : memref<128xi32, #tpu.memory_space<vmem>>) semaphore(%arg7 : memref<!tpu.dma_semaphore, #tpu.memory_space<semaphore_mem>>)
      %dma_start3A_33 = arith.constant 1 : i32
      %dma_start3A_34 = arith.constant 128 : i32
      %dma_start3A_35 = tpu.memref_slice %arg6[%dma_start3A_34] : memref<1024xf32, #tpu.memory_space<vmem>> -> memref<128xf32, #tpu.memory_space<vmem>>
      %dma_start3A_36 = arith.constant 0 : i32
      %dma_start3A_37 = tpu.memref_slice %arg5[%dma_start3A_33, %dma_start3A_36] : memref<8x128xi32, #tpu.memory_space<vmem>> -> memref<1x128xi32, #tpu.memory_space<vmem>>
      %dma_start3A_38 = tpu.memref_squeeze %dma_start3A_37 : memref<1x128xi32, #tpu.memory_space<vmem>> -> memref<128xi32, #tpu.memory_space<vmem>>
      %dma_start3A_39 = arith.constant 0 : i32
      %dma_start3A_40 = tpu.memref_slice %arg2[%dma_start3A_39] : memref<1048576xf32, #tpu.memory_space<hbm>> -> memref<1048576xf32, #tpu.memory_space<hbm>>
      tpu.enqueue_indirect_dma source(%dma_start3A_40 : memref<1048576xf32, #tpu.memory_space<hbm>>) target(%dma_start3A_35 : memref<128xf32, #tpu.memory_space<vmem>>) offsets(%dma_start3A_38 : memref<128xi32, #tpu.memory_space<vmem>>) semaphore(%arg7 : memref<!tpu.dma_semaphore, #tpu.memory_space<semaphore_mem>>)
      %dma_start3A_41 = arith.constant 2 : i32
      %dma_start3A_42 = arith.constant 256 : i32
      %dma_start3A_43 = tpu.memref_slice %arg6[%dma_start3A_42] : memref<1024xf32, #tpu.memory_space<vmem>> -> memref<128xf32, #tpu.memory_space<vmem>>
      %dma_start3A_44 = arith.constant 0 : i32
      %dma_start3A_45 = tpu.memref_slice %arg5[%dma_start3A_41, %dma_start3A_44] : memref<8x128xi32, #tpu.memory_space<vmem>> -> memref<1x128xi32, #tpu.memory_space<vmem>>
      %dma_start3A_46 = tpu.memref_squeeze %dma_start3A_45 : memref<1x128xi32, #tpu.memory_space<vmem>> -> memref<128xi32, #tpu.memory_space<vmem>>
      %dma_start3A_47 = arith.constant 0 : i32
      %dma_start3A_48 = tpu.memref_slice %arg2[%dma_start3A_47] : memref<1048576xf32, #tpu.memory_space<hbm>> -> memref<1048576xf32, #tpu.memory_space<hbm>>
      tpu.enqueue_indirect_dma source(%dma_start3A_48 : memref<1048576xf32, #tpu.memory_space<hbm>>) target(%dma_start3A_43 : memref<128xf32, #tpu.memory_space<vmem>>) offsets(%dma_start3A_46 : memref<128xi32, #tpu.memory_space<vmem>>) semaphore(%arg7 : memref<!tpu.dma_semaphore, #tpu.memory_space<semaphore_mem>>)
      %dma_start3A_49 = arith.constant 3 : i32
      %dma_start3A_50 = arith.constant 384 : i32
      %dma_start3A_51 = tpu.memref_slice %arg6[%dma_start3A_50] : memref<1024xf32, #tpu.memory_space<vmem>> -> memref<128xf32, #tpu.memory_space<vmem>>
      %dma_start3A_52 = arith.constant 0 : i32
      %dma_start3A_53 = tpu.memref_slice %arg5[%dma_start3A_49, %dma_start3A_52] : memref<8x128xi32, #tpu.memory_space<vmem>> -> memref<1x128xi32, #tpu.memory_space<vmem>>
      %dma_start3A_54 = tpu.memref_squeeze %dma_start3A_53 : memref<1x128xi32, #tpu.memory_space<vmem>> -> memref<128xi32, #tpu.memory_space<vmem>>
      %dma_start3A_55 = arith.constant 0 : i32
      %dma_start3A_56 = tpu.memref_slice %arg2[%dma_start3A_55] : memref<1048576xf32, #tpu.memory_space<hbm>> -> memref<1048576xf32, #tpu.memory_space<hbm>>
      tpu.enqueue_indirect_dma source(%dma_start3A_56 : memref<1048576xf32, #tpu.memory_space<hbm>>) target(%dma_start3A_51 : memref<128xf32, #tpu.memory_space<vmem>>) offsets(%dma_start3A_54 : memref<128xi32, #tpu.memory_space<vmem>>) semaphore(%arg7 : memref<!tpu.dma_semaphore, #tpu.memory_space<semaphore_mem>>)
      %dma_start3A_57 = arith.constant 4 : i32
      %dma_start3A_58 = arith.constant 512 : i32
      %dma_start3A_59 = tpu.memref_slice %arg6[%dma_start3A_58] : memref<1024xf32, #tpu.memory_space<vmem>> -> memref<128xf32, #tpu.memory_space<vmem>>
      %dma_start3A_60 = arith.constant 0 : i32
      %dma_start3A_61 = tpu.memref_slice %arg5[%dma_start3A_57, %dma_start3A_60] : memref<8x128xi32, #tpu.memory_space<vmem>> -> memref<1x128xi32, #tpu.memory_space<vmem>>
      %dma_start3A_62 = tpu.memref_squeeze %dma_start3A_61 : memref<1x128xi32, #tpu.memory_space<vmem>> -> memref<128xi32, #tpu.memory_space<vmem>>
      %dma_start3A_63 = arith.constant 0 : i32
      %dma_start3A_64 = tpu.memref_slice %arg2[%dma_start3A_63] : memref<1048576xf32, #tpu.memory_space<hbm>> -> memref<1048576xf32, #tpu.memory_space<hbm>>
      tpu.enqueue_indirect_dma source(%dma_start3A_64 : memref<1048576xf32, #tpu.memory_space<hbm>>) target(%dma_start3A_59 : memref<128xf32, #tpu.memory_space<vmem>>) offsets(%dma_start3A_62 : memref<128xi32, #tpu.memory_space<vmem>>) semaphore(%arg7 : memref<!tpu.dma_semaphore, #tpu.memory_space<semaphore_mem>>)
      %dma_start3A_65 = arith.constant 5 : i32
      %dma_start3A_66 = arith.constant 640 : i32
      %dma_start3A_67 = tpu.memref_slice %arg6[%dma_start3A_66] : memref<1024xf32, #tpu.memory_space<vmem>> -> memref<128xf32, #tpu.memory_space<vmem>>
      %dma_start3A_68 = arith.constant 0 : i32
      %dma_start3A_69 = tpu.memref_slice %arg5[%dma_start3A_65, %dma_start3A_68] : memref<8x128xi32, #tpu.memory_space<vmem>> -> memref<1x128xi32, #tpu.memory_space<vmem>>
      %dma_start3A_70 = tpu.memref_squeeze %dma_start3A_69 : memref<1x128xi32, #tpu.memory_space<vmem>> -> memref<128xi32, #tpu.memory_space<vmem>>
      %dma_start3A_71 = arith.constant 0 : i32
      %dma_start3A_72 = tpu.memref_slice %arg2[%dma_start3A_71] : memref<1048576xf32, #tpu.memory_space<hbm>> -> memref<1048576xf32, #tpu.memory_space<hbm>>
      tpu.enqueue_indirect_dma source(%dma_start3A_72 : memref<1048576xf32, #tpu.memory_space<hbm>>) target(%dma_start3A_67 : memref<128xf32, #tpu.memory_space<vmem>>) offsets(%dma_start3A_70 : memref<128xi32, #tpu.memory_space<vmem>>) semaphore(%arg7 : memref<!tpu.dma_semaphore, #tpu.memory_space<semaphore_mem>>)
      %dma_start3A_73 = arith.constant 6 : i32
      %dma_start3A_74 = arith.constant 768 : i32
      %dma_start3A_75 = tpu.memref_slice %arg6[%dma_start3A_74] : memref<1024xf32, #tpu.memory_space<vmem>> -> memref<128xf32, #tpu.memory_space<vmem>>
      %dma_start3A_76 = arith.constant 0 : i32
      %dma_start3A_77 = tpu.memref_slice %arg5[%dma_start3A_73, %dma_start3A_76] : memref<8x128xi32, #tpu.memory_space<vmem>> -> memref<1x128xi32, #tpu.memory_space<vmem>>
      %dma_start3A_78 = tpu.memref_squeeze %dma_start3A_77 : memref<1x128xi32, #tpu.memory_space<vmem>> -> memref<128xi32, #tpu.memory_space<vmem>>
      %dma_start3A_79 = arith.constant 0 : i32
      %dma_start3A_80 = tpu.memref_slice %arg2[%dma_start3A_79] : memref<1048576xf32, #tpu.memory_space<hbm>> -> memref<1048576xf32, #tpu.memory_space<hbm>>
      tpu.enqueue_indirect_dma source(%dma_start3A_80 : memref<1048576xf32, #tpu.memory_space<hbm>>) target(%dma_start3A_75 : memref<128xf32, #tpu.memory_space<vmem>>) offsets(%dma_start3A_78 : memref<128xi32, #tpu.memory_space<vmem>>) semaphore(%arg7 : memref<!tpu.dma_semaphore, #tpu.memory_space<semaphore_mem>>)
      %dma_start3A_81 = arith.constant 7 : i32
      %dma_start3A_82 = arith.constant 896 : i32
      %dma_start3A_83 = tpu.memref_slice %arg6[%dma_start3A_82] : memref<1024xf32, #tpu.memory_space<vmem>> -> memref<128xf32, #tpu.memory_space<vmem>>
      %dma_start3A_84 = arith.constant 0 : i32
      %dma_start3A_85 = tpu.memref_slice %arg5[%dma_start3A_81, %dma_start3A_84] : memref<8x128xi32, #tpu.memory_space<vmem>> -> memref<1x128xi32, #tpu.memory_space<vmem>>
      %dma_start3A_86 = tpu.memref_squeeze %dma_start3A_85 : memref<1x128xi32, #tpu.memory_space<vmem>> -> memref<128xi32, #tpu.memory_space<vmem>>
      %dma_start3A_87 = arith.constant 0 : i32
      %dma_start3A_88 = tpu.memref_slice %arg2[%dma_start3A_87] : memref<1048576xf32, #tpu.memory_space<hbm>> -> memref<1048576xf32, #tpu.memory_space<hbm>>
      tpu.enqueue_indirect_dma source(%dma_start3A_88 : memref<1048576xf32, #tpu.memory_space<hbm>>) target(%dma_start3A_83 : memref<128xf32, #tpu.memory_space<vmem>>) offsets(%dma_start3A_86 : memref<128xi32, #tpu.memory_space<vmem>>) semaphore(%arg7 : memref<!tpu.dma_semaphore, #tpu.memory_space<semaphore_mem>>)
      %dma_wait3A = arith.constant 0 : i32
      %dma_wait3A_89 = arith.constant 0 : i32
      %dma_wait3A_90 = tpu.memref_slice %arg6[%dma_wait3A_89] : memref<1024xf32, #tpu.memory_space<vmem>> -> memref<128xf32, #tpu.memory_space<vmem>>
      %dma_wait3A_91 = arith.constant 0 : i32
      %dma_wait3A_92 = tpu.memref_slice %arg5[%dma_wait3A, %dma_wait3A_91] : memref<8x128xi32, #tpu.memory_space<vmem>> -> memref<1x128xi32, #tpu.memory_space<vmem>>
      %dma_wait3A_93 = tpu.memref_squeeze %dma_wait3A_92 : memref<1x128xi32, #tpu.memory_space<vmem>> -> memref<128xi32, #tpu.memory_space<vmem>>
      %dma_wait3A_94 = arith.constant 0 : i32
      %dma_wait3A_95 = tpu.memref_slice %arg2[%dma_wait3A_94] : memref<1048576xf32, #tpu.memory_space<hbm>> -> memref<1048576xf32, #tpu.memory_space<hbm>>
      tpu.wait_indirect_dma semaphore(%arg7 : memref<!tpu.dma_semaphore, #tpu.memory_space<semaphore_mem>>) src(%dma_wait3A_95 : memref<1048576xf32, #tpu.memory_space<hbm>>) dst(%dma_wait3A_90 : memref<128xf32, #tpu.memory_space<vmem>>)
      %dma_wait3A_96 = arith.constant 1 : i32
      %dma_wait3A_97 = arith.constant 128 : i32
      %dma_wait3A_98 = tpu.memref_slice %arg6[%dma_wait3A_97] : memref<1024xf32, #tpu.memory_space<vmem>> -> memref<128xf32, #tpu.memory_space<vmem>>
      %dma_wait3A_99 = arith.constant 0 : i32
      %dma_wait3A_100 = tpu.memref_slice %arg5[%dma_wait3A_96, %dma_wait3A_99] : memref<8x128xi32, #tpu.memory_space<vmem>> -> memref<1x128xi32, #tpu.memory_space<vmem>>
      %dma_wait3A_101 = tpu.memref_squeeze %dma_wait3A_100 : memref<1x128xi32, #tpu.memory_space<vmem>> -> memref<128xi32, #tpu.memory_space<vmem>>
      %dma_wait3A_102 = arith.constant 0 : i32
      %dma_wait3A_103 = tpu.memref_slice %arg2[%dma_wait3A_102] : memref<1048576xf32, #tpu.memory_space<hbm>> -> memref<1048576xf32, #tpu.memory_space<hbm>>
      tpu.wait_indirect_dma semaphore(%arg7 : memref<!tpu.dma_semaphore, #tpu.memory_space<semaphore_mem>>) src(%dma_wait3A_103 : memref<1048576xf32, #tpu.memory_space<hbm>>) dst(%dma_wait3A_98 : memref<128xf32, #tpu.memory_space<vmem>>)
      %dma_wait3A_104 = arith.constant 2 : i32
      %dma_wait3A_105 = arith.constant 256 : i32
      %dma_wait3A_106 = tpu.memref_slice %arg6[%dma_wait3A_105] : memref<1024xf32, #tpu.memory_space<vmem>> -> memref<128xf32, #tpu.memory_space<vmem>>
      %dma_wait3A_107 = arith.constant 0 : i32
      %dma_wait3A_108 = tpu.memref_slice %arg5[%dma_wait3A_104, %dma_wait3A_107] : memref<8x128xi32, #tpu.memory_space<vmem>> -> memref<1x128xi32, #tpu.memory_space<vmem>>
      %dma_wait3A_109 = tpu.memref_squeeze %dma_wait3A_108 : memref<1x128xi32, #tpu.memory_space<vmem>> -> memref<128xi32, #tpu.memory_space<vmem>>
      %dma_wait3A_110 = arith.constant 0 : i32
      %dma_wait3A_111 = tpu.memref_slice %arg2[%dma_wait3A_110] : memref<1048576xf32, #tpu.memory_space<hbm>> -> memref<1048576xf32, #tpu.memory_space<hbm>>
      tpu.wait_indirect_dma semaphore(%arg7 : memref<!tpu.dma_semaphore, #tpu.memory_space<semaphore_mem>>) src(%dma_wait3A_111 : memref<1048576xf32, #tpu.memory_space<hbm>>) dst(%dma_wait3A_106 : memref<128xf32, #tpu.memory_space<vmem>>)
      %dma_wait3A_112 = arith.constant 3 : i32
      %dma_wait3A_113 = arith.constant 384 : i32
      %dma_wait3A_114 = tpu.memref_slice %arg6[%dma_wait3A_113] : memref<1024xf32, #tpu.memory_space<vmem>> -> memref<128xf32, #tpu.memory_space<vmem>>
      %dma_wait3A_115 = arith.constant 0 : i32
      %dma_wait3A_116 = tpu.memref_slice %arg5[%dma_wait3A_112, %dma_wait3A_115] : memref<8x128xi32, #tpu.memory_space<vmem>> -> memref<1x128xi32, #tpu.memory_space<vmem>>
      %dma_wait3A_117 = tpu.memref_squeeze %dma_wait3A_116 : memref<1x128xi32, #tpu.memory_space<vmem>> -> memref<128xi32, #tpu.memory_space<vmem>>
      %dma_wait3A_118 = arith.constant 0 : i32
      %dma_wait3A_119 = tpu.memref_slice %arg2[%dma_wait3A_118] : memref<1048576xf32, #tpu.memory_space<hbm>> -> memref<1048576xf32, #tpu.memory_space<hbm>>
      tpu.wait_indirect_dma semaphore(%arg7 : memref<!tpu.dma_semaphore, #tpu.memory_space<semaphore_mem>>) src(%dma_wait3A_119 : memref<1048576xf32, #tpu.memory_space<hbm>>) dst(%dma_wait3A_114 : memref<128xf32, #tpu.memory_space<vmem>>)
      %dma_wait3A_120 = arith.constant 4 : i32
      %dma_wait3A_121 = arith.constant 512 : i32
      %dma_wait3A_122 = tpu.memref_slice %arg6[%dma_wait3A_121] : memref<1024xf32, #tpu.memory_space<vmem>> -> memref<128xf32, #tpu.memory_space<vmem>>
      %dma_wait3A_123 = arith.constant 0 : i32
      %dma_wait3A_124 = tpu.memref_slice %arg5[%dma_wait3A_120, %dma_wait3A_123] : memref<8x128xi32, #tpu.memory_space<vmem>> -> memref<1x128xi32, #tpu.memory_space<vmem>>
      %dma_wait3A_125 = tpu.memref_squeeze %dma_wait3A_124 : memref<1x128xi32, #tpu.memory_space<vmem>> -> memref<128xi32, #tpu.memory_space<vmem>>
      %dma_wait3A_126 = arith.constant 0 : i32
      %dma_wait3A_127 = tpu.memref_slice %arg2[%dma_wait3A_126] : memref<1048576xf32, #tpu.memory_space<hbm>> -> memref<1048576xf32, #tpu.memory_space<hbm>>
      tpu.wait_indirect_dma semaphore(%arg7 : memref<!tpu.dma_semaphore, #tpu.memory_space<semaphore_mem>>) src(%dma_wait3A_127 : memref<1048576xf32, #tpu.memory_space<hbm>>) dst(%dma_wait3A_122 : memref<128xf32, #tpu.memory_space<vmem>>)
      %dma_wait3A_128 = arith.constant 5 : i32
      %dma_wait3A_129 = arith.constant 640 : i32
      %dma_wait3A_130 = tpu.memref_slice %arg6[%dma_wait3A_129] : memref<1024xf32, #tpu.memory_space<vmem>> -> memref<128xf32, #tpu.memory_space<vmem>>
      %dma_wait3A_131 = arith.constant 0 : i32
      %dma_wait3A_132 = tpu.memref_slice %arg5[%dma_wait3A_128, %dma_wait3A_131] : memref<8x128xi32, #tpu.memory_space<vmem>> -> memref<1x128xi32, #tpu.memory_space<vmem>>
      %dma_wait3A_133 = tpu.memref_squeeze %dma_wait3A_132 : memref<1x128xi32, #tpu.memory_space<vmem>> -> memref<128xi32, #tpu.memory_space<vmem>>
      %dma_wait3A_134 = arith.constant 0 : i32
      %dma_wait3A_135 = tpu.memref_slice %arg2[%dma_wait3A_134] : memref<1048576xf32, #tpu.memory_space<hbm>> -> memref<1048576xf32, #tpu.memory_space<hbm>>
      tpu.wait_indirect_dma semaphore(%arg7 : memref<!tpu.dma_semaphore, #tpu.memory_space<semaphore_mem>>) src(%dma_wait3A_135 : memref<1048576xf32, #tpu.memory_space<hbm>>) dst(%dma_wait3A_130 : memref<128xf32, #tpu.memory_space<vmem>>)
      %dma_wait3A_136 = arith.constant 6 : i32
      %dma_wait3A_137 = arith.constant 768 : i32
      %dma_wait3A_138 = tpu.memref_slice %arg6[%dma_wait3A_137] : memref<1024xf32, #tpu.memory_space<vmem>> -> memref<128xf32, #tpu.memory_space<vmem>>
      %dma_wait3A_139 = arith.constant 0 : i32
      %dma_wait3A_140 = tpu.memref_slice %arg5[%dma_wait3A_136, %dma_wait3A_139] : memref<8x128xi32, #tpu.memory_space<vmem>> -> memref<1x128xi32, #tpu.memory_space<vmem>>
      %dma_wait3A_141 = tpu.memref_squeeze %dma_wait3A_140 : memref<1x128xi32, #tpu.memory_space<vmem>> -> memref<128xi32, #tpu.memory_space<vmem>>
      %dma_wait3A_142 = arith.constant 0 : i32
      %dma_wait3A_143 = tpu.memref_slice %arg2[%dma_wait3A_142] : memref<1048576xf32, #tpu.memory_space<hbm>> -> memref<1048576xf32, #tpu.memory_space<hbm>>
      tpu.wait_indirect_dma semaphore(%arg7 : memref<!tpu.dma_semaphore, #tpu.memory_space<semaphore_mem>>) src(%dma_wait3A_143 : memref<1048576xf32, #tpu.memory_space<hbm>>) dst(%dma_wait3A_138 : memref<128xf32, #tpu.memory_space<vmem>>)
      %dma_wait3A_144 = arith.constant 7 : i32
      %dma_wait3A_145 = arith.constant 896 : i32
      %dma_wait3A_146 = tpu.memref_slice %arg6[%dma_wait3A_145] : memref<1024xf32, #tpu.memory_space<vmem>> -> memref<128xf32, #tpu.memory_space<vmem>>
      %dma_wait3A_147 = arith.constant 0 : i32
      %dma_wait3A_148 = tpu.memref_slice %arg5[%dma_wait3A_144, %dma_wait3A_147] : memref<8x128xi32, #tpu.memory_space<vmem>> -> memref<1x128xi32, #tpu.memory_space<vmem>>
      %dma_wait3A_149 = tpu.memref_squeeze %dma_wait3A_148 : memref<1x128xi32, #tpu.memory_space<vmem>> -> memref<128xi32, #tpu.memory_space<vmem>>
      %dma_wait3A_150 = arith.constant 0 : i32
      %dma_wait3A_151 = tpu.memref_slice %arg2[%dma_wait3A_150] : memref<1048576xf32, #tpu.memory_space<hbm>> -> memref<1048576xf32, #tpu.memory_space<hbm>>
      tpu.wait_indirect_dma semaphore(%arg7 : memref<!tpu.dma_semaphore, #tpu.memory_space<semaphore_mem>>) src(%dma_wait3A_151 : memref<1048576xf32, #tpu.memory_space<hbm>>) dst(%dma_wait3A_146 : memref<128xf32, #tpu.memory_space<vmem>>)
      "tpu.region"() ({
        %run_scoped3A = tpu.sem_alloc : memref<!tpu.dma_semaphore, #tpu.memory_space<semaphore_mem>>
        %dma_start3A_153 = tpu.memref_slice %arg4[%multiple_of3A] : memref<4096xf32, #tpu.memory_space<hbm>> -> memref<1024xf32, #tpu.memory_space<hbm>>
        %dma_start3A_154 = tpu.memref_slice %arg4[%multiple_of3A] : memref<4096xf32, #tpu.memory_space<hbm>> -> memref<1024xf32, #tpu.memory_space<hbm>>
        tpu.enqueue_dma source(%arg6 : memref<1024xf32, #tpu.memory_space<vmem>>) target(%dma_start3A_154 : memref<1024xf32, #tpu.memory_space<hbm>>) target_semaphore(%run_scoped3A : memref<!tpu.dma_semaphore, #tpu.memory_space<semaphore_mem>>)
        %dma_wait3A_155 = tpu.memref_slice %arg4[%multiple_of3A] : memref<4096xf32, #tpu.memory_space<hbm>> -> memref<1024xf32, #tpu.memory_space<hbm>>
        %dma_wait3A_156 = tpu.memref_slice %arg4[%multiple_of3A] : memref<4096xf32, #tpu.memory_space<hbm>> -> memref<1024xf32, #tpu.memory_space<hbm>>
        tpu.wait_dma2 semaphore(%run_scoped3A : memref<!tpu.dma_semaphore, #tpu.memory_space<semaphore_mem>>) src(%arg6 : memref<1024xf32, #tpu.memory_space<vmem>>) dst(%dma_wait3A_156 : memref<1024xf32, #tpu.memory_space<hbm>>)
        tpu.yield
      }) : () -> ()
      %scan3A_152 = arith.constant 1 : i32
    } else {
    }
    return
  }
}

#map = affine_map<(d0, d1) -> (0)>
#map1 = affine_map<(d0, d1) -> (0, 0)>
module attributes {stable_mosaic.version = 14 : i64} {
  func.func @body(%arg0: i32, %arg1: i32, %arg2: memref<1048576xf32, #tpu.memory_space<hbm>>, %arg3: memref<32x128xi32, #tpu.memory_space<hbm>>, %arg4: memref<4096xf32, #tpu.memory_space<hbm>>, %arg5: memref<8x128xi32, #tpu.memory_space<vmem>>, %arg6: memref<1024xf32, #tpu.memory_space<vmem>>, %arg7: memref<!tpu.dma_semaphore, #tpu.memory_space<semaphore_mem>>) attributes {dimension_semantics = [#tpu.dimension_semantics<core_parallel>, #tpu.dimension_semantics<subcore_parallel>], iteration_bounds = array<i64: 2, 16>, scalar_prefetch = 0 : i64, scratch_operands = 3 : i64, tpu.core_type = #tpu.core_type<sc_vector_subcore>, window_params = [{transform_indices = #map}, {transform_indices = #map1}, {transform_indices = #map}]} {
    %mul3A = arith.constant 2 : i32
    %mul3A_0 = arith.muli %arg1, %mul3A : i32
    %add3A = arith.addi %mul3A_0, %arg0 : i32
    %mul3A_1 = arith.constant 1024 : i32
    %mul3A_2 = arith.muli %add3A, %mul3A_1 : i32
    %lt3A = arith.constant 4 : i32
    %lt3A_3 = arith.cmpi slt, %add3A, %lt3A : i32
    %convert_element_type3A = arith.extui %lt3A_3 : i1 to i32
    %cond3A = arith.constant 0 : i32
    %cond3A_4 = arith.cmpi ne, %convert_element_type3A, %cond3A : i32
    scf.if %cond3A_4 {
      %scan3A = arith.constant 0 : i32
      %scan3A_5 = arith.constant 0 : i32
      %mul3A_6 = arith.constant 1024 : i32
      %mul3A_7 = arith.muli %scan3A_5, %mul3A_6 : i32
      %add3A_8 = arith.addi %mul3A_2, %mul3A_7 : i32
      %multiple_of3A = tpu.assume_multiple %add3A_8, 1024 : i32
      %jit3A = arith.constant 128 : i32
      %div3A = arith.divsi %multiple_of3A, %jit3A : i32
      %sign3A = arith.constant 0 : i32
      %sign3A_9 = arith.cmpi sgt, %multiple_of3A, %sign3A : i32
      %sign3A_10 = arith.extui %sign3A_9 : i1 to i32
      %sign3A_11 = arith.constant 0 : i32
      %sign3A_12 = arith.cmpi slt, %multiple_of3A, %sign3A_11 : i32
      %sign3A_13 = arith.extui %sign3A_12 : i1 to i32
      %sign3A_14 = arith.subi %sign3A_10, %sign3A_13 : i32
      %sign3A_15 = arith.constant 0 : i32
      %sign3A_16 = arith.cmpi sgt, %jit3A, %sign3A_15 : i32
      %sign3A_17 = arith.extui %sign3A_16 : i1 to i32
      %sign3A_18 = arith.constant 0 : i32
      %sign3A_19 = arith.cmpi slt, %jit3A, %sign3A_18 : i32
      %sign3A_20 = arith.extui %sign3A_19 : i1 to i32
      %sign3A_21 = arith.subi %sign3A_17, %sign3A_20 : i32
      %ne3A = arith.cmpi ne, %sign3A_14, %sign3A_21 : i32
      %rem3A = arith.remsi %multiple_of3A, %jit3A : i32
      %ne3A_22 = arith.constant 0 : i32
      %ne3A_23 = arith.cmpi ne, %rem3A, %ne3A_22 : i32
      %and3A = arith.andi %ne3A, %ne3A_23 : i1
      %sub3A = arith.constant 1 : i32
      %sub3A_24 = arith.subi %div3A, %sub3A : i32
      %select_n3A = arith.select %and3A, %sub3A_24, %div3A : i32
      %multiple_of3A_25 = tpu.assume_multiple %select_n3A, 8 : i32
      "tpu.region"() ({
        %run_scoped3A = tpu.sem_alloc : memref<!tpu.dma_semaphore, #tpu.memory_space<semaphore_mem>>
        %dma_start3A_153 = arith.constant 0 : i32
        %dma_start3A_154 = tpu.memref_slice %arg3[%multiple_of3A_25, %dma_start3A_153] : memref<32x128xi32, #tpu.memory_space<hbm>> -> memref<8x128xi32, #tpu.memory_space<hbm>>
        %dma_start3A_155 = arith.constant 0 : i32
        %dma_start3A_156 = tpu.memref_slice %arg3[%multiple_of3A_25, %dma_start3A_155] : memref<32x128xi32, #tpu.memory_space<hbm>> -> memref<8x128xi32, #tpu.memory_space<hbm>>
        tpu.enqueue_dma source(%dma_start3A_156 : memref<8x128xi32, #tpu.memory_space<hbm>>) target(%arg5 : memref<8x128xi32, #tpu.memory_space<vmem>>) target_semaphore(%run_scoped3A : memref<!tpu.dma_semaphore, #tpu.memory_space<semaphore_mem>>)
        %dma_wait3A_157 = arith.constant 0 : i32
        %dma_wait3A_158 = tpu.memref_slice %arg3[%multiple_of3A_25, %dma_wait3A_157] : memref<32x128xi32, #tpu.memory_space<hbm>> -> memref<8x128xi32, #tpu.memory_space<hbm>>
        %dma_wait3A_159 = arith.constant 0 : i32
        %dma_wait3A_160 = tpu.memref_slice %arg3[%multiple_of3A_25, %dma_wait3A_159] : memref<32x128xi32, #tpu.memory_space<hbm>> -> memref<8x128xi32, #tpu.memory_space<hbm>>
        tpu.wait_dma2 semaphore(%run_scoped3A : memref<!tpu.dma_semaphore, #tpu.memory_space<semaphore_mem>>) src(%dma_wait3A_160 : memref<8x128xi32, #tpu.memory_space<hbm>>) dst(%arg5 : memref<8x128xi32, #tpu.memory_space<vmem>>)
        tpu.yield
      }) : () -> ()
      %dma_start3A = arith.constant 0 : i32
      %dma_start3A_26 = arith.constant 0 : i32
      %dma_start3A_27 = tpu.memref_slice %arg6[%dma_start3A_26] : memref<1024xf32, #tpu.memory_space<vmem>> -> memref<128xf32, #tpu.memory_space<vmem>>
      %dma_start3A_28 = arith.constant 0 : i32
      %dma_start3A_29 = tpu.memref_slice %arg5[%dma_start3A, %dma_start3A_28] : memref<8x128xi32, #tpu.memory_space<vmem>> -> memref<1x128xi32, #tpu.memory_space<vmem>>
      %dma_start3A_30 = tpu.memref_squeeze %dma_start3A_29 : memref<1x128xi32, #tpu.memory_space<vmem>> -> memref<128xi32, #tpu.memory_space<vmem>>
      %dma_start3A_31 = arith.constant 0 : i32
      %dma_start3A_32 = tpu.memref_slice %arg2[%dma_start3A_31] : memref<1048576xf32, #tpu.memory_space<hbm>> -> memref<1048576xf32, #tpu.memory_space<hbm>>
      tpu.enqueue_indirect_dma source(%dma_start3A_32 : memref<1048576xf32, #tpu.memory_space<hbm>>) target(%dma_start3A_27 : memref<128xf32, #tpu.memory_space<vmem>>) offsets(%dma_start3A_30 : memref<128xi32, #tpu.memory_space<vmem>>) semaphore(%arg7 : memref<!tpu.dma_semaphore, #tpu.memory_space<semaphore_mem>>)
      %dma_start3A_33 = arith.constant 1 : i32
      %dma_start3A_34 = arith.constant 128 : i32
      %dma_start3A_35 = tpu.memref_slice %arg6[%dma_start3A_34] : memref<1024xf32, #tpu.memory_space<vmem>> -> memref<128xf32, #tpu.memory_space<vmem>>
      %dma_start3A_36 = arith.constant 0 : i32
      %dma_start3A_37 = tpu.memref_slice %arg5[%dma_start3A_33, %dma_start3A_36] : memref<8x128xi32, #tpu.memory_space<vmem>> -> memref<1x128xi32, #tpu.memory_space<vmem>>
      %dma_start3A_38 = tpu.memref_squeeze %dma_start3A_37 : memref<1x128xi32, #tpu.memory_space<vmem>> -> memref<128xi32, #tpu.memory_space<vmem>>
      %dma_start3A_39 = arith.constant 0 : i32
      %dma_start3A_40 = tpu.memref_slice %arg2[%dma_start3A_39] : memref<1048576xf32, #tpu.memory_space<hbm>> -> memref<1048576xf32, #tpu.memory_space<hbm>>
      tpu.enqueue_indirect_dma source(%dma_start3A_40 : memref<1048576xf32, #tpu.memory_space<hbm>>) target(%dma_start3A_35 : memref<128xf32, #tpu.memory_space<vmem>>) offsets(%dma_start3A_38 : memref<128xi32, #tpu.memory_space<vmem>>) semaphore(%arg7 : memref<!tpu.dma_semaphore, #tpu.memory_space<semaphore_mem>>)
      %dma_start3A_41 = arith.constant 2 : i32
      %dma_start3A_42 = arith.constant 256 : i32
      %dma_start3A_43 = tpu.memref_slice %arg6[%dma_start3A_42] : memref<1024xf32, #tpu.memory_space<vmem>> -> memref<128xf32, #tpu.memory_space<vmem>>
      %dma_start3A_44 = arith.constant 0 : i32
      %dma_start3A_45 = tpu.memref_slice %arg5[%dma_start3A_41, %dma_start3A_44] : memref<8x128xi32, #tpu.memory_space<vmem>> -> memref<1x128xi32, #tpu.memory_space<vmem>>
      %dma_start3A_46 = tpu.memref_squeeze %dma_start3A_45 : memref<1x128xi32, #tpu.memory_space<vmem>> -> memref<128xi32, #tpu.memory_space<vmem>>
      %dma_start3A_47 = arith.constant 0 : i32
      %dma_start3A_48 = tpu.memref_slice %arg2[%dma_start3A_47] : memref<1048576xf32, #tpu.memory_space<hbm>> -> memref<1048576xf32, #tpu.memory_space<hbm>>
      tpu.enqueue_indirect_dma source(%dma_start3A_48 : memref<1048576xf32, #tpu.memory_space<hbm>>) target(%dma_start3A_43 : memref<128xf32, #tpu.memory_space<vmem>>) offsets(%dma_start3A_46 : memref<128xi32, #tpu.memory_space<vmem>>) semaphore(%arg7 : memref<!tpu.dma_semaphore, #tpu.memory_space<semaphore_mem>>)
      %dma_start3A_49 = arith.constant 3 : i32
      %dma_start3A_50 = arith.constant 384 : i32
      %dma_start3A_51 = tpu.memref_slice %arg6[%dma_start3A_50] : memref<1024xf32, #tpu.memory_space<vmem>> -> memref<128xf32, #tpu.memory_space<vmem>>
      %dma_start3A_52 = arith.constant 0 : i32
      %dma_start3A_53 = tpu.memref_slice %arg5[%dma_start3A_49, %dma_start3A_52] : memref<8x128xi32, #tpu.memory_space<vmem>> -> memref<1x128xi32, #tpu.memory_space<vmem>>
      %dma_start3A_54 = tpu.memref_squeeze %dma_start3A_53 : memref<1x128xi32, #tpu.memory_space<vmem>> -> memref<128xi32, #tpu.memory_space<vmem>>
      %dma_start3A_55 = arith.constant 0 : i32
      %dma_start3A_56 = tpu.memref_slice %arg2[%dma_start3A_55] : memref<1048576xf32, #tpu.memory_space<hbm>> -> memref<1048576xf32, #tpu.memory_space<hbm>>
      tpu.enqueue_indirect_dma source(%dma_start3A_56 : memref<1048576xf32, #tpu.memory_space<hbm>>) target(%dma_start3A_51 : memref<128xf32, #tpu.memory_space<vmem>>) offsets(%dma_start3A_54 : memref<128xi32, #tpu.memory_space<vmem>>) semaphore(%arg7 : memref<!tpu.dma_semaphore, #tpu.memory_space<semaphore_mem>>)
      %dma_start3A_57 = arith.constant 4 : i32
      %dma_start3A_58 = arith.constant 512 : i32
      %dma_start3A_59 = tpu.memref_slice %arg6[%dma_start3A_58] : memref<1024xf32, #tpu.memory_space<vmem>> -> memref<128xf32, #tpu.memory_space<vmem>>
      %dma_start3A_60 = arith.constant 0 : i32
      %dma_start3A_61 = tpu.memref_slice %arg5[%dma_start3A_57, %dma_start3A_60] : memref<8x128xi32, #tpu.memory_space<vmem>> -> memref<1x128xi32, #tpu.memory_space<vmem>>
      %dma_start3A_62 = tpu.memref_squeeze %dma_start3A_61 : memref<1x128xi32, #tpu.memory_space<vmem>> -> memref<128xi32, #tpu.memory_space<vmem>>
      %dma_start3A_63 = arith.constant 0 : i32
      %dma_start3A_64 = tpu.memref_slice %arg2[%dma_start3A_63] : memref<1048576xf32, #tpu.memory_space<hbm>> -> memref<1048576xf32, #tpu.memory_space<hbm>>
      tpu.enqueue_indirect_dma source(%dma_start3A_64 : memref<1048576xf32, #tpu.memory_space<hbm>>) target(%dma_start3A_59 : memref<128xf32, #tpu.memory_space<vmem>>) offsets(%dma_start3A_62 : memref<128xi32, #tpu.memory_space<vmem>>) semaphore(%arg7 : memref<!tpu.dma_semaphore, #tpu.memory_space<semaphore_mem>>)
      %dma_start3A_65 = arith.constant 5 : i32
      %dma_start3A_66 = arith.constant 640 : i32
      %dma_start3A_67 = tpu.memref_slice %arg6[%dma_start3A_66] : memref<1024xf32, #tpu.memory_space<vmem>> -> memref<128xf32, #tpu.memory_space<vmem>>
      %dma_start3A_68 = arith.constant 0 : i32
      %dma_start3A_69 = tpu.memref_slice %arg5[%dma_start3A_65, %dma_start3A_68] : memref<8x128xi32, #tpu.memory_space<vmem>> -> memref<1x128xi32, #tpu.memory_space<vmem>>
      %dma_start3A_70 = tpu.memref_squeeze %dma_start3A_69 : memref<1x128xi32, #tpu.memory_space<vmem>> -> memref<128xi32, #tpu.memory_space<vmem>>
      %dma_start3A_71 = arith.constant 0 : i32
      %dma_start3A_72 = tpu.memref_slice %arg2[%dma_start3A_71] : memref<1048576xf32, #tpu.memory_space<hbm>> -> memref<1048576xf32, #tpu.memory_space<hbm>>
      tpu.enqueue_indirect_dma source(%dma_start3A_72 : memref<1048576xf32, #tpu.memory_space<hbm>>) target(%dma_start3A_67 : memref<128xf32, #tpu.memory_space<vmem>>) offsets(%dma_start3A_70 : memref<128xi32, #tpu.memory_space<vmem>>) semaphore(%arg7 : memref<!tpu.dma_semaphore, #tpu.memory_space<semaphore_mem>>)
      %dma_start3A_73 = arith.constant 6 : i32
      %dma_start3A_74 = arith.constant 768 : i32
      %dma_start3A_75 = tpu.memref_slice %arg6[%dma_start3A_74] : memref<1024xf32, #tpu.memory_space<vmem>> -> memref<128xf32, #tpu.memory_space<vmem>>
      %dma_start3A_76 = arith.constant 0 : i32
      %dma_start3A_77 = tpu.memref_slice %arg5[%dma_start3A_73, %dma_start3A_76] : memref<8x128xi32, #tpu.memory_space<vmem>> -> memref<1x128xi32, #tpu.memory_space<vmem>>
      %dma_start3A_78 = tpu.memref_squeeze %dma_start3A_77 : memref<1x128xi32, #tpu.memory_space<vmem>> -> memref<128xi32, #tpu.memory_space<vmem>>
      %dma_start3A_79 = arith.constant 0 : i32
      %dma_start3A_80 = tpu.memref_slice %arg2[%dma_start3A_79] : memref<1048576xf32, #tpu.memory_space<hbm>> -> memref<1048576xf32, #tpu.memory_space<hbm>>
      tpu.enqueue_indirect_dma source(%dma_start3A_80 : memref<1048576xf32, #tpu.memory_space<hbm>>) target(%dma_start3A_75 : memref<128xf32, #tpu.memory_space<vmem>>) offsets(%dma_start3A_78 : memref<128xi32, #tpu.memory_space<vmem>>) semaphore(%arg7 : memref<!tpu.dma_semaphore, #tpu.memory_space<semaphore_mem>>)
      %dma_start3A_81 = arith.constant 7 : i32
      %dma_start3A_82 = arith.constant 896 : i32
      %dma_start3A_83 = tpu.memref_slice %arg6[%dma_start3A_82] : memref<1024xf32, #tpu.memory_space<vmem>> -> memref<128xf32, #tpu.memory_space<vmem>>
      %dma_start3A_84 = arith.constant 0 : i32
      %dma_start3A_85 = tpu.memref_slice %arg5[%dma_start3A_81, %dma_start3A_84] : memref<8x128xi32, #tpu.memory_space<vmem>> -> memref<1x128xi32, #tpu.memory_space<vmem>>
      %dma_start3A_86 = tpu.memref_squeeze %dma_start3A_85 : memref<1x128xi32, #tpu.memory_space<vmem>> -> memref<128xi32, #tpu.memory_space<vmem>>
      %dma_start3A_87 = arith.constant 0 : i32
      %dma_start3A_88 = tpu.memref_slice %arg2[%dma_start3A_87] : memref<1048576xf32, #tpu.memory_space<hbm>> -> memref<1048576xf32, #tpu.memory_space<hbm>>
      tpu.enqueue_indirect_dma source(%dma_start3A_88 : memref<1048576xf32, #tpu.memory_space<hbm>>) target(%dma_start3A_83 : memref<128xf32, #tpu.memory_space<vmem>>) offsets(%dma_start3A_86 : memref<128xi32, #tpu.memory_space<vmem>>) semaphore(%arg7 : memref<!tpu.dma_semaphore, #tpu.memory_space<semaphore_mem>>)
      %dma_wait3A = arith.constant 0 : i32
      %dma_wait3A_89 = arith.constant 0 : i32
      %dma_wait3A_90 = tpu.memref_slice %arg6[%dma_wait3A_89] : memref<1024xf32, #tpu.memory_space<vmem>> -> memref<128xf32, #tpu.memory_space<vmem>>
      %dma_wait3A_91 = arith.constant 0 : i32
      %dma_wait3A_92 = tpu.memref_slice %arg5[%dma_wait3A, %dma_wait3A_91] : memref<8x128xi32, #tpu.memory_space<vmem>> -> memref<1x128xi32, #tpu.memory_space<vmem>>
      %dma_wait3A_93 = tpu.memref_squeeze %dma_wait3A_92 : memref<1x128xi32, #tpu.memory_space<vmem>> -> memref<128xi32, #tpu.memory_space<vmem>>
      %dma_wait3A_94 = arith.constant 0 : i32
      %dma_wait3A_95 = tpu.memref_slice %arg2[%dma_wait3A_94] : memref<1048576xf32, #tpu.memory_space<hbm>> -> memref<1048576xf32, #tpu.memory_space<hbm>>
      tpu.wait_indirect_dma semaphore(%arg7 : memref<!tpu.dma_semaphore, #tpu.memory_space<semaphore_mem>>) src(%dma_wait3A_95 : memref<1048576xf32, #tpu.memory_space<hbm>>) dst(%dma_wait3A_90 : memref<128xf32, #tpu.memory_space<vmem>>)
      %dma_wait3A_96 = arith.constant 1 : i32
      %dma_wait3A_97 = arith.constant 128 : i32
      %dma_wait3A_98 = tpu.memref_slice %arg6[%dma_wait3A_97] : memref<1024xf32, #tpu.memory_space<vmem>> -> memref<128xf32, #tpu.memory_space<vmem>>
      %dma_wait3A_99 = arith.constant 0 : i32
      %dma_wait3A_100 = tpu.memref_slice %arg5[%dma_wait3A_96, %dma_wait3A_99] : memref<8x128xi32, #tpu.memory_space<vmem>> -> memref<1x128xi32, #tpu.memory_space<vmem>>
      %dma_wait3A_101 = tpu.memref_squeeze %dma_wait3A_100 : memref<1x128xi32, #tpu.memory_space<vmem>> -> memref<128xi32, #tpu.memory_space<vmem>>
      %dma_wait3A_102 = arith.constant 0 : i32
      %dma_wait3A_103 = tpu.memref_slice %arg2[%dma_wait3A_102] : memref<1048576xf32, #tpu.memory_space<hbm>> -> memref<1048576xf32, #tpu.memory_space<hbm>>
      tpu.wait_indirect_dma semaphore(%arg7 : memref<!tpu.dma_semaphore, #tpu.memory_space<semaphore_mem>>) src(%dma_wait3A_103 : memref<1048576xf32, #tpu.memory_space<hbm>>) dst(%dma_wait3A_98 : memref<128xf32, #tpu.memory_space<vmem>>)
      %dma_wait3A_104 = arith.constant 2 : i32
      %dma_wait3A_105 = arith.constant 256 : i32
      %dma_wait3A_106 = tpu.memref_slice %arg6[%dma_wait3A_105] : memref<1024xf32, #tpu.memory_space<vmem>> -> memref<128xf32, #tpu.memory_space<vmem>>
      %dma_wait3A_107 = arith.constant 0 : i32
      %dma_wait3A_108 = tpu.memref_slice %arg5[%dma_wait3A_104, %dma_wait3A_107] : memref<8x128xi32, #tpu.memory_space<vmem>> -> memref<1x128xi32, #tpu.memory_space<vmem>>
      %dma_wait3A_109 = tpu.memref_squeeze %dma_wait3A_108 : memref<1x128xi32, #tpu.memory_space<vmem>> -> memref<128xi32, #tpu.memory_space<vmem>>
      %dma_wait3A_110 = arith.constant 0 : i32
      %dma_wait3A_111 = tpu.memref_slice %arg2[%dma_wait3A_110] : memref<1048576xf32, #tpu.memory_space<hbm>> -> memref<1048576xf32, #tpu.memory_space<hbm>>
      tpu.wait_indirect_dma semaphore(%arg7 : memref<!tpu.dma_semaphore, #tpu.memory_space<semaphore_mem>>) src(%dma_wait3A_111 : memref<1048576xf32, #tpu.memory_space<hbm>>) dst(%dma_wait3A_106 : memref<128xf32, #tpu.memory_space<vmem>>)
      %dma_wait3A_112 = arith.constant 3 : i32
      %dma_wait3A_113 = arith.constant 384 : i32
      %dma_wait3A_114 = tpu.memref_slice %arg6[%dma_wait3A_113] : memref<1024xf32, #tpu.memory_space<vmem>> -> memref<128xf32, #tpu.memory_space<vmem>>
      %dma_wait3A_115 = arith.constant 0 : i32
      %dma_wait3A_116 = tpu.memref_slice %arg5[%dma_wait3A_112, %dma_wait3A_115] : memref<8x128xi32, #tpu.memory_space<vmem>> -> memref<1x128xi32, #tpu.memory_space<vmem>>
      %dma_wait3A_117 = tpu.memref_squeeze %dma_wait3A_116 : memref<1x128xi32, #tpu.memory_space<vmem>> -> memref<128xi32, #tpu.memory_space<vmem>>
      %dma_wait3A_118 = arith.constant 0 : i32
      %dma_wait3A_119 = tpu.memref_slice %arg2[%dma_wait3A_118] : memref<1048576xf32, #tpu.memory_space<hbm>> -> memref<1048576xf32, #tpu.memory_space<hbm>>
      tpu.wait_indirect_dma semaphore(%arg7 : memref<!tpu.dma_semaphore, #tpu.memory_space<semaphore_mem>>) src(%dma_wait3A_119 : memref<1048576xf32, #tpu.memory_space<hbm>>) dst(%dma_wait3A_114 : memref<128xf32, #tpu.memory_space<vmem>>)
      %dma_wait3A_120 = arith.constant 4 : i32
      %dma_wait3A_121 = arith.constant 512 : i32
      %dma_wait3A_122 = tpu.memref_slice %arg6[%dma_wait3A_121] : memref<1024xf32, #tpu.memory_space<vmem>> -> memref<128xf32, #tpu.memory_space<vmem>>
      %dma_wait3A_123 = arith.constant 0 : i32
      %dma_wait3A_124 = tpu.memref_slice %arg5[%dma_wait3A_120, %dma_wait3A_123] : memref<8x128xi32, #tpu.memory_space<vmem>> -> memref<1x128xi32, #tpu.memory_space<vmem>>
      %dma_wait3A_125 = tpu.memref_squeeze %dma_wait3A_124 : memref<1x128xi32, #tpu.memory_space<vmem>> -> memref<128xi32, #tpu.memory_space<vmem>>
      %dma_wait3A_126 = arith.constant 0 : i32
      %dma_wait3A_127 = tpu.memref_slice %arg2[%dma_wait3A_126] : memref<1048576xf32, #tpu.memory_space<hbm>> -> memref<1048576xf32, #tpu.memory_space<hbm>>
      tpu.wait_indirect_dma semaphore(%arg7 : memref<!tpu.dma_semaphore, #tpu.memory_space<semaphore_mem>>) src(%dma_wait3A_127 : memref<1048576xf32, #tpu.memory_space<hbm>>) dst(%dma_wait3A_122 : memref<128xf32, #tpu.memory_space<vmem>>)
      %dma_wait3A_128 = arith.constant 5 : i32
      %dma_wait3A_129 = arith.constant 640 : i32
      %dma_wait3A_130 = tpu.memref_slice %arg6[%dma_wait3A_129] : memref<1024xf32, #tpu.memory_space<vmem>> -> memref<128xf32, #tpu.memory_space<vmem>>
      %dma_wait3A_131 = arith.constant 0 : i32
      %dma_wait3A_132 = tpu.memref_slice %arg5[%dma_wait3A_128, %dma_wait3A_131] : memref<8x128xi32, #tpu.memory_space<vmem>> -> memref<1x128xi32, #tpu.memory_space<vmem>>
      %dma_wait3A_133 = tpu.memref_squeeze %dma_wait3A_132 : memref<1x128xi32, #tpu.memory_space<vmem>> -> memref<128xi32, #tpu.memory_space<vmem>>
      %dma_wait3A_134 = arith.constant 0 : i32
      %dma_wait3A_135 = tpu.memref_slice %arg2[%dma_wait3A_134] : memref<1048576xf32, #tpu.memory_space<hbm>> -> memref<1048576xf32, #tpu.memory_space<hbm>>
      tpu.wait_indirect_dma semaphore(%arg7 : memref<!tpu.dma_semaphore, #tpu.memory_space<semaphore_mem>>) src(%dma_wait3A_135 : memref<1048576xf32, #tpu.memory_space<hbm>>) dst(%dma_wait3A_130 : memref<128xf32, #tpu.memory_space<vmem>>)
      %dma_wait3A_136 = arith.constant 6 : i32
      %dma_wait3A_137 = arith.constant 768 : i32
      %dma_wait3A_138 = tpu.memref_slice %arg6[%dma_wait3A_137] : memref<1024xf32, #tpu.memory_space<vmem>> -> memref<128xf32, #tpu.memory_space<vmem>>
      %dma_wait3A_139 = arith.constant 0 : i32
      %dma_wait3A_140 = tpu.memref_slice %arg5[%dma_wait3A_136, %dma_wait3A_139] : memref<8x128xi32, #tpu.memory_space<vmem>> -> memref<1x128xi32, #tpu.memory_space<vmem>>
      %dma_wait3A_141 = tpu.memref_squeeze %dma_wait3A_140 : memref<1x128xi32, #tpu.memory_space<vmem>> -> memref<128xi32, #tpu.memory_space<vmem>>
      %dma_wait3A_142 = arith.constant 0 : i32
      %dma_wait3A_143 = tpu.memref_slice %arg2[%dma_wait3A_142] : memref<1048576xf32, #tpu.memory_space<hbm>> -> memref<1048576xf32, #tpu.memory_space<hbm>>
      tpu.wait_indirect_dma semaphore(%arg7 : memref<!tpu.dma_semaphore, #tpu.memory_space<semaphore_mem>>) src(%dma_wait3A_143 : memref<1048576xf32, #tpu.memory_space<hbm>>) dst(%dma_wait3A_138 : memref<128xf32, #tpu.memory_space<vmem>>)
      %dma_wait3A_144 = arith.constant 7 : i32
      %dma_wait3A_145 = arith.constant 896 : i32
      %dma_wait3A_146 = tpu.memref_slice %arg6[%dma_wait3A_145] : memref<1024xf32, #tpu.memory_space<vmem>> -> memref<128xf32, #tpu.memory_space<vmem>>
      %dma_wait3A_147 = arith.constant 0 : i32
      %dma_wait3A_148 = tpu.memref_slice %arg5[%dma_wait3A_144, %dma_wait3A_147] : memref<8x128xi32, #tpu.memory_space<vmem>> -> memref<1x128xi32, #tpu.memory_space<vmem>>
      %dma_wait3A_149 = tpu.memref_squeeze %dma_wait3A_148 : memref<1x128xi32, #tpu.memory_space<vmem>> -> memref<128xi32, #tpu.memory_space<vmem>>
      %dma_wait3A_150 = arith.constant 0 : i32
      %dma_wait3A_151 = tpu.memref_slice %arg2[%dma_wait3A_150] : memref<1048576xf32, #tpu.memory_space<hbm>> -> memref<1048576xf32, #tpu.memory_space<hbm>>
      tpu.wait_indirect_dma semaphore(%arg7 : memref<!tpu.dma_semaphore, #tpu.memory_space<semaphore_mem>>) src(%dma_wait3A_151 : memref<1048576xf32, #tpu.memory_space<hbm>>) dst(%dma_wait3A_146 : memref<128xf32, #tpu.memory_space<vmem>>)
      "tpu.region"() ({
        %run_scoped3A = tpu.sem_alloc : memref<!tpu.dma_semaphore, #tpu.memory_space<semaphore_mem>>
        %dma_start3A_153 = tpu.memref_slice %arg4[%multiple_of3A] : memref<4096xf32, #tpu.memory_space<hbm>> -> memref<1024xf32, #tpu.memory_space<hbm>>
        %dma_start3A_154 = tpu.memref_slice %arg4[%multiple_of3A] : memref<4096xf32, #tpu.memory_space<hbm>> -> memref<1024xf32, #tpu.memory_space<hbm>>
        tpu.enqueue_dma source(%arg6 : memref<1024xf32, #tpu.memory_space<vmem>>) target(%dma_start3A_154 : memref<1024xf32, #tpu.memory_space<hbm>>) target_semaphore(%run_scoped3A : memref<!tpu.dma_semaphore, #tpu.memory_space<semaphore_mem>>)
        %dma_wait3A_155 = tpu.memref_slice %arg4[%multiple_of3A] : memref<4096xf32, #tpu.memory_space<hbm>> -> memref<1024xf32, #tpu.memory_space<hbm>>
        %dma_wait3A_156 = tpu.memref_slice %arg4[%multiple_of3A] : memref<4096xf32, #tpu.memory_space<hbm>> -> memref<1024xf32, #tpu.memory_space<hbm>>
        tpu.wait_dma2 semaphore(%run_scoped3A : memref<!tpu.dma_semaphore, #tpu.memory_space<semaphore_mem>>) src(%arg6 : memref<1024xf32, #tpu.memory_space<vmem>>) dst(%dma_wait3A_156 : memref<1024xf32, #tpu.memory_space<hbm>>)
        tpu.yield
      }) : () -> ()
      %scan3A_152 = arith.constant 1 : i32
    } else {
    }
    return
  }
}

#map = affine_map<(d0, d1) -> (0)>
#map1 = affine_map<(d0, d1) -> (0, 0)>
module attributes {stable_mosaic.version = 14 : i64} {
  func.func @body(%arg0: i32, %arg1: i32, %arg2: memref<524288xf32, #tpu.memory_space<hbm>>, %arg3: memref<8192x128xi32, #tpu.memory_space<hbm>>, %arg4: memref<1048576xf32, #tpu.memory_space<hbm>>, %arg5: memref<16x128xi32, #tpu.memory_space<vmem>>, %arg6: memref<2048xf32, #tpu.memory_space<vmem>>, %arg7: memref<!tpu.dma_semaphore, #tpu.memory_space<semaphore_mem>>) attributes {dimension_semantics = [#tpu.dimension_semantics<core_parallel>, #tpu.dimension_semantics<subcore_parallel>], iteration_bounds = array<i64: 2, 16>, scalar_prefetch = 0 : i64, scratch_operands = 3 : i64, tpu.core_type = #tpu.core_type<sc_vector_subcore>, window_params = [{transform_indices = #map}, {transform_indices = #map1}, {transform_indices = #map}]} {
    %mul3A = arith.constant 2 : i32
    %mul3A_0 = arith.muli %arg1, %mul3A : i32
    %add3A = arith.addi %mul3A_0, %arg0 : i32
    %mul3A_1 = arith.constant 32768 : i32
    %mul3A_2 = arith.muli %add3A, %mul3A_1 : i32
    %lt3A = arith.constant 32 : i32
    %lt3A_3 = arith.cmpi slt, %add3A, %lt3A : i32
    %convert_element_type3A = arith.extui %lt3A_3 : i1 to i32
    %cond3A = arith.constant 0 : i32
    %cond3A_4 = arith.cmpi ne, %convert_element_type3A, %cond3A : i32
    scf.if %cond3A_4 {
      %scan3A = arith.constant 0 : i32
      %scan3A_5 = arith.constant 0 : i32
      %scan3A_6 = arith.constant 16 : i32
      %scan3A_7 = arith.addi %scan3A_5, %scan3A_6 : i32
      %scan3A_8 = arith.constant 1 : i32
      scf.for %scan3A_10 = %scan3A_5 to %scan3A_7 step %scan3A_8  : i32 {
        %mul3A_11 = arith.constant 2048 : i32
        %mul3A_12 = arith.muli %scan3A_10, %mul3A_11 : i32
        %add3A_13 = arith.addi %mul3A_2, %mul3A_12 : i32
        %multiple_of3A = tpu.assume_multiple %add3A_13, 2048 : i32
        %jit3A = arith.constant 128 : i32
        %div3A = arith.divsi %multiple_of3A, %jit3A : i32
        %sign3A = arith.constant 0 : i32
        %sign3A_14 = arith.cmpi sgt, %multiple_of3A, %sign3A : i32
        %sign3A_15 = arith.extui %sign3A_14 : i1 to i32
        %sign3A_16 = arith.constant 0 : i32
        %sign3A_17 = arith.cmpi slt, %multiple_of3A, %sign3A_16 : i32
        %sign3A_18 = arith.extui %sign3A_17 : i1 to i32
        %sign3A_19 = arith.subi %sign3A_15, %sign3A_18 : i32
        %sign3A_20 = arith.constant 0 : i32
        %sign3A_21 = arith.cmpi sgt, %jit3A, %sign3A_20 : i32
        %sign3A_22 = arith.extui %sign3A_21 : i1 to i32
        %sign3A_23 = arith.constant 0 : i32
        %sign3A_24 = arith.cmpi slt, %jit3A, %sign3A_23 : i32
        %sign3A_25 = arith.extui %sign3A_24 : i1 to i32
        %sign3A_26 = arith.subi %sign3A_22, %sign3A_25 : i32
        %ne3A = arith.cmpi ne, %sign3A_19, %sign3A_26 : i32
        %rem3A = arith.remsi %multiple_of3A, %jit3A : i32
        %ne3A_27 = arith.constant 0 : i32
        %ne3A_28 = arith.cmpi ne, %rem3A, %ne3A_27 : i32
        %and3A = arith.andi %ne3A, %ne3A_28 : i1
        %sub3A = arith.constant 1 : i32
        %sub3A_29 = arith.subi %div3A, %sub3A : i32
        %select_n3A = arith.select %and3A, %sub3A_29, %div3A : i32
        %multiple_of3A_30 = tpu.assume_multiple %select_n3A, 16 : i32
        "tpu.region"() ({
          %run_scoped3A = tpu.sem_alloc : memref<!tpu.dma_semaphore, #tpu.memory_space<semaphore_mem>>
          %dma_start3A_285 = arith.constant 0 : i32
          %dma_start3A_286 = tpu.memref_slice %arg3[%multiple_of3A_30, %dma_start3A_285] : memref<8192x128xi32, #tpu.memory_space<hbm>> -> memref<16x128xi32, #tpu.memory_space<hbm>>
          %dma_start3A_287 = arith.constant 0 : i32
          %dma_start3A_288 = tpu.memref_slice %arg3[%multiple_of3A_30, %dma_start3A_287] : memref<8192x128xi32, #tpu.memory_space<hbm>> -> memref<16x128xi32, #tpu.memory_space<hbm>>
          tpu.enqueue_dma source(%dma_start3A_288 : memref<16x128xi32, #tpu.memory_space<hbm>>) target(%arg5 : memref<16x128xi32, #tpu.memory_space<vmem>>) target_semaphore(%run_scoped3A : memref<!tpu.dma_semaphore, #tpu.memory_space<semaphore_mem>>)
          %dma_wait3A_289 = arith.constant 0 : i32
          %dma_wait3A_290 = tpu.memref_slice %arg3[%multiple_of3A_30, %dma_wait3A_289] : memref<8192x128xi32, #tpu.memory_space<hbm>> -> memref<16x128xi32, #tpu.memory_space<hbm>>
          %dma_wait3A_291 = arith.constant 0 : i32
          %dma_wait3A_292 = tpu.memref_slice %arg3[%multiple_of3A_30, %dma_wait3A_291] : memref<8192x128xi32, #tpu.memory_space<hbm>> -> memref<16x128xi32, #tpu.memory_space<hbm>>
          tpu.wait_dma2 semaphore(%run_scoped3A : memref<!tpu.dma_semaphore, #tpu.memory_space<semaphore_mem>>) src(%dma_wait3A_292 : memref<16x128xi32, #tpu.memory_space<hbm>>) dst(%arg5 : memref<16x128xi32, #tpu.memory_space<vmem>>)
          tpu.yield
        }) : () -> ()
        %dma_start3A = arith.constant 0 : i32
        %dma_start3A_31 = arith.constant 0 : i32
        %dma_start3A_32 = tpu.memref_slice %arg6[%dma_start3A_31] : memref<2048xf32, #tpu.memory_space<vmem>> -> memref<128xf32, #tpu.memory_space<vmem>>
        %dma_start3A_33 = arith.constant 0 : i32
        %dma_start3A_34 = tpu.memref_slice %arg5[%dma_start3A, %dma_start3A_33] : memref<16x128xi32, #tpu.memory_space<vmem>> -> memref<1x128xi32, #tpu.memory_space<vmem>>
        %dma_start3A_35 = tpu.memref_squeeze %dma_start3A_34 : memref<1x128xi32, #tpu.memory_space<vmem>> -> memref<128xi32, #tpu.memory_space<vmem>>
        %dma_start3A_36 = arith.constant 0 : i32
        %dma_start3A_37 = tpu.memref_slice %arg2[%dma_start3A_36] : memref<524288xf32, #tpu.memory_space<hbm>> -> memref<524288xf32, #tpu.memory_space<hbm>>
        tpu.enqueue_indirect_dma source(%dma_start3A_37 : memref<524288xf32, #tpu.memory_space<hbm>>) target(%dma_start3A_32 : memref<128xf32, #tpu.memory_space<vmem>>) offsets(%dma_start3A_35 : memref<128xi32, #tpu.memory_space<vmem>>) semaphore(%arg7 : memref<!tpu.dma_semaphore, #tpu.memory_space<semaphore_mem>>)
        %dma_start3A_38 = arith.constant 1 : i32
        %dma_start3A_39 = arith.constant 128 : i32
        %dma_start3A_40 = tpu.memref_slice %arg6[%dma_start3A_39] : memref<2048xf32, #tpu.memory_space<vmem>> -> memref<128xf32, #tpu.memory_space<vmem>>
        %dma_start3A_41 = arith.constant 0 : i32
        %dma_start3A_42 = tpu.memref_slice %arg5[%dma_start3A_38, %dma_start3A_41] : memref<16x128xi32, #tpu.memory_space<vmem>> -> memref<1x128xi32, #tpu.memory_space<vmem>>
        %dma_start3A_43 = tpu.memref_squeeze %dma_start3A_42 : memref<1x128xi32, #tpu.memory_space<vmem>> -> memref<128xi32, #tpu.memory_space<vmem>>
        %dma_start3A_44 = arith.constant 0 : i32
        %dma_start3A_45 = tpu.memref_slice %arg2[%dma_start3A_44] : memref<524288xf32, #tpu.memory_space<hbm>> -> memref<524288xf32, #tpu.memory_space<hbm>>
        tpu.enqueue_indirect_dma source(%dma_start3A_45 : memref<524288xf32, #tpu.memory_space<hbm>>) target(%dma_start3A_40 : memref<128xf32, #tpu.memory_space<vmem>>) offsets(%dma_start3A_43 : memref<128xi32, #tpu.memory_space<vmem>>) semaphore(%arg7 : memref<!tpu.dma_semaphore, #tpu.memory_space<semaphore_mem>>)
        %dma_start3A_46 = arith.constant 2 : i32
        %dma_start3A_47 = arith.constant 256 : i32
        %dma_start3A_48 = tpu.memref_slice %arg6[%dma_start3A_47] : memref<2048xf32, #tpu.memory_space<vmem>> -> memref<128xf32, #tpu.memory_space<vmem>>
        %dma_start3A_49 = arith.constant 0 : i32
        %dma_start3A_50 = tpu.memref_slice %arg5[%dma_start3A_46, %dma_start3A_49] : memref<16x128xi32, #tpu.memory_space<vmem>> -> memref<1x128xi32, #tpu.memory_space<vmem>>
        %dma_start3A_51 = tpu.memref_squeeze %dma_start3A_50 : memref<1x128xi32, #tpu.memory_space<vmem>> -> memref<128xi32, #tpu.memory_space<vmem>>
        %dma_start3A_52 = arith.constant 0 : i32
        %dma_start3A_53 = tpu.memref_slice %arg2[%dma_start3A_52] : memref<524288xf32, #tpu.memory_space<hbm>> -> memref<524288xf32, #tpu.memory_space<hbm>>
        tpu.enqueue_indirect_dma source(%dma_start3A_53 : memref<524288xf32, #tpu.memory_space<hbm>>) target(%dma_start3A_48 : memref<128xf32, #tpu.memory_space<vmem>>) offsets(%dma_start3A_51 : memref<128xi32, #tpu.memory_space<vmem>>) semaphore(%arg7 : memref<!tpu.dma_semaphore, #tpu.memory_space<semaphore_mem>>)
        %dma_start3A_54 = arith.constant 3 : i32
        %dma_start3A_55 = arith.constant 384 : i32
        %dma_start3A_56 = tpu.memref_slice %arg6[%dma_start3A_55] : memref<2048xf32, #tpu.memory_space<vmem>> -> memref<128xf32, #tpu.memory_space<vmem>>
        %dma_start3A_57 = arith.constant 0 : i32
        %dma_start3A_58 = tpu.memref_slice %arg5[%dma_start3A_54, %dma_start3A_57] : memref<16x128xi32, #tpu.memory_space<vmem>> -> memref<1x128xi32, #tpu.memory_space<vmem>>
        %dma_start3A_59 = tpu.memref_squeeze %dma_start3A_58 : memref<1x128xi32, #tpu.memory_space<vmem>> -> memref<128xi32, #tpu.memory_space<vmem>>
        %dma_start3A_60 = arith.constant 0 : i32
        %dma_start3A_61 = tpu.memref_slice %arg2[%dma_start3A_60] : memref<524288xf32, #tpu.memory_space<hbm>> -> memref<524288xf32, #tpu.memory_space<hbm>>
        tpu.enqueue_indirect_dma source(%dma_start3A_61 : memref<524288xf32, #tpu.memory_space<hbm>>) target(%dma_start3A_56 : memref<128xf32, #tpu.memory_space<vmem>>) offsets(%dma_start3A_59 : memref<128xi32, #tpu.memory_space<vmem>>) semaphore(%arg7 : memref<!tpu.dma_semaphore, #tpu.memory_space<semaphore_mem>>)
        %dma_start3A_62 = arith.constant 4 : i32
        %dma_start3A_63 = arith.constant 512 : i32
        %dma_start3A_64 = tpu.memref_slice %arg6[%dma_start3A_63] : memref<2048xf32, #tpu.memory_space<vmem>> -> memref<128xf32, #tpu.memory_space<vmem>>
        %dma_start3A_65 = arith.constant 0 : i32
        %dma_start3A_66 = tpu.memref_slice %arg5[%dma_start3A_62, %dma_start3A_65] : memref<16x128xi32, #tpu.memory_space<vmem>> -> memref<1x128xi32, #tpu.memory_space<vmem>>
        %dma_start3A_67 = tpu.memref_squeeze %dma_start3A_66 : memref<1x128xi32, #tpu.memory_space<vmem>> -> memref<128xi32, #tpu.memory_space<vmem>>
        %dma_start3A_68 = arith.constant 0 : i32
        %dma_start3A_69 = tpu.memref_slice %arg2[%dma_start3A_68] : memref<524288xf32, #tpu.memory_space<hbm>> -> memref<524288xf32, #tpu.memory_space<hbm>>
        tpu.enqueue_indirect_dma source(%dma_start3A_69 : memref<524288xf32, #tpu.memory_space<hbm>>) target(%dma_start3A_64 : memref<128xf32, #tpu.memory_space<vmem>>) offsets(%dma_start3A_67 : memref<128xi32, #tpu.memory_space<vmem>>) semaphore(%arg7 : memref<!tpu.dma_semaphore, #tpu.memory_space<semaphore_mem>>)
        %dma_start3A_70 = arith.constant 5 : i32
        %dma_start3A_71 = arith.constant 640 : i32
        %dma_start3A_72 = tpu.memref_slice %arg6[%dma_start3A_71] : memref<2048xf32, #tpu.memory_space<vmem>> -> memref<128xf32, #tpu.memory_space<vmem>>
        %dma_start3A_73 = arith.constant 0 : i32
        %dma_start3A_74 = tpu.memref_slice %arg5[%dma_start3A_70, %dma_start3A_73] : memref<16x128xi32, #tpu.memory_space<vmem>> -> memref<1x128xi32, #tpu.memory_space<vmem>>
        %dma_start3A_75 = tpu.memref_squeeze %dma_start3A_74 : memref<1x128xi32, #tpu.memory_space<vmem>> -> memref<128xi32, #tpu.memory_space<vmem>>
        %dma_start3A_76 = arith.constant 0 : i32
        %dma_start3A_77 = tpu.memref_slice %arg2[%dma_start3A_76] : memref<524288xf32, #tpu.memory_space<hbm>> -> memref<524288xf32, #tpu.memory_space<hbm>>
        tpu.enqueue_indirect_dma source(%dma_start3A_77 : memref<524288xf32, #tpu.memory_space<hbm>>) target(%dma_start3A_72 : memref<128xf32, #tpu.memory_space<vmem>>) offsets(%dma_start3A_75 : memref<128xi32, #tpu.memory_space<vmem>>) semaphore(%arg7 : memref<!tpu.dma_semaphore, #tpu.memory_space<semaphore_mem>>)
        %dma_start3A_78 = arith.constant 6 : i32
        %dma_start3A_79 = arith.constant 768 : i32
        %dma_start3A_80 = tpu.memref_slice %arg6[%dma_start3A_79] : memref<2048xf32, #tpu.memory_space<vmem>> -> memref<128xf32, #tpu.memory_space<vmem>>
        %dma_start3A_81 = arith.constant 0 : i32
        %dma_start3A_82 = tpu.memref_slice %arg5[%dma_start3A_78, %dma_start3A_81] : memref<16x128xi32, #tpu.memory_space<vmem>> -> memref<1x128xi32, #tpu.memory_space<vmem>>
        %dma_start3A_83 = tpu.memref_squeeze %dma_start3A_82 : memref<1x128xi32, #tpu.memory_space<vmem>> -> memref<128xi32, #tpu.memory_space<vmem>>
        %dma_start3A_84 = arith.constant 0 : i32
        %dma_start3A_85 = tpu.memref_slice %arg2[%dma_start3A_84] : memref<524288xf32, #tpu.memory_space<hbm>> -> memref<524288xf32, #tpu.memory_space<hbm>>
        tpu.enqueue_indirect_dma source(%dma_start3A_85 : memref<524288xf32, #tpu.memory_space<hbm>>) target(%dma_start3A_80 : memref<128xf32, #tpu.memory_space<vmem>>) offsets(%dma_start3A_83 : memref<128xi32, #tpu.memory_space<vmem>>) semaphore(%arg7 : memref<!tpu.dma_semaphore, #tpu.memory_space<semaphore_mem>>)
        %dma_start3A_86 = arith.constant 7 : i32
        %dma_start3A_87 = arith.constant 896 : i32
        %dma_start3A_88 = tpu.memref_slice %arg6[%dma_start3A_87] : memref<2048xf32, #tpu.memory_space<vmem>> -> memref<128xf32, #tpu.memory_space<vmem>>
        %dma_start3A_89 = arith.constant 0 : i32
        %dma_start3A_90 = tpu.memref_slice %arg5[%dma_start3A_86, %dma_start3A_89] : memref<16x128xi32, #tpu.memory_space<vmem>> -> memref<1x128xi32, #tpu.memory_space<vmem>>
        %dma_start3A_91 = tpu.memref_squeeze %dma_start3A_90 : memref<1x128xi32, #tpu.memory_space<vmem>> -> memref<128xi32, #tpu.memory_space<vmem>>
        %dma_start3A_92 = arith.constant 0 : i32
        %dma_start3A_93 = tpu.memref_slice %arg2[%dma_start3A_92] : memref<524288xf32, #tpu.memory_space<hbm>> -> memref<524288xf32, #tpu.memory_space<hbm>>
        tpu.enqueue_indirect_dma source(%dma_start3A_93 : memref<524288xf32, #tpu.memory_space<hbm>>) target(%dma_start3A_88 : memref<128xf32, #tpu.memory_space<vmem>>) offsets(%dma_start3A_91 : memref<128xi32, #tpu.memory_space<vmem>>) semaphore(%arg7 : memref<!tpu.dma_semaphore, #tpu.memory_space<semaphore_mem>>)
        %dma_start3A_94 = arith.constant 8 : i32
        %dma_start3A_95 = arith.constant 1024 : i32
        %dma_start3A_96 = tpu.memref_slice %arg6[%dma_start3A_95] : memref<2048xf32, #tpu.memory_space<vmem>> -> memref<128xf32, #tpu.memory_space<vmem>>
        %dma_start3A_97 = arith.constant 0 : i32
        %dma_start3A_98 = tpu.memref_slice %arg5[%dma_start3A_94, %dma_start3A_97] : memref<16x128xi32, #tpu.memory_space<vmem>> -> memref<1x128xi32, #tpu.memory_space<vmem>>
        %dma_start3A_99 = tpu.memref_squeeze %dma_start3A_98 : memref<1x128xi32, #tpu.memory_space<vmem>> -> memref<128xi32, #tpu.memory_space<vmem>>
        %dma_start3A_100 = arith.constant 0 : i32
        %dma_start3A_101 = tpu.memref_slice %arg2[%dma_start3A_100] : memref<524288xf32, #tpu.memory_space<hbm>> -> memref<524288xf32, #tpu.memory_space<hbm>>
        tpu.enqueue_indirect_dma source(%dma_start3A_101 : memref<524288xf32, #tpu.memory_space<hbm>>) target(%dma_start3A_96 : memref<128xf32, #tpu.memory_space<vmem>>) offsets(%dma_start3A_99 : memref<128xi32, #tpu.memory_space<vmem>>) semaphore(%arg7 : memref<!tpu.dma_semaphore, #tpu.memory_space<semaphore_mem>>)
        %dma_start3A_102 = arith.constant 9 : i32
        %dma_start3A_103 = arith.constant 1152 : i32
        %dma_start3A_104 = tpu.memref_slice %arg6[%dma_start3A_103] : memref<2048xf32, #tpu.memory_space<vmem>> -> memref<128xf32, #tpu.memory_space<vmem>>
        %dma_start3A_105 = arith.constant 0 : i32
        %dma_start3A_106 = tpu.memref_slice %arg5[%dma_start3A_102, %dma_start3A_105] : memref<16x128xi32, #tpu.memory_space<vmem>> -> memref<1x128xi32, #tpu.memory_space<vmem>>
        %dma_start3A_107 = tpu.memref_squeeze %dma_start3A_106 : memref<1x128xi32, #tpu.memory_space<vmem>> -> memref<128xi32, #tpu.memory_space<vmem>>
        %dma_start3A_108 = arith.constant 0 : i32
        %dma_start3A_109 = tpu.memref_slice %arg2[%dma_start3A_108] : memref<524288xf32, #tpu.memory_space<hbm>> -> memref<524288xf32, #tpu.memory_space<hbm>>
        tpu.enqueue_indirect_dma source(%dma_start3A_109 : memref<524288xf32, #tpu.memory_space<hbm>>) target(%dma_start3A_104 : memref<128xf32, #tpu.memory_space<vmem>>) offsets(%dma_start3A_107 : memref<128xi32, #tpu.memory_space<vmem>>) semaphore(%arg7 : memref<!tpu.dma_semaphore, #tpu.memory_space<semaphore_mem>>)
        %dma_start3A_110 = arith.constant 10 : i32
        %dma_start3A_111 = arith.constant 1280 : i32
        %dma_start3A_112 = tpu.memref_slice %arg6[%dma_start3A_111] : memref<2048xf32, #tpu.memory_space<vmem>> -> memref<128xf32, #tpu.memory_space<vmem>>
        %dma_start3A_113 = arith.constant 0 : i32
        %dma_start3A_114 = tpu.memref_slice %arg5[%dma_start3A_110, %dma_start3A_113] : memref<16x128xi32, #tpu.memory_space<vmem>> -> memref<1x128xi32, #tpu.memory_space<vmem>>
        %dma_start3A_115 = tpu.memref_squeeze %dma_start3A_114 : memref<1x128xi32, #tpu.memory_space<vmem>> -> memref<128xi32, #tpu.memory_space<vmem>>
        %dma_start3A_116 = arith.constant 0 : i32
        %dma_start3A_117 = tpu.memref_slice %arg2[%dma_start3A_116] : memref<524288xf32, #tpu.memory_space<hbm>> -> memref<524288xf32, #tpu.memory_space<hbm>>
        tpu.enqueue_indirect_dma source(%dma_start3A_117 : memref<524288xf32, #tpu.memory_space<hbm>>) target(%dma_start3A_112 : memref<128xf32, #tpu.memory_space<vmem>>) offsets(%dma_start3A_115 : memref<128xi32, #tpu.memory_space<vmem>>) semaphore(%arg7 : memref<!tpu.dma_semaphore, #tpu.memory_space<semaphore_mem>>)
        %dma_start3A_118 = arith.constant 11 : i32
        %dma_start3A_119 = arith.constant 1408 : i32
        %dma_start3A_120 = tpu.memref_slice %arg6[%dma_start3A_119] : memref<2048xf32, #tpu.memory_space<vmem>> -> memref<128xf32, #tpu.memory_space<vmem>>
        %dma_start3A_121 = arith.constant 0 : i32
        %dma_start3A_122 = tpu.memref_slice %arg5[%dma_start3A_118, %dma_start3A_121] : memref<16x128xi32, #tpu.memory_space<vmem>> -> memref<1x128xi32, #tpu.memory_space<vmem>>
        %dma_start3A_123 = tpu.memref_squeeze %dma_start3A_122 : memref<1x128xi32, #tpu.memory_space<vmem>> -> memref<128xi32, #tpu.memory_space<vmem>>
        %dma_start3A_124 = arith.constant 0 : i32
        %dma_start3A_125 = tpu.memref_slice %arg2[%dma_start3A_124] : memref<524288xf32, #tpu.memory_space<hbm>> -> memref<524288xf32, #tpu.memory_space<hbm>>
        tpu.enqueue_indirect_dma source(%dma_start3A_125 : memref<524288xf32, #tpu.memory_space<hbm>>) target(%dma_start3A_120 : memref<128xf32, #tpu.memory_space<vmem>>) offsets(%dma_start3A_123 : memref<128xi32, #tpu.memory_space<vmem>>) semaphore(%arg7 : memref<!tpu.dma_semaphore, #tpu.memory_space<semaphore_mem>>)
        %dma_start3A_126 = arith.constant 12 : i32
        %dma_start3A_127 = arith.constant 1536 : i32
        %dma_start3A_128 = tpu.memref_slice %arg6[%dma_start3A_127] : memref<2048xf32, #tpu.memory_space<vmem>> -> memref<128xf32, #tpu.memory_space<vmem>>
        %dma_start3A_129 = arith.constant 0 : i32
        %dma_start3A_130 = tpu.memref_slice %arg5[%dma_start3A_126, %dma_start3A_129] : memref<16x128xi32, #tpu.memory_space<vmem>> -> memref<1x128xi32, #tpu.memory_space<vmem>>
        %dma_start3A_131 = tpu.memref_squeeze %dma_start3A_130 : memref<1x128xi32, #tpu.memory_space<vmem>> -> memref<128xi32, #tpu.memory_space<vmem>>
        %dma_start3A_132 = arith.constant 0 : i32
        %dma_start3A_133 = tpu.memref_slice %arg2[%dma_start3A_132] : memref<524288xf32, #tpu.memory_space<hbm>> -> memref<524288xf32, #tpu.memory_space<hbm>>
        tpu.enqueue_indirect_dma source(%dma_start3A_133 : memref<524288xf32, #tpu.memory_space<hbm>>) target(%dma_start3A_128 : memref<128xf32, #tpu.memory_space<vmem>>) offsets(%dma_start3A_131 : memref<128xi32, #tpu.memory_space<vmem>>) semaphore(%arg7 : memref<!tpu.dma_semaphore, #tpu.memory_space<semaphore_mem>>)
        %dma_start3A_134 = arith.constant 13 : i32
        %dma_start3A_135 = arith.constant 1664 : i32
        %dma_start3A_136 = tpu.memref_slice %arg6[%dma_start3A_135] : memref<2048xf32, #tpu.memory_space<vmem>> -> memref<128xf32, #tpu.memory_space<vmem>>
        %dma_start3A_137 = arith.constant 0 : i32
        %dma_start3A_138 = tpu.memref_slice %arg5[%dma_start3A_134, %dma_start3A_137] : memref<16x128xi32, #tpu.memory_space<vmem>> -> memref<1x128xi32, #tpu.memory_space<vmem>>
        %dma_start3A_139 = tpu.memref_squeeze %dma_start3A_138 : memref<1x128xi32, #tpu.memory_space<vmem>> -> memref<128xi32, #tpu.memory_space<vmem>>
        %dma_start3A_140 = arith.constant 0 : i32
        %dma_start3A_141 = tpu.memref_slice %arg2[%dma_start3A_140] : memref<524288xf32, #tpu.memory_space<hbm>> -> memref<524288xf32, #tpu.memory_space<hbm>>
        tpu.enqueue_indirect_dma source(%dma_start3A_141 : memref<524288xf32, #tpu.memory_space<hbm>>) target(%dma_start3A_136 : memref<128xf32, #tpu.memory_space<vmem>>) offsets(%dma_start3A_139 : memref<128xi32, #tpu.memory_space<vmem>>) semaphore(%arg7 : memref<!tpu.dma_semaphore, #tpu.memory_space<semaphore_mem>>)
        %dma_start3A_142 = arith.constant 14 : i32
        %dma_start3A_143 = arith.constant 1792 : i32
        %dma_start3A_144 = tpu.memref_slice %arg6[%dma_start3A_143] : memref<2048xf32, #tpu.memory_space<vmem>> -> memref<128xf32, #tpu.memory_space<vmem>>
        %dma_start3A_145 = arith.constant 0 : i32
        %dma_start3A_146 = tpu.memref_slice %arg5[%dma_start3A_142, %dma_start3A_145] : memref<16x128xi32, #tpu.memory_space<vmem>> -> memref<1x128xi32, #tpu.memory_space<vmem>>
        %dma_start3A_147 = tpu.memref_squeeze %dma_start3A_146 : memref<1x128xi32, #tpu.memory_space<vmem>> -> memref<128xi32, #tpu.memory_space<vmem>>
        %dma_start3A_148 = arith.constant 0 : i32
        %dma_start3A_149 = tpu.memref_slice %arg2[%dma_start3A_148] : memref<524288xf32, #tpu.memory_space<hbm>> -> memref<524288xf32, #tpu.memory_space<hbm>>
        tpu.enqueue_indirect_dma source(%dma_start3A_149 : memref<524288xf32, #tpu.memory_space<hbm>>) target(%dma_start3A_144 : memref<128xf32, #tpu.memory_space<vmem>>) offsets(%dma_start3A_147 : memref<128xi32, #tpu.memory_space<vmem>>) semaphore(%arg7 : memref<!tpu.dma_semaphore, #tpu.memory_space<semaphore_mem>>)
        %dma_start3A_150 = arith.constant 15 : i32
        %dma_start3A_151 = arith.constant 1920 : i32
        %dma_start3A_152 = tpu.memref_slice %arg6[%dma_start3A_151] : memref<2048xf32, #tpu.memory_space<vmem>> -> memref<128xf32, #tpu.memory_space<vmem>>
        %dma_start3A_153 = arith.constant 0 : i32
        %dma_start3A_154 = tpu.memref_slice %arg5[%dma_start3A_150, %dma_start3A_153] : memref<16x128xi32, #tpu.memory_space<vmem>> -> memref<1x128xi32, #tpu.memory_space<vmem>>
        %dma_start3A_155 = tpu.memref_squeeze %dma_start3A_154 : memref<1x128xi32, #tpu.memory_space<vmem>> -> memref<128xi32, #tpu.memory_space<vmem>>
        %dma_start3A_156 = arith.constant 0 : i32
        %dma_start3A_157 = tpu.memref_slice %arg2[%dma_start3A_156] : memref<524288xf32, #tpu.memory_space<hbm>> -> memref<524288xf32, #tpu.memory_space<hbm>>
        tpu.enqueue_indirect_dma source(%dma_start3A_157 : memref<524288xf32, #tpu.memory_space<hbm>>) target(%dma_start3A_152 : memref<128xf32, #tpu.memory_space<vmem>>) offsets(%dma_start3A_155 : memref<128xi32, #tpu.memory_space<vmem>>) semaphore(%arg7 : memref<!tpu.dma_semaphore, #tpu.memory_space<semaphore_mem>>)
        %dma_wait3A = arith.constant 0 : i32
        %dma_wait3A_158 = arith.constant 0 : i32
        %dma_wait3A_159 = tpu.memref_slice %arg6[%dma_wait3A_158] : memref<2048xf32, #tpu.memory_space<vmem>> -> memref<128xf32, #tpu.memory_space<vmem>>
        %dma_wait3A_160 = arith.constant 0 : i32
        %dma_wait3A_161 = tpu.memref_slice %arg5[%dma_wait3A, %dma_wait3A_160] : memref<16x128xi32, #tpu.memory_space<vmem>> -> memref<1x128xi32, #tpu.memory_space<vmem>>
        %dma_wait3A_162 = tpu.memref_squeeze %dma_wait3A_161 : memref<1x128xi32, #tpu.memory_space<vmem>> -> memref<128xi32, #tpu.memory_space<vmem>>
        %dma_wait3A_163 = arith.constant 0 : i32
        %dma_wait3A_164 = tpu.memref_slice %arg2[%dma_wait3A_163] : memref<524288xf32, #tpu.memory_space<hbm>> -> memref<524288xf32, #tpu.memory_space<hbm>>
        tpu.wait_indirect_dma semaphore(%arg7 : memref<!tpu.dma_semaphore, #tpu.memory_space<semaphore_mem>>) src(%dma_wait3A_164 : memref<524288xf32, #tpu.memory_space<hbm>>) dst(%dma_wait3A_159 : memref<128xf32, #tpu.memory_space<vmem>>)
        %dma_wait3A_165 = arith.constant 1 : i32
        %dma_wait3A_166 = arith.constant 128 : i32
        %dma_wait3A_167 = tpu.memref_slice %arg6[%dma_wait3A_166] : memref<2048xf32, #tpu.memory_space<vmem>> -> memref<128xf32, #tpu.memory_space<vmem>>
        %dma_wait3A_168 = arith.constant 0 : i32
        %dma_wait3A_169 = tpu.memref_slice %arg5[%dma_wait3A_165, %dma_wait3A_168] : memref<16x128xi32, #tpu.memory_space<vmem>> -> memref<1x128xi32, #tpu.memory_space<vmem>>
        %dma_wait3A_170 = tpu.memref_squeeze %dma_wait3A_169 : memref<1x128xi32, #tpu.memory_space<vmem>> -> memref<128xi32, #tpu.memory_space<vmem>>
        %dma_wait3A_171 = arith.constant 0 : i32
        %dma_wait3A_172 = tpu.memref_slice %arg2[%dma_wait3A_171] : memref<524288xf32, #tpu.memory_space<hbm>> -> memref<524288xf32, #tpu.memory_space<hbm>>
        tpu.wait_indirect_dma semaphore(%arg7 : memref<!tpu.dma_semaphore, #tpu.memory_space<semaphore_mem>>) src(%dma_wait3A_172 : memref<524288xf32, #tpu.memory_space<hbm>>) dst(%dma_wait3A_167 : memref<128xf32, #tpu.memory_space<vmem>>)
        %dma_wait3A_173 = arith.constant 2 : i32
        %dma_wait3A_174 = arith.constant 256 : i32
        %dma_wait3A_175 = tpu.memref_slice %arg6[%dma_wait3A_174] : memref<2048xf32, #tpu.memory_space<vmem>> -> memref<128xf32, #tpu.memory_space<vmem>>
        %dma_wait3A_176 = arith.constant 0 : i32
        %dma_wait3A_177 = tpu.memref_slice %arg5[%dma_wait3A_173, %dma_wait3A_176] : memref<16x128xi32, #tpu.memory_space<vmem>> -> memref<1x128xi32, #tpu.memory_space<vmem>>
        %dma_wait3A_178 = tpu.memref_squeeze %dma_wait3A_177 : memref<1x128xi32, #tpu.memory_space<vmem>> -> memref<128xi32, #tpu.memory_space<vmem>>
        %dma_wait3A_179 = arith.constant 0 : i32
        %dma_wait3A_180 = tpu.memref_slice %arg2[%dma_wait3A_179] : memref<524288xf32, #tpu.memory_space<hbm>> -> memref<524288xf32, #tpu.memory_space<hbm>>
        tpu.wait_indirect_dma semaphore(%arg7 : memref<!tpu.dma_semaphore, #tpu.memory_space<semaphore_mem>>) src(%dma_wait3A_180 : memref<524288xf32, #tpu.memory_space<hbm>>) dst(%dma_wait3A_175 : memref<128xf32, #tpu.memory_space<vmem>>)
        %dma_wait3A_181 = arith.constant 3 : i32
        %dma_wait3A_182 = arith.constant 384 : i32
        %dma_wait3A_183 = tpu.memref_slice %arg6[%dma_wait3A_182] : memref<2048xf32, #tpu.memory_space<vmem>> -> memref<128xf32, #tpu.memory_space<vmem>>
        %dma_wait3A_184 = arith.constant 0 : i32
        %dma_wait3A_185 = tpu.memref_slice %arg5[%dma_wait3A_181, %dma_wait3A_184] : memref<16x128xi32, #tpu.memory_space<vmem>> -> memref<1x128xi32, #tpu.memory_space<vmem>>
        %dma_wait3A_186 = tpu.memref_squeeze %dma_wait3A_185 : memref<1x128xi32, #tpu.memory_space<vmem>> -> memref<128xi32, #tpu.memory_space<vmem>>
        %dma_wait3A_187 = arith.constant 0 : i32
        %dma_wait3A_188 = tpu.memref_slice %arg2[%dma_wait3A_187] : memref<524288xf32, #tpu.memory_space<hbm>> -> memref<524288xf32, #tpu.memory_space<hbm>>
        tpu.wait_indirect_dma semaphore(%arg7 : memref<!tpu.dma_semaphore, #tpu.memory_space<semaphore_mem>>) src(%dma_wait3A_188 : memref<524288xf32, #tpu.memory_space<hbm>>) dst(%dma_wait3A_183 : memref<128xf32, #tpu.memory_space<vmem>>)
        %dma_wait3A_189 = arith.constant 4 : i32
        %dma_wait3A_190 = arith.constant 512 : i32
        %dma_wait3A_191 = tpu.memref_slice %arg6[%dma_wait3A_190] : memref<2048xf32, #tpu.memory_space<vmem>> -> memref<128xf32, #tpu.memory_space<vmem>>
        %dma_wait3A_192 = arith.constant 0 : i32
        %dma_wait3A_193 = tpu.memref_slice %arg5[%dma_wait3A_189, %dma_wait3A_192] : memref<16x128xi32, #tpu.memory_space<vmem>> -> memref<1x128xi32, #tpu.memory_space<vmem>>
        %dma_wait3A_194 = tpu.memref_squeeze %dma_wait3A_193 : memref<1x128xi32, #tpu.memory_space<vmem>> -> memref<128xi32, #tpu.memory_space<vmem>>
        %dma_wait3A_195 = arith.constant 0 : i32
        %dma_wait3A_196 = tpu.memref_slice %arg2[%dma_wait3A_195] : memref<524288xf32, #tpu.memory_space<hbm>> -> memref<524288xf32, #tpu.memory_space<hbm>>
        tpu.wait_indirect_dma semaphore(%arg7 : memref<!tpu.dma_semaphore, #tpu.memory_space<semaphore_mem>>) src(%dma_wait3A_196 : memref<524288xf32, #tpu.memory_space<hbm>>) dst(%dma_wait3A_191 : memref<128xf32, #tpu.memory_space<vmem>>)
        %dma_wait3A_197 = arith.constant 5 : i32
        %dma_wait3A_198 = arith.constant 640 : i32
        %dma_wait3A_199 = tpu.memref_slice %arg6[%dma_wait3A_198] : memref<2048xf32, #tpu.memory_space<vmem>> -> memref<128xf32, #tpu.memory_space<vmem>>
        %dma_wait3A_200 = arith.constant 0 : i32
        %dma_wait3A_201 = tpu.memref_slice %arg5[%dma_wait3A_197, %dma_wait3A_200] : memref<16x128xi32, #tpu.memory_space<vmem>> -> memref<1x128xi32, #tpu.memory_space<vmem>>
        %dma_wait3A_202 = tpu.memref_squeeze %dma_wait3A_201 : memref<1x128xi32, #tpu.memory_space<vmem>> -> memref<128xi32, #tpu.memory_space<vmem>>
        %dma_wait3A_203 = arith.constant 0 : i32
        %dma_wait3A_204 = tpu.memref_slice %arg2[%dma_wait3A_203] : memref<524288xf32, #tpu.memory_space<hbm>> -> memref<524288xf32, #tpu.memory_space<hbm>>
        tpu.wait_indirect_dma semaphore(%arg7 : memref<!tpu.dma_semaphore, #tpu.memory_space<semaphore_mem>>) src(%dma_wait3A_204 : memref<524288xf32, #tpu.memory_space<hbm>>) dst(%dma_wait3A_199 : memref<128xf32, #tpu.memory_space<vmem>>)
        %dma_wait3A_205 = arith.constant 6 : i32
        %dma_wait3A_206 = arith.constant 768 : i32
        %dma_wait3A_207 = tpu.memref_slice %arg6[%dma_wait3A_206] : memref<2048xf32, #tpu.memory_space<vmem>> -> memref<128xf32, #tpu.memory_space<vmem>>
        %dma_wait3A_208 = arith.constant 0 : i32
        %dma_wait3A_209 = tpu.memref_slice %arg5[%dma_wait3A_205, %dma_wait3A_208] : memref<16x128xi32, #tpu.memory_space<vmem>> -> memref<1x128xi32, #tpu.memory_space<vmem>>
        %dma_wait3A_210 = tpu.memref_squeeze %dma_wait3A_209 : memref<1x128xi32, #tpu.memory_space<vmem>> -> memref<128xi32, #tpu.memory_space<vmem>>
        %dma_wait3A_211 = arith.constant 0 : i32
        %dma_wait3A_212 = tpu.memref_slice %arg2[%dma_wait3A_211] : memref<524288xf32, #tpu.memory_space<hbm>> -> memref<524288xf32, #tpu.memory_space<hbm>>
        tpu.wait_indirect_dma semaphore(%arg7 : memref<!tpu.dma_semaphore, #tpu.memory_space<semaphore_mem>>) src(%dma_wait3A_212 : memref<524288xf32, #tpu.memory_space<hbm>>) dst(%dma_wait3A_207 : memref<128xf32, #tpu.memory_space<vmem>>)
        %dma_wait3A_213 = arith.constant 7 : i32
        %dma_wait3A_214 = arith.constant 896 : i32
        %dma_wait3A_215 = tpu.memref_slice %arg6[%dma_wait3A_214] : memref<2048xf32, #tpu.memory_space<vmem>> -> memref<128xf32, #tpu.memory_space<vmem>>
        %dma_wait3A_216 = arith.constant 0 : i32
        %dma_wait3A_217 = tpu.memref_slice %arg5[%dma_wait3A_213, %dma_wait3A_216] : memref<16x128xi32, #tpu.memory_space<vmem>> -> memref<1x128xi32, #tpu.memory_space<vmem>>
        %dma_wait3A_218 = tpu.memref_squeeze %dma_wait3A_217 : memref<1x128xi32, #tpu.memory_space<vmem>> -> memref<128xi32, #tpu.memory_space<vmem>>
        %dma_wait3A_219 = arith.constant 0 : i32
        %dma_wait3A_220 = tpu.memref_slice %arg2[%dma_wait3A_219] : memref<524288xf32, #tpu.memory_space<hbm>> -> memref<524288xf32, #tpu.memory_space<hbm>>
        tpu.wait_indirect_dma semaphore(%arg7 : memref<!tpu.dma_semaphore, #tpu.memory_space<semaphore_mem>>) src(%dma_wait3A_220 : memref<524288xf32, #tpu.memory_space<hbm>>) dst(%dma_wait3A_215 : memref<128xf32, #tpu.memory_space<vmem>>)
        %dma_wait3A_221 = arith.constant 8 : i32
        %dma_wait3A_222 = arith.constant 1024 : i32
        %dma_wait3A_223 = tpu.memref_slice %arg6[%dma_wait3A_222] : memref<2048xf32, #tpu.memory_space<vmem>> -> memref<128xf32, #tpu.memory_space<vmem>>
        %dma_wait3A_224 = arith.constant 0 : i32
        %dma_wait3A_225 = tpu.memref_slice %arg5[%dma_wait3A_221, %dma_wait3A_224] : memref<16x128xi32, #tpu.memory_space<vmem>> -> memref<1x128xi32, #tpu.memory_space<vmem>>
        %dma_wait3A_226 = tpu.memref_squeeze %dma_wait3A_225 : memref<1x128xi32, #tpu.memory_space<vmem>> -> memref<128xi32, #tpu.memory_space<vmem>>
        %dma_wait3A_227 = arith.constant 0 : i32
        %dma_wait3A_228 = tpu.memref_slice %arg2[%dma_wait3A_227] : memref<524288xf32, #tpu.memory_space<hbm>> -> memref<524288xf32, #tpu.memory_space<hbm>>
        tpu.wait_indirect_dma semaphore(%arg7 : memref<!tpu.dma_semaphore, #tpu.memory_space<semaphore_mem>>) src(%dma_wait3A_228 : memref<524288xf32, #tpu.memory_space<hbm>>) dst(%dma_wait3A_223 : memref<128xf32, #tpu.memory_space<vmem>>)
        %dma_wait3A_229 = arith.constant 9 : i32
        %dma_wait3A_230 = arith.constant 1152 : i32
        %dma_wait3A_231 = tpu.memref_slice %arg6[%dma_wait3A_230] : memref<2048xf32, #tpu.memory_space<vmem>> -> memref<128xf32, #tpu.memory_space<vmem>>
        %dma_wait3A_232 = arith.constant 0 : i32
        %dma_wait3A_233 = tpu.memref_slice %arg5[%dma_wait3A_229, %dma_wait3A_232] : memref<16x128xi32, #tpu.memory_space<vmem>> -> memref<1x128xi32, #tpu.memory_space<vmem>>
        %dma_wait3A_234 = tpu.memref_squeeze %dma_wait3A_233 : memref<1x128xi32, #tpu.memory_space<vmem>> -> memref<128xi32, #tpu.memory_space<vmem>>
        %dma_wait3A_235 = arith.constant 0 : i32
        %dma_wait3A_236 = tpu.memref_slice %arg2[%dma_wait3A_235] : memref<524288xf32, #tpu.memory_space<hbm>> -> memref<524288xf32, #tpu.memory_space<hbm>>
        tpu.wait_indirect_dma semaphore(%arg7 : memref<!tpu.dma_semaphore, #tpu.memory_space<semaphore_mem>>) src(%dma_wait3A_236 : memref<524288xf32, #tpu.memory_space<hbm>>) dst(%dma_wait3A_231 : memref<128xf32, #tpu.memory_space<vmem>>)
        %dma_wait3A_237 = arith.constant 10 : i32
        %dma_wait3A_238 = arith.constant 1280 : i32
        %dma_wait3A_239 = tpu.memref_slice %arg6[%dma_wait3A_238] : memref<2048xf32, #tpu.memory_space<vmem>> -> memref<128xf32, #tpu.memory_space<vmem>>
        %dma_wait3A_240 = arith.constant 0 : i32
        %dma_wait3A_241 = tpu.memref_slice %arg5[%dma_wait3A_237, %dma_wait3A_240] : memref<16x128xi32, #tpu.memory_space<vmem>> -> memref<1x128xi32, #tpu.memory_space<vmem>>
        %dma_wait3A_242 = tpu.memref_squeeze %dma_wait3A_241 : memref<1x128xi32, #tpu.memory_space<vmem>> -> memref<128xi32, #tpu.memory_space<vmem>>
        %dma_wait3A_243 = arith.constant 0 : i32
        %dma_wait3A_244 = tpu.memref_slice %arg2[%dma_wait3A_243] : memref<524288xf32, #tpu.memory_space<hbm>> -> memref<524288xf32, #tpu.memory_space<hbm>>
        tpu.wait_indirect_dma semaphore(%arg7 : memref<!tpu.dma_semaphore, #tpu.memory_space<semaphore_mem>>) src(%dma_wait3A_244 : memref<524288xf32, #tpu.memory_space<hbm>>) dst(%dma_wait3A_239 : memref<128xf32, #tpu.memory_space<vmem>>)
        %dma_wait3A_245 = arith.constant 11 : i32
        %dma_wait3A_246 = arith.constant 1408 : i32
        %dma_wait3A_247 = tpu.memref_slice %arg6[%dma_wait3A_246] : memref<2048xf32, #tpu.memory_space<vmem>> -> memref<128xf32, #tpu.memory_space<vmem>>
        %dma_wait3A_248 = arith.constant 0 : i32
        %dma_wait3A_249 = tpu.memref_slice %arg5[%dma_wait3A_245, %dma_wait3A_248] : memref<16x128xi32, #tpu.memory_space<vmem>> -> memref<1x128xi32, #tpu.memory_space<vmem>>
        %dma_wait3A_250 = tpu.memref_squeeze %dma_wait3A_249 : memref<1x128xi32, #tpu.memory_space<vmem>> -> memref<128xi32, #tpu.memory_space<vmem>>
        %dma_wait3A_251 = arith.constant 0 : i32
        %dma_wait3A_252 = tpu.memref_slice %arg2[%dma_wait3A_251] : memref<524288xf32, #tpu.memory_space<hbm>> -> memref<524288xf32, #tpu.memory_space<hbm>>
        tpu.wait_indirect_dma semaphore(%arg7 : memref<!tpu.dma_semaphore, #tpu.memory_space<semaphore_mem>>) src(%dma_wait3A_252 : memref<524288xf32, #tpu.memory_space<hbm>>) dst(%dma_wait3A_247 : memref<128xf32, #tpu.memory_space<vmem>>)
        %dma_wait3A_253 = arith.constant 12 : i32
        %dma_wait3A_254 = arith.constant 1536 : i32
        %dma_wait3A_255 = tpu.memref_slice %arg6[%dma_wait3A_254] : memref<2048xf32, #tpu.memory_space<vmem>> -> memref<128xf32, #tpu.memory_space<vmem>>
        %dma_wait3A_256 = arith.constant 0 : i32
        %dma_wait3A_257 = tpu.memref_slice %arg5[%dma_wait3A_253, %dma_wait3A_256] : memref<16x128xi32, #tpu.memory_space<vmem>> -> memref<1x128xi32, #tpu.memory_space<vmem>>
        %dma_wait3A_258 = tpu.memref_squeeze %dma_wait3A_257 : memref<1x128xi32, #tpu.memory_space<vmem>> -> memref<128xi32, #tpu.memory_space<vmem>>
        %dma_wait3A_259 = arith.constant 0 : i32
        %dma_wait3A_260 = tpu.memref_slice %arg2[%dma_wait3A_259] : memref<524288xf32, #tpu.memory_space<hbm>> -> memref<524288xf32, #tpu.memory_space<hbm>>
        tpu.wait_indirect_dma semaphore(%arg7 : memref<!tpu.dma_semaphore, #tpu.memory_space<semaphore_mem>>) src(%dma_wait3A_260 : memref<524288xf32, #tpu.memory_space<hbm>>) dst(%dma_wait3A_255 : memref<128xf32, #tpu.memory_space<vmem>>)
        %dma_wait3A_261 = arith.constant 13 : i32
        %dma_wait3A_262 = arith.constant 1664 : i32
        %dma_wait3A_263 = tpu.memref_slice %arg6[%dma_wait3A_262] : memref<2048xf32, #tpu.memory_space<vmem>> -> memref<128xf32, #tpu.memory_space<vmem>>
        %dma_wait3A_264 = arith.constant 0 : i32
        %dma_wait3A_265 = tpu.memref_slice %arg5[%dma_wait3A_261, %dma_wait3A_264] : memref<16x128xi32, #tpu.memory_space<vmem>> -> memref<1x128xi32, #tpu.memory_space<vmem>>
        %dma_wait3A_266 = tpu.memref_squeeze %dma_wait3A_265 : memref<1x128xi32, #tpu.memory_space<vmem>> -> memref<128xi32, #tpu.memory_space<vmem>>
        %dma_wait3A_267 = arith.constant 0 : i32
        %dma_wait3A_268 = tpu.memref_slice %arg2[%dma_wait3A_267] : memref<524288xf32, #tpu.memory_space<hbm>> -> memref<524288xf32, #tpu.memory_space<hbm>>
        tpu.wait_indirect_dma semaphore(%arg7 : memref<!tpu.dma_semaphore, #tpu.memory_space<semaphore_mem>>) src(%dma_wait3A_268 : memref<524288xf32, #tpu.memory_space<hbm>>) dst(%dma_wait3A_263 : memref<128xf32, #tpu.memory_space<vmem>>)
        %dma_wait3A_269 = arith.constant 14 : i32
        %dma_wait3A_270 = arith.constant 1792 : i32
        %dma_wait3A_271 = tpu.memref_slice %arg6[%dma_wait3A_270] : memref<2048xf32, #tpu.memory_space<vmem>> -> memref<128xf32, #tpu.memory_space<vmem>>
        %dma_wait3A_272 = arith.constant 0 : i32
        %dma_wait3A_273 = tpu.memref_slice %arg5[%dma_wait3A_269, %dma_wait3A_272] : memref<16x128xi32, #tpu.memory_space<vmem>> -> memref<1x128xi32, #tpu.memory_space<vmem>>
        %dma_wait3A_274 = tpu.memref_squeeze %dma_wait3A_273 : memref<1x128xi32, #tpu.memory_space<vmem>> -> memref<128xi32, #tpu.memory_space<vmem>>
        %dma_wait3A_275 = arith.constant 0 : i32
        %dma_wait3A_276 = tpu.memref_slice %arg2[%dma_wait3A_275] : memref<524288xf32, #tpu.memory_space<hbm>> -> memref<524288xf32, #tpu.memory_space<hbm>>
        tpu.wait_indirect_dma semaphore(%arg7 : memref<!tpu.dma_semaphore, #tpu.memory_space<semaphore_mem>>) src(%dma_wait3A_276 : memref<524288xf32, #tpu.memory_space<hbm>>) dst(%dma_wait3A_271 : memref<128xf32, #tpu.memory_space<vmem>>)
        %dma_wait3A_277 = arith.constant 15 : i32
        %dma_wait3A_278 = arith.constant 1920 : i32
        %dma_wait3A_279 = tpu.memref_slice %arg6[%dma_wait3A_278] : memref<2048xf32, #tpu.memory_space<vmem>> -> memref<128xf32, #tpu.memory_space<vmem>>
        %dma_wait3A_280 = arith.constant 0 : i32
        %dma_wait3A_281 = tpu.memref_slice %arg5[%dma_wait3A_277, %dma_wait3A_280] : memref<16x128xi32, #tpu.memory_space<vmem>> -> memref<1x128xi32, #tpu.memory_space<vmem>>
        %dma_wait3A_282 = tpu.memref_squeeze %dma_wait3A_281 : memref<1x128xi32, #tpu.memory_space<vmem>> -> memref<128xi32, #tpu.memory_space<vmem>>
        %dma_wait3A_283 = arith.constant 0 : i32
        %dma_wait3A_284 = tpu.memref_slice %arg2[%dma_wait3A_283] : memref<524288xf32, #tpu.memory_space<hbm>> -> memref<524288xf32, #tpu.memory_space<hbm>>
        tpu.wait_indirect_dma semaphore(%arg7 : memref<!tpu.dma_semaphore, #tpu.memory_space<semaphore_mem>>) src(%dma_wait3A_284 : memref<524288xf32, #tpu.memory_space<hbm>>) dst(%dma_wait3A_279 : memref<128xf32, #tpu.memory_space<vmem>>)
        "tpu.region"() ({
          %run_scoped3A = tpu.sem_alloc : memref<!tpu.dma_semaphore, #tpu.memory_space<semaphore_mem>>
          %dma_start3A_285 = tpu.memref_slice %arg4[%multiple_of3A] : memref<1048576xf32, #tpu.memory_space<hbm>> -> memref<2048xf32, #tpu.memory_space<hbm>>
          %dma_start3A_286 = tpu.memref_slice %arg4[%multiple_of3A] : memref<1048576xf32, #tpu.memory_space<hbm>> -> memref<2048xf32, #tpu.memory_space<hbm>>
          tpu.enqueue_dma source(%arg6 : memref<2048xf32, #tpu.memory_space<vmem>>) target(%dma_start3A_286 : memref<2048xf32, #tpu.memory_space<hbm>>) target_semaphore(%run_scoped3A : memref<!tpu.dma_semaphore, #tpu.memory_space<semaphore_mem>>)
          %dma_wait3A_287 = tpu.memref_slice %arg4[%multiple_of3A] : memref<1048576xf32, #tpu.memory_space<hbm>> -> memref<2048xf32, #tpu.memory_space<hbm>>
          %dma_wait3A_288 = tpu.memref_slice %arg4[%multiple_of3A] : memref<1048576xf32, #tpu.memory_space<hbm>> -> memref<2048xf32, #tpu.memory_space<hbm>>
          tpu.wait_dma2 semaphore(%run_scoped3A : memref<!tpu.dma_semaphore, #tpu.memory_space<semaphore_mem>>) src(%arg6 : memref<2048xf32, #tpu.memory_space<vmem>>) dst(%dma_wait3A_288 : memref<2048xf32, #tpu.memory_space<hbm>>)
          tpu.yield
        }) : () -> ()
      }
      %scan3A_9 = arith.constant 16 : i32
    } else {
    }
    return
  }
}

#map = affine_map<(d0, d1) -> (0)>
#map1 = affine_map<(d0, d1) -> (0, 0)>
module attributes {stable_mosaic.version = 14 : i64} {
  func.func @body(%arg0: i32, %arg1: i32, %arg2: memref<524288xf32, #tpu.memory_space<hbm>>, %arg3: memref<8192x128xi32, #tpu.memory_space<hbm>>, %arg4: memref<1048576xf32, #tpu.memory_space<hbm>>, %arg5: memref<16x128xi32, #tpu.memory_space<vmem>>, %arg6: memref<2048xf32, #tpu.memory_space<vmem>>, %arg7: memref<!tpu.dma_semaphore, #tpu.memory_space<semaphore_mem>>) attributes {dimension_semantics = [#tpu.dimension_semantics<core_parallel>, #tpu.dimension_semantics<subcore_parallel>], iteration_bounds = array<i64: 2, 16>, scalar_prefetch = 0 : i64, scratch_operands = 3 : i64, tpu.core_type = #tpu.core_type<sc_vector_subcore>, window_params = [{transform_indices = #map}, {transform_indices = #map1}, {transform_indices = #map}]} {
    %mul3A = arith.constant 2 : i32
    %mul3A_0 = arith.muli %arg1, %mul3A : i32
    %add3A = arith.addi %mul3A_0, %arg0 : i32
    %mul3A_1 = arith.constant 32768 : i32
    %mul3A_2 = arith.muli %add3A, %mul3A_1 : i32
    %lt3A = arith.constant 32 : i32
    %lt3A_3 = arith.cmpi slt, %add3A, %lt3A : i32
    %convert_element_type3A = arith.extui %lt3A_3 : i1 to i32
    %cond3A = arith.constant 0 : i32
    %cond3A_4 = arith.cmpi ne, %convert_element_type3A, %cond3A : i32
    scf.if %cond3A_4 {
      %scan3A = arith.constant 0 : i32
      %scan3A_5 = arith.constant 0 : i32
      %scan3A_6 = arith.constant 16 : i32
      %scan3A_7 = arith.addi %scan3A_5, %scan3A_6 : i32
      %scan3A_8 = arith.constant 1 : i32
      scf.for %scan3A_10 = %scan3A_5 to %scan3A_7 step %scan3A_8  : i32 {
        %mul3A_11 = arith.constant 2048 : i32
        %mul3A_12 = arith.muli %scan3A_10, %mul3A_11 : i32
        %add3A_13 = arith.addi %mul3A_2, %mul3A_12 : i32
        %multiple_of3A = tpu.assume_multiple %add3A_13, 2048 : i32
        %jit3A = arith.constant 128 : i32
        %div3A = arith.divsi %multiple_of3A, %jit3A : i32
        %sign3A = arith.constant 0 : i32
        %sign3A_14 = arith.cmpi sgt, %multiple_of3A, %sign3A : i32
        %sign3A_15 = arith.extui %sign3A_14 : i1 to i32
        %sign3A_16 = arith.constant 0 : i32
        %sign3A_17 = arith.cmpi slt, %multiple_of3A, %sign3A_16 : i32
        %sign3A_18 = arith.extui %sign3A_17 : i1 to i32
        %sign3A_19 = arith.subi %sign3A_15, %sign3A_18 : i32
        %sign3A_20 = arith.constant 0 : i32
        %sign3A_21 = arith.cmpi sgt, %jit3A, %sign3A_20 : i32
        %sign3A_22 = arith.extui %sign3A_21 : i1 to i32
        %sign3A_23 = arith.constant 0 : i32
        %sign3A_24 = arith.cmpi slt, %jit3A, %sign3A_23 : i32
        %sign3A_25 = arith.extui %sign3A_24 : i1 to i32
        %sign3A_26 = arith.subi %sign3A_22, %sign3A_25 : i32
        %ne3A = arith.cmpi ne, %sign3A_19, %sign3A_26 : i32
        %rem3A = arith.remsi %multiple_of3A, %jit3A : i32
        %ne3A_27 = arith.constant 0 : i32
        %ne3A_28 = arith.cmpi ne, %rem3A, %ne3A_27 : i32
        %and3A = arith.andi %ne3A, %ne3A_28 : i1
        %sub3A = arith.constant 1 : i32
        %sub3A_29 = arith.subi %div3A, %sub3A : i32
        %select_n3A = arith.select %and3A, %sub3A_29, %div3A : i32
        %multiple_of3A_30 = tpu.assume_multiple %select_n3A, 16 : i32
        "tpu.region"() ({
          %run_scoped3A = tpu.sem_alloc : memref<!tpu.dma_semaphore, #tpu.memory_space<semaphore_mem>>
          %dma_start3A_285 = arith.constant 0 : i32
          %dma_start3A_286 = tpu.memref_slice %arg3[%multiple_of3A_30, %dma_start3A_285] : memref<8192x128xi32, #tpu.memory_space<hbm>> -> memref<16x128xi32, #tpu.memory_space<hbm>>
          %dma_start3A_287 = arith.constant 0 : i32
          %dma_start3A_288 = tpu.memref_slice %arg3[%multiple_of3A_30, %dma_start3A_287] : memref<8192x128xi32, #tpu.memory_space<hbm>> -> memref<16x128xi32, #tpu.memory_space<hbm>>
          tpu.enqueue_dma source(%dma_start3A_288 : memref<16x128xi32, #tpu.memory_space<hbm>>) target(%arg5 : memref<16x128xi32, #tpu.memory_space<vmem>>) target_semaphore(%run_scoped3A : memref<!tpu.dma_semaphore, #tpu.memory_space<semaphore_mem>>)
          %dma_wait3A_289 = arith.constant 0 : i32
          %dma_wait3A_290 = tpu.memref_slice %arg3[%multiple_of3A_30, %dma_wait3A_289] : memref<8192x128xi32, #tpu.memory_space<hbm>> -> memref<16x128xi32, #tpu.memory_space<hbm>>
          %dma_wait3A_291 = arith.constant 0 : i32
          %dma_wait3A_292 = tpu.memref_slice %arg3[%multiple_of3A_30, %dma_wait3A_291] : memref<8192x128xi32, #tpu.memory_space<hbm>> -> memref<16x128xi32, #tpu.memory_space<hbm>>
          tpu.wait_dma2 semaphore(%run_scoped3A : memref<!tpu.dma_semaphore, #tpu.memory_space<semaphore_mem>>) src(%dma_wait3A_292 : memref<16x128xi32, #tpu.memory_space<hbm>>) dst(%arg5 : memref<16x128xi32, #tpu.memory_space<vmem>>)
          tpu.yield
        }) : () -> ()
        %dma_start3A = arith.constant 0 : i32
        %dma_start3A_31 = arith.constant 0 : i32
        %dma_start3A_32 = tpu.memref_slice %arg6[%dma_start3A_31] : memref<2048xf32, #tpu.memory_space<vmem>> -> memref<128xf32, #tpu.memory_space<vmem>>
        %dma_start3A_33 = arith.constant 0 : i32
        %dma_start3A_34 = tpu.memref_slice %arg5[%dma_start3A, %dma_start3A_33] : memref<16x128xi32, #tpu.memory_space<vmem>> -> memref<1x128xi32, #tpu.memory_space<vmem>>
        %dma_start3A_35 = tpu.memref_squeeze %dma_start3A_34 : memref<1x128xi32, #tpu.memory_space<vmem>> -> memref<128xi32, #tpu.memory_space<vmem>>
        %dma_start3A_36 = arith.constant 0 : i32
        %dma_start3A_37 = tpu.memref_slice %arg2[%dma_start3A_36] : memref<524288xf32, #tpu.memory_space<hbm>> -> memref<524288xf32, #tpu.memory_space<hbm>>
        tpu.enqueue_indirect_dma source(%dma_start3A_37 : memref<524288xf32, #tpu.memory_space<hbm>>) target(%dma_start3A_32 : memref<128xf32, #tpu.memory_space<vmem>>) offsets(%dma_start3A_35 : memref<128xi32, #tpu.memory_space<vmem>>) semaphore(%arg7 : memref<!tpu.dma_semaphore, #tpu.memory_space<semaphore_mem>>)
        %dma_start3A_38 = arith.constant 1 : i32
        %dma_start3A_39 = arith.constant 128 : i32
        %dma_start3A_40 = tpu.memref_slice %arg6[%dma_start3A_39] : memref<2048xf32, #tpu.memory_space<vmem>> -> memref<128xf32, #tpu.memory_space<vmem>>
        %dma_start3A_41 = arith.constant 0 : i32
        %dma_start3A_42 = tpu.memref_slice %arg5[%dma_start3A_38, %dma_start3A_41] : memref<16x128xi32, #tpu.memory_space<vmem>> -> memref<1x128xi32, #tpu.memory_space<vmem>>
        %dma_start3A_43 = tpu.memref_squeeze %dma_start3A_42 : memref<1x128xi32, #tpu.memory_space<vmem>> -> memref<128xi32, #tpu.memory_space<vmem>>
        %dma_start3A_44 = arith.constant 0 : i32
        %dma_start3A_45 = tpu.memref_slice %arg2[%dma_start3A_44] : memref<524288xf32, #tpu.memory_space<hbm>> -> memref<524288xf32, #tpu.memory_space<hbm>>
        tpu.enqueue_indirect_dma source(%dma_start3A_45 : memref<524288xf32, #tpu.memory_space<hbm>>) target(%dma_start3A_40 : memref<128xf32, #tpu.memory_space<vmem>>) offsets(%dma_start3A_43 : memref<128xi32, #tpu.memory_space<vmem>>) semaphore(%arg7 : memref<!tpu.dma_semaphore, #tpu.memory_space<semaphore_mem>>)
        %dma_start3A_46 = arith.constant 2 : i32
        %dma_start3A_47 = arith.constant 256 : i32
        %dma_start3A_48 = tpu.memref_slice %arg6[%dma_start3A_47] : memref<2048xf32, #tpu.memory_space<vmem>> -> memref<128xf32, #tpu.memory_space<vmem>>
        %dma_start3A_49 = arith.constant 0 : i32
        %dma_start3A_50 = tpu.memref_slice %arg5[%dma_start3A_46, %dma_start3A_49] : memref<16x128xi32, #tpu.memory_space<vmem>> -> memref<1x128xi32, #tpu.memory_space<vmem>>
        %dma_start3A_51 = tpu.memref_squeeze %dma_start3A_50 : memref<1x128xi32, #tpu.memory_space<vmem>> -> memref<128xi32, #tpu.memory_space<vmem>>
        %dma_start3A_52 = arith.constant 0 : i32
        %dma_start3A_53 = tpu.memref_slice %arg2[%dma_start3A_52] : memref<524288xf32, #tpu.memory_space<hbm>> -> memref<524288xf32, #tpu.memory_space<hbm>>
        tpu.enqueue_indirect_dma source(%dma_start3A_53 : memref<524288xf32, #tpu.memory_space<hbm>>) target(%dma_start3A_48 : memref<128xf32, #tpu.memory_space<vmem>>) offsets(%dma_start3A_51 : memref<128xi32, #tpu.memory_space<vmem>>) semaphore(%arg7 : memref<!tpu.dma_semaphore, #tpu.memory_space<semaphore_mem>>)
        %dma_start3A_54 = arith.constant 3 : i32
        %dma_start3A_55 = arith.constant 384 : i32
        %dma_start3A_56 = tpu.memref_slice %arg6[%dma_start3A_55] : memref<2048xf32, #tpu.memory_space<vmem>> -> memref<128xf32, #tpu.memory_space<vmem>>
        %dma_start3A_57 = arith.constant 0 : i32
        %dma_start3A_58 = tpu.memref_slice %arg5[%dma_start3A_54, %dma_start3A_57] : memref<16x128xi32, #tpu.memory_space<vmem>> -> memref<1x128xi32, #tpu.memory_space<vmem>>
        %dma_start3A_59 = tpu.memref_squeeze %dma_start3A_58 : memref<1x128xi32, #tpu.memory_space<vmem>> -> memref<128xi32, #tpu.memory_space<vmem>>
        %dma_start3A_60 = arith.constant 0 : i32
        %dma_start3A_61 = tpu.memref_slice %arg2[%dma_start3A_60] : memref<524288xf32, #tpu.memory_space<hbm>> -> memref<524288xf32, #tpu.memory_space<hbm>>
        tpu.enqueue_indirect_dma source(%dma_start3A_61 : memref<524288xf32, #tpu.memory_space<hbm>>) target(%dma_start3A_56 : memref<128xf32, #tpu.memory_space<vmem>>) offsets(%dma_start3A_59 : memref<128xi32, #tpu.memory_space<vmem>>) semaphore(%arg7 : memref<!tpu.dma_semaphore, #tpu.memory_space<semaphore_mem>>)
        %dma_start3A_62 = arith.constant 4 : i32
        %dma_start3A_63 = arith.constant 512 : i32
        %dma_start3A_64 = tpu.memref_slice %arg6[%dma_start3A_63] : memref<2048xf32, #tpu.memory_space<vmem>> -> memref<128xf32, #tpu.memory_space<vmem>>
        %dma_start3A_65 = arith.constant 0 : i32
        %dma_start3A_66 = tpu.memref_slice %arg5[%dma_start3A_62, %dma_start3A_65] : memref<16x128xi32, #tpu.memory_space<vmem>> -> memref<1x128xi32, #tpu.memory_space<vmem>>
        %dma_start3A_67 = tpu.memref_squeeze %dma_start3A_66 : memref<1x128xi32, #tpu.memory_space<vmem>> -> memref<128xi32, #tpu.memory_space<vmem>>
        %dma_start3A_68 = arith.constant 0 : i32
        %dma_start3A_69 = tpu.memref_slice %arg2[%dma_start3A_68] : memref<524288xf32, #tpu.memory_space<hbm>> -> memref<524288xf32, #tpu.memory_space<hbm>>
        tpu.enqueue_indirect_dma source(%dma_start3A_69 : memref<524288xf32, #tpu.memory_space<hbm>>) target(%dma_start3A_64 : memref<128xf32, #tpu.memory_space<vmem>>) offsets(%dma_start3A_67 : memref<128xi32, #tpu.memory_space<vmem>>) semaphore(%arg7 : memref<!tpu.dma_semaphore, #tpu.memory_space<semaphore_mem>>)
        %dma_start3A_70 = arith.constant 5 : i32
        %dma_start3A_71 = arith.constant 640 : i32
        %dma_start3A_72 = tpu.memref_slice %arg6[%dma_start3A_71] : memref<2048xf32, #tpu.memory_space<vmem>> -> memref<128xf32, #tpu.memory_space<vmem>>
        %dma_start3A_73 = arith.constant 0 : i32
        %dma_start3A_74 = tpu.memref_slice %arg5[%dma_start3A_70, %dma_start3A_73] : memref<16x128xi32, #tpu.memory_space<vmem>> -> memref<1x128xi32, #tpu.memory_space<vmem>>
        %dma_start3A_75 = tpu.memref_squeeze %dma_start3A_74 : memref<1x128xi32, #tpu.memory_space<vmem>> -> memref<128xi32, #tpu.memory_space<vmem>>
        %dma_start3A_76 = arith.constant 0 : i32
        %dma_start3A_77 = tpu.memref_slice %arg2[%dma_start3A_76] : memref<524288xf32, #tpu.memory_space<hbm>> -> memref<524288xf32, #tpu.memory_space<hbm>>
        tpu.enqueue_indirect_dma source(%dma_start3A_77 : memref<524288xf32, #tpu.memory_space<hbm>>) target(%dma_start3A_72 : memref<128xf32, #tpu.memory_space<vmem>>) offsets(%dma_start3A_75 : memref<128xi32, #tpu.memory_space<vmem>>) semaphore(%arg7 : memref<!tpu.dma_semaphore, #tpu.memory_space<semaphore_mem>>)
        %dma_start3A_78 = arith.constant 6 : i32
        %dma_start3A_79 = arith.constant 768 : i32
        %dma_start3A_80 = tpu.memref_slice %arg6[%dma_start3A_79] : memref<2048xf32, #tpu.memory_space<vmem>> -> memref<128xf32, #tpu.memory_space<vmem>>
        %dma_start3A_81 = arith.constant 0 : i32
        %dma_start3A_82 = tpu.memref_slice %arg5[%dma_start3A_78, %dma_start3A_81] : memref<16x128xi32, #tpu.memory_space<vmem>> -> memref<1x128xi32, #tpu.memory_space<vmem>>
        %dma_start3A_83 = tpu.memref_squeeze %dma_start3A_82 : memref<1x128xi32, #tpu.memory_space<vmem>> -> memref<128xi32, #tpu.memory_space<vmem>>
        %dma_start3A_84 = arith.constant 0 : i32
        %dma_start3A_85 = tpu.memref_slice %arg2[%dma_start3A_84] : memref<524288xf32, #tpu.memory_space<hbm>> -> memref<524288xf32, #tpu.memory_space<hbm>>
        tpu.enqueue_indirect_dma source(%dma_start3A_85 : memref<524288xf32, #tpu.memory_space<hbm>>) target(%dma_start3A_80 : memref<128xf32, #tpu.memory_space<vmem>>) offsets(%dma_start3A_83 : memref<128xi32, #tpu.memory_space<vmem>>) semaphore(%arg7 : memref<!tpu.dma_semaphore, #tpu.memory_space<semaphore_mem>>)
        %dma_start3A_86 = arith.constant 7 : i32
        %dma_start3A_87 = arith.constant 896 : i32
        %dma_start3A_88 = tpu.memref_slice %arg6[%dma_start3A_87] : memref<2048xf32, #tpu.memory_space<vmem>> -> memref<128xf32, #tpu.memory_space<vmem>>
        %dma_start3A_89 = arith.constant 0 : i32
        %dma_start3A_90 = tpu.memref_slice %arg5[%dma_start3A_86, %dma_start3A_89] : memref<16x128xi32, #tpu.memory_space<vmem>> -> memref<1x128xi32, #tpu.memory_space<vmem>>
        %dma_start3A_91 = tpu.memref_squeeze %dma_start3A_90 : memref<1x128xi32, #tpu.memory_space<vmem>> -> memref<128xi32, #tpu.memory_space<vmem>>
        %dma_start3A_92 = arith.constant 0 : i32
        %dma_start3A_93 = tpu.memref_slice %arg2[%dma_start3A_92] : memref<524288xf32, #tpu.memory_space<hbm>> -> memref<524288xf32, #tpu.memory_space<hbm>>
        tpu.enqueue_indirect_dma source(%dma_start3A_93 : memref<524288xf32, #tpu.memory_space<hbm>>) target(%dma_start3A_88 : memref<128xf32, #tpu.memory_space<vmem>>) offsets(%dma_start3A_91 : memref<128xi32, #tpu.memory_space<vmem>>) semaphore(%arg7 : memref<!tpu.dma_semaphore, #tpu.memory_space<semaphore_mem>>)
        %dma_start3A_94 = arith.constant 8 : i32
        %dma_start3A_95 = arith.constant 1024 : i32
        %dma_start3A_96 = tpu.memref_slice %arg6[%dma_start3A_95] : memref<2048xf32, #tpu.memory_space<vmem>> -> memref<128xf32, #tpu.memory_space<vmem>>
        %dma_start3A_97 = arith.constant 0 : i32
        %dma_start3A_98 = tpu.memref_slice %arg5[%dma_start3A_94, %dma_start3A_97] : memref<16x128xi32, #tpu.memory_space<vmem>> -> memref<1x128xi32, #tpu.memory_space<vmem>>
        %dma_start3A_99 = tpu.memref_squeeze %dma_start3A_98 : memref<1x128xi32, #tpu.memory_space<vmem>> -> memref<128xi32, #tpu.memory_space<vmem>>
        %dma_start3A_100 = arith.constant 0 : i32
        %dma_start3A_101 = tpu.memref_slice %arg2[%dma_start3A_100] : memref<524288xf32, #tpu.memory_space<hbm>> -> memref<524288xf32, #tpu.memory_space<hbm>>
        tpu.enqueue_indirect_dma source(%dma_start3A_101 : memref<524288xf32, #tpu.memory_space<hbm>>) target(%dma_start3A_96 : memref<128xf32, #tpu.memory_space<vmem>>) offsets(%dma_start3A_99 : memref<128xi32, #tpu.memory_space<vmem>>) semaphore(%arg7 : memref<!tpu.dma_semaphore, #tpu.memory_space<semaphore_mem>>)
        %dma_start3A_102 = arith.constant 9 : i32
        %dma_start3A_103 = arith.constant 1152 : i32
        %dma_start3A_104 = tpu.memref_slice %arg6[%dma_start3A_103] : memref<2048xf32, #tpu.memory_space<vmem>> -> memref<128xf32, #tpu.memory_space<vmem>>
        %dma_start3A_105 = arith.constant 0 : i32
        %dma_start3A_106 = tpu.memref_slice %arg5[%dma_start3A_102, %dma_start3A_105] : memref<16x128xi32, #tpu.memory_space<vmem>> -> memref<1x128xi32, #tpu.memory_space<vmem>>
        %dma_start3A_107 = tpu.memref_squeeze %dma_start3A_106 : memref<1x128xi32, #tpu.memory_space<vmem>> -> memref<128xi32, #tpu.memory_space<vmem>>
        %dma_start3A_108 = arith.constant 0 : i32
        %dma_start3A_109 = tpu.memref_slice %arg2[%dma_start3A_108] : memref<524288xf32, #tpu.memory_space<hbm>> -> memref<524288xf32, #tpu.memory_space<hbm>>
        tpu.enqueue_indirect_dma source(%dma_start3A_109 : memref<524288xf32, #tpu.memory_space<hbm>>) target(%dma_start3A_104 : memref<128xf32, #tpu.memory_space<vmem>>) offsets(%dma_start3A_107 : memref<128xi32, #tpu.memory_space<vmem>>) semaphore(%arg7 : memref<!tpu.dma_semaphore, #tpu.memory_space<semaphore_mem>>)
        %dma_start3A_110 = arith.constant 10 : i32
        %dma_start3A_111 = arith.constant 1280 : i32
        %dma_start3A_112 = tpu.memref_slice %arg6[%dma_start3A_111] : memref<2048xf32, #tpu.memory_space<vmem>> -> memref<128xf32, #tpu.memory_space<vmem>>
        %dma_start3A_113 = arith.constant 0 : i32
        %dma_start3A_114 = tpu.memref_slice %arg5[%dma_start3A_110, %dma_start3A_113] : memref<16x128xi32, #tpu.memory_space<vmem>> -> memref<1x128xi32, #tpu.memory_space<vmem>>
        %dma_start3A_115 = tpu.memref_squeeze %dma_start3A_114 : memref<1x128xi32, #tpu.memory_space<vmem>> -> memref<128xi32, #tpu.memory_space<vmem>>
        %dma_start3A_116 = arith.constant 0 : i32
        %dma_start3A_117 = tpu.memref_slice %arg2[%dma_start3A_116] : memref<524288xf32, #tpu.memory_space<hbm>> -> memref<524288xf32, #tpu.memory_space<hbm>>
        tpu.enqueue_indirect_dma source(%dma_start3A_117 : memref<524288xf32, #tpu.memory_space<hbm>>) target(%dma_start3A_112 : memref<128xf32, #tpu.memory_space<vmem>>) offsets(%dma_start3A_115 : memref<128xi32, #tpu.memory_space<vmem>>) semaphore(%arg7 : memref<!tpu.dma_semaphore, #tpu.memory_space<semaphore_mem>>)
        %dma_start3A_118 = arith.constant 11 : i32
        %dma_start3A_119 = arith.constant 1408 : i32
        %dma_start3A_120 = tpu.memref_slice %arg6[%dma_start3A_119] : memref<2048xf32, #tpu.memory_space<vmem>> -> memref<128xf32, #tpu.memory_space<vmem>>
        %dma_start3A_121 = arith.constant 0 : i32
        %dma_start3A_122 = tpu.memref_slice %arg5[%dma_start3A_118, %dma_start3A_121] : memref<16x128xi32, #tpu.memory_space<vmem>> -> memref<1x128xi32, #tpu.memory_space<vmem>>
        %dma_start3A_123 = tpu.memref_squeeze %dma_start3A_122 : memref<1x128xi32, #tpu.memory_space<vmem>> -> memref<128xi32, #tpu.memory_space<vmem>>
        %dma_start3A_124 = arith.constant 0 : i32
        %dma_start3A_125 = tpu.memref_slice %arg2[%dma_start3A_124] : memref<524288xf32, #tpu.memory_space<hbm>> -> memref<524288xf32, #tpu.memory_space<hbm>>
        tpu.enqueue_indirect_dma source(%dma_start3A_125 : memref<524288xf32, #tpu.memory_space<hbm>>) target(%dma_start3A_120 : memref<128xf32, #tpu.memory_space<vmem>>) offsets(%dma_start3A_123 : memref<128xi32, #tpu.memory_space<vmem>>) semaphore(%arg7 : memref<!tpu.dma_semaphore, #tpu.memory_space<semaphore_mem>>)
        %dma_start3A_126 = arith.constant 12 : i32
        %dma_start3A_127 = arith.constant 1536 : i32
        %dma_start3A_128 = tpu.memref_slice %arg6[%dma_start3A_127] : memref<2048xf32, #tpu.memory_space<vmem>> -> memref<128xf32, #tpu.memory_space<vmem>>
        %dma_start3A_129 = arith.constant 0 : i32
        %dma_start3A_130 = tpu.memref_slice %arg5[%dma_start3A_126, %dma_start3A_129] : memref<16x128xi32, #tpu.memory_space<vmem>> -> memref<1x128xi32, #tpu.memory_space<vmem>>
        %dma_start3A_131 = tpu.memref_squeeze %dma_start3A_130 : memref<1x128xi32, #tpu.memory_space<vmem>> -> memref<128xi32, #tpu.memory_space<vmem>>
        %dma_start3A_132 = arith.constant 0 : i32
        %dma_start3A_133 = tpu.memref_slice %arg2[%dma_start3A_132] : memref<524288xf32, #tpu.memory_space<hbm>> -> memref<524288xf32, #tpu.memory_space<hbm>>
        tpu.enqueue_indirect_dma source(%dma_start3A_133 : memref<524288xf32, #tpu.memory_space<hbm>>) target(%dma_start3A_128 : memref<128xf32, #tpu.memory_space<vmem>>) offsets(%dma_start3A_131 : memref<128xi32, #tpu.memory_space<vmem>>) semaphore(%arg7 : memref<!tpu.dma_semaphore, #tpu.memory_space<semaphore_mem>>)
        %dma_start3A_134 = arith.constant 13 : i32
        %dma_start3A_135 = arith.constant 1664 : i32
        %dma_start3A_136 = tpu.memref_slice %arg6[%dma_start3A_135] : memref<2048xf32, #tpu.memory_space<vmem>> -> memref<128xf32, #tpu.memory_space<vmem>>
        %dma_start3A_137 = arith.constant 0 : i32
        %dma_start3A_138 = tpu.memref_slice %arg5[%dma_start3A_134, %dma_start3A_137] : memref<16x128xi32, #tpu.memory_space<vmem>> -> memref<1x128xi32, #tpu.memory_space<vmem>>
        %dma_start3A_139 = tpu.memref_squeeze %dma_start3A_138 : memref<1x128xi32, #tpu.memory_space<vmem>> -> memref<128xi32, #tpu.memory_space<vmem>>
        %dma_start3A_140 = arith.constant 0 : i32
        %dma_start3A_141 = tpu.memref_slice %arg2[%dma_start3A_140] : memref<524288xf32, #tpu.memory_space<hbm>> -> memref<524288xf32, #tpu.memory_space<hbm>>
        tpu.enqueue_indirect_dma source(%dma_start3A_141 : memref<524288xf32, #tpu.memory_space<hbm>>) target(%dma_start3A_136 : memref<128xf32, #tpu.memory_space<vmem>>) offsets(%dma_start3A_139 : memref<128xi32, #tpu.memory_space<vmem>>) semaphore(%arg7 : memref<!tpu.dma_semaphore, #tpu.memory_space<semaphore_mem>>)
        %dma_start3A_142 = arith.constant 14 : i32
        %dma_start3A_143 = arith.constant 1792 : i32
        %dma_start3A_144 = tpu.memref_slice %arg6[%dma_start3A_143] : memref<2048xf32, #tpu.memory_space<vmem>> -> memref<128xf32, #tpu.memory_space<vmem>>
        %dma_start3A_145 = arith.constant 0 : i32
        %dma_start3A_146 = tpu.memref_slice %arg5[%dma_start3A_142, %dma_start3A_145] : memref<16x128xi32, #tpu.memory_space<vmem>> -> memref<1x128xi32, #tpu.memory_space<vmem>>
        %dma_start3A_147 = tpu.memref_squeeze %dma_start3A_146 : memref<1x128xi32, #tpu.memory_space<vmem>> -> memref<128xi32, #tpu.memory_space<vmem>>
        %dma_start3A_148 = arith.constant 0 : i32
        %dma_start3A_149 = tpu.memref_slice %arg2[%dma_start3A_148] : memref<524288xf32, #tpu.memory_space<hbm>> -> memref<524288xf32, #tpu.memory_space<hbm>>
        tpu.enqueue_indirect_dma source(%dma_start3A_149 : memref<524288xf32, #tpu.memory_space<hbm>>) target(%dma_start3A_144 : memref<128xf32, #tpu.memory_space<vmem>>) offsets(%dma_start3A_147 : memref<128xi32, #tpu.memory_space<vmem>>) semaphore(%arg7 : memref<!tpu.dma_semaphore, #tpu.memory_space<semaphore_mem>>)
        %dma_start3A_150 = arith.constant 15 : i32
        %dma_start3A_151 = arith.constant 1920 : i32
        %dma_start3A_152 = tpu.memref_slice %arg6[%dma_start3A_151] : memref<2048xf32, #tpu.memory_space<vmem>> -> memref<128xf32, #tpu.memory_space<vmem>>
        %dma_start3A_153 = arith.constant 0 : i32
        %dma_start3A_154 = tpu.memref_slice %arg5[%dma_start3A_150, %dma_start3A_153] : memref<16x128xi32, #tpu.memory_space<vmem>> -> memref<1x128xi32, #tpu.memory_space<vmem>>
        %dma_start3A_155 = tpu.memref_squeeze %dma_start3A_154 : memref<1x128xi32, #tpu.memory_space<vmem>> -> memref<128xi32, #tpu.memory_space<vmem>>
        %dma_start3A_156 = arith.constant 0 : i32
        %dma_start3A_157 = tpu.memref_slice %arg2[%dma_start3A_156] : memref<524288xf32, #tpu.memory_space<hbm>> -> memref<524288xf32, #tpu.memory_space<hbm>>
        tpu.enqueue_indirect_dma source(%dma_start3A_157 : memref<524288xf32, #tpu.memory_space<hbm>>) target(%dma_start3A_152 : memref<128xf32, #tpu.memory_space<vmem>>) offsets(%dma_start3A_155 : memref<128xi32, #tpu.memory_space<vmem>>) semaphore(%arg7 : memref<!tpu.dma_semaphore, #tpu.memory_space<semaphore_mem>>)
        %dma_wait3A = arith.constant 0 : i32
        %dma_wait3A_158 = arith.constant 0 : i32
        %dma_wait3A_159 = tpu.memref_slice %arg6[%dma_wait3A_158] : memref<2048xf32, #tpu.memory_space<vmem>> -> memref<128xf32, #tpu.memory_space<vmem>>
        %dma_wait3A_160 = arith.constant 0 : i32
        %dma_wait3A_161 = tpu.memref_slice %arg5[%dma_wait3A, %dma_wait3A_160] : memref<16x128xi32, #tpu.memory_space<vmem>> -> memref<1x128xi32, #tpu.memory_space<vmem>>
        %dma_wait3A_162 = tpu.memref_squeeze %dma_wait3A_161 : memref<1x128xi32, #tpu.memory_space<vmem>> -> memref<128xi32, #tpu.memory_space<vmem>>
        %dma_wait3A_163 = arith.constant 0 : i32
        %dma_wait3A_164 = tpu.memref_slice %arg2[%dma_wait3A_163] : memref<524288xf32, #tpu.memory_space<hbm>> -> memref<524288xf32, #tpu.memory_space<hbm>>
        tpu.wait_indirect_dma semaphore(%arg7 : memref<!tpu.dma_semaphore, #tpu.memory_space<semaphore_mem>>) src(%dma_wait3A_164 : memref<524288xf32, #tpu.memory_space<hbm>>) dst(%dma_wait3A_159 : memref<128xf32, #tpu.memory_space<vmem>>)
        %dma_wait3A_165 = arith.constant 1 : i32
        %dma_wait3A_166 = arith.constant 128 : i32
        %dma_wait3A_167 = tpu.memref_slice %arg6[%dma_wait3A_166] : memref<2048xf32, #tpu.memory_space<vmem>> -> memref<128xf32, #tpu.memory_space<vmem>>
        %dma_wait3A_168 = arith.constant 0 : i32
        %dma_wait3A_169 = tpu.memref_slice %arg5[%dma_wait3A_165, %dma_wait3A_168] : memref<16x128xi32, #tpu.memory_space<vmem>> -> memref<1x128xi32, #tpu.memory_space<vmem>>
        %dma_wait3A_170 = tpu.memref_squeeze %dma_wait3A_169 : memref<1x128xi32, #tpu.memory_space<vmem>> -> memref<128xi32, #tpu.memory_space<vmem>>
        %dma_wait3A_171 = arith.constant 0 : i32
        %dma_wait3A_172 = tpu.memref_slice %arg2[%dma_wait3A_171] : memref<524288xf32, #tpu.memory_space<hbm>> -> memref<524288xf32, #tpu.memory_space<hbm>>
        tpu.wait_indirect_dma semaphore(%arg7 : memref<!tpu.dma_semaphore, #tpu.memory_space<semaphore_mem>>) src(%dma_wait3A_172 : memref<524288xf32, #tpu.memory_space<hbm>>) dst(%dma_wait3A_167 : memref<128xf32, #tpu.memory_space<vmem>>)
        %dma_wait3A_173 = arith.constant 2 : i32
        %dma_wait3A_174 = arith.constant 256 : i32
        %dma_wait3A_175 = tpu.memref_slice %arg6[%dma_wait3A_174] : memref<2048xf32, #tpu.memory_space<vmem>> -> memref<128xf32, #tpu.memory_space<vmem>>
        %dma_wait3A_176 = arith.constant 0 : i32
        %dma_wait3A_177 = tpu.memref_slice %arg5[%dma_wait3A_173, %dma_wait3A_176] : memref<16x128xi32, #tpu.memory_space<vmem>> -> memref<1x128xi32, #tpu.memory_space<vmem>>
        %dma_wait3A_178 = tpu.memref_squeeze %dma_wait3A_177 : memref<1x128xi32, #tpu.memory_space<vmem>> -> memref<128xi32, #tpu.memory_space<vmem>>
        %dma_wait3A_179 = arith.constant 0 : i32
        %dma_wait3A_180 = tpu.memref_slice %arg2[%dma_wait3A_179] : memref<524288xf32, #tpu.memory_space<hbm>> -> memref<524288xf32, #tpu.memory_space<hbm>>
        tpu.wait_indirect_dma semaphore(%arg7 : memref<!tpu.dma_semaphore, #tpu.memory_space<semaphore_mem>>) src(%dma_wait3A_180 : memref<524288xf32, #tpu.memory_space<hbm>>) dst(%dma_wait3A_175 : memref<128xf32, #tpu.memory_space<vmem>>)
        %dma_wait3A_181 = arith.constant 3 : i32
        %dma_wait3A_182 = arith.constant 384 : i32
        %dma_wait3A_183 = tpu.memref_slice %arg6[%dma_wait3A_182] : memref<2048xf32, #tpu.memory_space<vmem>> -> memref<128xf32, #tpu.memory_space<vmem>>
        %dma_wait3A_184 = arith.constant 0 : i32
        %dma_wait3A_185 = tpu.memref_slice %arg5[%dma_wait3A_181, %dma_wait3A_184] : memref<16x128xi32, #tpu.memory_space<vmem>> -> memref<1x128xi32, #tpu.memory_space<vmem>>
        %dma_wait3A_186 = tpu.memref_squeeze %dma_wait3A_185 : memref<1x128xi32, #tpu.memory_space<vmem>> -> memref<128xi32, #tpu.memory_space<vmem>>
        %dma_wait3A_187 = arith.constant 0 : i32
        %dma_wait3A_188 = tpu.memref_slice %arg2[%dma_wait3A_187] : memref<524288xf32, #tpu.memory_space<hbm>> -> memref<524288xf32, #tpu.memory_space<hbm>>
        tpu.wait_indirect_dma semaphore(%arg7 : memref<!tpu.dma_semaphore, #tpu.memory_space<semaphore_mem>>) src(%dma_wait3A_188 : memref<524288xf32, #tpu.memory_space<hbm>>) dst(%dma_wait3A_183 : memref<128xf32, #tpu.memory_space<vmem>>)
        %dma_wait3A_189 = arith.constant 4 : i32
        %dma_wait3A_190 = arith.constant 512 : i32
        %dma_wait3A_191 = tpu.memref_slice %arg6[%dma_wait3A_190] : memref<2048xf32, #tpu.memory_space<vmem>> -> memref<128xf32, #tpu.memory_space<vmem>>
        %dma_wait3A_192 = arith.constant 0 : i32
        %dma_wait3A_193 = tpu.memref_slice %arg5[%dma_wait3A_189, %dma_wait3A_192] : memref<16x128xi32, #tpu.memory_space<vmem>> -> memref<1x128xi32, #tpu.memory_space<vmem>>
        %dma_wait3A_194 = tpu.memref_squeeze %dma_wait3A_193 : memref<1x128xi32, #tpu.memory_space<vmem>> -> memref<128xi32, #tpu.memory_space<vmem>>
        %dma_wait3A_195 = arith.constant 0 : i32
        %dma_wait3A_196 = tpu.memref_slice %arg2[%dma_wait3A_195] : memref<524288xf32, #tpu.memory_space<hbm>> -> memref<524288xf32, #tpu.memory_space<hbm>>
        tpu.wait_indirect_dma semaphore(%arg7 : memref<!tpu.dma_semaphore, #tpu.memory_space<semaphore_mem>>) src(%dma_wait3A_196 : memref<524288xf32, #tpu.memory_space<hbm>>) dst(%dma_wait3A_191 : memref<128xf32, #tpu.memory_space<vmem>>)
        %dma_wait3A_197 = arith.constant 5 : i32
        %dma_wait3A_198 = arith.constant 640 : i32
        %dma_wait3A_199 = tpu.memref_slice %arg6[%dma_wait3A_198] : memref<2048xf32, #tpu.memory_space<vmem>> -> memref<128xf32, #tpu.memory_space<vmem>>
        %dma_wait3A_200 = arith.constant 0 : i32
        %dma_wait3A_201 = tpu.memref_slice %arg5[%dma_wait3A_197, %dma_wait3A_200] : memref<16x128xi32, #tpu.memory_space<vmem>> -> memref<1x128xi32, #tpu.memory_space<vmem>>
        %dma_wait3A_202 = tpu.memref_squeeze %dma_wait3A_201 : memref<1x128xi32, #tpu.memory_space<vmem>> -> memref<128xi32, #tpu.memory_space<vmem>>
        %dma_wait3A_203 = arith.constant 0 : i32
        %dma_wait3A_204 = tpu.memref_slice %arg2[%dma_wait3A_203] : memref<524288xf32, #tpu.memory_space<hbm>> -> memref<524288xf32, #tpu.memory_space<hbm>>
        tpu.wait_indirect_dma semaphore(%arg7 : memref<!tpu.dma_semaphore, #tpu.memory_space<semaphore_mem>>) src(%dma_wait3A_204 : memref<524288xf32, #tpu.memory_space<hbm>>) dst(%dma_wait3A_199 : memref<128xf32, #tpu.memory_space<vmem>>)
        %dma_wait3A_205 = arith.constant 6 : i32
        %dma_wait3A_206 = arith.constant 768 : i32
        %dma_wait3A_207 = tpu.memref_slice %arg6[%dma_wait3A_206] : memref<2048xf32, #tpu.memory_space<vmem>> -> memref<128xf32, #tpu.memory_space<vmem>>
        %dma_wait3A_208 = arith.constant 0 : i32
        %dma_wait3A_209 = tpu.memref_slice %arg5[%dma_wait3A_205, %dma_wait3A_208] : memref<16x128xi32, #tpu.memory_space<vmem>> -> memref<1x128xi32, #tpu.memory_space<vmem>>
        %dma_wait3A_210 = tpu.memref_squeeze %dma_wait3A_209 : memref<1x128xi32, #tpu.memory_space<vmem>> -> memref<128xi32, #tpu.memory_space<vmem>>
        %dma_wait3A_211 = arith.constant 0 : i32
        %dma_wait3A_212 = tpu.memref_slice %arg2[%dma_wait3A_211] : memref<524288xf32, #tpu.memory_space<hbm>> -> memref<524288xf32, #tpu.memory_space<hbm>>
        tpu.wait_indirect_dma semaphore(%arg7 : memref<!tpu.dma_semaphore, #tpu.memory_space<semaphore_mem>>) src(%dma_wait3A_212 : memref<524288xf32, #tpu.memory_space<hbm>>) dst(%dma_wait3A_207 : memref<128xf32, #tpu.memory_space<vmem>>)
        %dma_wait3A_213 = arith.constant 7 : i32
        %dma_wait3A_214 = arith.constant 896 : i32
        %dma_wait3A_215 = tpu.memref_slice %arg6[%dma_wait3A_214] : memref<2048xf32, #tpu.memory_space<vmem>> -> memref<128xf32, #tpu.memory_space<vmem>>
        %dma_wait3A_216 = arith.constant 0 : i32
        %dma_wait3A_217 = tpu.memref_slice %arg5[%dma_wait3A_213, %dma_wait3A_216] : memref<16x128xi32, #tpu.memory_space<vmem>> -> memref<1x128xi32, #tpu.memory_space<vmem>>
        %dma_wait3A_218 = tpu.memref_squeeze %dma_wait3A_217 : memref<1x128xi32, #tpu.memory_space<vmem>> -> memref<128xi32, #tpu.memory_space<vmem>>
        %dma_wait3A_219 = arith.constant 0 : i32
        %dma_wait3A_220 = tpu.memref_slice %arg2[%dma_wait3A_219] : memref<524288xf32, #tpu.memory_space<hbm>> -> memref<524288xf32, #tpu.memory_space<hbm>>
        tpu.wait_indirect_dma semaphore(%arg7 : memref<!tpu.dma_semaphore, #tpu.memory_space<semaphore_mem>>) src(%dma_wait3A_220 : memref<524288xf32, #tpu.memory_space<hbm>>) dst(%dma_wait3A_215 : memref<128xf32, #tpu.memory_space<vmem>>)
        %dma_wait3A_221 = arith.constant 8 : i32
        %dma_wait3A_222 = arith.constant 1024 : i32
        %dma_wait3A_223 = tpu.memref_slice %arg6[%dma_wait3A_222] : memref<2048xf32, #tpu.memory_space<vmem>> -> memref<128xf32, #tpu.memory_space<vmem>>
        %dma_wait3A_224 = arith.constant 0 : i32
        %dma_wait3A_225 = tpu.memref_slice %arg5[%dma_wait3A_221, %dma_wait3A_224] : memref<16x128xi32, #tpu.memory_space<vmem>> -> memref<1x128xi32, #tpu.memory_space<vmem>>
        %dma_wait3A_226 = tpu.memref_squeeze %dma_wait3A_225 : memref<1x128xi32, #tpu.memory_space<vmem>> -> memref<128xi32, #tpu.memory_space<vmem>>
        %dma_wait3A_227 = arith.constant 0 : i32
        %dma_wait3A_228 = tpu.memref_slice %arg2[%dma_wait3A_227] : memref<524288xf32, #tpu.memory_space<hbm>> -> memref<524288xf32, #tpu.memory_space<hbm>>
        tpu.wait_indirect_dma semaphore(%arg7 : memref<!tpu.dma_semaphore, #tpu.memory_space<semaphore_mem>>) src(%dma_wait3A_228 : memref<524288xf32, #tpu.memory_space<hbm>>) dst(%dma_wait3A_223 : memref<128xf32, #tpu.memory_space<vmem>>)
        %dma_wait3A_229 = arith.constant 9 : i32
        %dma_wait3A_230 = arith.constant 1152 : i32
        %dma_wait3A_231 = tpu.memref_slice %arg6[%dma_wait3A_230] : memref<2048xf32, #tpu.memory_space<vmem>> -> memref<128xf32, #tpu.memory_space<vmem>>
        %dma_wait3A_232 = arith.constant 0 : i32
        %dma_wait3A_233 = tpu.memref_slice %arg5[%dma_wait3A_229, %dma_wait3A_232] : memref<16x128xi32, #tpu.memory_space<vmem>> -> memref<1x128xi32, #tpu.memory_space<vmem>>
        %dma_wait3A_234 = tpu.memref_squeeze %dma_wait3A_233 : memref<1x128xi32, #tpu.memory_space<vmem>> -> memref<128xi32, #tpu.memory_space<vmem>>
        %dma_wait3A_235 = arith.constant 0 : i32
        %dma_wait3A_236 = tpu.memref_slice %arg2[%dma_wait3A_235] : memref<524288xf32, #tpu.memory_space<hbm>> -> memref<524288xf32, #tpu.memory_space<hbm>>
        tpu.wait_indirect_dma semaphore(%arg7 : memref<!tpu.dma_semaphore, #tpu.memory_space<semaphore_mem>>) src(%dma_wait3A_236 : memref<524288xf32, #tpu.memory_space<hbm>>) dst(%dma_wait3A_231 : memref<128xf32, #tpu.memory_space<vmem>>)
        %dma_wait3A_237 = arith.constant 10 : i32
        %dma_wait3A_238 = arith.constant 1280 : i32
        %dma_wait3A_239 = tpu.memref_slice %arg6[%dma_wait3A_238] : memref<2048xf32, #tpu.memory_space<vmem>> -> memref<128xf32, #tpu.memory_space<vmem>>
        %dma_wait3A_240 = arith.constant 0 : i32
        %dma_wait3A_241 = tpu.memref_slice %arg5[%dma_wait3A_237, %dma_wait3A_240] : memref<16x128xi32, #tpu.memory_space<vmem>> -> memref<1x128xi32, #tpu.memory_space<vmem>>
        %dma_wait3A_242 = tpu.memref_squeeze %dma_wait3A_241 : memref<1x128xi32, #tpu.memory_space<vmem>> -> memref<128xi32, #tpu.memory_space<vmem>>
        %dma_wait3A_243 = arith.constant 0 : i32
        %dma_wait3A_244 = tpu.memref_slice %arg2[%dma_wait3A_243] : memref<524288xf32, #tpu.memory_space<hbm>> -> memref<524288xf32, #tpu.memory_space<hbm>>
        tpu.wait_indirect_dma semaphore(%arg7 : memref<!tpu.dma_semaphore, #tpu.memory_space<semaphore_mem>>) src(%dma_wait3A_244 : memref<524288xf32, #tpu.memory_space<hbm>>) dst(%dma_wait3A_239 : memref<128xf32, #tpu.memory_space<vmem>>)
        %dma_wait3A_245 = arith.constant 11 : i32
        %dma_wait3A_246 = arith.constant 1408 : i32
        %dma_wait3A_247 = tpu.memref_slice %arg6[%dma_wait3A_246] : memref<2048xf32, #tpu.memory_space<vmem>> -> memref<128xf32, #tpu.memory_space<vmem>>
        %dma_wait3A_248 = arith.constant 0 : i32
        %dma_wait3A_249 = tpu.memref_slice %arg5[%dma_wait3A_245, %dma_wait3A_248] : memref<16x128xi32, #tpu.memory_space<vmem>> -> memref<1x128xi32, #tpu.memory_space<vmem>>
        %dma_wait3A_250 = tpu.memref_squeeze %dma_wait3A_249 : memref<1x128xi32, #tpu.memory_space<vmem>> -> memref<128xi32, #tpu.memory_space<vmem>>
        %dma_wait3A_251 = arith.constant 0 : i32
        %dma_wait3A_252 = tpu.memref_slice %arg2[%dma_wait3A_251] : memref<524288xf32, #tpu.memory_space<hbm>> -> memref<524288xf32, #tpu.memory_space<hbm>>
        tpu.wait_indirect_dma semaphore(%arg7 : memref<!tpu.dma_semaphore, #tpu.memory_space<semaphore_mem>>) src(%dma_wait3A_252 : memref<524288xf32, #tpu.memory_space<hbm>>) dst(%dma_wait3A_247 : memref<128xf32, #tpu.memory_space<vmem>>)
        %dma_wait3A_253 = arith.constant 12 : i32
        %dma_wait3A_254 = arith.constant 1536 : i32
        %dma_wait3A_255 = tpu.memref_slice %arg6[%dma_wait3A_254] : memref<2048xf32, #tpu.memory_space<vmem>> -> memref<128xf32, #tpu.memory_space<vmem>>
        %dma_wait3A_256 = arith.constant 0 : i32
        %dma_wait3A_257 = tpu.memref_slice %arg5[%dma_wait3A_253, %dma_wait3A_256] : memref<16x128xi32, #tpu.memory_space<vmem>> -> memref<1x128xi32, #tpu.memory_space<vmem>>
        %dma_wait3A_258 = tpu.memref_squeeze %dma_wait3A_257 : memref<1x128xi32, #tpu.memory_space<vmem>> -> memref<128xi32, #tpu.memory_space<vmem>>
        %dma_wait3A_259 = arith.constant 0 : i32
        %dma_wait3A_260 = tpu.memref_slice %arg2[%dma_wait3A_259] : memref<524288xf32, #tpu.memory_space<hbm>> -> memref<524288xf32, #tpu.memory_space<hbm>>
        tpu.wait_indirect_dma semaphore(%arg7 : memref<!tpu.dma_semaphore, #tpu.memory_space<semaphore_mem>>) src(%dma_wait3A_260 : memref<524288xf32, #tpu.memory_space<hbm>>) dst(%dma_wait3A_255 : memref<128xf32, #tpu.memory_space<vmem>>)
        %dma_wait3A_261 = arith.constant 13 : i32
        %dma_wait3A_262 = arith.constant 1664 : i32
        %dma_wait3A_263 = tpu.memref_slice %arg6[%dma_wait3A_262] : memref<2048xf32, #tpu.memory_space<vmem>> -> memref<128xf32, #tpu.memory_space<vmem>>
        %dma_wait3A_264 = arith.constant 0 : i32
        %dma_wait3A_265 = tpu.memref_slice %arg5[%dma_wait3A_261, %dma_wait3A_264] : memref<16x128xi32, #tpu.memory_space<vmem>> -> memref<1x128xi32, #tpu.memory_space<vmem>>
        %dma_wait3A_266 = tpu.memref_squeeze %dma_wait3A_265 : memref<1x128xi32, #tpu.memory_space<vmem>> -> memref<128xi32, #tpu.memory_space<vmem>>
        %dma_wait3A_267 = arith.constant 0 : i32
        %dma_wait3A_268 = tpu.memref_slice %arg2[%dma_wait3A_267] : memref<524288xf32, #tpu.memory_space<hbm>> -> memref<524288xf32, #tpu.memory_space<hbm>>
        tpu.wait_indirect_dma semaphore(%arg7 : memref<!tpu.dma_semaphore, #tpu.memory_space<semaphore_mem>>) src(%dma_wait3A_268 : memref<524288xf32, #tpu.memory_space<hbm>>) dst(%dma_wait3A_263 : memref<128xf32, #tpu.memory_space<vmem>>)
        %dma_wait3A_269 = arith.constant 14 : i32
        %dma_wait3A_270 = arith.constant 1792 : i32
        %dma_wait3A_271 = tpu.memref_slice %arg6[%dma_wait3A_270] : memref<2048xf32, #tpu.memory_space<vmem>> -> memref<128xf32, #tpu.memory_space<vmem>>
        %dma_wait3A_272 = arith.constant 0 : i32
        %dma_wait3A_273 = tpu.memref_slice %arg5[%dma_wait3A_269, %dma_wait3A_272] : memref<16x128xi32, #tpu.memory_space<vmem>> -> memref<1x128xi32, #tpu.memory_space<vmem>>
        %dma_wait3A_274 = tpu.memref_squeeze %dma_wait3A_273 : memref<1x128xi32, #tpu.memory_space<vmem>> -> memref<128xi32, #tpu.memory_space<vmem>>
        %dma_wait3A_275 = arith.constant 0 : i32
        %dma_wait3A_276 = tpu.memref_slice %arg2[%dma_wait3A_275] : memref<524288xf32, #tpu.memory_space<hbm>> -> memref<524288xf32, #tpu.memory_space<hbm>>
        tpu.wait_indirect_dma semaphore(%arg7 : memref<!tpu.dma_semaphore, #tpu.memory_space<semaphore_mem>>) src(%dma_wait3A_276 : memref<524288xf32, #tpu.memory_space<hbm>>) dst(%dma_wait3A_271 : memref<128xf32, #tpu.memory_space<vmem>>)
        %dma_wait3A_277 = arith.constant 15 : i32
        %dma_wait3A_278 = arith.constant 1920 : i32
        %dma_wait3A_279 = tpu.memref_slice %arg6[%dma_wait3A_278] : memref<2048xf32, #tpu.memory_space<vmem>> -> memref<128xf32, #tpu.memory_space<vmem>>
        %dma_wait3A_280 = arith.constant 0 : i32
        %dma_wait3A_281 = tpu.memref_slice %arg5[%dma_wait3A_277, %dma_wait3A_280] : memref<16x128xi32, #tpu.memory_space<vmem>> -> memref<1x128xi32, #tpu.memory_space<vmem>>
        %dma_wait3A_282 = tpu.memref_squeeze %dma_wait3A_281 : memref<1x128xi32, #tpu.memory_space<vmem>> -> memref<128xi32, #tpu.memory_space<vmem>>
        %dma_wait3A_283 = arith.constant 0 : i32
        %dma_wait3A_284 = tpu.memref_slice %arg2[%dma_wait3A_283] : memref<524288xf32, #tpu.memory_space<hbm>> -> memref<524288xf32, #tpu.memory_space<hbm>>
        tpu.wait_indirect_dma semaphore(%arg7 : memref<!tpu.dma_semaphore, #tpu.memory_space<semaphore_mem>>) src(%dma_wait3A_284 : memref<524288xf32, #tpu.memory_space<hbm>>) dst(%dma_wait3A_279 : memref<128xf32, #tpu.memory_space<vmem>>)
        "tpu.region"() ({
          %run_scoped3A = tpu.sem_alloc : memref<!tpu.dma_semaphore, #tpu.memory_space<semaphore_mem>>
          %dma_start3A_285 = tpu.memref_slice %arg4[%multiple_of3A] : memref<1048576xf32, #tpu.memory_space<hbm>> -> memref<2048xf32, #tpu.memory_space<hbm>>
          %dma_start3A_286 = tpu.memref_slice %arg4[%multiple_of3A] : memref<1048576xf32, #tpu.memory_space<hbm>> -> memref<2048xf32, #tpu.memory_space<hbm>>
          tpu.enqueue_dma source(%arg6 : memref<2048xf32, #tpu.memory_space<vmem>>) target(%dma_start3A_286 : memref<2048xf32, #tpu.memory_space<hbm>>) target_semaphore(%run_scoped3A : memref<!tpu.dma_semaphore, #tpu.memory_space<semaphore_mem>>)
          %dma_wait3A_287 = tpu.memref_slice %arg4[%multiple_of3A] : memref<1048576xf32, #tpu.memory_space<hbm>> -> memref<2048xf32, #tpu.memory_space<hbm>>
          %dma_wait3A_288 = tpu.memref_slice %arg4[%multiple_of3A] : memref<1048576xf32, #tpu.memory_space<hbm>> -> memref<2048xf32, #tpu.memory_space<hbm>>
          tpu.wait_dma2 semaphore(%run_scoped3A : memref<!tpu.dma_semaphore, #tpu.memory_space<semaphore_mem>>) src(%arg6 : memref<2048xf32, #tpu.memory_space<vmem>>) dst(%dma_wait3A_288 : memref<2048xf32, #tpu.memory_space<hbm>>)
          tpu.yield
        }) : () -> ()
      }
      %scan3A_9 = arith.constant 16 : i32
    } else {
    }
    return
  }
}

module attributes {stable_mosaic.version = 14 : i64} {
  func.func @_akaze_body(%arg0: i32, %arg1: memref<1x512x512xf32, #tpu.memory_space<vmem>>, %arg2: memref<1x512x512xf32, #tpu.memory_space<vmem>>, %arg3: memref<1x2x512x512xf32, #tpu.memory_space<vmem>>) attributes {dimension_semantics = [#tpu.dimension_semantics<arbitrary>], iteration_bounds = array<i64: 2>, scalar_prefetch = 0 : i64, scratch_operands = 0 : i64, tpu.core_type = #tpu.core_type<tc>, window_params = [{transform_indices = @transform_0, window_bounds = array<i64: 1, 512, 512>}, {transform_indices = @transform_1, window_bounds = array<i64: 1, 512, 512>}, {transform_indices = @transform_2, window_bounds = array<i64: 1, 2, 512, 512>}]} {
    %get3A = arith.constant 0 : index
    %get3A_0 = arith.constant 0 : index
    %get3A_1 = arith.constant 0 : index
    %get3A_2 = vector.load %arg1[%get3A, %get3A_0, %get3A_1] : memref<1x512x512xf32, #tpu.memory_space<vmem>>, vector<1x512x512xf32>
    %get3A_3 = vector.shape_cast %get3A_2 : vector<1x512x512xf32> to vector<512x512xf32>
    %broadcast_in_dim3A = arith.constant 0.000000e+00 : f32
    %broadcast_in_dim3A_4 = vector.broadcast %broadcast_in_dim3A : f32 to vector<512x512xf32>
    %scan3A = arith.constant 0 : i32
    %scan3A_5 = arith.constant 3 : i32
    %scan3A_6 = arith.addi %scan3A, %scan3A_5 : i32
    %scan3A_7 = arith.constant 1 : i32
    %scan3A_8 = scf.for %scan3A_799 = %scan3A to %scan3A_6 step %scan3A_7 iter_args(%scan3A_800 = %get3A_3) -> (vector<512x512xf32>)  : i32 {
      %slice3A_801 = vector.extract_strided_slice %scan3A_800 {offsets = [0, 1], sizes = [512, 511], strides = [1, 1]} : vector<512x512xf32> to vector<512x511xf32>
      %slice3A_802 = vector.extract_strided_slice %scan3A_800 {offsets = [0, 511], sizes = [512, 1], strides = [1, 1]} : vector<512x512xf32> to vector<512x1xf32>
      %concatenate3A_803 = tpu.concatenate %slice3A_801, %slice3A_802 in 1 : vector<512x511xf32>, vector<512x1xf32> -> vector<512x512xf32>
      %slice3A_804 = vector.extract_strided_slice %scan3A_800 {offsets = [0, 0], sizes = [512, 1], strides = [1, 1]} : vector<512x512xf32> to vector<512x1xf32>
      %slice3A_805 = vector.extract_strided_slice %scan3A_800 {offsets = [0, 0], sizes = [512, 511], strides = [1, 1]} : vector<512x512xf32> to vector<512x511xf32>
      %concatenate3A_806 = tpu.concatenate %slice3A_804, %slice3A_805 in 1 : vector<512x1xf32>, vector<512x511xf32> -> vector<512x512xf32>
      %slice3A_807 = vector.extract_strided_slice %scan3A_800 {offsets = [1, 0], sizes = [511, 512], strides = [1, 1]} : vector<512x512xf32> to vector<511x512xf32>
      %slice3A_808 = vector.extract_strided_slice %scan3A_800 {offsets = [511, 0], sizes = [1, 512], strides = [1, 1]} : vector<512x512xf32> to vector<1x512xf32>
      %concatenate3A_809 = tpu.concatenate %slice3A_807, %slice3A_808 in 0 : vector<511x512xf32>, vector<1x512xf32> -> vector<512x512xf32>
      %slice3A_810 = vector.extract_strided_slice %scan3A_800 {offsets = [0, 0], sizes = [1, 512], strides = [1, 1]} : vector<512x512xf32> to vector<1x512xf32>
      %slice3A_811 = vector.extract_strided_slice %scan3A_800 {offsets = [0, 0], sizes = [511, 512], strides = [1, 1]} : vector<512x512xf32> to vector<511x512xf32>
      %concatenate3A_812 = tpu.concatenate %slice3A_810, %slice3A_811 in 0 : vector<1x512xf32>, vector<511x512xf32> -> vector<512x512xf32>
      %sub3A_813 = arith.subf %concatenate3A_803, %concatenate3A_806 : vector<512x512xf32>
      %mul3A_814 = arith.constant 5.000000e-01 : f32
      %mul3A_815 = vector.broadcast %mul3A_814 : f32 to vector<512x512xf32>
      %mul3A_816 = arith.mulf %mul3A_815, %sub3A_813 : vector<512x512xf32>
      %sub3A_817 = arith.subf %concatenate3A_809, %concatenate3A_812 : vector<512x512xf32>
      %mul3A_818 = arith.constant 5.000000e-01 : f32
      %mul3A_819 = vector.broadcast %mul3A_818 : f32 to vector<512x512xf32>
      %mul3A_820 = arith.mulf %mul3A_819, %sub3A_817 : vector<512x512xf32>
      %mul3A_821 = arith.mulf %mul3A_816, %mul3A_816 : vector<512x512xf32>
      %mul3A_822 = arith.mulf %mul3A_820, %mul3A_820 : vector<512x512xf32>
      %add3A_823 = arith.addf %mul3A_821, %mul3A_822 : vector<512x512xf32>
      %div3A_824 = arith.constant 2.500000e-03 : f32
      %div3A_825 = vector.broadcast %div3A_824 : f32 to vector<512x512xf32>
      %div3A_826 = arith.divf %add3A_823, %div3A_825 : vector<512x512xf32>
      %neg3A = arith.constant 0.000000e+00 : f32
      %neg3A_827 = vector.broadcast %neg3A : f32 to vector<512x512xf32>
      %neg3A_828 = arith.subf %neg3A_827, %div3A_826 : vector<512x512xf32>
      %exp3A = math.exp %neg3A_828 : vector<512x512xf32>
      %sub3A_829 = arith.subf %concatenate3A_803, %scan3A_800 : vector<512x512xf32>
      %sub3A_830 = arith.subf %scan3A_800, %concatenate3A_806 : vector<512x512xf32>
      %sub3A_831 = arith.subf %concatenate3A_809, %scan3A_800 : vector<512x512xf32>
      %sub3A_832 = arith.subf %scan3A_800, %concatenate3A_812 : vector<512x512xf32>
      %slice3A_833 = vector.extract_strided_slice %exp3A {offsets = [0, 1], sizes = [512, 511], strides = [1, 1]} : vector<512x512xf32> to vector<512x511xf32>
      %slice3A_834 = vector.extract_strided_slice %exp3A {offsets = [0, 511], sizes = [512, 1], strides = [1, 1]} : vector<512x512xf32> to vector<512x1xf32>
      %concatenate3A_835 = tpu.concatenate %slice3A_833, %slice3A_834 in 1 : vector<512x511xf32>, vector<512x1xf32> -> vector<512x512xf32>
      %add3A_836 = arith.addf %exp3A, %concatenate3A_835 : vector<512x512xf32>
      %mul3A_837 = arith.constant 5.000000e-01 : f32
      %mul3A_838 = vector.broadcast %mul3A_837 : f32 to vector<512x512xf32>
      %mul3A_839 = arith.mulf %mul3A_838, %add3A_836 : vector<512x512xf32>
      %slice3A_840 = vector.extract_strided_slice %exp3A {offsets = [0, 0], sizes = [512, 1], strides = [1, 1]} : vector<512x512xf32> to vector<512x1xf32>
      %slice3A_841 = vector.extract_strided_slice %exp3A {offsets = [0, 0], sizes = [512, 511], strides = [1, 1]} : vector<512x512xf32> to vector<512x511xf32>
      %concatenate3A_842 = tpu.concatenate %slice3A_840, %slice3A_841 in 1 : vector<512x1xf32>, vector<512x511xf32> -> vector<512x512xf32>
      %add3A_843 = arith.addf %exp3A, %concatenate3A_842 : vector<512x512xf32>
      %mul3A_844 = arith.constant 5.000000e-01 : f32
      %mul3A_845 = vector.broadcast %mul3A_844 : f32 to vector<512x512xf32>
      %mul3A_846 = arith.mulf %mul3A_845, %add3A_843 : vector<512x512xf32>
      %slice3A_847 = vector.extract_strided_slice %exp3A {offsets = [1, 0], sizes = [511, 512], strides = [1, 1]} : vector<512x512xf32> to vector<511x512xf32>
      %slice3A_848 = vector.extract_strided_slice %exp3A {offsets = [511, 0], sizes = [1, 512], strides = [1, 1]} : vector<512x512xf32> to vector<1x512xf32>
      %concatenate3A_849 = tpu.concatenate %slice3A_847, %slice3A_848 in 0 : vector<511x512xf32>, vector<1x512xf32> -> vector<512x512xf32>
      %add3A_850 = arith.addf %exp3A, %concatenate3A_849 : vector<512x512xf32>
      %mul3A_851 = arith.constant 5.000000e-01 : f32
      %mul3A_852 = vector.broadcast %mul3A_851 : f32 to vector<512x512xf32>
      %mul3A_853 = arith.mulf %mul3A_852, %add3A_850 : vector<512x512xf32>
      %slice3A_854 = vector.extract_strided_slice %exp3A {offsets = [0, 0], sizes = [1, 512], strides = [1, 1]} : vector<512x512xf32> to vector<1x512xf32>
      %slice3A_855 = vector.extract_strided_slice %exp3A {offsets = [0, 0], sizes = [511, 512], strides = [1, 1]} : vector<512x512xf32> to vector<511x512xf32>
      %concatenate3A_856 = tpu.concatenate %slice3A_854, %slice3A_855 in 0 : vector<1x512xf32>, vector<511x512xf32> -> vector<512x512xf32>
      %add3A_857 = arith.addf %exp3A, %concatenate3A_856 : vector<512x512xf32>
      %mul3A_858 = arith.constant 5.000000e-01 : f32
      %mul3A_859 = vector.broadcast %mul3A_858 : f32 to vector<512x512xf32>
      %mul3A_860 = arith.mulf %mul3A_859, %add3A_857 : vector<512x512xf32>
      %mul3A_861 = arith.mulf %mul3A_839, %sub3A_829 : vector<512x512xf32>
      %mul3A_862 = arith.mulf %mul3A_846, %sub3A_830 : vector<512x512xf32>
      %sub3A_863 = arith.subf %mul3A_861, %mul3A_862 : vector<512x512xf32>
      %mul3A_864 = arith.mulf %mul3A_853, %sub3A_831 : vector<512x512xf32>
      %add3A_865 = arith.addf %sub3A_863, %mul3A_864 : vector<512x512xf32>
      %mul3A_866 = arith.mulf %mul3A_860, %sub3A_832 : vector<512x512xf32>
      %sub3A_867 = arith.subf %add3A_865, %mul3A_866 : vector<512x512xf32>
      %mul3A_868 = arith.constant 2.500000e-01 : f32
      %mul3A_869 = vector.broadcast %mul3A_868 : f32 to vector<512x512xf32>
      %mul3A_870 = arith.mulf %mul3A_869, %sub3A_867 : vector<512x512xf32>
      %add3A_871 = arith.addf %scan3A_800, %mul3A_870 : vector<512x512xf32>
      scf.yield %add3A_871 : vector<512x512xf32>
    }
    %slice3A = vector.extract_strided_slice %scan3A_8 {offsets = [0, 1], sizes = [512, 511], strides = [1, 1]} : vector<512x512xf32> to vector<512x511xf32>
    %slice3A_9 = vector.extract_strided_slice %scan3A_8 {offsets = [0, 511], sizes = [512, 1], strides = [1, 1]} : vector<512x512xf32> to vector<512x1xf32>
    %concatenate3A = tpu.concatenate %slice3A, %slice3A_9 in 1 : vector<512x511xf32>, vector<512x1xf32> -> vector<512x512xf32>
    %slice3A_10 = vector.extract_strided_slice %scan3A_8 {offsets = [0, 0], sizes = [512, 1], strides = [1, 1]} : vector<512x512xf32> to vector<512x1xf32>
    %slice3A_11 = vector.extract_strided_slice %scan3A_8 {offsets = [0, 0], sizes = [512, 511], strides = [1, 1]} : vector<512x512xf32> to vector<512x511xf32>
    %concatenate3A_12 = tpu.concatenate %slice3A_10, %slice3A_11 in 1 : vector<512x1xf32>, vector<512x511xf32> -> vector<512x512xf32>
    %slice3A_13 = vector.extract_strided_slice %scan3A_8 {offsets = [1, 0], sizes = [511, 512], strides = [1, 1]} : vector<512x512xf32> to vector<511x512xf32>
    %slice3A_14 = vector.extract_strided_slice %scan3A_8 {offsets = [511, 0], sizes = [1, 512], strides = [1, 1]} : vector<512x512xf32> to vector<1x512xf32>
    %concatenate3A_15 = tpu.concatenate %slice3A_13, %slice3A_14 in 0 : vector<511x512xf32>, vector<1x512xf32> -> vector<512x512xf32>
    %slice3A_16 = vector.extract_strided_slice %scan3A_8 {offsets = [0, 0], sizes = [1, 512], strides = [1, 1]} : vector<512x512xf32> to vector<1x512xf32>
    %slice3A_17 = vector.extract_strided_slice %scan3A_8 {offsets = [0, 0], sizes = [511, 512], strides = [1, 1]} : vector<512x512xf32> to vector<511x512xf32>
    %concatenate3A_18 = tpu.concatenate %slice3A_16, %slice3A_17 in 0 : vector<1x512xf32>, vector<511x512xf32> -> vector<512x512xf32>
    %mul3A = arith.constant 2.000000e+00 : f32
    %mul3A_19 = vector.broadcast %mul3A : f32 to vector<512x512xf32>
    %mul3A_20 = arith.mulf %mul3A_19, %scan3A_8 : vector<512x512xf32>
    %sub3A = arith.subf %concatenate3A, %mul3A_20 : vector<512x512xf32>
    %add3A = arith.addf %sub3A, %concatenate3A_12 : vector<512x512xf32>
    %mul3A_21 = arith.constant 2.000000e+00 : f32
    %mul3A_22 = vector.broadcast %mul3A_21 : f32 to vector<512x512xf32>
    %mul3A_23 = arith.mulf %mul3A_22, %scan3A_8 : vector<512x512xf32>
    %sub3A_24 = arith.subf %concatenate3A_15, %mul3A_23 : vector<512x512xf32>
    %add3A_25 = arith.addf %sub3A_24, %concatenate3A_18 : vector<512x512xf32>
    %slice3A_26 = vector.extract_strided_slice %scan3A_8 {offsets = [1, 0], sizes = [511, 512], strides = [1, 1]} : vector<512x512xf32> to vector<511x512xf32>
    %slice3A_27 = vector.extract_strided_slice %scan3A_8 {offsets = [511, 0], sizes = [1, 512], strides = [1, 1]} : vector<512x512xf32> to vector<1x512xf32>
    %concatenate3A_28 = tpu.concatenate %slice3A_26, %slice3A_27 in 0 : vector<511x512xf32>, vector<1x512xf32> -> vector<512x512xf32>
    %slice3A_29 = vector.extract_strided_slice %concatenate3A_28 {offsets = [0, 1], sizes = [512, 511], strides = [1, 1]} : vector<512x512xf32> to vector<512x511xf32>
    %slice3A_30 = vector.extract_strided_slice %concatenate3A_28 {offsets = [0, 511], sizes = [512, 1], strides = [1, 1]} : vector<512x512xf32> to vector<512x1xf32>
    %concatenate3A_31 = tpu.concatenate %slice3A_29, %slice3A_30 in 1 : vector<512x511xf32>, vector<512x1xf32> -> vector<512x512xf32>
    %slice3A_32 = vector.extract_strided_slice %scan3A_8 {offsets = [1, 0], sizes = [511, 512], strides = [1, 1]} : vector<512x512xf32> to vector<511x512xf32>
    %slice3A_33 = vector.extract_strided_slice %scan3A_8 {offsets = [511, 0], sizes = [1, 512], strides = [1, 1]} : vector<512x512xf32> to vector<1x512xf32>
    %concatenate3A_34 = tpu.concatenate %slice3A_32, %slice3A_33 in 0 : vector<511x512xf32>, vector<1x512xf32> -> vector<512x512xf32>
    %slice3A_35 = vector.extract_strided_slice %concatenate3A_34 {offsets = [0, 0], sizes = [512, 1], strides = [1, 1]} : vector<512x512xf32> to vector<512x1xf32>
    %slice3A_36 = vector.extract_strided_slice %concatenate3A_34 {offsets = [0, 0], sizes = [512, 511], strides = [1, 1]} : vector<512x512xf32> to vector<512x511xf32>
    %concatenate3A_37 = tpu.concatenate %slice3A_35, %slice3A_36 in 1 : vector<512x1xf32>, vector<512x511xf32> -> vector<512x512xf32>
    %sub3A_38 = arith.subf %concatenate3A_31, %concatenate3A_37 : vector<512x512xf32>
    %slice3A_39 = vector.extract_strided_slice %scan3A_8 {offsets = [0, 0], sizes = [1, 512], strides = [1, 1]} : vector<512x512xf32> to vector<1x512xf32>
    %slice3A_40 = vector.extract_strided_slice %scan3A_8 {offsets = [0, 0], sizes = [511, 512], strides = [1, 1]} : vector<512x512xf32> to vector<511x512xf32>
    %concatenate3A_41 = tpu.concatenate %slice3A_39, %slice3A_40 in 0 : vector<1x512xf32>, vector<511x512xf32> -> vector<512x512xf32>
    %slice3A_42 = vector.extract_strided_slice %concatenate3A_41 {offsets = [0, 1], sizes = [512, 511], strides = [1, 1]} : vector<512x512xf32> to vector<512x511xf32>
    %slice3A_43 = vector.extract_strided_slice %concatenate3A_41 {offsets = [0, 511], sizes = [512, 1], strides = [1, 1]} : vector<512x512xf32> to vector<512x1xf32>
    %concatenate3A_44 = tpu.concatenate %slice3A_42, %slice3A_43 in 1 : vector<512x511xf32>, vector<512x1xf32> -> vector<512x512xf32>
    %sub3A_45 = arith.subf %sub3A_38, %concatenate3A_44 : vector<512x512xf32>
    %slice3A_46 = vector.extract_strided_slice %scan3A_8 {offsets = [0, 0], sizes = [1, 512], strides = [1, 1]} : vector<512x512xf32> to vector<1x512xf32>
    %slice3A_47 = vector.extract_strided_slice %scan3A_8 {offsets = [0, 0], sizes = [511, 512], strides = [1, 1]} : vector<512x512xf32> to vector<511x512xf32>
    %concatenate3A_48 = tpu.concatenate %slice3A_46, %slice3A_47 in 0 : vector<1x512xf32>, vector<511x512xf32> -> vector<512x512xf32>
    %slice3A_49 = vector.extract_strided_slice %concatenate3A_48 {offsets = [0, 0], sizes = [512, 1], strides = [1, 1]} : vector<512x512xf32> to vector<512x1xf32>
    %slice3A_50 = vector.extract_strided_slice %concatenate3A_48 {offsets = [0, 0], sizes = [512, 511], strides = [1, 1]} : vector<512x512xf32> to vector<512x511xf32>
    %concatenate3A_51 = tpu.concatenate %slice3A_49, %slice3A_50 in 1 : vector<512x1xf32>, vector<512x511xf32> -> vector<512x512xf32>
    %add3A_52 = arith.addf %sub3A_45, %concatenate3A_51 : vector<512x512xf32>
    %mul3A_53 = arith.constant 2.500000e-01 : f32
    %mul3A_54 = vector.broadcast %mul3A_53 : f32 to vector<512x512xf32>
    %mul3A_55 = arith.mulf %mul3A_54, %add3A_52 : vector<512x512xf32>
    %mul3A_56 = arith.mulf %add3A, %add3A_25 : vector<512x512xf32>
    %mul3A_57 = arith.mulf %mul3A_55, %mul3A_55 : vector<512x512xf32>
    %sub3A_58 = arith.subf %mul3A_56, %mul3A_57 : vector<512x512xf32>
    %slice3A_59 = vector.extract_strided_slice %sub3A_58 {offsets = [1, 0], sizes = [511, 512], strides = [1, 1]} : vector<512x512xf32> to vector<511x512xf32>
    %slice3A_60 = vector.extract_strided_slice %sub3A_58 {offsets = [511, 0], sizes = [1, 512], strides = [1, 1]} : vector<512x512xf32> to vector<1x512xf32>
    %concatenate3A_61 = tpu.concatenate %slice3A_59, %slice3A_60 in 0 : vector<511x512xf32>, vector<1x512xf32> -> vector<512x512xf32>
    %slice3A_62 = vector.extract_strided_slice %sub3A_58 {offsets = [0, 0], sizes = [1, 512], strides = [1, 1]} : vector<512x512xf32> to vector<1x512xf32>
    %slice3A_63 = vector.extract_strided_slice %sub3A_58 {offsets = [0, 0], sizes = [511, 512], strides = [1, 1]} : vector<512x512xf32> to vector<511x512xf32>
    %concatenate3A_64 = tpu.concatenate %slice3A_62, %slice3A_63 in 0 : vector<1x512xf32>, vector<511x512xf32> -> vector<512x512xf32>
    %max3A = arith.maximumf %concatenate3A_61, %concatenate3A_64 : vector<512x512xf32>
    %max3A_65 = arith.maximumf %sub3A_58, %max3A : vector<512x512xf32>
    %slice3A_66 = vector.extract_strided_slice %concatenate3A_61 {offsets = [1, 0], sizes = [511, 512], strides = [1, 1]} : vector<512x512xf32> to vector<511x512xf32>
    %slice3A_67 = vector.extract_strided_slice %concatenate3A_61 {offsets = [511, 0], sizes = [1, 512], strides = [1, 1]} : vector<512x512xf32> to vector<1x512xf32>
    %concatenate3A_68 = tpu.concatenate %slice3A_66, %slice3A_67 in 0 : vector<511x512xf32>, vector<1x512xf32> -> vector<512x512xf32>
    %slice3A_69 = vector.extract_strided_slice %concatenate3A_64 {offsets = [0, 0], sizes = [1, 512], strides = [1, 1]} : vector<512x512xf32> to vector<1x512xf32>
    %slice3A_70 = vector.extract_strided_slice %concatenate3A_64 {offsets = [0, 0], sizes = [511, 512], strides = [1, 1]} : vector<512x512xf32> to vector<511x512xf32>
    %concatenate3A_71 = tpu.concatenate %slice3A_69, %slice3A_70 in 0 : vector<1x512xf32>, vector<511x512xf32> -> vector<512x512xf32>
    %max3A_72 = arith.maximumf %concatenate3A_68, %concatenate3A_71 : vector<512x512xf32>
    %max3A_73 = arith.maximumf %max3A_65, %max3A_72 : vector<512x512xf32>
    %slice3A_74 = vector.extract_strided_slice %max3A_73 {offsets = [0, 1], sizes = [512, 511], strides = [1, 1]} : vector<512x512xf32> to vector<512x511xf32>
    %slice3A_75 = vector.extract_strided_slice %max3A_73 {offsets = [0, 511], sizes = [512, 1], strides = [1, 1]} : vector<512x512xf32> to vector<512x1xf32>
    %concatenate3A_76 = tpu.concatenate %slice3A_74, %slice3A_75 in 1 : vector<512x511xf32>, vector<512x1xf32> -> vector<512x512xf32>
    %slice3A_77 = vector.extract_strided_slice %max3A_73 {offsets = [0, 0], sizes = [512, 1], strides = [1, 1]} : vector<512x512xf32> to vector<512x1xf32>
    %slice3A_78 = vector.extract_strided_slice %max3A_73 {offsets = [0, 0], sizes = [512, 511], strides = [1, 1]} : vector<512x512xf32> to vector<512x511xf32>
    %concatenate3A_79 = tpu.concatenate %slice3A_77, %slice3A_78 in 1 : vector<512x1xf32>, vector<512x511xf32> -> vector<512x512xf32>
    %max3A_80 = arith.maximumf %concatenate3A_76, %concatenate3A_79 : vector<512x512xf32>
    %max3A_81 = arith.maximumf %max3A_73, %max3A_80 : vector<512x512xf32>
    %slice3A_82 = vector.extract_strided_slice %concatenate3A_76 {offsets = [0, 1], sizes = [512, 511], strides = [1, 1]} : vector<512x512xf32> to vector<512x511xf32>
    %slice3A_83 = vector.extract_strided_slice %concatenate3A_76 {offsets = [0, 511], sizes = [512, 1], strides = [1, 1]} : vector<512x512xf32> to vector<512x1xf32>
    %concatenate3A_84 = tpu.concatenate %slice3A_82, %slice3A_83 in 1 : vector<512x511xf32>, vector<512x1xf32> -> vector<512x512xf32>
    %slice3A_85 = vector.extract_strided_slice %concatenate3A_79 {offsets = [0, 0], sizes = [512, 1], strides = [1, 1]} : vector<512x512xf32> to vector<512x1xf32>
    %slice3A_86 = vector.extract_strided_slice %concatenate3A_79 {offsets = [0, 0], sizes = [512, 511], strides = [1, 1]} : vector<512x512xf32> to vector<512x511xf32>
    %concatenate3A_87 = tpu.concatenate %slice3A_85, %slice3A_86 in 1 : vector<512x1xf32>, vector<512x511xf32> -> vector<512x512xf32>
    %max3A_88 = arith.maximumf %concatenate3A_84, %concatenate3A_87 : vector<512x512xf32>
    %max3A_89 = arith.maximumf %max3A_81, %max3A_88 : vector<512x512xf32>
    %ge3A = arith.cmpf oge, %sub3A_58, %max3A_89 : vector<512x512xf32>
    %gt3A = arith.constant 1.000000e-03 : f32
    %gt3A_90 = vector.broadcast %gt3A : f32 to vector<512x512xf32>
    %gt3A_91 = arith.cmpf ogt, %sub3A_58, %gt3A_90 : vector<512x512xf32>
    %and3A = arith.andi %ge3A, %gt3A_91 : vector<512x512xi1>
    %jit3A = arith.constant 0.000000e+00 : f32
    %broadcast_in_dim3A_92 = vector.broadcast %jit3A : f32 to vector<512x512xf32>
    %select_n3A = arith.select %and3A, %sub3A_58, %broadcast_in_dim3A_92 : vector<512x512xi1>, vector<512x512xf32>
    %max3A_93 = arith.maximumf %broadcast_in_dim3A_4, %select_n3A : vector<512x512xf32>
    %scan3A_94 = arith.constant 0 : i32
    %scan3A_95 = arith.constant 3 : i32
    %scan3A_96 = arith.addi %scan3A_94, %scan3A_95 : i32
    %scan3A_97 = arith.constant 1 : i32
    %scan3A_98 = scf.for %scan3A_799 = %scan3A_94 to %scan3A_96 step %scan3A_97 iter_args(%scan3A_800 = %scan3A_8) -> (vector<512x512xf32>)  : i32 {
      %slice3A_801 = vector.extract_strided_slice %scan3A_800 {offsets = [0, 1], sizes = [512, 511], strides = [1, 1]} : vector<512x512xf32> to vector<512x511xf32>
      %slice3A_802 = vector.extract_strided_slice %scan3A_800 {offsets = [0, 511], sizes = [512, 1], strides = [1, 1]} : vector<512x512xf32> to vector<512x1xf32>
      %concatenate3A_803 = tpu.concatenate %slice3A_801, %slice3A_802 in 1 : vector<512x511xf32>, vector<512x1xf32> -> vector<512x512xf32>
      %slice3A_804 = vector.extract_strided_slice %scan3A_800 {offsets = [0, 0], sizes = [512, 1], strides = [1, 1]} : vector<512x512xf32> to vector<512x1xf32>
      %slice3A_805 = vector.extract_strided_slice %scan3A_800 {offsets = [0, 0], sizes = [512, 511], strides = [1, 1]} : vector<512x512xf32> to vector<512x511xf32>
      %concatenate3A_806 = tpu.concatenate %slice3A_804, %slice3A_805 in 1 : vector<512x1xf32>, vector<512x511xf32> -> vector<512x512xf32>
      %slice3A_807 = vector.extract_strided_slice %scan3A_800 {offsets = [1, 0], sizes = [511, 512], strides = [1, 1]} : vector<512x512xf32> to vector<511x512xf32>
      %slice3A_808 = vector.extract_strided_slice %scan3A_800 {offsets = [511, 0], sizes = [1, 512], strides = [1, 1]} : vector<512x512xf32> to vector<1x512xf32>
      %concatenate3A_809 = tpu.concatenate %slice3A_807, %slice3A_808 in 0 : vector<511x512xf32>, vector<1x512xf32> -> vector<512x512xf32>
      %slice3A_810 = vector.extract_strided_slice %scan3A_800 {offsets = [0, 0], sizes = [1, 512], strides = [1, 1]} : vector<512x512xf32> to vector<1x512xf32>
      %slice3A_811 = vector.extract_strided_slice %scan3A_800 {offsets = [0, 0], sizes = [511, 512], strides = [1, 1]} : vector<512x512xf32> to vector<511x512xf32>
      %concatenate3A_812 = tpu.concatenate %slice3A_810, %slice3A_811 in 0 : vector<1x512xf32>, vector<511x512xf32> -> vector<512x512xf32>
      %sub3A_813 = arith.subf %concatenate3A_803, %concatenate3A_806 : vector<512x512xf32>
      %mul3A_814 = arith.constant 5.000000e-01 : f32
      %mul3A_815 = vector.broadcast %mul3A_814 : f32 to vector<512x512xf32>
      %mul3A_816 = arith.mulf %mul3A_815, %sub3A_813 : vector<512x512xf32>
      %sub3A_817 = arith.subf %concatenate3A_809, %concatenate3A_812 : vector<512x512xf32>
      %mul3A_818 = arith.constant 5.000000e-01 : f32
      %mul3A_819 = vector.broadcast %mul3A_818 : f32 to vector<512x512xf32>
      %mul3A_820 = arith.mulf %mul3A_819, %sub3A_817 : vector<512x512xf32>
      %mul3A_821 = arith.mulf %mul3A_816, %mul3A_816 : vector<512x512xf32>
      %mul3A_822 = arith.mulf %mul3A_820, %mul3A_820 : vector<512x512xf32>
      %add3A_823 = arith.addf %mul3A_821, %mul3A_822 : vector<512x512xf32>
      %div3A_824 = arith.constant 2.500000e-03 : f32
      %div3A_825 = vector.broadcast %div3A_824 : f32 to vector<512x512xf32>
      %div3A_826 = arith.divf %add3A_823, %div3A_825 : vector<512x512xf32>
      %neg3A = arith.constant 0.000000e+00 : f32
      %neg3A_827 = vector.broadcast %neg3A : f32 to vector<512x512xf32>
      %neg3A_828 = arith.subf %neg3A_827, %div3A_826 : vector<512x512xf32>
      %exp3A = math.exp %neg3A_828 : vector<512x512xf32>
      %sub3A_829 = arith.subf %concatenate3A_803, %scan3A_800 : vector<512x512xf32>
      %sub3A_830 = arith.subf %scan3A_800, %concatenate3A_806 : vector<512x512xf32>
      %sub3A_831 = arith.subf %concatenate3A_809, %scan3A_800 : vector<512x512xf32>
      %sub3A_832 = arith.subf %scan3A_800, %concatenate3A_812 : vector<512x512xf32>
      %slice3A_833 = vector.extract_strided_slice %exp3A {offsets = [0, 1], sizes = [512, 511], strides = [1, 1]} : vector<512x512xf32> to vector<512x511xf32>
      %slice3A_834 = vector.extract_strided_slice %exp3A {offsets = [0, 511], sizes = [512, 1], strides = [1, 1]} : vector<512x512xf32> to vector<512x1xf32>
      %concatenate3A_835 = tpu.concatenate %slice3A_833, %slice3A_834 in 1 : vector<512x511xf32>, vector<512x1xf32> -> vector<512x512xf32>
      %add3A_836 = arith.addf %exp3A, %concatenate3A_835 : vector<512x512xf32>
      %mul3A_837 = arith.constant 5.000000e-01 : f32
      %mul3A_838 = vector.broadcast %mul3A_837 : f32 to vector<512x512xf32>
      %mul3A_839 = arith.mulf %mul3A_838, %add3A_836 : vector<512x512xf32>
      %slice3A_840 = vector.extract_strided_slice %exp3A {offsets = [0, 0], sizes = [512, 1], strides = [1, 1]} : vector<512x512xf32> to vector<512x1xf32>
      %slice3A_841 = vector.extract_strided_slice %exp3A {offsets = [0, 0], sizes = [512, 511], strides = [1, 1]} : vector<512x512xf32> to vector<512x511xf32>
      %concatenate3A_842 = tpu.concatenate %slice3A_840, %slice3A_841 in 1 : vector<512x1xf32>, vector<512x511xf32> -> vector<512x512xf32>
      %add3A_843 = arith.addf %exp3A, %concatenate3A_842 : vector<512x512xf32>
      %mul3A_844 = arith.constant 5.000000e-01 : f32
      %mul3A_845 = vector.broadcast %mul3A_844 : f32 to vector<512x512xf32>
      %mul3A_846 = arith.mulf %mul3A_845, %add3A_843 : vector<512x512xf32>
      %slice3A_847 = vector.extract_strided_slice %exp3A {offsets = [1, 0], sizes = [511, 512], strides = [1, 1]} : vector<512x512xf32> to vector<511x512xf32>
      %slice3A_848 = vector.extract_strided_slice %exp3A {offsets = [511, 0], sizes = [1, 512], strides = [1, 1]} : vector<512x512xf32> to vector<1x512xf32>
      %concatenate3A_849 = tpu.concatenate %slice3A_847, %slice3A_848 in 0 : vector<511x512xf32>, vector<1x512xf32> -> vector<512x512xf32>
      %add3A_850 = arith.addf %exp3A, %concatenate3A_849 : vector<512x512xf32>
      %mul3A_851 = arith.constant 5.000000e-01 : f32
      %mul3A_852 = vector.broadcast %mul3A_851 : f32 to vector<512x512xf32>
      %mul3A_853 = arith.mulf %mul3A_852, %add3A_850 : vector<512x512xf32>
      %slice3A_854 = vector.extract_strided_slice %exp3A {offsets = [0, 0], sizes = [1, 512], strides = [1, 1]} : vector<512x512xf32> to vector<1x512xf32>
      %slice3A_855 = vector.extract_strided_slice %exp3A {offsets = [0, 0], sizes = [511, 512], strides = [1, 1]} : vector<512x512xf32> to vector<511x512xf32>
      %concatenate3A_856 = tpu.concatenate %slice3A_854, %slice3A_855 in 0 : vector<1x512xf32>, vector<511x512xf32> -> vector<512x512xf32>
      %add3A_857 = arith.addf %exp3A, %concatenate3A_856 : vector<512x512xf32>
      %mul3A_858 = arith.constant 5.000000e-01 : f32
      %mul3A_859 = vector.broadcast %mul3A_858 : f32 to vector<512x512xf32>
      %mul3A_860 = arith.mulf %mul3A_859, %add3A_857 : vector<512x512xf32>
      %mul3A_861 = arith.mulf %mul3A_839, %sub3A_829 : vector<512x512xf32>
      %mul3A_862 = arith.mulf %mul3A_846, %sub3A_830 : vector<512x512xf32>
      %sub3A_863 = arith.subf %mul3A_861, %mul3A_862 : vector<512x512xf32>
      %mul3A_864 = arith.mulf %mul3A_853, %sub3A_831 : vector<512x512xf32>
      %add3A_865 = arith.addf %sub3A_863, %mul3A_864 : vector<512x512xf32>
      %mul3A_866 = arith.mulf %mul3A_860, %sub3A_832 : vector<512x512xf32>
      %sub3A_867 = arith.subf %add3A_865, %mul3A_866 : vector<512x512xf32>
      %mul3A_868 = arith.constant 2.500000e-01 : f32
      %mul3A_869 = vector.broadcast %mul3A_868 : f32 to vector<512x512xf32>
      %mul3A_870 = arith.mulf %mul3A_869, %sub3A_867 : vector<512x512xf32>
      %add3A_871 = arith.addf %scan3A_800, %mul3A_870 : vector<512x512xf32>
      scf.yield %add3A_871 : vector<512x512xf32>
    }
    %slice3A_99 = vector.extract_strided_slice %scan3A_98 {offsets = [0, 1], sizes = [512, 511], strides = [1, 1]} : vector<512x512xf32> to vector<512x511xf32>
    %slice3A_100 = vector.extract_strided_slice %scan3A_98 {offsets = [0, 511], sizes = [512, 1], strides = [1, 1]} : vector<512x512xf32> to vector<512x1xf32>
    %concatenate3A_101 = tpu.concatenate %slice3A_99, %slice3A_100 in 1 : vector<512x511xf32>, vector<512x1xf32> -> vector<512x512xf32>
    %slice3A_102 = vector.extract_strided_slice %scan3A_98 {offsets = [0, 0], sizes = [512, 1], strides = [1, 1]} : vector<512x512xf32> to vector<512x1xf32>
    %slice3A_103 = vector.extract_strided_slice %scan3A_98 {offsets = [0, 0], sizes = [512, 511], strides = [1, 1]} : vector<512x512xf32> to vector<512x511xf32>
    %concatenate3A_104 = tpu.concatenate %slice3A_102, %slice3A_103 in 1 : vector<512x1xf32>, vector<512x511xf32> -> vector<512x512xf32>
    %slice3A_105 = vector.extract_strided_slice %scan3A_98 {offsets = [1, 0], sizes = [511, 512], strides = [1, 1]} : vector<512x512xf32> to vector<511x512xf32>
    %slice3A_106 = vector.extract_strided_slice %scan3A_98 {offsets = [511, 0], sizes = [1, 512], strides = [1, 1]} : vector<512x512xf32> to vector<1x512xf32>
    %concatenate3A_107 = tpu.concatenate %slice3A_105, %slice3A_106 in 0 : vector<511x512xf32>, vector<1x512xf32> -> vector<512x512xf32>
    %slice3A_108 = vector.extract_strided_slice %scan3A_98 {offsets = [0, 0], sizes = [1, 512], strides = [1, 1]} : vector<512x512xf32> to vector<1x512xf32>
    %slice3A_109 = vector.extract_strided_slice %scan3A_98 {offsets = [0, 0], sizes = [511, 512], strides = [1, 1]} : vector<512x512xf32> to vector<511x512xf32>
    %concatenate3A_110 = tpu.concatenate %slice3A_108, %slice3A_109 in 0 : vector<1x512xf32>, vector<511x512xf32> -> vector<512x512xf32>
    %mul3A_111 = arith.constant 2.000000e+00 : f32
    %mul3A_112 = vector.broadcast %mul3A_111 : f32 to vector<512x512xf32>
    %mul3A_113 = arith.mulf %mul3A_112, %scan3A_98 : vector<512x512xf32>
    %sub3A_114 = arith.subf %concatenate3A_101, %mul3A_113 : vector<512x512xf32>
    %add3A_115 = arith.addf %sub3A_114, %concatenate3A_104 : vector<512x512xf32>
    %mul3A_116 = arith.constant 2.000000e+00 : f32
    %mul3A_117 = vector.broadcast %mul3A_116 : f32 to vector<512x512xf32>
    %mul3A_118 = arith.mulf %mul3A_117, %scan3A_98 : vector<512x512xf32>
    %sub3A_119 = arith.subf %concatenate3A_107, %mul3A_118 : vector<512x512xf32>
    %add3A_120 = arith.addf %sub3A_119, %concatenate3A_110 : vector<512x512xf32>
    %slice3A_121 = vector.extract_strided_slice %scan3A_98 {offsets = [1, 0], sizes = [511, 512], strides = [1, 1]} : vector<512x512xf32> to vector<511x512xf32>
    %slice3A_122 = vector.extract_strided_slice %scan3A_98 {offsets = [511, 0], sizes = [1, 512], strides = [1, 1]} : vector<512x512xf32> to vector<1x512xf32>
    %concatenate3A_123 = tpu.concatenate %slice3A_121, %slice3A_122 in 0 : vector<511x512xf32>, vector<1x512xf32> -> vector<512x512xf32>
    %slice3A_124 = vector.extract_strided_slice %concatenate3A_123 {offsets = [0, 1], sizes = [512, 511], strides = [1, 1]} : vector<512x512xf32> to vector<512x511xf32>
    %slice3A_125 = vector.extract_strided_slice %concatenate3A_123 {offsets = [0, 511], sizes = [512, 1], strides = [1, 1]} : vector<512x512xf32> to vector<512x1xf32>
    %concatenate3A_126 = tpu.concatenate %slice3A_124, %slice3A_125 in 1 : vector<512x511xf32>, vector<512x1xf32> -> vector<512x512xf32>
    %slice3A_127 = vector.extract_strided_slice %scan3A_98 {offsets = [1, 0], sizes = [511, 512], strides = [1, 1]} : vector<512x512xf32> to vector<511x512xf32>
    %slice3A_128 = vector.extract_strided_slice %scan3A_98 {offsets = [511, 0], sizes = [1, 512], strides = [1, 1]} : vector<512x512xf32> to vector<1x512xf32>
    %concatenate3A_129 = tpu.concatenate %slice3A_127, %slice3A_128 in 0 : vector<511x512xf32>, vector<1x512xf32> -> vector<512x512xf32>
    %slice3A_130 = vector.extract_strided_slice %concatenate3A_129 {offsets = [0, 0], sizes = [512, 1], strides = [1, 1]} : vector<512x512xf32> to vector<512x1xf32>
    %slice3A_131 = vector.extract_strided_slice %concatenate3A_129 {offsets = [0, 0], sizes = [512, 511], strides = [1, 1]} : vector<512x512xf32> to vector<512x511xf32>
    %concatenate3A_132 = tpu.concatenate %slice3A_130, %slice3A_131 in 1 : vector<512x1xf32>, vector<512x511xf32> -> vector<512x512xf32>
    %sub3A_133 = arith.subf %concatenate3A_126, %concatenate3A_132 : vector<512x512xf32>
    %slice3A_134 = vector.extract_strided_slice %scan3A_98 {offsets = [0, 0], sizes = [1, 512], strides = [1, 1]} : vector<512x512xf32> to vector<1x512xf32>
    %slice3A_135 = vector.extract_strided_slice %scan3A_98 {offsets = [0, 0], sizes = [511, 512], strides = [1, 1]} : vector<512x512xf32> to vector<511x512xf32>
    %concatenate3A_136 = tpu.concatenate %slice3A_134, %slice3A_135 in 0 : vector<1x512xf32>, vector<511x512xf32> -> vector<512x512xf32>
    %slice3A_137 = vector.extract_strided_slice %concatenate3A_136 {offsets = [0, 1], sizes = [512, 511], strides = [1, 1]} : vector<512x512xf32> to vector<512x511xf32>
    %slice3A_138 = vector.extract_strided_slice %concatenate3A_136 {offsets = [0, 511], sizes = [512, 1], strides = [1, 1]} : vector<512x512xf32> to vector<512x1xf32>
    %concatenate3A_139 = tpu.concatenate %slice3A_137, %slice3A_138 in 1 : vector<512x511xf32>, vector<512x1xf32> -> vector<512x512xf32>
    %sub3A_140 = arith.subf %sub3A_133, %concatenate3A_139 : vector<512x512xf32>
    %slice3A_141 = vector.extract_strided_slice %scan3A_98 {offsets = [0, 0], sizes = [1, 512], strides = [1, 1]} : vector<512x512xf32> to vector<1x512xf32>
    %slice3A_142 = vector.extract_strided_slice %scan3A_98 {offsets = [0, 0], sizes = [511, 512], strides = [1, 1]} : vector<512x512xf32> to vector<511x512xf32>
    %concatenate3A_143 = tpu.concatenate %slice3A_141, %slice3A_142 in 0 : vector<1x512xf32>, vector<511x512xf32> -> vector<512x512xf32>
    %slice3A_144 = vector.extract_strided_slice %concatenate3A_143 {offsets = [0, 0], sizes = [512, 1], strides = [1, 1]} : vector<512x512xf32> to vector<512x1xf32>
    %slice3A_145 = vector.extract_strided_slice %concatenate3A_143 {offsets = [0, 0], sizes = [512, 511], strides = [1, 1]} : vector<512x512xf32> to vector<512x511xf32>
    %concatenate3A_146 = tpu.concatenate %slice3A_144, %slice3A_145 in 1 : vector<512x1xf32>, vector<512x511xf32> -> vector<512x512xf32>
    %add3A_147 = arith.addf %sub3A_140, %concatenate3A_146 : vector<512x512xf32>
    %mul3A_148 = arith.constant 2.500000e-01 : f32
    %mul3A_149 = vector.broadcast %mul3A_148 : f32 to vector<512x512xf32>
    %mul3A_150 = arith.mulf %mul3A_149, %add3A_147 : vector<512x512xf32>
    %mul3A_151 = arith.mulf %add3A_115, %add3A_120 : vector<512x512xf32>
    %mul3A_152 = arith.mulf %mul3A_150, %mul3A_150 : vector<512x512xf32>
    %sub3A_153 = arith.subf %mul3A_151, %mul3A_152 : vector<512x512xf32>
    %slice3A_154 = vector.extract_strided_slice %sub3A_153 {offsets = [1, 0], sizes = [511, 512], strides = [1, 1]} : vector<512x512xf32> to vector<511x512xf32>
    %slice3A_155 = vector.extract_strided_slice %sub3A_153 {offsets = [511, 0], sizes = [1, 512], strides = [1, 1]} : vector<512x512xf32> to vector<1x512xf32>
    %concatenate3A_156 = tpu.concatenate %slice3A_154, %slice3A_155 in 0 : vector<511x512xf32>, vector<1x512xf32> -> vector<512x512xf32>
    %slice3A_157 = vector.extract_strided_slice %sub3A_153 {offsets = [0, 0], sizes = [1, 512], strides = [1, 1]} : vector<512x512xf32> to vector<1x512xf32>
    %slice3A_158 = vector.extract_strided_slice %sub3A_153 {offsets = [0, 0], sizes = [511, 512], strides = [1, 1]} : vector<512x512xf32> to vector<511x512xf32>
    %concatenate3A_159 = tpu.concatenate %slice3A_157, %slice3A_158 in 0 : vector<1x512xf32>, vector<511x512xf32> -> vector<512x512xf32>
    %max3A_160 = arith.maximumf %concatenate3A_156, %concatenate3A_159 : vector<512x512xf32>
    %max3A_161 = arith.maximumf %sub3A_153, %max3A_160 : vector<512x512xf32>
    %slice3A_162 = vector.extract_strided_slice %concatenate3A_156 {offsets = [1, 0], sizes = [511, 512], strides = [1, 1]} : vector<512x512xf32> to vector<511x512xf32>
    %slice3A_163 = vector.extract_strided_slice %concatenate3A_156 {offsets = [511, 0], sizes = [1, 512], strides = [1, 1]} : vector<512x512xf32> to vector<1x512xf32>
    %concatenate3A_164 = tpu.concatenate %slice3A_162, %slice3A_163 in 0 : vector<511x512xf32>, vector<1x512xf32> -> vector<512x512xf32>
    %slice3A_165 = vector.extract_strided_slice %concatenate3A_159 {offsets = [0, 0], sizes = [1, 512], strides = [1, 1]} : vector<512x512xf32> to vector<1x512xf32>
    %slice3A_166 = vector.extract_strided_slice %concatenate3A_159 {offsets = [0, 0], sizes = [511, 512], strides = [1, 1]} : vector<512x512xf32> to vector<511x512xf32>
    %concatenate3A_167 = tpu.concatenate %slice3A_165, %slice3A_166 in 0 : vector<1x512xf32>, vector<511x512xf32> -> vector<512x512xf32>
    %max3A_168 = arith.maximumf %concatenate3A_164, %concatenate3A_167 : vector<512x512xf32>
    %max3A_169 = arith.maximumf %max3A_161, %max3A_168 : vector<512x512xf32>
    %slice3A_170 = vector.extract_strided_slice %max3A_169 {offsets = [0, 1], sizes = [512, 511], strides = [1, 1]} : vector<512x512xf32> to vector<512x511xf32>
    %slice3A_171 = vector.extract_strided_slice %max3A_169 {offsets = [0, 511], sizes = [512, 1], strides = [1, 1]} : vector<512x512xf32> to vector<512x1xf32>
    %concatenate3A_172 = tpu.concatenate %slice3A_170, %slice3A_171 in 1 : vector<512x511xf32>, vector<512x1xf32> -> vector<512x512xf32>
    %slice3A_173 = vector.extract_strided_slice %max3A_169 {offsets = [0, 0], sizes = [512, 1], strides = [1, 1]} : vector<512x512xf32> to vector<512x1xf32>
    %slice3A_174 = vector.extract_strided_slice %max3A_169 {offsets = [0, 0], sizes = [512, 511], strides = [1, 1]} : vector<512x512xf32> to vector<512x511xf32>
    %concatenate3A_175 = tpu.concatenate %slice3A_173, %slice3A_174 in 1 : vector<512x1xf32>, vector<512x511xf32> -> vector<512x512xf32>
    %max3A_176 = arith.maximumf %concatenate3A_172, %concatenate3A_175 : vector<512x512xf32>
    %max3A_177 = arith.maximumf %max3A_169, %max3A_176 : vector<512x512xf32>
    %slice3A_178 = vector.extract_strided_slice %concatenate3A_172 {offsets = [0, 1], sizes = [512, 511], strides = [1, 1]} : vector<512x512xf32> to vector<512x511xf32>
    %slice3A_179 = vector.extract_strided_slice %concatenate3A_172 {offsets = [0, 511], sizes = [512, 1], strides = [1, 1]} : vector<512x512xf32> to vector<512x1xf32>
    %concatenate3A_180 = tpu.concatenate %slice3A_178, %slice3A_179 in 1 : vector<512x511xf32>, vector<512x1xf32> -> vector<512x512xf32>
    %slice3A_181 = vector.extract_strided_slice %concatenate3A_175 {offsets = [0, 0], sizes = [512, 1], strides = [1, 1]} : vector<512x512xf32> to vector<512x1xf32>
    %slice3A_182 = vector.extract_strided_slice %concatenate3A_175 {offsets = [0, 0], sizes = [512, 511], strides = [1, 1]} : vector<512x512xf32> to vector<512x511xf32>
    %concatenate3A_183 = tpu.concatenate %slice3A_181, %slice3A_182 in 1 : vector<512x1xf32>, vector<512x511xf32> -> vector<512x512xf32>
    %max3A_184 = arith.maximumf %concatenate3A_180, %concatenate3A_183 : vector<512x512xf32>
    %max3A_185 = arith.maximumf %max3A_177, %max3A_184 : vector<512x512xf32>
    %ge3A_186 = arith.cmpf oge, %sub3A_153, %max3A_185 : vector<512x512xf32>
    %gt3A_187 = arith.constant 1.000000e-03 : f32
    %gt3A_188 = vector.broadcast %gt3A_187 : f32 to vector<512x512xf32>
    %gt3A_189 = arith.cmpf ogt, %sub3A_153, %gt3A_188 : vector<512x512xf32>
    %and3A_190 = arith.andi %ge3A_186, %gt3A_189 : vector<512x512xi1>
    %jit3A_191 = arith.constant 0.000000e+00 : f32
    %broadcast_in_dim3A_192 = vector.broadcast %jit3A_191 : f32 to vector<512x512xf32>
    %select_n3A_193 = arith.select %and3A_190, %sub3A_153, %broadcast_in_dim3A_192 : vector<512x512xi1>, vector<512x512xf32>
    %max3A_194 = arith.maximumf %max3A_93, %select_n3A_193 : vector<512x512xf32>
    %scan3A_195 = arith.constant 0 : i32
    %scan3A_196 = arith.constant 3 : i32
    %scan3A_197 = arith.addi %scan3A_195, %scan3A_196 : i32
    %scan3A_198 = arith.constant 1 : i32
    %scan3A_199 = scf.for %scan3A_799 = %scan3A_195 to %scan3A_197 step %scan3A_198 iter_args(%scan3A_800 = %scan3A_98) -> (vector<512x512xf32>)  : i32 {
      %slice3A_801 = vector.extract_strided_slice %scan3A_800 {offsets = [0, 1], sizes = [512, 511], strides = [1, 1]} : vector<512x512xf32> to vector<512x511xf32>
      %slice3A_802 = vector.extract_strided_slice %scan3A_800 {offsets = [0, 511], sizes = [512, 1], strides = [1, 1]} : vector<512x512xf32> to vector<512x1xf32>
      %concatenate3A_803 = tpu.concatenate %slice3A_801, %slice3A_802 in 1 : vector<512x511xf32>, vector<512x1xf32> -> vector<512x512xf32>
      %slice3A_804 = vector.extract_strided_slice %scan3A_800 {offsets = [0, 0], sizes = [512, 1], strides = [1, 1]} : vector<512x512xf32> to vector<512x1xf32>
      %slice3A_805 = vector.extract_strided_slice %scan3A_800 {offsets = [0, 0], sizes = [512, 511], strides = [1, 1]} : vector<512x512xf32> to vector<512x511xf32>
      %concatenate3A_806 = tpu.concatenate %slice3A_804, %slice3A_805 in 1 : vector<512x1xf32>, vector<512x511xf32> -> vector<512x512xf32>
      %slice3A_807 = vector.extract_strided_slice %scan3A_800 {offsets = [1, 0], sizes = [511, 512], strides = [1, 1]} : vector<512x512xf32> to vector<511x512xf32>
      %slice3A_808 = vector.extract_strided_slice %scan3A_800 {offsets = [511, 0], sizes = [1, 512], strides = [1, 1]} : vector<512x512xf32> to vector<1x512xf32>
      %concatenate3A_809 = tpu.concatenate %slice3A_807, %slice3A_808 in 0 : vector<511x512xf32>, vector<1x512xf32> -> vector<512x512xf32>
      %slice3A_810 = vector.extract_strided_slice %scan3A_800 {offsets = [0, 0], sizes = [1, 512], strides = [1, 1]} : vector<512x512xf32> to vector<1x512xf32>
      %slice3A_811 = vector.extract_strided_slice %scan3A_800 {offsets = [0, 0], sizes = [511, 512], strides = [1, 1]} : vector<512x512xf32> to vector<511x512xf32>
      %concatenate3A_812 = tpu.concatenate %slice3A_810, %slice3A_811 in 0 : vector<1x512xf32>, vector<511x512xf32> -> vector<512x512xf32>
      %sub3A_813 = arith.subf %concatenate3A_803, %concatenate3A_806 : vector<512x512xf32>
      %mul3A_814 = arith.constant 5.000000e-01 : f32
      %mul3A_815 = vector.broadcast %mul3A_814 : f32 to vector<512x512xf32>
      %mul3A_816 = arith.mulf %mul3A_815, %sub3A_813 : vector<512x512xf32>
      %sub3A_817 = arith.subf %concatenate3A_809, %concatenate3A_812 : vector<512x512xf32>
      %mul3A_818 = arith.constant 5.000000e-01 : f32
      %mul3A_819 = vector.broadcast %mul3A_818 : f32 to vector<512x512xf32>
      %mul3A_820 = arith.mulf %mul3A_819, %sub3A_817 : vector<512x512xf32>
      %mul3A_821 = arith.mulf %mul3A_816, %mul3A_816 : vector<512x512xf32>
      %mul3A_822 = arith.mulf %mul3A_820, %mul3A_820 : vector<512x512xf32>
      %add3A_823 = arith.addf %mul3A_821, %mul3A_822 : vector<512x512xf32>
      %div3A_824 = arith.constant 2.500000e-03 : f32
      %div3A_825 = vector.broadcast %div3A_824 : f32 to vector<512x512xf32>
      %div3A_826 = arith.divf %add3A_823, %div3A_825 : vector<512x512xf32>
      %neg3A = arith.constant 0.000000e+00 : f32
      %neg3A_827 = vector.broadcast %neg3A : f32 to vector<512x512xf32>
      %neg3A_828 = arith.subf %neg3A_827, %div3A_826 : vector<512x512xf32>
      %exp3A = math.exp %neg3A_828 : vector<512x512xf32>
      %sub3A_829 = arith.subf %concatenate3A_803, %scan3A_800 : vector<512x512xf32>
      %sub3A_830 = arith.subf %scan3A_800, %concatenate3A_806 : vector<512x512xf32>
      %sub3A_831 = arith.subf %concatenate3A_809, %scan3A_800 : vector<512x512xf32>
      %sub3A_832 = arith.subf %scan3A_800, %concatenate3A_812 : vector<512x512xf32>
      %slice3A_833 = vector.extract_strided_slice %exp3A {offsets = [0, 1], sizes = [512, 511], strides = [1, 1]} : vector<512x512xf32> to vector<512x511xf32>
      %slice3A_834 = vector.extract_strided_slice %exp3A {offsets = [0, 511], sizes = [512, 1], strides = [1, 1]} : vector<512x512xf32> to vector<512x1xf32>
      %concatenate3A_835 = tpu.concatenate %slice3A_833, %slice3A_834 in 1 : vector<512x511xf32>, vector<512x1xf32> -> vector<512x512xf32>
      %add3A_836 = arith.addf %exp3A, %concatenate3A_835 : vector<512x512xf32>
      %mul3A_837 = arith.constant 5.000000e-01 : f32
      %mul3A_838 = vector.broadcast %mul3A_837 : f32 to vector<512x512xf32>
      %mul3A_839 = arith.mulf %mul3A_838, %add3A_836 : vector<512x512xf32>
      %slice3A_840 = vector.extract_strided_slice %exp3A {offsets = [0, 0], sizes = [512, 1], strides = [1, 1]} : vector<512x512xf32> to vector<512x1xf32>
      %slice3A_841 = vector.extract_strided_slice %exp3A {offsets = [0, 0], sizes = [512, 511], strides = [1, 1]} : vector<512x512xf32> to vector<512x511xf32>
      %concatenate3A_842 = tpu.concatenate %slice3A_840, %slice3A_841 in 1 : vector<512x1xf32>, vector<512x511xf32> -> vector<512x512xf32>
      %add3A_843 = arith.addf %exp3A, %concatenate3A_842 : vector<512x512xf32>
      %mul3A_844 = arith.constant 5.000000e-01 : f32
      %mul3A_845 = vector.broadcast %mul3A_844 : f32 to vector<512x512xf32>
      %mul3A_846 = arith.mulf %mul3A_845, %add3A_843 : vector<512x512xf32>
      %slice3A_847 = vector.extract_strided_slice %exp3A {offsets = [1, 0], sizes = [511, 512], strides = [1, 1]} : vector<512x512xf32> to vector<511x512xf32>
      %slice3A_848 = vector.extract_strided_slice %exp3A {offsets = [511, 0], sizes = [1, 512], strides = [1, 1]} : vector<512x512xf32> to vector<1x512xf32>
      %concatenate3A_849 = tpu.concatenate %slice3A_847, %slice3A_848 in 0 : vector<511x512xf32>, vector<1x512xf32> -> vector<512x512xf32>
      %add3A_850 = arith.addf %exp3A, %concatenate3A_849 : vector<512x512xf32>
      %mul3A_851 = arith.constant 5.000000e-01 : f32
      %mul3A_852 = vector.broadcast %mul3A_851 : f32 to vector<512x512xf32>
      %mul3A_853 = arith.mulf %mul3A_852, %add3A_850 : vector<512x512xf32>
      %slice3A_854 = vector.extract_strided_slice %exp3A {offsets = [0, 0], sizes = [1, 512], strides = [1, 1]} : vector<512x512xf32> to vector<1x512xf32>
      %slice3A_855 = vector.extract_strided_slice %exp3A {offsets = [0, 0], sizes = [511, 512], strides = [1, 1]} : vector<512x512xf32> to vector<511x512xf32>
      %concatenate3A_856 = tpu.concatenate %slice3A_854, %slice3A_855 in 0 : vector<1x512xf32>, vector<511x512xf32> -> vector<512x512xf32>
      %add3A_857 = arith.addf %exp3A, %concatenate3A_856 : vector<512x512xf32>
      %mul3A_858 = arith.constant 5.000000e-01 : f32
      %mul3A_859 = vector.broadcast %mul3A_858 : f32 to vector<512x512xf32>
      %mul3A_860 = arith.mulf %mul3A_859, %add3A_857 : vector<512x512xf32>
      %mul3A_861 = arith.mulf %mul3A_839, %sub3A_829 : vector<512x512xf32>
      %mul3A_862 = arith.mulf %mul3A_846, %sub3A_830 : vector<512x512xf32>
      %sub3A_863 = arith.subf %mul3A_861, %mul3A_862 : vector<512x512xf32>
      %mul3A_864 = arith.mulf %mul3A_853, %sub3A_831 : vector<512x512xf32>
      %add3A_865 = arith.addf %sub3A_863, %mul3A_864 : vector<512x512xf32>
      %mul3A_866 = arith.mulf %mul3A_860, %sub3A_832 : vector<512x512xf32>
      %sub3A_867 = arith.subf %add3A_865, %mul3A_866 : vector<512x512xf32>
      %mul3A_868 = arith.constant 2.500000e-01 : f32
      %mul3A_869 = vector.broadcast %mul3A_868 : f32 to vector<512x512xf32>
      %mul3A_870 = arith.mulf %mul3A_869, %sub3A_867 : vector<512x512xf32>
      %add3A_871 = arith.addf %scan3A_800, %mul3A_870 : vector<512x512xf32>
      scf.yield %add3A_871 : vector<512x512xf32>
    }
    %slice3A_200 = vector.extract_strided_slice %scan3A_199 {offsets = [0, 1], sizes = [512, 511], strides = [1, 1]} : vector<512x512xf32> to vector<512x511xf32>
    %slice3A_201 = vector.extract_strided_slice %scan3A_199 {offsets = [0, 511], sizes = [512, 1], strides = [1, 1]} : vector<512x512xf32> to vector<512x1xf32>
    %concatenate3A_202 = tpu.concatenate %slice3A_200, %slice3A_201 in 1 : vector<512x511xf32>, vector<512x1xf32> -> vector<512x512xf32>
    %slice3A_203 = vector.extract_strided_slice %scan3A_199 {offsets = [0, 0], sizes = [512, 1], strides = [1, 1]} : vector<512x512xf32> to vector<512x1xf32>
    %slice3A_204 = vector.extract_strided_slice %scan3A_199 {offsets = [0, 0], sizes = [512, 511], strides = [1, 1]} : vector<512x512xf32> to vector<512x511xf32>
    %concatenate3A_205 = tpu.concatenate %slice3A_203, %slice3A_204 in 1 : vector<512x1xf32>, vector<512x511xf32> -> vector<512x512xf32>
    %slice3A_206 = vector.extract_strided_slice %scan3A_199 {offsets = [1, 0], sizes = [511, 512], strides = [1, 1]} : vector<512x512xf32> to vector<511x512xf32>
    %slice3A_207 = vector.extract_strided_slice %scan3A_199 {offsets = [511, 0], sizes = [1, 512], strides = [1, 1]} : vector<512x512xf32> to vector<1x512xf32>
    %concatenate3A_208 = tpu.concatenate %slice3A_206, %slice3A_207 in 0 : vector<511x512xf32>, vector<1x512xf32> -> vector<512x512xf32>
    %slice3A_209 = vector.extract_strided_slice %scan3A_199 {offsets = [0, 0], sizes = [1, 512], strides = [1, 1]} : vector<512x512xf32> to vector<1x512xf32>
    %slice3A_210 = vector.extract_strided_slice %scan3A_199 {offsets = [0, 0], sizes = [511, 512], strides = [1, 1]} : vector<512x512xf32> to vector<511x512xf32>
    %concatenate3A_211 = tpu.concatenate %slice3A_209, %slice3A_210 in 0 : vector<1x512xf32>, vector<511x512xf32> -> vector<512x512xf32>
    %mul3A_212 = arith.constant 2.000000e+00 : f32
    %mul3A_213 = vector.broadcast %mul3A_212 : f32 to vector<512x512xf32>
    %mul3A_214 = arith.mulf %mul3A_213, %scan3A_199 : vector<512x512xf32>
    %sub3A_215 = arith.subf %concatenate3A_202, %mul3A_214 : vector<512x512xf32>
    %add3A_216 = arith.addf %sub3A_215, %concatenate3A_205 : vector<512x512xf32>
    %mul3A_217 = arith.constant 2.000000e+00 : f32
    %mul3A_218 = vector.broadcast %mul3A_217 : f32 to vector<512x512xf32>
    %mul3A_219 = arith.mulf %mul3A_218, %scan3A_199 : vector<512x512xf32>
    %sub3A_220 = arith.subf %concatenate3A_208, %mul3A_219 : vector<512x512xf32>
    %add3A_221 = arith.addf %sub3A_220, %concatenate3A_211 : vector<512x512xf32>
    %slice3A_222 = vector.extract_strided_slice %scan3A_199 {offsets = [1, 0], sizes = [511, 512], strides = [1, 1]} : vector<512x512xf32> to vector<511x512xf32>
    %slice3A_223 = vector.extract_strided_slice %scan3A_199 {offsets = [511, 0], sizes = [1, 512], strides = [1, 1]} : vector<512x512xf32> to vector<1x512xf32>
    %concatenate3A_224 = tpu.concatenate %slice3A_222, %slice3A_223 in 0 : vector<511x512xf32>, vector<1x512xf32> -> vector<512x512xf32>
    %slice3A_225 = vector.extract_strided_slice %concatenate3A_224 {offsets = [0, 1], sizes = [512, 511], strides = [1, 1]} : vector<512x512xf32> to vector<512x511xf32>
    %slice3A_226 = vector.extract_strided_slice %concatenate3A_224 {offsets = [0, 511], sizes = [512, 1], strides = [1, 1]} : vector<512x512xf32> to vector<512x1xf32>
    %concatenate3A_227 = tpu.concatenate %slice3A_225, %slice3A_226 in 1 : vector<512x511xf32>, vector<512x1xf32> -> vector<512x512xf32>
    %slice3A_228 = vector.extract_strided_slice %scan3A_199 {offsets = [1, 0], sizes = [511, 512], strides = [1, 1]} : vector<512x512xf32> to vector<511x512xf32>
    %slice3A_229 = vector.extract_strided_slice %scan3A_199 {offsets = [511, 0], sizes = [1, 512], strides = [1, 1]} : vector<512x512xf32> to vector<1x512xf32>
    %concatenate3A_230 = tpu.concatenate %slice3A_228, %slice3A_229 in 0 : vector<511x512xf32>, vector<1x512xf32> -> vector<512x512xf32>
    %slice3A_231 = vector.extract_strided_slice %concatenate3A_230 {offsets = [0, 0], sizes = [512, 1], strides = [1, 1]} : vector<512x512xf32> to vector<512x1xf32>
    %slice3A_232 = vector.extract_strided_slice %concatenate3A_230 {offsets = [0, 0], sizes = [512, 511], strides = [1, 1]} : vector<512x512xf32> to vector<512x511xf32>
    %concatenate3A_233 = tpu.concatenate %slice3A_231, %slice3A_232 in 1 : vector<512x1xf32>, vector<512x511xf32> -> vector<512x512xf32>
    %sub3A_234 = arith.subf %concatenate3A_227, %concatenate3A_233 : vector<512x512xf32>
    %slice3A_235 = vector.extract_strided_slice %scan3A_199 {offsets = [0, 0], sizes = [1, 512], strides = [1, 1]} : vector<512x512xf32> to vector<1x512xf32>
    %slice3A_236 = vector.extract_strided_slice %scan3A_199 {offsets = [0, 0], sizes = [511, 512], strides = [1, 1]} : vector<512x512xf32> to vector<511x512xf32>
    %concatenate3A_237 = tpu.concatenate %slice3A_235, %slice3A_236 in 0 : vector<1x512xf32>, vector<511x512xf32> -> vector<512x512xf32>
    %slice3A_238 = vector.extract_strided_slice %concatenate3A_237 {offsets = [0, 1], sizes = [512, 511], strides = [1, 1]} : vector<512x512xf32> to vector<512x511xf32>
    %slice3A_239 = vector.extract_strided_slice %concatenate3A_237 {offsets = [0, 511], sizes = [512, 1], strides = [1, 1]} : vector<512x512xf32> to vector<512x1xf32>
    %concatenate3A_240 = tpu.concatenate %slice3A_238, %slice3A_239 in 1 : vector<512x511xf32>, vector<512x1xf32> -> vector<512x512xf32>
    %sub3A_241 = arith.subf %sub3A_234, %concatenate3A_240 : vector<512x512xf32>
    %slice3A_242 = vector.extract_strided_slice %scan3A_199 {offsets = [0, 0], sizes = [1, 512], strides = [1, 1]} : vector<512x512xf32> to vector<1x512xf32>
    %slice3A_243 = vector.extract_strided_slice %scan3A_199 {offsets = [0, 0], sizes = [511, 512], strides = [1, 1]} : vector<512x512xf32> to vector<511x512xf32>
    %concatenate3A_244 = tpu.concatenate %slice3A_242, %slice3A_243 in 0 : vector<1x512xf32>, vector<511x512xf32> -> vector<512x512xf32>
    %slice3A_245 = vector.extract_strided_slice %concatenate3A_244 {offsets = [0, 0], sizes = [512, 1], strides = [1, 1]} : vector<512x512xf32> to vector<512x1xf32>
    %slice3A_246 = vector.extract_strided_slice %concatenate3A_244 {offsets = [0, 0], sizes = [512, 511], strides = [1, 1]} : vector<512x512xf32> to vector<512x511xf32>
    %concatenate3A_247 = tpu.concatenate %slice3A_245, %slice3A_246 in 1 : vector<512x1xf32>, vector<512x511xf32> -> vector<512x512xf32>
    %add3A_248 = arith.addf %sub3A_241, %concatenate3A_247 : vector<512x512xf32>
    %mul3A_249 = arith.constant 2.500000e-01 : f32
    %mul3A_250 = vector.broadcast %mul3A_249 : f32 to vector<512x512xf32>
    %mul3A_251 = arith.mulf %mul3A_250, %add3A_248 : vector<512x512xf32>
    %mul3A_252 = arith.mulf %add3A_216, %add3A_221 : vector<512x512xf32>
    %mul3A_253 = arith.mulf %mul3A_251, %mul3A_251 : vector<512x512xf32>
    %sub3A_254 = arith.subf %mul3A_252, %mul3A_253 : vector<512x512xf32>
    %slice3A_255 = vector.extract_strided_slice %sub3A_254 {offsets = [1, 0], sizes = [511, 512], strides = [1, 1]} : vector<512x512xf32> to vector<511x512xf32>
    %slice3A_256 = vector.extract_strided_slice %sub3A_254 {offsets = [511, 0], sizes = [1, 512], strides = [1, 1]} : vector<512x512xf32> to vector<1x512xf32>
    %concatenate3A_257 = tpu.concatenate %slice3A_255, %slice3A_256 in 0 : vector<511x512xf32>, vector<1x512xf32> -> vector<512x512xf32>
    %slice3A_258 = vector.extract_strided_slice %sub3A_254 {offsets = [0, 0], sizes = [1, 512], strides = [1, 1]} : vector<512x512xf32> to vector<1x512xf32>
    %slice3A_259 = vector.extract_strided_slice %sub3A_254 {offsets = [0, 0], sizes = [511, 512], strides = [1, 1]} : vector<512x512xf32> to vector<511x512xf32>
    %concatenate3A_260 = tpu.concatenate %slice3A_258, %slice3A_259 in 0 : vector<1x512xf32>, vector<511x512xf32> -> vector<512x512xf32>
    %max3A_261 = arith.maximumf %concatenate3A_257, %concatenate3A_260 : vector<512x512xf32>
    %max3A_262 = arith.maximumf %sub3A_254, %max3A_261 : vector<512x512xf32>
    %slice3A_263 = vector.extract_strided_slice %concatenate3A_257 {offsets = [1, 0], sizes = [511, 512], strides = [1, 1]} : vector<512x512xf32> to vector<511x512xf32>
    %slice3A_264 = vector.extract_strided_slice %concatenate3A_257 {offsets = [511, 0], sizes = [1, 512], strides = [1, 1]} : vector<512x512xf32> to vector<1x512xf32>
    %concatenate3A_265 = tpu.concatenate %slice3A_263, %slice3A_264 in 0 : vector<511x512xf32>, vector<1x512xf32> -> vector<512x512xf32>
    %slice3A_266 = vector.extract_strided_slice %concatenate3A_260 {offsets = [0, 0], sizes = [1, 512], strides = [1, 1]} : vector<512x512xf32> to vector<1x512xf32>
    %slice3A_267 = vector.extract_strided_slice %concatenate3A_260 {offsets = [0, 0], sizes = [511, 512], strides = [1, 1]} : vector<512x512xf32> to vector<511x512xf32>
    %concatenate3A_268 = tpu.concatenate %slice3A_266, %slice3A_267 in 0 : vector<1x512xf32>, vector<511x512xf32> -> vector<512x512xf32>
    %max3A_269 = arith.maximumf %concatenate3A_265, %concatenate3A_268 : vector<512x512xf32>
    %max3A_270 = arith.maximumf %max3A_262, %max3A_269 : vector<512x512xf32>
    %slice3A_271 = vector.extract_strided_slice %max3A_270 {offsets = [0, 1], sizes = [512, 511], strides = [1, 1]} : vector<512x512xf32> to vector<512x511xf32>
    %slice3A_272 = vector.extract_strided_slice %max3A_270 {offsets = [0, 511], sizes = [512, 1], strides = [1, 1]} : vector<512x512xf32> to vector<512x1xf32>
    %concatenate3A_273 = tpu.concatenate %slice3A_271, %slice3A_272 in 1 : vector<512x511xf32>, vector<512x1xf32> -> vector<512x512xf32>
    %slice3A_274 = vector.extract_strided_slice %max3A_270 {offsets = [0, 0], sizes = [512, 1], strides = [1, 1]} : vector<512x512xf32> to vector<512x1xf32>
    %slice3A_275 = vector.extract_strided_slice %max3A_270 {offsets = [0, 0], sizes = [512, 511], strides = [1, 1]} : vector<512x512xf32> to vector<512x511xf32>
    %concatenate3A_276 = tpu.concatenate %slice3A_274, %slice3A_275 in 1 : vector<512x1xf32>, vector<512x511xf32> -> vector<512x512xf32>
    %max3A_277 = arith.maximumf %concatenate3A_273, %concatenate3A_276 : vector<512x512xf32>
    %max3A_278 = arith.maximumf %max3A_270, %max3A_277 : vector<512x512xf32>
    %slice3A_279 = vector.extract_strided_slice %concatenate3A_273 {offsets = [0, 1], sizes = [512, 511], strides = [1, 1]} : vector<512x512xf32> to vector<512x511xf32>
    %slice3A_280 = vector.extract_strided_slice %concatenate3A_273 {offsets = [0, 511], sizes = [512, 1], strides = [1, 1]} : vector<512x512xf32> to vector<512x1xf32>
    %concatenate3A_281 = tpu.concatenate %slice3A_279, %slice3A_280 in 1 : vector<512x511xf32>, vector<512x1xf32> -> vector<512x512xf32>
    %slice3A_282 = vector.extract_strided_slice %concatenate3A_276 {offsets = [0, 0], sizes = [512, 1], strides = [1, 1]} : vector<512x512xf32> to vector<512x1xf32>
    %slice3A_283 = vector.extract_strided_slice %concatenate3A_276 {offsets = [0, 0], sizes = [512, 511], strides = [1, 1]} : vector<512x512xf32> to vector<512x511xf32>
    %concatenate3A_284 = tpu.concatenate %slice3A_282, %slice3A_283 in 1 : vector<512x1xf32>, vector<512x511xf32> -> vector<512x512xf32>
    %max3A_285 = arith.maximumf %concatenate3A_281, %concatenate3A_284 : vector<512x512xf32>
    %max3A_286 = arith.maximumf %max3A_278, %max3A_285 : vector<512x512xf32>
    %ge3A_287 = arith.cmpf oge, %sub3A_254, %max3A_286 : vector<512x512xf32>
    %gt3A_288 = arith.constant 1.000000e-03 : f32
    %gt3A_289 = vector.broadcast %gt3A_288 : f32 to vector<512x512xf32>
    %gt3A_290 = arith.cmpf ogt, %sub3A_254, %gt3A_289 : vector<512x512xf32>
    %and3A_291 = arith.andi %ge3A_287, %gt3A_290 : vector<512x512xi1>
    %jit3A_292 = arith.constant 0.000000e+00 : f32
    %broadcast_in_dim3A_293 = vector.broadcast %jit3A_292 : f32 to vector<512x512xf32>
    %select_n3A_294 = arith.select %and3A_291, %sub3A_254, %broadcast_in_dim3A_293 : vector<512x512xi1>, vector<512x512xf32>
    %max3A_295 = arith.maximumf %max3A_194, %select_n3A_294 : vector<512x512xf32>
    %slice3A_296 = vector.extract_strided_slice %scan3A_199 {offsets = [0, 1], sizes = [512, 511], strides = [1, 1]} : vector<512x512xf32> to vector<512x511xf32>
    %slice3A_297 = vector.extract_strided_slice %scan3A_199 {offsets = [0, 511], sizes = [512, 1], strides = [1, 1]} : vector<512x512xf32> to vector<512x1xf32>
    %concatenate3A_298 = tpu.concatenate %slice3A_296, %slice3A_297 in 1 : vector<512x511xf32>, vector<512x1xf32> -> vector<512x512xf32>
    %slice3A_299 = vector.extract_strided_slice %scan3A_199 {offsets = [0, 0], sizes = [512, 1], strides = [1, 1]} : vector<512x512xf32> to vector<512x1xf32>
    %slice3A_300 = vector.extract_strided_slice %scan3A_199 {offsets = [0, 0], sizes = [512, 511], strides = [1, 1]} : vector<512x512xf32> to vector<512x511xf32>
    %concatenate3A_301 = tpu.concatenate %slice3A_299, %slice3A_300 in 1 : vector<512x1xf32>, vector<512x511xf32> -> vector<512x512xf32>
    %sub3A_302 = arith.subf %concatenate3A_298, %concatenate3A_301 : vector<512x512xf32>
    %mul3A_303 = arith.constant 5.000000e-01 : f32
    %mul3A_304 = vector.broadcast %mul3A_303 : f32 to vector<512x512xf32>
    %mul3A_305 = arith.mulf %mul3A_304, %sub3A_302 : vector<512x512xf32>
    %slice3A_306 = vector.extract_strided_slice %scan3A_199 {offsets = [1, 0], sizes = [511, 512], strides = [1, 1]} : vector<512x512xf32> to vector<511x512xf32>
    %slice3A_307 = vector.extract_strided_slice %scan3A_199 {offsets = [511, 0], sizes = [1, 512], strides = [1, 1]} : vector<512x512xf32> to vector<1x512xf32>
    %concatenate3A_308 = tpu.concatenate %slice3A_306, %slice3A_307 in 0 : vector<511x512xf32>, vector<1x512xf32> -> vector<512x512xf32>
    %slice3A_309 = vector.extract_strided_slice %scan3A_199 {offsets = [0, 0], sizes = [1, 512], strides = [1, 1]} : vector<512x512xf32> to vector<1x512xf32>
    %slice3A_310 = vector.extract_strided_slice %scan3A_199 {offsets = [0, 0], sizes = [511, 512], strides = [1, 1]} : vector<512x512xf32> to vector<511x512xf32>
    %concatenate3A_311 = tpu.concatenate %slice3A_309, %slice3A_310 in 0 : vector<1x512xf32>, vector<511x512xf32> -> vector<512x512xf32>
    %sub3A_312 = arith.subf %concatenate3A_308, %concatenate3A_311 : vector<512x512xf32>
    %mul3A_313 = arith.constant 5.000000e-01 : f32
    %mul3A_314 = vector.broadcast %mul3A_313 : f32 to vector<512x512xf32>
    %mul3A_315 = arith.mulf %mul3A_314, %sub3A_312 : vector<512x512xf32>
    %mul3A_316 = arith.constant 0.159981251 : f32
    %mul3A_317 = vector.broadcast %mul3A_316 : f32 to vector<512x512xf32>
    %mul3A_318 = arith.mulf %mul3A_317, %mul3A_305 : vector<512x512xf32>
    %broadcast_in_dim3A_319 = arith.constant 0.000000e+00 : f32
    %broadcast_in_dim3A_320 = vector.broadcast %broadcast_in_dim3A_319 : f32 to vector<512x1xf32>
    %slice3A_321 = vector.extract_strided_slice %mul3A_305 {offsets = [0, 1], sizes = [512, 511], strides = [1, 1]} : vector<512x512xf32> to vector<512x511xf32>
    %concatenate3A_322 = tpu.concatenate %slice3A_321, %broadcast_in_dim3A_320 in 1 : vector<512x511xf32>, vector<512x1xf32> -> vector<512x512xf32>
    %broadcast_in_dim3A_323 = arith.constant 0.000000e+00 : f32
    %broadcast_in_dim3A_324 = vector.broadcast %broadcast_in_dim3A_323 : f32 to vector<512x1xf32>
    %slice3A_325 = vector.extract_strided_slice %mul3A_305 {offsets = [0, 0], sizes = [512, 511], strides = [1, 1]} : vector<512x512xf32> to vector<512x511xf32>
    %concatenate3A_326 = tpu.concatenate %broadcast_in_dim3A_324, %slice3A_325 in 1 : vector<512x1xf32>, vector<512x511xf32> -> vector<512x512xf32>
    %add3A_327 = arith.addf %concatenate3A_322, %concatenate3A_326 : vector<512x512xf32>
    %mul3A_328 = arith.constant 0.147681311 : f32
    %mul3A_329 = vector.broadcast %mul3A_328 : f32 to vector<512x512xf32>
    %mul3A_330 = arith.mulf %mul3A_329, %add3A_327 : vector<512x512xf32>
    %add3A_331 = arith.addf %mul3A_318, %mul3A_330 : vector<512x512xf32>
    %broadcast_in_dim3A_332 = arith.constant 0.000000e+00 : f32
    %broadcast_in_dim3A_333 = vector.broadcast %broadcast_in_dim3A_332 : f32 to vector<512x2xf32>
    %slice3A_334 = vector.extract_strided_slice %mul3A_305 {offsets = [0, 2], sizes = [512, 510], strides = [1, 1]} : vector<512x512xf32> to vector<512x510xf32>
    %concatenate3A_335 = tpu.concatenate %slice3A_334, %broadcast_in_dim3A_333 in 1 : vector<512x510xf32>, vector<512x2xf32> -> vector<512x512xf32>
    %broadcast_in_dim3A_336 = arith.constant 0.000000e+00 : f32
    %broadcast_in_dim3A_337 = vector.broadcast %broadcast_in_dim3A_336 : f32 to vector<512x2xf32>
    %slice3A_338 = vector.extract_strided_slice %mul3A_305 {offsets = [0, 0], sizes = [512, 510], strides = [1, 1]} : vector<512x512xf32> to vector<512x510xf32>
    %concatenate3A_339 = tpu.concatenate %broadcast_in_dim3A_337, %slice3A_338 in 1 : vector<512x2xf32>, vector<512x510xf32> -> vector<512x512xf32>
    %add3A_340 = arith.addf %concatenate3A_335, %concatenate3A_339 : vector<512x512xf32>
    %mul3A_341 = arith.constant 0.116170228 : f32
    %mul3A_342 = vector.broadcast %mul3A_341 : f32 to vector<512x512xf32>
    %mul3A_343 = arith.mulf %mul3A_342, %add3A_340 : vector<512x512xf32>
    %add3A_344 = arith.addf %add3A_331, %mul3A_343 : vector<512x512xf32>
    %broadcast_in_dim3A_345 = arith.constant 0.000000e+00 : f32
    %broadcast_in_dim3A_346 = vector.broadcast %broadcast_in_dim3A_345 : f32 to vector<512x3xf32>
    %slice3A_347 = vector.extract_strided_slice %mul3A_305 {offsets = [0, 3], sizes = [512, 509], strides = [1, 1]} : vector<512x512xf32> to vector<512x509xf32>
    %concatenate3A_348 = tpu.concatenate %slice3A_347, %broadcast_in_dim3A_346 in 1 : vector<512x509xf32>, vector<512x3xf32> -> vector<512x512xf32>
    %broadcast_in_dim3A_349 = arith.constant 0.000000e+00 : f32
    %broadcast_in_dim3A_350 = vector.broadcast %broadcast_in_dim3A_349 : f32 to vector<512x3xf32>
    %slice3A_351 = vector.extract_strided_slice %mul3A_305 {offsets = [0, 0], sizes = [512, 509], strides = [1, 1]} : vector<512x512xf32> to vector<512x509xf32>
    %concatenate3A_352 = tpu.concatenate %broadcast_in_dim3A_350, %slice3A_351 in 1 : vector<512x3xf32>, vector<512x509xf32> -> vector<512x512xf32>
    %add3A_353 = arith.addf %concatenate3A_348, %concatenate3A_352 : vector<512x512xf32>
    %mul3A_354 = arith.constant 0.0778712332 : f32
    %mul3A_355 = vector.broadcast %mul3A_354 : f32 to vector<512x512xf32>
    %mul3A_356 = arith.mulf %mul3A_355, %add3A_353 : vector<512x512xf32>
    %add3A_357 = arith.addf %add3A_344, %mul3A_356 : vector<512x512xf32>
    %broadcast_in_dim3A_358 = arith.constant 0.000000e+00 : f32
    %broadcast_in_dim3A_359 = vector.broadcast %broadcast_in_dim3A_358 : f32 to vector<512x4xf32>
    %slice3A_360 = vector.extract_strided_slice %mul3A_305 {offsets = [0, 4], sizes = [512, 508], strides = [1, 1]} : vector<512x512xf32> to vector<512x508xf32>
    %concatenate3A_361 = tpu.concatenate %slice3A_360, %broadcast_in_dim3A_359 in 1 : vector<512x508xf32>, vector<512x4xf32> -> vector<512x512xf32>
    %broadcast_in_dim3A_362 = arith.constant 0.000000e+00 : f32
    %broadcast_in_dim3A_363 = vector.broadcast %broadcast_in_dim3A_362 : f32 to vector<512x4xf32>
    %slice3A_364 = vector.extract_strided_slice %mul3A_305 {offsets = [0, 0], sizes = [512, 508], strides = [1, 1]} : vector<512x512xf32> to vector<512x508xf32>
    %concatenate3A_365 = tpu.concatenate %broadcast_in_dim3A_363, %slice3A_364 in 1 : vector<512x4xf32>, vector<512x508xf32> -> vector<512x512xf32>
    %add3A_366 = arith.addf %concatenate3A_361, %concatenate3A_365 : vector<512x512xf32>
    %mul3A_367 = arith.constant 0.0444807559 : f32
    %mul3A_368 = vector.broadcast %mul3A_367 : f32 to vector<512x512xf32>
    %mul3A_369 = arith.mulf %mul3A_368, %add3A_366 : vector<512x512xf32>
    %add3A_370 = arith.addf %add3A_357, %mul3A_369 : vector<512x512xf32>
    %broadcast_in_dim3A_371 = arith.constant 0.000000e+00 : f32
    %broadcast_in_dim3A_372 = vector.broadcast %broadcast_in_dim3A_371 : f32 to vector<512x5xf32>
    %slice3A_373 = vector.extract_strided_slice %mul3A_305 {offsets = [0, 5], sizes = [512, 507], strides = [1, 1]} : vector<512x512xf32> to vector<512x507xf32>
    %concatenate3A_374 = tpu.concatenate %slice3A_373, %broadcast_in_dim3A_372 in 1 : vector<512x507xf32>, vector<512x5xf32> -> vector<512x512xf32>
    %broadcast_in_dim3A_375 = arith.constant 0.000000e+00 : f32
    %broadcast_in_dim3A_376 = vector.broadcast %broadcast_in_dim3A_375 : f32 to vector<512x5xf32>
    %slice3A_377 = vector.extract_strided_slice %mul3A_305 {offsets = [0, 0], sizes = [512, 507], strides = [1, 1]} : vector<512x512xf32> to vector<512x507xf32>
    %concatenate3A_378 = tpu.concatenate %broadcast_in_dim3A_376, %slice3A_377 in 1 : vector<512x5xf32>, vector<512x507xf32> -> vector<512x512xf32>
    %add3A_379 = arith.addf %concatenate3A_374, %concatenate3A_378 : vector<512x512xf32>
    %mul3A_380 = arith.constant 0.0216511078 : f32
    %mul3A_381 = vector.broadcast %mul3A_380 : f32 to vector<512x512xf32>
    %mul3A_382 = arith.mulf %mul3A_381, %add3A_379 : vector<512x512xf32>
    %add3A_383 = arith.addf %add3A_370, %mul3A_382 : vector<512x512xf32>
    %broadcast_in_dim3A_384 = arith.constant 0.000000e+00 : f32
    %broadcast_in_dim3A_385 = vector.broadcast %broadcast_in_dim3A_384 : f32 to vector<512x6xf32>
    %slice3A_386 = vector.extract_strided_slice %mul3A_305 {offsets = [0, 6], sizes = [512, 506], strides = [1, 1]} : vector<512x512xf32> to vector<512x506xf32>
    %concatenate3A_387 = tpu.concatenate %slice3A_386, %broadcast_in_dim3A_385 in 1 : vector<512x506xf32>, vector<512x6xf32> -> vector<512x512xf32>
    %broadcast_in_dim3A_388 = arith.constant 0.000000e+00 : f32
    %broadcast_in_dim3A_389 = vector.broadcast %broadcast_in_dim3A_388 : f32 to vector<512x6xf32>
    %slice3A_390 = vector.extract_strided_slice %mul3A_305 {offsets = [0, 0], sizes = [512, 506], strides = [1, 1]} : vector<512x512xf32> to vector<512x506xf32>
    %concatenate3A_391 = tpu.concatenate %broadcast_in_dim3A_389, %slice3A_390 in 1 : vector<512x6xf32>, vector<512x506xf32> -> vector<512x512xf32>
    %add3A_392 = arith.addf %concatenate3A_387, %concatenate3A_391 : vector<512x512xf32>
    %mul3A_393 = arith.constant 8.980510e-03 : f32
    %mul3A_394 = vector.broadcast %mul3A_393 : f32 to vector<512x512xf32>
    %mul3A_395 = arith.mulf %mul3A_394, %add3A_392 : vector<512x512xf32>
    %add3A_396 = arith.addf %add3A_383, %mul3A_395 : vector<512x512xf32>
    %broadcast_in_dim3A_397 = arith.constant 0.000000e+00 : f32
    %broadcast_in_dim3A_398 = vector.broadcast %broadcast_in_dim3A_397 : f32 to vector<512x7xf32>
    %slice3A_399 = vector.extract_strided_slice %mul3A_305 {offsets = [0, 7], sizes = [512, 505], strides = [1, 1]} : vector<512x512xf32> to vector<512x505xf32>
    %concatenate3A_400 = tpu.concatenate %slice3A_399, %broadcast_in_dim3A_398 in 1 : vector<512x505xf32>, vector<512x7xf32> -> vector<512x512xf32>
    %broadcast_in_dim3A_401 = arith.constant 0.000000e+00 : f32
    %broadcast_in_dim3A_402 = vector.broadcast %broadcast_in_dim3A_401 : f32 to vector<512x7xf32>
    %slice3A_403 = vector.extract_strided_slice %mul3A_305 {offsets = [0, 0], sizes = [512, 505], strides = [1, 1]} : vector<512x512xf32> to vector<512x505xf32>
    %concatenate3A_404 = tpu.concatenate %broadcast_in_dim3A_402, %slice3A_403 in 1 : vector<512x7xf32>, vector<512x505xf32> -> vector<512x512xf32>
    %add3A_405 = arith.addf %concatenate3A_400, %concatenate3A_404 : vector<512x512xf32>
    %mul3A_406 = arith.constant 0.00317420322 : f32
    %mul3A_407 = vector.broadcast %mul3A_406 : f32 to vector<512x512xf32>
    %mul3A_408 = arith.mulf %mul3A_407, %add3A_405 : vector<512x512xf32>
    %add3A_409 = arith.addf %add3A_396, %mul3A_408 : vector<512x512xf32>
    %mul3A_410 = arith.constant 0.159981251 : f32
    %mul3A_411 = vector.broadcast %mul3A_410 : f32 to vector<512x512xf32>
    %mul3A_412 = arith.mulf %mul3A_411, %add3A_409 : vector<512x512xf32>
    %broadcast_in_dim3A_413 = arith.constant 0.000000e+00 : f32
    %broadcast_in_dim3A_414 = vector.broadcast %broadcast_in_dim3A_413 : f32 to vector<1x512xf32>
    %slice3A_415 = vector.extract_strided_slice %add3A_409 {offsets = [1, 0], sizes = [511, 512], strides = [1, 1]} : vector<512x512xf32> to vector<511x512xf32>
    %concatenate3A_416 = tpu.concatenate %slice3A_415, %broadcast_in_dim3A_414 in 0 : vector<511x512xf32>, vector<1x512xf32> -> vector<512x512xf32>
    %broadcast_in_dim3A_417 = arith.constant 0.000000e+00 : f32
    %broadcast_in_dim3A_418 = vector.broadcast %broadcast_in_dim3A_417 : f32 to vector<1x512xf32>
    %slice3A_419 = vector.extract_strided_slice %add3A_409 {offsets = [0, 0], sizes = [511, 512], strides = [1, 1]} : vector<512x512xf32> to vector<511x512xf32>
    %concatenate3A_420 = tpu.concatenate %broadcast_in_dim3A_418, %slice3A_419 in 0 : vector<1x512xf32>, vector<511x512xf32> -> vector<512x512xf32>
    %add3A_421 = arith.addf %concatenate3A_416, %concatenate3A_420 : vector<512x512xf32>
    %mul3A_422 = arith.constant 0.147681311 : f32
    %mul3A_423 = vector.broadcast %mul3A_422 : f32 to vector<512x512xf32>
    %mul3A_424 = arith.mulf %mul3A_423, %add3A_421 : vector<512x512xf32>
    %add3A_425 = arith.addf %mul3A_412, %mul3A_424 : vector<512x512xf32>
    %broadcast_in_dim3A_426 = arith.constant 0.000000e+00 : f32
    %broadcast_in_dim3A_427 = vector.broadcast %broadcast_in_dim3A_426 : f32 to vector<2x512xf32>
    %slice3A_428 = vector.extract_strided_slice %add3A_409 {offsets = [2, 0], sizes = [510, 512], strides = [1, 1]} : vector<512x512xf32> to vector<510x512xf32>
    %concatenate3A_429 = tpu.concatenate %slice3A_428, %broadcast_in_dim3A_427 in 0 : vector<510x512xf32>, vector<2x512xf32> -> vector<512x512xf32>
    %broadcast_in_dim3A_430 = arith.constant 0.000000e+00 : f32
    %broadcast_in_dim3A_431 = vector.broadcast %broadcast_in_dim3A_430 : f32 to vector<2x512xf32>
    %slice3A_432 = vector.extract_strided_slice %add3A_409 {offsets = [0, 0], sizes = [510, 512], strides = [1, 1]} : vector<512x512xf32> to vector<510x512xf32>
    %concatenate3A_433 = tpu.concatenate %broadcast_in_dim3A_431, %slice3A_432 in 0 : vector<2x512xf32>, vector<510x512xf32> -> vector<512x512xf32>
    %add3A_434 = arith.addf %concatenate3A_429, %concatenate3A_433 : vector<512x512xf32>
    %mul3A_435 = arith.constant 0.116170228 : f32
    %mul3A_436 = vector.broadcast %mul3A_435 : f32 to vector<512x512xf32>
    %mul3A_437 = arith.mulf %mul3A_436, %add3A_434 : vector<512x512xf32>
    %add3A_438 = arith.addf %add3A_425, %mul3A_437 : vector<512x512xf32>
    %broadcast_in_dim3A_439 = arith.constant 0.000000e+00 : f32
    %broadcast_in_dim3A_440 = vector.broadcast %broadcast_in_dim3A_439 : f32 to vector<3x512xf32>
    %slice3A_441 = vector.extract_strided_slice %add3A_409 {offsets = [3, 0], sizes = [509, 512], strides = [1, 1]} : vector<512x512xf32> to vector<509x512xf32>
    %concatenate3A_442 = tpu.concatenate %slice3A_441, %broadcast_in_dim3A_440 in 0 : vector<509x512xf32>, vector<3x512xf32> -> vector<512x512xf32>
    %broadcast_in_dim3A_443 = arith.constant 0.000000e+00 : f32
    %broadcast_in_dim3A_444 = vector.broadcast %broadcast_in_dim3A_443 : f32 to vector<3x512xf32>
    %slice3A_445 = vector.extract_strided_slice %add3A_409 {offsets = [0, 0], sizes = [509, 512], strides = [1, 1]} : vector<512x512xf32> to vector<509x512xf32>
    %concatenate3A_446 = tpu.concatenate %broadcast_in_dim3A_444, %slice3A_445 in 0 : vector<3x512xf32>, vector<509x512xf32> -> vector<512x512xf32>
    %add3A_447 = arith.addf %concatenate3A_442, %concatenate3A_446 : vector<512x512xf32>
    %mul3A_448 = arith.constant 0.0778712332 : f32
    %mul3A_449 = vector.broadcast %mul3A_448 : f32 to vector<512x512xf32>
    %mul3A_450 = arith.mulf %mul3A_449, %add3A_447 : vector<512x512xf32>
    %add3A_451 = arith.addf %add3A_438, %mul3A_450 : vector<512x512xf32>
    %broadcast_in_dim3A_452 = arith.constant 0.000000e+00 : f32
    %broadcast_in_dim3A_453 = vector.broadcast %broadcast_in_dim3A_452 : f32 to vector<4x512xf32>
    %slice3A_454 = vector.extract_strided_slice %add3A_409 {offsets = [4, 0], sizes = [508, 512], strides = [1, 1]} : vector<512x512xf32> to vector<508x512xf32>
    %concatenate3A_455 = tpu.concatenate %slice3A_454, %broadcast_in_dim3A_453 in 0 : vector<508x512xf32>, vector<4x512xf32> -> vector<512x512xf32>
    %broadcast_in_dim3A_456 = arith.constant 0.000000e+00 : f32
    %broadcast_in_dim3A_457 = vector.broadcast %broadcast_in_dim3A_456 : f32 to vector<4x512xf32>
    %slice3A_458 = vector.extract_strided_slice %add3A_409 {offsets = [0, 0], sizes = [508, 512], strides = [1, 1]} : vector<512x512xf32> to vector<508x512xf32>
    %concatenate3A_459 = tpu.concatenate %broadcast_in_dim3A_457, %slice3A_458 in 0 : vector<4x512xf32>, vector<508x512xf32> -> vector<512x512xf32>
    %add3A_460 = arith.addf %concatenate3A_455, %concatenate3A_459 : vector<512x512xf32>
    %mul3A_461 = arith.constant 0.0444807559 : f32
    %mul3A_462 = vector.broadcast %mul3A_461 : f32 to vector<512x512xf32>
    %mul3A_463 = arith.mulf %mul3A_462, %add3A_460 : vector<512x512xf32>
    %add3A_464 = arith.addf %add3A_451, %mul3A_463 : vector<512x512xf32>
    %broadcast_in_dim3A_465 = arith.constant 0.000000e+00 : f32
    %broadcast_in_dim3A_466 = vector.broadcast %broadcast_in_dim3A_465 : f32 to vector<5x512xf32>
    %slice3A_467 = vector.extract_strided_slice %add3A_409 {offsets = [5, 0], sizes = [507, 512], strides = [1, 1]} : vector<512x512xf32> to vector<507x512xf32>
    %concatenate3A_468 = tpu.concatenate %slice3A_467, %broadcast_in_dim3A_466 in 0 : vector<507x512xf32>, vector<5x512xf32> -> vector<512x512xf32>
    %broadcast_in_dim3A_469 = arith.constant 0.000000e+00 : f32
    %broadcast_in_dim3A_470 = vector.broadcast %broadcast_in_dim3A_469 : f32 to vector<5x512xf32>
    %slice3A_471 = vector.extract_strided_slice %add3A_409 {offsets = [0, 0], sizes = [507, 512], strides = [1, 1]} : vector<512x512xf32> to vector<507x512xf32>
    %concatenate3A_472 = tpu.concatenate %broadcast_in_dim3A_470, %slice3A_471 in 0 : vector<5x512xf32>, vector<507x512xf32> -> vector<512x512xf32>
    %add3A_473 = arith.addf %concatenate3A_468, %concatenate3A_472 : vector<512x512xf32>
    %mul3A_474 = arith.constant 0.0216511078 : f32
    %mul3A_475 = vector.broadcast %mul3A_474 : f32 to vector<512x512xf32>
    %mul3A_476 = arith.mulf %mul3A_475, %add3A_473 : vector<512x512xf32>
    %add3A_477 = arith.addf %add3A_464, %mul3A_476 : vector<512x512xf32>
    %broadcast_in_dim3A_478 = arith.constant 0.000000e+00 : f32
    %broadcast_in_dim3A_479 = vector.broadcast %broadcast_in_dim3A_478 : f32 to vector<6x512xf32>
    %slice3A_480 = vector.extract_strided_slice %add3A_409 {offsets = [6, 0], sizes = [506, 512], strides = [1, 1]} : vector<512x512xf32> to vector<506x512xf32>
    %concatenate3A_481 = tpu.concatenate %slice3A_480, %broadcast_in_dim3A_479 in 0 : vector<506x512xf32>, vector<6x512xf32> -> vector<512x512xf32>
    %broadcast_in_dim3A_482 = arith.constant 0.000000e+00 : f32
    %broadcast_in_dim3A_483 = vector.broadcast %broadcast_in_dim3A_482 : f32 to vector<6x512xf32>
    %slice3A_484 = vector.extract_strided_slice %add3A_409 {offsets = [0, 0], sizes = [506, 512], strides = [1, 1]} : vector<512x512xf32> to vector<506x512xf32>
    %concatenate3A_485 = tpu.concatenate %broadcast_in_dim3A_483, %slice3A_484 in 0 : vector<6x512xf32>, vector<506x512xf32> -> vector<512x512xf32>
    %add3A_486 = arith.addf %concatenate3A_481, %concatenate3A_485 : vector<512x512xf32>
    %mul3A_487 = arith.constant 8.980510e-03 : f32
    %mul3A_488 = vector.broadcast %mul3A_487 : f32 to vector<512x512xf32>
    %mul3A_489 = arith.mulf %mul3A_488, %add3A_486 : vector<512x512xf32>
    %add3A_490 = arith.addf %add3A_477, %mul3A_489 : vector<512x512xf32>
    %broadcast_in_dim3A_491 = arith.constant 0.000000e+00 : f32
    %broadcast_in_dim3A_492 = vector.broadcast %broadcast_in_dim3A_491 : f32 to vector<7x512xf32>
    %slice3A_493 = vector.extract_strided_slice %add3A_409 {offsets = [7, 0], sizes = [505, 512], strides = [1, 1]} : vector<512x512xf32> to vector<505x512xf32>
    %concatenate3A_494 = tpu.concatenate %slice3A_493, %broadcast_in_dim3A_492 in 0 : vector<505x512xf32>, vector<7x512xf32> -> vector<512x512xf32>
    %broadcast_in_dim3A_495 = arith.constant 0.000000e+00 : f32
    %broadcast_in_dim3A_496 = vector.broadcast %broadcast_in_dim3A_495 : f32 to vector<7x512xf32>
    %slice3A_497 = vector.extract_strided_slice %add3A_409 {offsets = [0, 0], sizes = [505, 512], strides = [1, 1]} : vector<512x512xf32> to vector<505x512xf32>
    %concatenate3A_498 = tpu.concatenate %broadcast_in_dim3A_496, %slice3A_497 in 0 : vector<7x512xf32>, vector<505x512xf32> -> vector<512x512xf32>
    %add3A_499 = arith.addf %concatenate3A_494, %concatenate3A_498 : vector<512x512xf32>
    %mul3A_500 = arith.constant 0.00317420322 : f32
    %mul3A_501 = vector.broadcast %mul3A_500 : f32 to vector<512x512xf32>
    %mul3A_502 = arith.mulf %mul3A_501, %add3A_499 : vector<512x512xf32>
    %add3A_503 = arith.addf %add3A_490, %mul3A_502 : vector<512x512xf32>
    %mul3A_504 = arith.constant 0.159981251 : f32
    %mul3A_505 = vector.broadcast %mul3A_504 : f32 to vector<512x512xf32>
    %mul3A_506 = arith.mulf %mul3A_505, %mul3A_315 : vector<512x512xf32>
    %broadcast_in_dim3A_507 = arith.constant 0.000000e+00 : f32
    %broadcast_in_dim3A_508 = vector.broadcast %broadcast_in_dim3A_507 : f32 to vector<512x1xf32>
    %slice3A_509 = vector.extract_strided_slice %mul3A_315 {offsets = [0, 1], sizes = [512, 511], strides = [1, 1]} : vector<512x512xf32> to vector<512x511xf32>
    %concatenate3A_510 = tpu.concatenate %slice3A_509, %broadcast_in_dim3A_508 in 1 : vector<512x511xf32>, vector<512x1xf32> -> vector<512x512xf32>
    %broadcast_in_dim3A_511 = arith.constant 0.000000e+00 : f32
    %broadcast_in_dim3A_512 = vector.broadcast %broadcast_in_dim3A_511 : f32 to vector<512x1xf32>
    %slice3A_513 = vector.extract_strided_slice %mul3A_315 {offsets = [0, 0], sizes = [512, 511], strides = [1, 1]} : vector<512x512xf32> to vector<512x511xf32>
    %concatenate3A_514 = tpu.concatenate %broadcast_in_dim3A_512, %slice3A_513 in 1 : vector<512x1xf32>, vector<512x511xf32> -> vector<512x512xf32>
    %add3A_515 = arith.addf %concatenate3A_510, %concatenate3A_514 : vector<512x512xf32>
    %mul3A_516 = arith.constant 0.147681311 : f32
    %mul3A_517 = vector.broadcast %mul3A_516 : f32 to vector<512x512xf32>
    %mul3A_518 = arith.mulf %mul3A_517, %add3A_515 : vector<512x512xf32>
    %add3A_519 = arith.addf %mul3A_506, %mul3A_518 : vector<512x512xf32>
    %broadcast_in_dim3A_520 = arith.constant 0.000000e+00 : f32
    %broadcast_in_dim3A_521 = vector.broadcast %broadcast_in_dim3A_520 : f32 to vector<512x2xf32>
    %slice3A_522 = vector.extract_strided_slice %mul3A_315 {offsets = [0, 2], sizes = [512, 510], strides = [1, 1]} : vector<512x512xf32> to vector<512x510xf32>
    %concatenate3A_523 = tpu.concatenate %slice3A_522, %broadcast_in_dim3A_521 in 1 : vector<512x510xf32>, vector<512x2xf32> -> vector<512x512xf32>
    %broadcast_in_dim3A_524 = arith.constant 0.000000e+00 : f32
    %broadcast_in_dim3A_525 = vector.broadcast %broadcast_in_dim3A_524 : f32 to vector<512x2xf32>
    %slice3A_526 = vector.extract_strided_slice %mul3A_315 {offsets = [0, 0], sizes = [512, 510], strides = [1, 1]} : vector<512x512xf32> to vector<512x510xf32>
    %concatenate3A_527 = tpu.concatenate %broadcast_in_dim3A_525, %slice3A_526 in 1 : vector<512x2xf32>, vector<512x510xf32> -> vector<512x512xf32>
    %add3A_528 = arith.addf %concatenate3A_523, %concatenate3A_527 : vector<512x512xf32>
    %mul3A_529 = arith.constant 0.116170228 : f32
    %mul3A_530 = vector.broadcast %mul3A_529 : f32 to vector<512x512xf32>
    %mul3A_531 = arith.mulf %mul3A_530, %add3A_528 : vector<512x512xf32>
    %add3A_532 = arith.addf %add3A_519, %mul3A_531 : vector<512x512xf32>
    %broadcast_in_dim3A_533 = arith.constant 0.000000e+00 : f32
    %broadcast_in_dim3A_534 = vector.broadcast %broadcast_in_dim3A_533 : f32 to vector<512x3xf32>
    %slice3A_535 = vector.extract_strided_slice %mul3A_315 {offsets = [0, 3], sizes = [512, 509], strides = [1, 1]} : vector<512x512xf32> to vector<512x509xf32>
    %concatenate3A_536 = tpu.concatenate %slice3A_535, %broadcast_in_dim3A_534 in 1 : vector<512x509xf32>, vector<512x3xf32> -> vector<512x512xf32>
    %broadcast_in_dim3A_537 = arith.constant 0.000000e+00 : f32
    %broadcast_in_dim3A_538 = vector.broadcast %broadcast_in_dim3A_537 : f32 to vector<512x3xf32>
    %slice3A_539 = vector.extract_strided_slice %mul3A_315 {offsets = [0, 0], sizes = [512, 509], strides = [1, 1]} : vector<512x512xf32> to vector<512x509xf32>
    %concatenate3A_540 = tpu.concatenate %broadcast_in_dim3A_538, %slice3A_539 in 1 : vector<512x3xf32>, vector<512x509xf32> -> vector<512x512xf32>
    %add3A_541 = arith.addf %concatenate3A_536, %concatenate3A_540 : vector<512x512xf32>
    %mul3A_542 = arith.constant 0.0778712332 : f32
    %mul3A_543 = vector.broadcast %mul3A_542 : f32 to vector<512x512xf32>
    %mul3A_544 = arith.mulf %mul3A_543, %add3A_541 : vector<512x512xf32>
    %add3A_545 = arith.addf %add3A_532, %mul3A_544 : vector<512x512xf32>
    %broadcast_in_dim3A_546 = arith.constant 0.000000e+00 : f32
    %broadcast_in_dim3A_547 = vector.broadcast %broadcast_in_dim3A_546 : f32 to vector<512x4xf32>
    %slice3A_548 = vector.extract_strided_slice %mul3A_315 {offsets = [0, 4], sizes = [512, 508], strides = [1, 1]} : vector<512x512xf32> to vector<512x508xf32>
    %concatenate3A_549 = tpu.concatenate %slice3A_548, %broadcast_in_dim3A_547 in 1 : vector<512x508xf32>, vector<512x4xf32> -> vector<512x512xf32>
    %broadcast_in_dim3A_550 = arith.constant 0.000000e+00 : f32
    %broadcast_in_dim3A_551 = vector.broadcast %broadcast_in_dim3A_550 : f32 to vector<512x4xf32>
    %slice3A_552 = vector.extract_strided_slice %mul3A_315 {offsets = [0, 0], sizes = [512, 508], strides = [1, 1]} : vector<512x512xf32> to vector<512x508xf32>
    %concatenate3A_553 = tpu.concatenate %broadcast_in_dim3A_551, %slice3A_552 in 1 : vector<512x4xf32>, vector<512x508xf32> -> vector<512x512xf32>
    %add3A_554 = arith.addf %concatenate3A_549, %concatenate3A_553 : vector<512x512xf32>
    %mul3A_555 = arith.constant 0.0444807559 : f32
    %mul3A_556 = vector.broadcast %mul3A_555 : f32 to vector<512x512xf32>
    %mul3A_557 = arith.mulf %mul3A_556, %add3A_554 : vector<512x512xf32>
    %add3A_558 = arith.addf %add3A_545, %mul3A_557 : vector<512x512xf32>
    %broadcast_in_dim3A_559 = arith.constant 0.000000e+00 : f32
    %broadcast_in_dim3A_560 = vector.broadcast %broadcast_in_dim3A_559 : f32 to vector<512x5xf32>
    %slice3A_561 = vector.extract_strided_slice %mul3A_315 {offsets = [0, 5], sizes = [512, 507], strides = [1, 1]} : vector<512x512xf32> to vector<512x507xf32>
    %concatenate3A_562 = tpu.concatenate %slice3A_561, %broadcast_in_dim3A_560 in 1 : vector<512x507xf32>, vector<512x5xf32> -> vector<512x512xf32>
    %broadcast_in_dim3A_563 = arith.constant 0.000000e+00 : f32
    %broadcast_in_dim3A_564 = vector.broadcast %broadcast_in_dim3A_563 : f32 to vector<512x5xf32>
    %slice3A_565 = vector.extract_strided_slice %mul3A_315 {offsets = [0, 0], sizes = [512, 507], strides = [1, 1]} : vector<512x512xf32> to vector<512x507xf32>
    %concatenate3A_566 = tpu.concatenate %broadcast_in_dim3A_564, %slice3A_565 in 1 : vector<512x5xf32>, vector<512x507xf32> -> vector<512x512xf32>
    %add3A_567 = arith.addf %concatenate3A_562, %concatenate3A_566 : vector<512x512xf32>
    %mul3A_568 = arith.constant 0.0216511078 : f32
    %mul3A_569 = vector.broadcast %mul3A_568 : f32 to vector<512x512xf32>
    %mul3A_570 = arith.mulf %mul3A_569, %add3A_567 : vector<512x512xf32>
    %add3A_571 = arith.addf %add3A_558, %mul3A_570 : vector<512x512xf32>
    %broadcast_in_dim3A_572 = arith.constant 0.000000e+00 : f32
    %broadcast_in_dim3A_573 = vector.broadcast %broadcast_in_dim3A_572 : f32 to vector<512x6xf32>
    %slice3A_574 = vector.extract_strided_slice %mul3A_315 {offsets = [0, 6], sizes = [512, 506], strides = [1, 1]} : vector<512x512xf32> to vector<512x506xf32>
    %concatenate3A_575 = tpu.concatenate %slice3A_574, %broadcast_in_dim3A_573 in 1 : vector<512x506xf32>, vector<512x6xf32> -> vector<512x512xf32>
    %broadcast_in_dim3A_576 = arith.constant 0.000000e+00 : f32
    %broadcast_in_dim3A_577 = vector.broadcast %broadcast_in_dim3A_576 : f32 to vector<512x6xf32>
    %slice3A_578 = vector.extract_strided_slice %mul3A_315 {offsets = [0, 0], sizes = [512, 506], strides = [1, 1]} : vector<512x512xf32> to vector<512x506xf32>
    %concatenate3A_579 = tpu.concatenate %broadcast_in_dim3A_577, %slice3A_578 in 1 : vector<512x6xf32>, vector<512x506xf32> -> vector<512x512xf32>
    %add3A_580 = arith.addf %concatenate3A_575, %concatenate3A_579 : vector<512x512xf32>
    %mul3A_581 = arith.constant 8.980510e-03 : f32
    %mul3A_582 = vector.broadcast %mul3A_581 : f32 to vector<512x512xf32>
    %mul3A_583 = arith.mulf %mul3A_582, %add3A_580 : vector<512x512xf32>
    %add3A_584 = arith.addf %add3A_571, %mul3A_583 : vector<512x512xf32>
    %broadcast_in_dim3A_585 = arith.constant 0.000000e+00 : f32
    %broadcast_in_dim3A_586 = vector.broadcast %broadcast_in_dim3A_585 : f32 to vector<512x7xf32>
    %slice3A_587 = vector.extract_strided_slice %mul3A_315 {offsets = [0, 7], sizes = [512, 505], strides = [1, 1]} : vector<512x512xf32> to vector<512x505xf32>
    %concatenate3A_588 = tpu.concatenate %slice3A_587, %broadcast_in_dim3A_586 in 1 : vector<512x505xf32>, vector<512x7xf32> -> vector<512x512xf32>
    %broadcast_in_dim3A_589 = arith.constant 0.000000e+00 : f32
    %broadcast_in_dim3A_590 = vector.broadcast %broadcast_in_dim3A_589 : f32 to vector<512x7xf32>
    %slice3A_591 = vector.extract_strided_slice %mul3A_315 {offsets = [0, 0], sizes = [512, 505], strides = [1, 1]} : vector<512x512xf32> to vector<512x505xf32>
    %concatenate3A_592 = tpu.concatenate %broadcast_in_dim3A_590, %slice3A_591 in 1 : vector<512x7xf32>, vector<512x505xf32> -> vector<512x512xf32>
    %add3A_593 = arith.addf %concatenate3A_588, %concatenate3A_592 : vector<512x512xf32>
    %mul3A_594 = arith.constant 0.00317420322 : f32
    %mul3A_595 = vector.broadcast %mul3A_594 : f32 to vector<512x512xf32>
    %mul3A_596 = arith.mulf %mul3A_595, %add3A_593 : vector<512x512xf32>
    %add3A_597 = arith.addf %add3A_584, %mul3A_596 : vector<512x512xf32>
    %mul3A_598 = arith.constant 0.159981251 : f32
    %mul3A_599 = vector.broadcast %mul3A_598 : f32 to vector<512x512xf32>
    %mul3A_600 = arith.mulf %mul3A_599, %add3A_597 : vector<512x512xf32>
    %broadcast_in_dim3A_601 = arith.constant 0.000000e+00 : f32
    %broadcast_in_dim3A_602 = vector.broadcast %broadcast_in_dim3A_601 : f32 to vector<1x512xf32>
    %slice3A_603 = vector.extract_strided_slice %add3A_597 {offsets = [1, 0], sizes = [511, 512], strides = [1, 1]} : vector<512x512xf32> to vector<511x512xf32>
    %concatenate3A_604 = tpu.concatenate %slice3A_603, %broadcast_in_dim3A_602 in 0 : vector<511x512xf32>, vector<1x512xf32> -> vector<512x512xf32>
    %broadcast_in_dim3A_605 = arith.constant 0.000000e+00 : f32
    %broadcast_in_dim3A_606 = vector.broadcast %broadcast_in_dim3A_605 : f32 to vector<1x512xf32>
    %slice3A_607 = vector.extract_strided_slice %add3A_597 {offsets = [0, 0], sizes = [511, 512], strides = [1, 1]} : vector<512x512xf32> to vector<511x512xf32>
    %concatenate3A_608 = tpu.concatenate %broadcast_in_dim3A_606, %slice3A_607 in 0 : vector<1x512xf32>, vector<511x512xf32> -> vector<512x512xf32>
    %add3A_609 = arith.addf %concatenate3A_604, %concatenate3A_608 : vector<512x512xf32>
    %mul3A_610 = arith.constant 0.147681311 : f32
    %mul3A_611 = vector.broadcast %mul3A_610 : f32 to vector<512x512xf32>
    %mul3A_612 = arith.mulf %mul3A_611, %add3A_609 : vector<512x512xf32>
    %add3A_613 = arith.addf %mul3A_600, %mul3A_612 : vector<512x512xf32>
    %broadcast_in_dim3A_614 = arith.constant 0.000000e+00 : f32
    %broadcast_in_dim3A_615 = vector.broadcast %broadcast_in_dim3A_614 : f32 to vector<2x512xf32>
    %slice3A_616 = vector.extract_strided_slice %add3A_597 {offsets = [2, 0], sizes = [510, 512], strides = [1, 1]} : vector<512x512xf32> to vector<510x512xf32>
    %concatenate3A_617 = tpu.concatenate %slice3A_616, %broadcast_in_dim3A_615 in 0 : vector<510x512xf32>, vector<2x512xf32> -> vector<512x512xf32>
    %broadcast_in_dim3A_618 = arith.constant 0.000000e+00 : f32
    %broadcast_in_dim3A_619 = vector.broadcast %broadcast_in_dim3A_618 : f32 to vector<2x512xf32>
    %slice3A_620 = vector.extract_strided_slice %add3A_597 {offsets = [0, 0], sizes = [510, 512], strides = [1, 1]} : vector<512x512xf32> to vector<510x512xf32>
    %concatenate3A_621 = tpu.concatenate %broadcast_in_dim3A_619, %slice3A_620 in 0 : vector<2x512xf32>, vector<510x512xf32> -> vector<512x512xf32>
    %add3A_622 = arith.addf %concatenate3A_617, %concatenate3A_621 : vector<512x512xf32>
    %mul3A_623 = arith.constant 0.116170228 : f32
    %mul3A_624 = vector.broadcast %mul3A_623 : f32 to vector<512x512xf32>
    %mul3A_625 = arith.mulf %mul3A_624, %add3A_622 : vector<512x512xf32>
    %add3A_626 = arith.addf %add3A_613, %mul3A_625 : vector<512x512xf32>
    %broadcast_in_dim3A_627 = arith.constant 0.000000e+00 : f32
    %broadcast_in_dim3A_628 = vector.broadcast %broadcast_in_dim3A_627 : f32 to vector<3x512xf32>
    %slice3A_629 = vector.extract_strided_slice %add3A_597 {offsets = [3, 0], sizes = [509, 512], strides = [1, 1]} : vector<512x512xf32> to vector<509x512xf32>
    %concatenate3A_630 = tpu.concatenate %slice3A_629, %broadcast_in_dim3A_628 in 0 : vector<509x512xf32>, vector<3x512xf32> -> vector<512x512xf32>
    %broadcast_in_dim3A_631 = arith.constant 0.000000e+00 : f32
    %broadcast_in_dim3A_632 = vector.broadcast %broadcast_in_dim3A_631 : f32 to vector<3x512xf32>
    %slice3A_633 = vector.extract_strided_slice %add3A_597 {offsets = [0, 0], sizes = [509, 512], strides = [1, 1]} : vector<512x512xf32> to vector<509x512xf32>
    %concatenate3A_634 = tpu.concatenate %broadcast_in_dim3A_632, %slice3A_633 in 0 : vector<3x512xf32>, vector<509x512xf32> -> vector<512x512xf32>
    %add3A_635 = arith.addf %concatenate3A_630, %concatenate3A_634 : vector<512x512xf32>
    %mul3A_636 = arith.constant 0.0778712332 : f32
    %mul3A_637 = vector.broadcast %mul3A_636 : f32 to vector<512x512xf32>
    %mul3A_638 = arith.mulf %mul3A_637, %add3A_635 : vector<512x512xf32>
    %add3A_639 = arith.addf %add3A_626, %mul3A_638 : vector<512x512xf32>
    %broadcast_in_dim3A_640 = arith.constant 0.000000e+00 : f32
    %broadcast_in_dim3A_641 = vector.broadcast %broadcast_in_dim3A_640 : f32 to vector<4x512xf32>
    %slice3A_642 = vector.extract_strided_slice %add3A_597 {offsets = [4, 0], sizes = [508, 512], strides = [1, 1]} : vector<512x512xf32> to vector<508x512xf32>
    %concatenate3A_643 = tpu.concatenate %slice3A_642, %broadcast_in_dim3A_641 in 0 : vector<508x512xf32>, vector<4x512xf32> -> vector<512x512xf32>
    %broadcast_in_dim3A_644 = arith.constant 0.000000e+00 : f32
    %broadcast_in_dim3A_645 = vector.broadcast %broadcast_in_dim3A_644 : f32 to vector<4x512xf32>
    %slice3A_646 = vector.extract_strided_slice %add3A_597 {offsets = [0, 0], sizes = [508, 512], strides = [1, 1]} : vector<512x512xf32> to vector<508x512xf32>
    %concatenate3A_647 = tpu.concatenate %broadcast_in_dim3A_645, %slice3A_646 in 0 : vector<4x512xf32>, vector<508x512xf32> -> vector<512x512xf32>
    %add3A_648 = arith.addf %concatenate3A_643, %concatenate3A_647 : vector<512x512xf32>
    %mul3A_649 = arith.constant 0.0444807559 : f32
    %mul3A_650 = vector.broadcast %mul3A_649 : f32 to vector<512x512xf32>
    %mul3A_651 = arith.mulf %mul3A_650, %add3A_648 : vector<512x512xf32>
    %add3A_652 = arith.addf %add3A_639, %mul3A_651 : vector<512x512xf32>
    %broadcast_in_dim3A_653 = arith.constant 0.000000e+00 : f32
    %broadcast_in_dim3A_654 = vector.broadcast %broadcast_in_dim3A_653 : f32 to vector<5x512xf32>
    %slice3A_655 = vector.extract_strided_slice %add3A_597 {offsets = [5, 0], sizes = [507, 512], strides = [1, 1]} : vector<512x512xf32> to vector<507x512xf32>
    %concatenate3A_656 = tpu.concatenate %slice3A_655, %broadcast_in_dim3A_654 in 0 : vector<507x512xf32>, vector<5x512xf32> -> vector<512x512xf32>
    %broadcast_in_dim3A_657 = arith.constant 0.000000e+00 : f32
    %broadcast_in_dim3A_658 = vector.broadcast %broadcast_in_dim3A_657 : f32 to vector<5x512xf32>
    %slice3A_659 = vector.extract_strided_slice %add3A_597 {offsets = [0, 0], sizes = [507, 512], strides = [1, 1]} : vector<512x512xf32> to vector<507x512xf32>
    %concatenate3A_660 = tpu.concatenate %broadcast_in_dim3A_658, %slice3A_659 in 0 : vector<5x512xf32>, vector<507x512xf32> -> vector<512x512xf32>
    %add3A_661 = arith.addf %concatenate3A_656, %concatenate3A_660 : vector<512x512xf32>
    %mul3A_662 = arith.constant 0.0216511078 : f32
    %mul3A_663 = vector.broadcast %mul3A_662 : f32 to vector<512x512xf32>
    %mul3A_664 = arith.mulf %mul3A_663, %add3A_661 : vector<512x512xf32>
    %add3A_665 = arith.addf %add3A_652, %mul3A_664 : vector<512x512xf32>
    %broadcast_in_dim3A_666 = arith.constant 0.000000e+00 : f32
    %broadcast_in_dim3A_667 = vector.broadcast %broadcast_in_dim3A_666 : f32 to vector<6x512xf32>
    %slice3A_668 = vector.extract_strided_slice %add3A_597 {offsets = [6, 0], sizes = [506, 512], strides = [1, 1]} : vector<512x512xf32> to vector<506x512xf32>
    %concatenate3A_669 = tpu.concatenate %slice3A_668, %broadcast_in_dim3A_667 in 0 : vector<506x512xf32>, vector<6x512xf32> -> vector<512x512xf32>
    %broadcast_in_dim3A_670 = arith.constant 0.000000e+00 : f32
    %broadcast_in_dim3A_671 = vector.broadcast %broadcast_in_dim3A_670 : f32 to vector<6x512xf32>
    %slice3A_672 = vector.extract_strided_slice %add3A_597 {offsets = [0, 0], sizes = [506, 512], strides = [1, 1]} : vector<512x512xf32> to vector<506x512xf32>
    %concatenate3A_673 = tpu.concatenate %broadcast_in_dim3A_671, %slice3A_672 in 0 : vector<6x512xf32>, vector<506x512xf32> -> vector<512x512xf32>
    %add3A_674 = arith.addf %concatenate3A_669, %concatenate3A_673 : vector<512x512xf32>
    %mul3A_675 = arith.constant 8.980510e-03 : f32
    %mul3A_676 = vector.broadcast %mul3A_675 : f32 to vector<512x512xf32>
    %mul3A_677 = arith.mulf %mul3A_676, %add3A_674 : vector<512x512xf32>
    %add3A_678 = arith.addf %add3A_665, %mul3A_677 : vector<512x512xf32>
    %broadcast_in_dim3A_679 = arith.constant 0.000000e+00 : f32
    %broadcast_in_dim3A_680 = vector.broadcast %broadcast_in_dim3A_679 : f32 to vector<7x512xf32>
    %slice3A_681 = vector.extract_strided_slice %add3A_597 {offsets = [7, 0], sizes = [505, 512], strides = [1, 1]} : vector<512x512xf32> to vector<505x512xf32>
    %concatenate3A_682 = tpu.concatenate %slice3A_681, %broadcast_in_dim3A_680 in 0 : vector<505x512xf32>, vector<7x512xf32> -> vector<512x512xf32>
    %broadcast_in_dim3A_683 = arith.constant 0.000000e+00 : f32
    %broadcast_in_dim3A_684 = vector.broadcast %broadcast_in_dim3A_683 : f32 to vector<7x512xf32>
    %slice3A_685 = vector.extract_strided_slice %add3A_597 {offsets = [0, 0], sizes = [505, 512], strides = [1, 1]} : vector<512x512xf32> to vector<505x512xf32>
    %concatenate3A_686 = tpu.concatenate %broadcast_in_dim3A_684, %slice3A_685 in 0 : vector<7x512xf32>, vector<505x512xf32> -> vector<512x512xf32>
    %add3A_687 = arith.addf %concatenate3A_682, %concatenate3A_686 : vector<512x512xf32>
    %mul3A_688 = arith.constant 0.00317420322 : f32
    %mul3A_689 = vector.broadcast %mul3A_688 : f32 to vector<512x512xf32>
    %mul3A_690 = arith.mulf %mul3A_689, %add3A_687 : vector<512x512xf32>
    %add3A_691 = arith.addf %add3A_678, %mul3A_690 : vector<512x512xf32>
    %mul3A_692 = arith.mulf %add3A_503, %add3A_503 : vector<512x512xf32>
    %mul3A_693 = arith.mulf %add3A_691, %add3A_691 : vector<512x512xf32>
    %add3A_694 = arith.addf %mul3A_692, %mul3A_693 : vector<512x512xf32>
    %sqrt3A = math.sqrt %add3A_694 : vector<512x512xf32>
    %gt3A_695 = arith.constant 0.000000e+00 : f32
    %gt3A_696 = vector.broadcast %gt3A_695 : f32 to vector<512x512xf32>
    %gt3A_697 = arith.cmpf ogt, %sqrt3A, %gt3A_696 : vector<512x512xf32>
    %max3A_698 = arith.constant 1.000000e-30 : f32
    %max3A_699 = vector.broadcast %max3A_698 : f32 to vector<512x512xf32>
    %max3A_700 = arith.maximumf %sqrt3A, %max3A_699 : vector<512x512xf32>
    %div3A = arith.divf %add3A_503, %max3A_700 : vector<512x512xf32>
    %jit3A_701 = arith.constant 1.000000e+00 : f32
    %broadcast_in_dim3A_702 = vector.broadcast %jit3A_701 : f32 to vector<512x512xf32>
    %select_n3A_703 = arith.select %gt3A_697, %div3A, %broadcast_in_dim3A_702 : vector<512x512xi1>, vector<512x512xf32>
    %swap3A = arith.constant 0 : index
    %swap3A_704 = arith.constant 0 : index
    %swap3A_705 = arith.constant 0 : index
    %swap3A_706 = arith.constant 0 : index
    %swap3A_707 = vector.load %arg3[%swap3A, %swap3A_704, %swap3A_705, %swap3A_706] : memref<1x2x512x512xf32, #tpu.memory_space<vmem>>, vector<1x1x512x512xf32>
    %swap3A_708 = vector.shape_cast %swap3A_707 : vector<1x1x512x512xf32> to vector<512x512xf32>
    %swap3A_709 = vector.shape_cast %select_n3A_703 : vector<512x512xf32> to vector<1x1x512x512xf32>
    tpu.vector_store %arg3[%swap3A, %swap3A_704, %swap3A_705, %swap3A_706], %swap3A_709 {strides = array<i32>} : memref<1x2x512x512xf32, #tpu.memory_space<vmem>>, vector<1x1x512x512xf32>,
    %div3A_710 = arith.divf %add3A_691, %max3A_700 : vector<512x512xf32>
    %jit3A_711 = arith.constant 0.000000e+00 : f32
    %broadcast_in_dim3A_712 = vector.broadcast %jit3A_711 : f32 to vector<512x512xf32>
    %select_n3A_713 = arith.select %gt3A_697, %div3A_710, %broadcast_in_dim3A_712 : vector<512x512xi1>, vector<512x512xf32>
    %swap3A_714 = arith.constant 0 : index
    %swap3A_715 = arith.constant 1 : index
    %swap3A_716 = arith.constant 0 : index
    %swap3A_717 = arith.constant 0 : index
    %swap3A_718 = vector.load %arg3[%swap3A_714, %swap3A_715, %swap3A_716, %swap3A_717] : memref<1x2x512x512xf32, #tpu.memory_space<vmem>>, vector<1x1x512x512xf32>
    %swap3A_719 = vector.shape_cast %swap3A_718 : vector<1x1x512x512xf32> to vector<512x512xf32>
    %swap3A_720 = vector.shape_cast %select_n3A_713 : vector<512x512xf32> to vector<1x1x512x512xf32>
    tpu.vector_store %arg3[%swap3A_714, %swap3A_715, %swap3A_716, %swap3A_717], %swap3A_720 {strides = array<i32>} : memref<1x2x512x512xf32, #tpu.memory_space<vmem>>, vector<1x1x512x512xf32>,
    %slice3A_721 = vector.extract_strided_slice %max3A_295 {offsets = [1, 0], sizes = [511, 512], strides = [1, 1]} : vector<512x512xf32> to vector<511x512xf32>
    %slice3A_722 = vector.extract_strided_slice %max3A_295 {offsets = [511, 0], sizes = [1, 512], strides = [1, 1]} : vector<512x512xf32> to vector<1x512xf32>
    %concatenate3A_723 = tpu.concatenate %slice3A_721, %slice3A_722 in 0 : vector<511x512xf32>, vector<1x512xf32> -> vector<512x512xf32>
    %slice3A_724 = vector.extract_strided_slice %max3A_295 {offsets = [0, 0], sizes = [1, 512], strides = [1, 1]} : vector<512x512xf32> to vector<1x512xf32>
    %slice3A_725 = vector.extract_strided_slice %max3A_295 {offsets = [0, 0], sizes = [511, 512], strides = [1, 1]} : vector<512x512xf32> to vector<511x512xf32>
    %concatenate3A_726 = tpu.concatenate %slice3A_724, %slice3A_725 in 0 : vector<1x512xf32>, vector<511x512xf32> -> vector<512x512xf32>
    %max3A_727 = arith.maximumf %concatenate3A_723, %concatenate3A_726 : vector<512x512xf32>
    %max3A_728 = arith.maximumf %max3A_295, %max3A_727 : vector<512x512xf32>
    %slice3A_729 = vector.extract_strided_slice %concatenate3A_723 {offsets = [1, 0], sizes = [511, 512], strides = [1, 1]} : vector<512x512xf32> to vector<511x512xf32>
    %slice3A_730 = vector.extract_strided_slice %concatenate3A_723 {offsets = [511, 0], sizes = [1, 512], strides = [1, 1]} : vector<512x512xf32> to vector<1x512xf32>
    %concatenate3A_731 = tpu.concatenate %slice3A_729, %slice3A_730 in 0 : vector<511x512xf32>, vector<1x512xf32> -> vector<512x512xf32>
    %slice3A_732 = vector.extract_strided_slice %concatenate3A_726 {offsets = [0, 0], sizes = [1, 512], strides = [1, 1]} : vector<512x512xf32> to vector<1x512xf32>
    %slice3A_733 = vector.extract_strided_slice %concatenate3A_726 {offsets = [0, 0], sizes = [511, 512], strides = [1, 1]} : vector<512x512xf32> to vector<511x512xf32>
    %concatenate3A_734 = tpu.concatenate %slice3A_732, %slice3A_733 in 0 : vector<1x512xf32>, vector<511x512xf32> -> vector<512x512xf32>
    %max3A_735 = arith.maximumf %concatenate3A_731, %concatenate3A_734 : vector<512x512xf32>
    %max3A_736 = arith.maximumf %max3A_728, %max3A_735 : vector<512x512xf32>
    %slice3A_737 = vector.extract_strided_slice %concatenate3A_731 {offsets = [1, 0], sizes = [511, 512], strides = [1, 1]} : vector<512x512xf32> to vector<511x512xf32>
    %slice3A_738 = vector.extract_strided_slice %concatenate3A_731 {offsets = [511, 0], sizes = [1, 512], strides = [1, 1]} : vector<512x512xf32> to vector<1x512xf32>
    %concatenate3A_739 = tpu.concatenate %slice3A_737, %slice3A_738 in 0 : vector<511x512xf32>, vector<1x512xf32> -> vector<512x512xf32>
    %slice3A_740 = vector.extract_strided_slice %concatenate3A_734 {offsets = [0, 0], sizes = [1, 512], strides = [1, 1]} : vector<512x512xf32> to vector<1x512xf32>
    %slice3A_741 = vector.extract_strided_slice %concatenate3A_734 {offsets = [0, 0], sizes = [511, 512], strides = [1, 1]} : vector<512x512xf32> to vector<511x512xf32>
    %concatenate3A_742 = tpu.concatenate %slice3A_740, %slice3A_741 in 0 : vector<1x512xf32>, vector<511x512xf32> -> vector<512x512xf32>
    %max3A_743 = arith.maximumf %concatenate3A_739, %concatenate3A_742 : vector<512x512xf32>
    %max3A_744 = arith.maximumf %max3A_736, %max3A_743 : vector<512x512xf32>
    %slice3A_745 = vector.extract_strided_slice %max3A_744 {offsets = [0, 1], sizes = [512, 511], strides = [1, 1]} : vector<512x512xf32> to vector<512x511xf32>
    %slice3A_746 = vector.extract_strided_slice %max3A_744 {offsets = [0, 511], sizes = [512, 1], strides = [1, 1]} : vector<512x512xf32> to vector<512x1xf32>
    %concatenate3A_747 = tpu.concatenate %slice3A_745, %slice3A_746 in 1 : vector<512x511xf32>, vector<512x1xf32> -> vector<512x512xf32>
    %slice3A_748 = vector.extract_strided_slice %max3A_744 {offsets = [0, 0], sizes = [512, 1], strides = [1, 1]} : vector<512x512xf32> to vector<512x1xf32>
    %slice3A_749 = vector.extract_strided_slice %max3A_744 {offsets = [0, 0], sizes = [512, 511], strides = [1, 1]} : vector<512x512xf32> to vector<512x511xf32>
    %concatenate3A_750 = tpu.concatenate %slice3A_748, %slice3A_749 in 1 : vector<512x1xf32>, vector<512x511xf32> -> vector<512x512xf32>
    %max3A_751 = arith.maximumf %concatenate3A_747, %concatenate3A_750 : vector<512x512xf32>
    %max3A_752 = arith.maximumf %max3A_744, %max3A_751 : vector<512x512xf32>
    %slice3A_753 = vector.extract_strided_slice %concatenate3A_747 {offsets = [0, 1], sizes = [512, 511], strides = [1, 1]} : vector<512x512xf32> to vector<512x511xf32>
    %slice3A_754 = vector.extract_strided_slice %concatenate3A_747 {offsets = [0, 511], sizes = [512, 1], strides = [1, 1]} : vector<512x512xf32> to vector<512x1xf32>
    %concatenate3A_755 = tpu.concatenate %slice3A_753, %slice3A_754 in 1 : vector<512x511xf32>, vector<512x1xf32> -> vector<512x512xf32>
    %slice3A_756 = vector.extract_strided_slice %concatenate3A_750 {offsets = [0, 0], sizes = [512, 1], strides = [1, 1]} : vector<512x512xf32> to vector<512x1xf32>
    %slice3A_757 = vector.extract_strided_slice %concatenate3A_750 {offsets = [0, 0], sizes = [512, 511], strides = [1, 1]} : vector<512x512xf32> to vector<512x511xf32>
    %concatenate3A_758 = tpu.concatenate %slice3A_756, %slice3A_757 in 1 : vector<512x1xf32>, vector<512x511xf32> -> vector<512x512xf32>
    %max3A_759 = arith.maximumf %concatenate3A_755, %concatenate3A_758 : vector<512x512xf32>
    %max3A_760 = arith.maximumf %max3A_752, %max3A_759 : vector<512x512xf32>
    %slice3A_761 = vector.extract_strided_slice %concatenate3A_755 {offsets = [0, 1], sizes = [512, 511], strides = [1, 1]} : vector<512x512xf32> to vector<512x511xf32>
    %slice3A_762 = vector.extract_strided_slice %concatenate3A_755 {offsets = [0, 511], sizes = [512, 1], strides = [1, 1]} : vector<512x512xf32> to vector<512x1xf32>
    %concatenate3A_763 = tpu.concatenate %slice3A_761, %slice3A_762 in 1 : vector<512x511xf32>, vector<512x1xf32> -> vector<512x512xf32>
    %slice3A_764 = vector.extract_strided_slice %concatenate3A_758 {offsets = [0, 0], sizes = [512, 1], strides = [1, 1]} : vector<512x512xf32> to vector<512x1xf32>
    %slice3A_765 = vector.extract_strided_slice %concatenate3A_758 {offsets = [0, 0], sizes = [512, 511], strides = [1, 1]} : vector<512x512xf32> to vector<512x511xf32>
    %concatenate3A_766 = tpu.concatenate %slice3A_764, %slice3A_765 in 1 : vector<512x1xf32>, vector<512x511xf32> -> vector<512x512xf32>
    %max3A_767 = arith.maximumf %concatenate3A_763, %concatenate3A_766 : vector<512x512xf32>
    %max3A_768 = arith.maximumf %max3A_760, %max3A_767 : vector<512x512xf32>
    %ge3A_769 = arith.cmpf oge, %max3A_295, %max3A_768 : vector<512x512xf32>
    %iota3A = tpu.iota {dimensions = array<i32: 0>} : vector<512x512xi32>
    %iota3A_770 = tpu.iota {dimensions = array<i32: 1>} : vector<512x512xi32>
    %ge3A_771 = arith.constant 16 : i32
    %ge3A_772 = vector.broadcast %ge3A_771 : i32 to vector<512x512xi32>
    %ge3A_773 = arith.cmpi sge, %iota3A, %ge3A_772 : vector<512x512xi32>
    %lt3A = arith.constant 496 : i32
    %lt3A_774 = vector.broadcast %lt3A : i32 to vector<512x512xi32>
    %lt3A_775 = arith.cmpi slt, %iota3A, %lt3A_774 : vector<512x512xi32>
    %and3A_776 = arith.andi %ge3A_773, %lt3A_775 : vector<512x512xi1>
    %ge3A_777 = arith.constant 16 : i32
    %ge3A_778 = vector.broadcast %ge3A_777 : i32 to vector<512x512xi32>
    %ge3A_779 = arith.cmpi sge, %iota3A_770, %ge3A_778 : vector<512x512xi32>
    %and3A_780 = arith.andi %and3A_776, %ge3A_779 : vector<512x512xi1>
    %lt3A_781 = arith.constant 496 : i32
    %lt3A_782 = vector.broadcast %lt3A_781 : i32 to vector<512x512xi32>
    %lt3A_783 = arith.cmpi slt, %iota3A_770, %lt3A_782 : vector<512x512xi32>
    %and3A_784 = arith.andi %and3A_780, %lt3A_783 : vector<512x512xi1>
    %gt3A_785 = arith.constant 0.000000e+00 : f32
    %gt3A_786 = vector.broadcast %gt3A_785 : f32 to vector<512x512xf32>
    %gt3A_787 = arith.cmpf ogt, %max3A_295, %gt3A_786 : vector<512x512xf32>
    %and3A_788 = arith.andi %ge3A_769, %gt3A_787 : vector<512x512xi1>
    %and3A_789 = arith.andi %and3A_788, %and3A_784 : vector<512x512xi1>
    %jit3A_790 = arith.constant 0xFF800000 : f32
    %broadcast_in_dim3A_791 = vector.broadcast %jit3A_790 : f32 to vector<512x512xf32>
    %select_n3A_792 = arith.select %and3A_789, %max3A_295, %broadcast_in_dim3A_791 : vector<512x512xi1>, vector<512x512xf32>
    %swap3A_793 = arith.constant 0 : index
    %swap3A_794 = arith.constant 0 : index
    %swap3A_795 = arith.constant 0 : index
    %swap3A_796 = vector.load %arg2[%swap3A_793, %swap3A_794, %swap3A_795] : memref<1x512x512xf32, #tpu.memory_space<vmem>>, vector<1x512x512xf32>
    %swap3A_797 = vector.shape_cast %swap3A_796 : vector<1x512x512xf32> to vector<512x512xf32>
    %swap3A_798 = vector.shape_cast %select_n3A_792 : vector<512x512xf32> to vector<1x512x512xf32>
    tpu.vector_store %arg2[%swap3A_793, %swap3A_794, %swap3A_795], %swap3A_798 {strides = array<i32>} : memref<1x512x512xf32, #tpu.memory_space<vmem>>, vector<1x512x512xf32>,
    return
  }
  func.func @transform_0(%arg0: i32) -> (i32, i32, i32) {
    %c0_i32 = arith.constant 0 : i32
    %c0_i32_0 = arith.constant 0 : i32
    %c0_i32_1 = arith.constant 0 : i32
    return %arg0, %c0_i32, %c0_i32_0 : i32, i32, i32
  }
  func.func @transform_1(%arg0: i32) -> (i32, i32, i32) {
    %c0_i32 = arith.constant 0 : i32
    %c0_i32_0 = arith.constant 0 : i32
    %c0_i32_1 = arith.constant 0 : i32
    return %arg0, %c0_i32, %c0_i32_0 : i32, i32, i32
  }
  func.func @transform_2(%arg0: i32) -> (i32, i32, i32, i32) {
    %c0_i32 = arith.constant 0 : i32
    %c0_i32_0 = arith.constant 0 : i32
    %c0_i32_1 = arith.constant 0 : i32
    %c0_i32_2 = arith.constant 0 : i32
    return %arg0, %c0_i32, %c0_i32_0, %c0_i32_1 : i32, i32, i32, i32
  }
}

module attributes {stable_mosaic.version = 14 : i64} {
  func.func @_sink_body(%arg0: i32, %arg1: memref<1x1024x256xf32, #tpu.memory_space<vmem>>, %arg2: memref<1x1024x256xf32, #tpu.memory_space<vmem>>, %arg3: memref<1x1152x1152xf32, #tpu.memory_space<vmem>>) attributes {dimension_semantics = [#tpu.dimension_semantics<arbitrary>], iteration_bounds = array<i64: 2>, scalar_prefetch = 0 : i64, scratch_operands = 0 : i64, tpu.core_type = #tpu.core_type<tc>, window_params = [{transform_indices = @transform_0, window_bounds = array<i64: 1, 1024, 256>}, {transform_indices = @transform_1, window_bounds = array<i64: 1, 1024, 256>}, {transform_indices = @transform_2, window_bounds = array<i64: 1, 1152, 1152>}]} {
    %get3A = arith.constant 0 : index
    %get3A_0 = arith.constant 0 : index
    %get3A_1 = arith.constant 0 : index
    %get3A_2 = vector.load %arg1[%get3A, %get3A_0, %get3A_1] : memref<1x1024x256xf32, #tpu.memory_space<vmem>>, vector<1x1024x256xf32>
    %get3A_3 = vector.shape_cast %get3A_2 : vector<1x1024x256xf32> to vector<1024x256xf32>
    %get3A_4 = arith.constant 0 : index
    %get3A_5 = arith.constant 0 : index
    %get3A_6 = arith.constant 0 : index
    %get3A_7 = vector.load %arg2[%get3A_4, %get3A_5, %get3A_6] : memref<1x1024x256xf32, #tpu.memory_space<vmem>>, vector<1x1024x256xf32>
    %get3A_8 = vector.shape_cast %get3A_7 : vector<1x1024x256xf32> to vector<1024x256xf32>
    %dot_general3A = arith.constant dense<0.000000e+00> : vector<1024x1024xf32>
    %dot_general3A_9 = tpu.matmul %get3A_3, %get3A_8, %dot_general3A {dimension_numbers = #tpu.dot_dimension_numbers<[1], [1], [0], [0], [0, 0, 1, 0], [], []>, transpose_lhs_hint = false} : vector<1024x256xf32>, vector<1024x256xf32>, vector<1024x1024xf32> -> vector<1024x1024xf32>
    %mul3A = arith.mulf %get3A_3, %get3A_3 : vector<1024x256xf32>
    %reduce_sum3A = arith.constant dense<0.000000e+00> : vector<1024xf32>
    %reduce_sum3A_10 = vector.multi_reduction <add>, %mul3A, %reduce_sum3A [1] : vector<1024x256xf32> to vector<1024xf32>
    %broadcast_in_dim3A = vector.shape_cast %reduce_sum3A_10 : vector<1024xf32> to vector<1024x1xf32>
    %mul3A_11 = arith.mulf %get3A_8, %get3A_8 : vector<1024x256xf32>
    %reduce_sum3A_12 = arith.constant dense<0.000000e+00> : vector<1024xf32>
    %reduce_sum3A_13 = vector.multi_reduction <add>, %mul3A_11, %reduce_sum3A_12 [1] : vector<1024x256xf32> to vector<1024xf32>
    %broadcast_in_dim3A_14 = vector.shape_cast %reduce_sum3A_13 : vector<1024xf32> to vector<1024x1xf32>
    %transpose3A = tpu.transpose %broadcast_in_dim3A_14, [1, 0] : vector<1024x1xf32> -> vector<1x1024xf32>
    %add3A = vector.broadcast %broadcast_in_dim3A : vector<1024x1xf32> to vector<1024x1024xf32>
    %add3A_15 = vector.broadcast %transpose3A : vector<1x1024xf32> to vector<1024x1024xf32>
    %add3A_16 = arith.addf %add3A, %add3A_15 : vector<1024x1024xf32>
    %mul3A_17 = arith.constant 2.000000e+00 : f32
    %mul3A_18 = vector.broadcast %mul3A_17 : f32 to vector<1024x1024xf32>
    %mul3A_19 = arith.mulf %mul3A_18, %dot_general3A_9 : vector<1024x1024xf32>
    %sub3A = arith.subf %add3A_16, %mul3A_19 : vector<1024x1024xf32>
    %jit3A = arith.constant 0.000000e+00 : f32
    %max3A = vector.broadcast %jit3A : f32 to vector<1024x1024xf32>
    %max3A_20 = arith.maximumf %max3A, %sub3A : vector<1024x1024xf32>
    %add3A_21 = arith.constant 9.99999996E-13 : f32
    %add3A_22 = vector.broadcast %add3A_21 : f32 to vector<1024x1024xf32>
    %add3A_23 = arith.addf %max3A_20, %add3A_22 : vector<1024x1024xf32>
    %sqrt3A = math.sqrt %add3A_23 : vector<1024x1024xf32>
    %neg3A = arith.constant 0.000000e+00 : f32
    %neg3A_24 = vector.broadcast %neg3A : f32 to vector<1024x1024xf32>
    %neg3A_25 = arith.subf %neg3A_24, %sqrt3A : vector<1024x1024xf32>
    %broadcast_in_dim3A_26 = arith.constant 0.000000e+00 : f32
    %broadcast_in_dim3A_27 = vector.broadcast %broadcast_in_dim3A_26 : f32 to vector<1024x128xf32>
    %concatenate3A = tpu.concatenate %neg3A_25, %broadcast_in_dim3A_27 in 1 : vector<1024x1024xf32>, vector<1024x128xf32> -> vector<1024x1152xf32>
    %broadcast_in_dim3A_28 = arith.constant 0.000000e+00 : f32
    %broadcast_in_dim3A_29 = vector.broadcast %broadcast_in_dim3A_28 : f32 to vector<128x1152xf32>
    %concatenate3A_30 = tpu.concatenate %concatenate3A, %broadcast_in_dim3A_29 in 0 : vector<1024x1152xf32>, vector<128x1152xf32> -> vector<1152x1152xf32>
    %iota3A = tpu.iota {dimensions = array<i32: 0>} : vector<1152x1152xi32>
    %iota3A_31 = tpu.iota {dimensions = array<i32: 1>} : vector<1152x1152xi32>
    %lt3A = arith.constant 1024 : i32
    %lt3A_32 = vector.broadcast %lt3A : i32 to vector<1152x1152xi32>
    %lt3A_33 = arith.cmpi slt, %iota3A, %lt3A_32 : vector<1152x1152xi32>
    %lt3A_34 = arith.constant 1024 : i32
    %lt3A_35 = vector.broadcast %lt3A_34 : i32 to vector<1152x1152xi32>
    %lt3A_36 = arith.cmpi slt, %iota3A_31, %lt3A_35 : vector<1152x1152xi32>
    %and3A = arith.andi %lt3A_33, %lt3A_36 : vector<1152x1152xi1>
    %eq3A = arith.constant 1024 : i32
    %eq3A_37 = vector.broadcast %eq3A : i32 to vector<1152x1152xi32>
    %eq3A_38 = arith.cmpi eq, %iota3A, %eq3A_37 : vector<1152x1152xi32>
    %le3A = arith.constant 1024 : i32
    %le3A_39 = vector.broadcast %le3A : i32 to vector<1152x1152xi32>
    %le3A_40 = arith.cmpi sle, %iota3A_31, %le3A_39 : vector<1152x1152xi32>
    %and3A_41 = arith.andi %eq3A_38, %le3A_40 : vector<1152x1152xi1>
    %eq3A_42 = arith.constant 1024 : i32
    %eq3A_43 = vector.broadcast %eq3A_42 : i32 to vector<1152x1152xi32>
    %eq3A_44 = arith.cmpi eq, %iota3A_31, %eq3A_43 : vector<1152x1152xi32>
    %le3A_45 = arith.constant 1024 : i32
    %le3A_46 = vector.broadcast %le3A_45 : i32 to vector<1152x1152xi32>
    %le3A_47 = arith.cmpi sle, %iota3A, %le3A_46 : vector<1152x1152xi32>
    %and3A_48 = arith.andi %eq3A_44, %le3A_47 : vector<1152x1152xi1>
    %or3A = arith.ori %and3A_41, %and3A_48 : vector<1152x1152xi1>
    %jit3A_49 = arith.constant 1.000000e+00 : f32
    %jit3A_50 = arith.constant -1.000000e+30 : f32
    %broadcast_in_dim3A_51 = vector.broadcast %jit3A_49 : f32 to vector<1152x1152xf32>
    %broadcast_in_dim3A_52 = vector.broadcast %jit3A_50 : f32 to vector<1152x1152xf32>
    %select_n3A = arith.select %or3A, %broadcast_in_dim3A_51, %broadcast_in_dim3A_52 : vector<1152x1152xi1>, vector<1152x1152xf32>
    %select_n3A_53 = arith.select %and3A, %concatenate3A_30, %select_n3A : vector<1152x1152xi1>, vector<1152x1152xf32>
    %div3A = arith.constant 1.000000e+00 : f32
    %div3A_54 = vector.broadcast %div3A : f32 to vector<1152x1152xf32>
    %div3A_55 = arith.divf %select_n3A_53, %div3A_54 : vector<1152x1152xf32>
    %iota3A_56 = tpu.iota {dimensions = array<i32: 0>} : vector<1152x1xi32>
    %lt3A_57 = arith.constant 1024 : i32
    %lt3A_58 = vector.broadcast %lt3A_57 : i32 to vector<1152x1xi32>
    %lt3A_59 = arith.cmpi slt, %iota3A_56, %lt3A_58 : vector<1152x1xi32>
    %eq3A_60 = arith.constant 1024 : i32
    %eq3A_61 = vector.broadcast %eq3A_60 : i32 to vector<1152x1xi32>
    %eq3A_62 = arith.cmpi eq, %iota3A_56, %eq3A_61 : vector<1152x1xi32>
    %jit3A_63 = arith.constant -0.693147182 : f32
    %jit3A_64 = arith.constant -1.000000e+30 : f32
    %broadcast_in_dim3A_65 = vector.broadcast %jit3A_63 : f32 to vector<1152x1xf32>
    %broadcast_in_dim3A_66 = vector.broadcast %jit3A_64 : f32 to vector<1152x1xf32>
    %select_n3A_67 = arith.select %eq3A_62, %broadcast_in_dim3A_65, %broadcast_in_dim3A_66 : vector<1152x1xi1>, vector<1152x1xf32>
    %jit3A_68 = arith.constant -7.62461901 : f32
    %broadcast_in_dim3A_69 = vector.broadcast %jit3A_68 : f32 to vector<1152x1xf32>
    %select_n3A_70 = arith.select %lt3A_59, %broadcast_in_dim3A_69, %select_n3A_67 : vector<1152x1xi1>, vector<1152x1xf32>
    %transpose3A_71 = tpu.transpose %select_n3A_70, [1, 0] : vector<1152x1xf32> -> vector<1x1152xf32>
    %broadcast_in_dim3A_72 = arith.constant 0.000000e+00 : f32
    %broadcast_in_dim3A_73 = vector.broadcast %broadcast_in_dim3A_72 : f32 to vector<1152x1xf32>
    %broadcast_in_dim3A_74 = arith.constant 0.000000e+00 : f32
    %broadcast_in_dim3A_75 = vector.broadcast %broadcast_in_dim3A_74 : f32 to vector<1x1152xf32>
    %scan3A = arith.constant 0 : i32
    %scan3A_76 = arith.constant 20 : i32
    %scan3A_77 = arith.addi %scan3A, %scan3A_76 : i32
    %scan3A_78 = arith.constant 1 : i32
    %scan3A_79:2 = scf.for %scan3A_92 = %scan3A to %scan3A_77 step %scan3A_78 iter_args(%scan3A_93 = %broadcast_in_dim3A_73, %scan3A_94 = %broadcast_in_dim3A_75) -> (vector<1152x1xf32>, vector<1x1152xf32>)  : i32 {
      %add3A_95 = vector.broadcast %scan3A_94 : vector<1x1152xf32> to vector<1152x1152xf32>
      %add3A_96 = arith.addf %div3A_55, %add3A_95 : vector<1152x1152xf32>
      %reduce_max3A = arith.constant dense<0xFF800000> : vector<1152xf32>
      %reduce_max3A_97 = vector.multi_reduction <maximumf>, %add3A_96, %reduce_max3A [1] : vector<1152x1152xf32> to vector<1152xf32>
      %broadcast_in_dim3A_98 = vector.shape_cast %reduce_max3A_97 : vector<1152xf32> to vector<1152x1xf32>
      %sub3A_99 = vector.broadcast %broadcast_in_dim3A_98 : vector<1152x1xf32> to vector<1152x1152xf32>
      %sub3A_100 = arith.subf %add3A_96, %sub3A_99 : vector<1152x1152xf32>
      %exp3A_101 = math.exp %sub3A_100 : vector<1152x1152xf32>
      %reduce_sum3A_102 = arith.constant dense<0.000000e+00> : vector<1152xf32>
      %reduce_sum3A_103 = vector.multi_reduction <add>, %exp3A_101, %reduce_sum3A_102 [1] : vector<1152x1152xf32> to vector<1152xf32>
      %broadcast_in_dim3A_104 = vector.shape_cast %reduce_sum3A_103 : vector<1152xf32> to vector<1152x1xf32>
      %log3A = math.log %broadcast_in_dim3A_104 : vector<1152x1xf32>
      %add3A_105 = arith.addf %broadcast_in_dim3A_98, %log3A : vector<1152x1xf32>
      %sub3A_106 = arith.subf %select_n3A_70, %add3A_105 : vector<1152x1xf32>
      %add3A_107 = vector.broadcast %sub3A_106 : vector<1152x1xf32> to vector<1152x1152xf32>
      %add3A_108 = arith.addf %div3A_55, %add3A_107 : vector<1152x1152xf32>
      %reduce_max3A_109 = arith.constant dense<0xFF800000> : vector<1152xf32>
      %reduce_max3A_110 = vector.multi_reduction <maximumf>, %add3A_108, %reduce_max3A_109 [0] : vector<1152x1152xf32> to vector<1152xf32>
      %broadcast_in_dim3A_111 = vector.shape_cast %reduce_max3A_110 : vector<1152xf32> to vector<1x1152xf32>
      %sub3A_112 = vector.broadcast %broadcast_in_dim3A_111 : vector<1x1152xf32> to vector<1152x1152xf32>
      %sub3A_113 = arith.subf %add3A_108, %sub3A_112 : vector<1152x1152xf32>
      %exp3A_114 = math.exp %sub3A_113 : vector<1152x1152xf32>
      %reduce_sum3A_115 = arith.constant dense<0.000000e+00> : vector<1152xf32>
      %reduce_sum3A_116 = vector.multi_reduction <add>, %exp3A_114, %reduce_sum3A_115 [0] : vector<1152x1152xf32> to vector<1152xf32>
      %broadcast_in_dim3A_117 = vector.shape_cast %reduce_sum3A_116 : vector<1152xf32> to vector<1x1152xf32>
      %log3A_118 = math.log %broadcast_in_dim3A_117 : vector<1x1152xf32>
      %add3A_119 = arith.addf %broadcast_in_dim3A_111, %log3A_118 : vector<1x1152xf32>
      %sub3A_120 = arith.subf %transpose3A_71, %add3A_119 : vector<1x1152xf32>
      scf.yield %sub3A_106, %sub3A_120 : vector<1152x1xf32>, vector<1x1152xf32>
    }
    %add3A_80 = vector.broadcast %scan3A_79#0 : vector<1152x1xf32> to vector<1152x1152xf32>
    %add3A_81 = arith.addf %div3A_55, %add3A_80 : vector<1152x1152xf32>
    %add3A_82 = vector.broadcast %scan3A_79#1 : vector<1x1152xf32> to vector<1152x1152xf32>
    %add3A_83 = arith.addf %add3A_81, %add3A_82 : vector<1152x1152xf32>
    %sub3A_84 = arith.constant -7.62461901 : f32
    %sub3A_85 = vector.broadcast %sub3A_84 : f32 to vector<1152x1152xf32>
    %sub3A_86 = arith.subf %add3A_83, %sub3A_85 : vector<1152x1152xf32>
    %exp3A = math.exp %sub3A_86 : vector<1152x1152xf32>
    %swap3A = arith.constant 0 : index
    %swap3A_87 = arith.constant 0 : index
    %swap3A_88 = arith.constant 0 : index
    %swap3A_89 = vector.load %arg3[%swap3A, %swap3A_87, %swap3A_88] : memref<1x1152x1152xf32, #tpu.memory_space<vmem>>, vector<1x1152x1152xf32>
    %swap3A_90 = vector.shape_cast %swap3A_89 : vector<1x1152x1152xf32> to vector<1152x1152xf32>
    %swap3A_91 = vector.shape_cast %exp3A : vector<1152x1152xf32> to vector<1x1152x1152xf32>
    tpu.vector_store %arg3[%swap3A, %swap3A_87, %swap3A_88], %swap3A_91 {strides = array<i32>} : memref<1x1152x1152xf32, #tpu.memory_space<vmem>>, vector<1x1152x1152xf32>,
    return
  }
  func.func @transform_0(%arg0: i32) -> (i32, i32, i32) {
    %c0_i32 = arith.constant 0 : i32
    %c0_i32_0 = arith.constant 0 : i32
    %c0_i32_1 = arith.constant 0 : i32
    return %arg0, %c0_i32, %c0_i32_0 : i32, i32, i32
  }
  func.func @transform_1(%arg0: i32) -> (i32, i32, i32) {
    %c0_i32 = arith.constant 0 : i32
    %c0_i32_0 = arith.constant 0 : i32
    %c0_i32_1 = arith.constant 0 : i32
    return %arg0, %c0_i32, %c0_i32_0 : i32, i32, i32
  }
  func.func @transform_2(%arg0: i32) -> (i32, i32, i32) {
    %c0_i32 = arith.constant 0 : i32
    %c0_i32_0 = arith.constant 0 : i32
    %c0_i32_1 = arith.constant 0 : i32
    return %arg0, %c0_i32, %c0_i32_0 : i32, i32, i32
  }
}

</mosaic_0001>

<sc_bundles>
// kernel: kernel.12.cloned.1.call-start
scs
__scs_entry_jumppad:
0x0: {  	(pc) =	sbr.rel $0x88, $3  }
0x1: {  	(tag) =	ssettag $0x0;
	lr =	simm.s32 $0x1  }
0x2: {  	[smem:$0x3F9D] =	sst lr;
	_ =	strace $0xD0000000  }
0x3: {  	_ = 	snop  }
0x4: {  	_ = 	snop  }
0x5: {  	_ = 	snop  }
0x6: {  	_ = 	snop  }
0x7: {  	_ = 	snop  }
__scs_overlays_trampoline_lowered:
0x8: {  	[smem:$0x3FAC] =	sst s0  }
0x9: {  	[smem:$0x3FAD] =	sst s1  }
0xa: {  	[smem:$0x3FAE] =	sst s2  }
0xb: {  	[smem:$0x3FAF] =	sst s3  }
0xc: {  	[smem:$0x3FB0] =	sst s4  }
0xd: {  	[smem:$0x3FB1] =	sst s5  }
0xe: {  	[smem:$0x3FB2] =	sst s6  }
0xf: {  	[smem:$0x3FB3] =	sst s7  }
0x10: {  	[smem:$0x3FB4] =	sst s8  }
0x11: {  	[smem:$0x3FB5] =	sst s9;
	s0 =	simm.s32 @!p0 $0x0  }
0x12: {  	s1 =	sld [smem:$0x3F9B];
	s0 =	simm.s32 @p0 $0x1  }
0x13: {  	[smem:$0x3FB6] =	sst s0;
	s0 =	simm.s32 @!p1 $0x0  }
0x14: {  	s2 =	sld [smem:$0x3F9A];
	s0 =	simm.s32 @p1 $0x1  }
0x15: {  	[smem:$0x3FB7] =	sst s0;
	s0 =	simm.s32 @!p2 $0x0  }
0x16: {  	s3 =	sld [smem:$0x3FDB];
	s0 =	simm.s32 @p2 $0x1  }
0x17: {  	s4 =	simm.s32 $0x1BF5;
	[smem:$0x3FB9] =	sst s0  }
0x18: {  	s0 =	sld [smem:$0x3F9C];
	_ =	swait.ge [sflag:s4], $0x0  }
0x19: {  	s7 =	sld [smem:$0x3F9D]  }
0x1a: {  	s8 =	sadd.s32 $0xFFFFE003, lr  }
0x1b: {  	s9 =	sadd.s32 $0xFFFFFEF7, lr;
	s5 =	simm.s32 $0xFFFFFFFF;
	p2 =	slt.u32 s8, $0xFFFFF086  }
0x1c: {  	p1 =	slt.u32 s9, $0xF7A;
	s5 =	simm.s32 @!p2 $0x0  }
0x1d: {  	s5 =	simm.s32 @p1 $0x1;
	p0 =	seq.s32 s7, s2  }
0x1e: {  	s7 =	smul.u32 @!p0 $0xF7A, s2;
	p2 =	seq.s32 @!p0 s5, $0x0  }
0x1f: {  	s9 =	smul.u32 $0xF7A, s1;
	s8 =	simm.s32 @!p0 $0x1BF5;
	p2 =	por !p2, p0  }
0x20: {  	[sflag:s8] =	ssyncset.s32 @!p0 $0xFFFFF086;
	s6 =	sadd.s32 @!p0 s3, s7;
	s7 =	simm.s32 @!p0 $0x108  }
0x21: {  	s3 =	sadd.s32 s3, s9;
	s6 =	sadd.s32 @!p0 $0x88, s6;
	s7 =	simm.s32 @p2 $0x1082  }
0x22: {  	[simem:s7], [sflag:s8] =	dma.local @!p0 [hbm:s6], $0xF7A  }
0x23: {  	s9 =	sor.u32 $0xD0000000, s2;
	s6 =	simm.s32 $0x108;
	_ =	swait.ge @!p0 [sflag:s8], $0x0  }
0x24: {  	s3 =	sadd.s32 $0x88, s3;
	s6 =	simm.s32 @!p1 $0x1082;
	[sflag:s4] =	ssyncset.s32 $0xFFFFF086  }
0x25: {  	[simem:s6], [sflag:s4] =	dma.local [hbm:s3], $0xF7A  }
0x26: {  	[smem:$0x3F9D] =	sst s1;
	(tag) =	ssettag s2;
	_ =	strace s9  }
0x27: {  	s1 =	sld [smem:$0x3FAD]  }
0x28: {  	s2 =	sld [smem:$0x3FAE]  }
0x29: {  	s4 =	sld [smem:$0x3FB0]  }
0x2a: {  	p0 =	seq.s32 s5, $0x0;
	s5 =	sld [smem:$0x3FB1]  }
0x2b: {  	s6 =	sld [smem:$0x3FB2]  }
0x2c: {  	s7 =	sld [smem:$0x3FB3]  }
0x2d: {  	s3 =	simm.s32 $0x108;
	s8 =	sld [smem:$0x3FB4]  }
0x2e: {  	s3 =	simm.s32 @!p0 $0x1082;
	s9 =	sld [smem:$0x3FB5]  }
0x2f: {  	lr =	sadd.s32 s0, s3;
	s0 =	sld [smem:$0x3FAC]  }
0x30: {  	s3 =	sld [smem:$0x3FAF]  }
0x31: {  	[smem:$0x3FB8] =	sst s10  }
0x32: {  	s10 =	sld [smem:$0x3FB6];
	_ =	sdelay $0x3  }
0x33: {  	p0 =	seq.s32 s10, $0x1;
	s10 =	sld [smem:$0x3FB8];
	_ =	sdelay $0x3  }
0x34: {  	[smem:$0x3FB8] =	sst s10  }
0x35: {  	s10 =	sld [smem:$0x3FB7];
	_ =	sdelay $0x3  }
0x36: {  	p1 =	seq.s32 s10, $0x1;
	s10 =	sld [smem:$0x3FB8];
	_ =	sdelay $0x3  }
0x37: {  	[smem:$0x3FB8] =	sst s10  }
0x38: {  	s10 =	sld [smem:$0x3FB9]  }
0x39: {  	_ = 	snop;
	(pc) =	sbr.ind lr, $3  }
0x3a: {  	_ = 	snop  }
0x3b: {  	_ = 	snop  }
0x3c: {  	p2 =	seq.s32 s10, $0x1;
	s10 =	sld [smem:$0x3FB8]  }
0x3d: {  	_ =	shalt  }
0x3e: {  	_ =	shalt  }
0x3f: {  	_ =	shalt  }
0x40: {  	_ =	shalt  }
0x41: {  	_ =	shalt  }
0x42: {  	_ =	shalt  }
0x43: {  	_ =	shalt  }
0x44: {  	_ =	shalt  }
0x45: {  	_ =	shalt  }
0x46: {  	_ =	shalt  }
0x47: {  	_ =	shalt  }
0x48: {  	_ =	shalt  }
0x49: {  	_ =	shalt  }
0x4a: {  	_ =	shalt  }
0x4b: {  	_ =	shalt  }
0x4c: {  	_ =	shalt  }
0x4d: {  	_ =	shalt  }
0x4e: {  	_ =	shalt  }
0x4f: {  	_ =	shalt  }
0x50: {  	_ =	shalt  }
0x51: {  	_ =	shalt  }
0x52: {  	_ =	shalt  }
0x53: {  	_ =	shalt  }
0x54: {  	_ =	shalt  }
0x55: {  	_ =	shalt  }
0x56: {  	_ =	shalt  }
0x57: {  	_ =	shalt  }
0x58: {  	_ =	shalt  }
0x59: {  	_ =	shalt  }
0x5a: {  	_ =	shalt  }
0x5b: {  	_ =	shalt  }
0x5c: {  	_ =	shalt  }
0x5d: {  	_ =	shalt  }
0x5e: {  	_ =	shalt  }
0x5f: {  	_ =	shalt  }
0x60: {  	_ =	shalt  }
0x61: {  	_ =	shalt  }
0x62: {  	_ =	shalt  }
0x63: {  	_ =	shalt  }
0x64: {  	_ =	shalt  }
0x65: {  	_ =	shalt  }
0x66: {  	_ =	shalt  }
0x67: {  	_ =	shalt  }
0x68: {  	_ =	shalt  }
0x69: {  	_ =	shalt  }
0x6a: {  	_ =	shalt  }
0x6b: {  	_ =	shalt  }
0x6c: {  	_ =	shalt  }
0x6d: {  	_ =	shalt  }
0x6e: {  	_ =	shalt  }
0x6f: {  	_ =	shalt  }
0x70: {  	_ =	shalt  }
0x71: {  	_ =	shalt  }
0x72: {  	_ =	shalt  }
0x73: {  	_ =	shalt  }
0x74: {  	_ =	shalt  }
0x75: {  	_ =	shalt  }
0x76: {  	_ =	shalt  }
0x77: {  	_ =	shalt  }
0x78: {  	_ =	shalt  }
0x79: {  	_ =	shalt  }
0x7a: {  	_ =	shalt  }
0x7b: {  	_ =	shalt  }
0x7c: {  	_ =	shalt  }
0x7d: {  	_ =	shalt  }
0x7e: {  	_ =	shalt  }
0x7f: {  	_ =	shalt  }
0x80: {  	_ =	shalt  }
0x81: {  	_ =	shalt  }
0x82: {  	_ =	shalt  }
0x83: {  	_ =	shalt  }
0x84: {  	_ =	shalt  }
0x85: {  	_ =	shalt  }
0x86: {  	_ =	shalt  }
0x87: {  	_ =	shalt  }
.Lfunc_end0:
.L_simem_size_0:
called_computation.1_lowered:
.L_overlay_start_0:
0x88: {  	s2 =	sld [smem:$0x3FD9]  }
0x89: {  	s3 =	sld [smem:$0x3FFE];
	_ =	sdelay $0x1  }
0x8a: {  	s1 =	srdreg.scid  }
0x8b: {  	s0 =	sand.u32 $0x1, s1  }
0x8c: {  	s16 =	sshll.u32 s0, $0xA;
	s2 =	sadd.s32 s3, s2  }
0x8d: {  	s2 =	sadd.s32 s2, s16  }
0x8e: {  	[smem:$0x3FC4] =	sst s2  }
0x8f: {  	_ = 	snop  }
0x90: {  	(tm) =	ssettm $0x1  }
0x91: {  	s17 =	sld [smem:$0x3FFB];
	_ =	sdelay $0x3  }
0x92: {  	_ =	strace s17  }
0x93: {  	s2 =	sld [smem:$0x3FFC];
	_ =	sdelay $0x3  }
0x94: {  	_ =	strace s2  }
0x95: {  	s2 =	sld [smem:$0x3FFD];
	_ =	sdelay $0x3  }
0x96: {  	_ =	strace s2  }
0x97: {  	_ =	strace $0x8FFFFFFF  }
0x98: {  	s18 =	sld [smem:$0x3FDB];
	_ =	sdelay $0x1  }
0x99: {  	s19 =	simm.s32 $_scs_section_size  }
0x9a: {  	s4 =	simm.s32 $_size__tile_overlayer_lowered;
	s5 =	simm.s32 $_tile_overlayer_lowered  }
0x9b: {  	s22 =	simm.s32 $0x1BFF;
	s21 =	sshll.u32 s5, $0x1;
	s2 =	sadd.s32 s19, s18  }
0x9c: {  	s6 =	simm.s32 $0x0;
	s20 =	sshll.u32 s4, $0x1;
	s4 =	sadd.s32 s21, s2  }
0x9d: {  	[timem:s6], [sflag:s22] =	dma.local [hbm:s4], s20  }
0x9e: {  	_ =	swait.ge [sflag:s22], s20  }
0x9f: {  	s3 =	ssub.s32 $0x0, s20;
	[sflag:s22] =	ssyncset.done $0x0  }
0xa0: {  	[sflag:s22] =	ssyncadd.s32 s3;
	_ =	sdelay $0x1  }
0xa1: {  	s23 =	simm.s32 $0x1B8B  }
0xa2: {  	_ =	swait.ge [sflag:s23], $0x1  }
0xa3: {  	[sflag:s23] =	ssyncset.done $0x0  }
0xa4: {  	s25 =	simm.s32 $0x1B8E;
	s24 =	sld [smem:$0x3FFE];
	[sflag:s23] =	ssyncadd.s32 $0xFFFFFFFF  }
0xa5: {  	s26 =	simm.s32 $execute0_lowered;
	[smem:$0x3FD2] =	sst s25  }
0xa6: {  	s4 =	sshll.u32 s26, $0x1;
	_ =	strace $0x8000004C;
	[dreg:$0x1] =	wrdreg $0xFFFFFFFF  }
0xa7: {  	s28 =	simm.s32 $_size_execute0_lowered;
	s2 =	sadd.s32 s2, s4;
	[dreg:$0x0] =	wrdreg $0x0  }
0xa8: {  	s4 =	sshll.u32 s28, $0x1;
	[dreg:$0x2] =	wrdreg s2  }
0xa9: {  	[dreg:$0x3] =	wrdreg s4  }
0xaa: {  	[dreg:$0x4] =	wrdreg $0xC0  }
0xab: {  	_ =	task [dreg:s6], $0x5FFFF  }
0xac: {  	[dreg:$0x1] =	wrdreg $0xFFFFFFFF  }
0xad: {  	[dreg:$0x0] =	wrdreg $0x60  }
0xae: {  	[dreg:$0x2] =	wrdreg s24  }
0xaf: {  	[dreg:$0x3] =	wrdreg $0x9  }
0xb0: {  	_ =	task.clear_ibuf [dreg:s6], $0x4FFFF;
	_ =	strace $0x9000004C  }
0xb1: {  	s29 =	simm.s32 $0x9;
	_ =	strace $0x8000004E  }
0xb2: {  	_ =	swait.ge [sflag:s29], $0x1  }
0xb3: {  	[sflag:s29] =	ssyncadd.s32 $0xFFFFFFFF  }
0xb4: {  	_ =	strace $0x9000004E  }
0xb5: {  	_ =	sfence  }
0xb6: {  	s30 =	sld [smem:$0x0];
	_ =	sdelay $0x2  }
0xb7: {  	s31 =	sshll.u32 s1, $0xD;
	s1 =	sshrl.u32 s1, $0x2  }
0xb8: {  	s3 =	sand.u32 $0x4000, s31;
	s1 =	sadd.s32 s1, s30  }
0xb9: {  	s0 =	sor.u32 s3, s0;
	s1 =	sshll.u32 s1, $0x11  }
0xba: {  	s0 =	sor.u32 s1, s0  }
0xbb: {  	s0 =	sadd.s32 $0x8F2B, s0  }
0xbc: {  	[sflag:s0] =	ssyncadd.remote.s32 $0x1  }
0xbd: {  	_ =	sfence.sel $0xFFFF  }
0xbe: {  	[dreg:$0x0] =	wrdreg $0xFFFFFFFF;
	(pc) =	sbr.abs _section_cstart, $3  }
0xbf: {  	[dreg:$0x1] =	wrdreg $0xFFFFFFFF  }
0xc0: {  	_ =	task.clear_ibuf [dreg:s6], $0x2FFFF;
	_ =	strace $0x9FFFFFFF  }
0xc1: {  	(tm) =	ssettm $0x7FFFFFFF  }
tec
execute0_lowered:
.L_overlay_start_1:
0x0: {  	(tag) =	ssettag $0x1  }
0x1: {  	s0 =	rddreg [dreg:$0x0];
	s1 =	srdreg.scid  }
0x2: {  	s2 =	stileid.u32;
	s19 =	simm.s32 $0x880;
	s5 =	simm.s32 $0x100  }
0x3: {  	s20 =	simm.s32 $0x900;
	s21 =	simm.s32 $0x180;
	s23 =	simm.s32 $0x980  }
0x4: {  	s24 =	simm.s32 $0x200;
	s25 =	simm.s32 $0xA00;
	s6 =	simm.s32 $0x2  }
0x5: {  	s26 =	simm.s32 $0x280;
	s7 =	simm.s32 $0x80;
	s31 =	simm.s32 $0xA80  }
0x6: {  	s8 =	simm.s32 $0x800;
	s3 =	sshll.u32 s2, $0xD;
	s2 =	simm.s32 $0x0  }
0x7: {  	s9 =	simm.s32 $0x300;
	s10 =	simm.s32 $0xB00;
	[smem:$0x7FF] =	sst s2  }
0x8: {  	s11 =	simm.s32 $0x380;
	_ =	strace $0x8000004D;
	[dreg:$0x3] =	wrdreg s19  }
0x9: {  	s12 =	simm.s32 $0xB80;
	s13 =	simm.s32 $0x400;
	[dreg:$0x4] =	wrdreg s5  }
0xa: {  	s14 =	simm.s32 $0xC00;
	s15 =	simm.s32 $0x480;
	[dreg:$0x5] =	wrdreg s20  }
0xb: {  	s16 =	simm.s32 $0xC80;
	s17 =	simm.s32 $0x500;
	[dreg:$0x6] =	wrdreg s21  }
0xc: {  	s18 =	simm.s32 $0xD00;
	s28 =	simm.s32 $0x780;
	[dreg:$0x7] =	wrdreg s23  }
0xd: {  	s29 =	simm.s32 $0xF80;
	s1 =	sand.u32 $0x1, s1;
	[dreg:$0x8] =	wrdreg s24  }
0xe: {  	s30 =	simm.s32 $0x1;
	s4 =	sshll.u32 s1, $0xC;
	[dreg:$0x9] =	wrdreg s25  }
0xf: {  	s3 =	sadd.s32 s3, s0;
	s1 =	ssub.s32 $0x2, s1;
	[dreg:$0xa] =	wrdreg s26  }
0x10: {  	s3 =	sadd.s32 s4, s3;
	s22 =	sshrl.u32 s1, $0x1;
	[dreg:$0xb] =	wrdreg s31  }
0x11: {  	s19 =	simm.s32 $0x580;
	s20 =	simm.s32 $0xD80;
	s21 =	simm.s32 $0x600  }
0x12: {  	s23 =	simm.s32 $0x680;
	s24 =	simm.s32 $0xE80;
	s25 =	simm.s32 $0x700  }
0x13: {  	s26 =	simm.s32 $0xF00;
	s4 =	sadd.s32 $0x30800, s3;
	s1 =	ssub.s32 s1, s22  }
0x14: {  	s22 =	simm.s32 $0xE00;
	[dreg:$0x2] =	wrdreg s4;
	s1 =	smax.u32 s1, $0x1  }
0x15: {  	s4 =	sadd.s32 $0x20800, s0;
	[dreg:$0xc] =	wrdreg s1;
	s1 =	simm.s32 $0x0  }
.LBB2_1:
0x16: {  	[dreg:$0xd] =	wrdreg s1;
	s0 =	sadd.s32 $0x0, s3  }
0x17: {  	[tilespmem:s2], [sflag:$0x2] =	stream.linear.gather [hbm4b:s0+s2], $0x800, $0x38;
	[tilespmem:$0x1000] =	vst v63  }
0x18: {  	_ =	swait.ge [sflag:s6], $0x800  }
0x19: {  	s0 =	rddreg [dreg:$0x4]  }
0x1a: {  	[sflag:s6] =	ssyncset.done $0x0;
	s1 =	rddreg [dreg:$0x3]  }
0x1b: {  	s5 =	rddreg [dreg:$0x5];
	[sflag:s6] =	ssyncadd.s32 $0xFFFFF800  }
0x1c: {  	[tilespmem:s8], [sflag:$0x1] =	stream.indirect.gather [hbm4b:s4+s7], $0x1, s2, s7, $0xb8;
	[tilespmem:$0x1000] =	vst v63  }
0x1d: {  	s31 =	rddreg [dreg:$0x7]  }
0x1e: {  	[tilespmem:s1], [sflag:$0x1] =	stream.indirect.gather [hbm4b:s4+s7], $0x1, s7, s7, $0xb8;
	[tilespmem:$0x1000] =	vst v63  }
0x1f: {  	s1 =	rddreg [dreg:$0x6]  }
0x20: {  	[tilespmem:s5], [sflag:$0x1] =	stream.indirect.gather [hbm4b:s4+s7], $0x1, s0, s7, $0xb8;
	[tilespmem:$0x1000] =	vst v63  }
0x21: {  	s0 =	rddreg [dreg:$0x9]  }
0x22: {  	s5 =	rddreg [dreg:$0x8]  }
0x23: {  	[tilespmem:s31], [sflag:$0x1] =	stream.indirect.gather [hbm4b:s4+s7], $0x1, s1, s7, $0xb8;
	[tilespmem:$0x1000] =	vst v63  }
0x24: {  	s1 =	rddreg [dreg:$0xb]  }
0x25: {  	[tilespmem:s0], [sflag:$0x1] =	stream.indirect.gather [hbm4b:s4+s7], $0x1, s5, s7, $0xb8;
	[tilespmem:$0x1000] =	vst v63  }
0x26: {  	s31 =	rddreg [dreg:$0xa]  }
0x27: {  	[tilespmem:s1], [sflag:$0x1] =	stream.indirect.gather [hbm4b:s4+s7], $0x1, s31, s7, $0xb8;
	[tilespmem:$0x1000] =	vst v63  }
0x28: {  	_ = 	snop  }
0x29: {  	[tilespmem:s10], [sflag:$0x1] =	stream.indirect.gather [hbm4b:s4+s7], $0x1, s9, s7, $0xb8;
	[tilespmem:$0x1000] =	vst v63  }
0x2a: {  	_ = 	snop  }
0x2b: {  	[tilespmem:s12], [sflag:$0x1] =	stream.indirect.gather [hbm4b:s4+s7], $0x1, s11, s7, $0xb8;
	[tilespmem:$0x1000] =	vst v63  }
0x2c: {  	_ = 	snop  }
0x2d: {  	[tilespmem:s14], [sflag:$0x1] =	stream.indirect.gather [hbm4b:s4+s7], $0x1, s13, s7, $0xb8;
	[tilespmem:$0x1000] =	vst v63  }
0x2e: {  	_ = 	snop  }
0x2f: {  	[tilespmem:s16], [sflag:$0x1] =	stream.indirect.gather [hbm4b:s4+s7], $0x1, s15, s7, $0xb8;
	[tilespmem:$0x1000] =	vst v63  }
0x30: {  	_ = 	snop  }
0x31: {  	[tilespmem:s18], [sflag:$0x1] =	stream.indirect.gather [hbm4b:s4+s7], $0x1, s17, s7, $0xb8;
	[tilespmem:$0x1000] =	vst v63  }
0x32: {  	_ = 	snop  }
0x33: {  	[tilespmem:s20], [sflag:$0x1] =	stream.indirect.gather [hbm4b:s4+s7], $0x1, s19, s7, $0xb8;
	[tilespmem:$0x1000] =	vst v63  }
0x34: {  	_ = 	snop  }
0x35: {  	[tilespmem:s22], [sflag:$0x1] =	stream.indirect.gather [hbm4b:s4+s7], $0x1, s21, s7, $0xb8;
	[tilespmem:$0x1000] =	vst v63  }
0x36: {  	_ = 	snop  }
0x37: {  	[tilespmem:s24], [sflag:$0x1] =	stream.indirect.gather [hbm4b:s4+s7], $0x1, s23, s7, $0xb8;
	[tilespmem:$0x1000] =	vst v63  }
0x38: {  	_ = 	snop  }
0x39: {  	[tilespmem:s26], [sflag:$0x1] =	stream.indirect.gather [hbm4b:s4+s7], $0x1, s25, s7, $0xb8;
	[tilespmem:$0x1000] =	vst v63  }
0x3a: {  	_ = 	snop  }
0x3b: {  	[tilespmem:s29], [sflag:$0x1] =	stream.indirect.gather [hbm4b:s4+s7], $0x1, s28, s7, $0xb8;
	[tilespmem:$0x1000] =	vst v63  }
0x3c: {  	_ =	swait.ge [sflag:s30], $0x80  }
0x3d: {  	[sflag:s30] =	ssyncset.done $0x0  }
0x3e: {  	[sflag:s30] =	ssyncadd.s32 $0xFFFFFF80  }
0x3f: {  	_ =	swait.ge [sflag:s30], $0x80  }
0x40: {  	[sflag:s30] =	ssyncset.done $0x0  }
0x41: {  	[sflag:s30] =	ssyncadd.s32 $0xFFFFFF80  }
0x42: {  	_ =	swait.ge [sflag:s30], $0x80  }
0x43: {  	[sflag:s30] =	ssyncset.done $0x0  }
0x44: {  	[sflag:s30] =	ssyncadd.s32 $0xFFFFFF80  }
0x45: {  	_ =	swait.ge [sflag:s30], $0x80  }
0x46: {  	[sflag:s30] =	ssyncset.done $0x0  }
0x47: {  	[sflag:s30] =	ssyncadd.s32 $0xFFFFFF80  }
0x48: {  	_ =	swait.ge [sflag:s30], $0x80  }
0x49: {  	[sflag:s30] =	ssyncset.done $0x0  }
0x4a: {  	[sflag:s30] =	ssyncadd.s32 $0xFFFFFF80  }
0x4b: {  	_ =	swait.ge [sflag:s30], $0x80  }
0x4c: {  	[sflag:s30] =	ssyncset.done $0x0  }
0x4d: {  	[sflag:s30] =	ssyncadd.s32 $0xFFFFFF80  }
0x4e: {  	_ =	swait.ge [sflag:s30], $0x80  }
0x4f: {  	[sflag:s30] =	ssyncset.done $0x0  }
0x50: {  	[sflag:s30] =	ssyncadd.s32 $0xFFFFFF80  }
0x51: {  	_ =	swait.ge [sflag:s30], $0x80  }
0x52: {  	[sflag:s30] =	ssyncset.done $0x0  }
0x53: {  	[sflag:s30] =	ssyncadd.s32 $0xFFFFFF80  }
0x54: {  	_ =	swait.ge [sflag:s30], $0x80  }
0x55: {  	[sflag:s30] =	ssyncset.done $0x0  }
0x56: {  	[sflag:s30] =	ssyncadd.s32 $0xFFFFFF80  }
0x57: {  	_ =	swait.ge [sflag:s30], $0x80  }
0x58: {  	[sflag:s30] =	ssyncset.done $0x0  }
0x59: {  	[sflag:s30] =	ssyncadd.s32 $0xFFFFFF80  }
0x5a: {  	_ =	swait.ge [sflag:s30], $0x80  }
0x5b: {  	[sflag:s30] =	ssyncset.done $0x0  }
0x5c: {  	[sflag:s30] =	ssyncadd.s32 $0xFFFFFF80  }
0x5d: {  	_ =	swait.ge [sflag:s30], $0x80  }
0x5e: {  	[sflag:s30] =	ssyncset.done $0x0  }
0x5f: {  	[sflag:s30] =	ssyncadd.s32 $0xFFFFFF80  }
0x60: {  	_ =	swait.ge [sflag:s30], $0x80  }
0x61: {  	[sflag:s30] =	ssyncset.done $0x0  }
0x62: {  	[sflag:s30] =	ssyncadd.s32 $0xFFFFFF80  }
0x63: {  	_ =	swait.ge [sflag:s30], $0x80  }
0x64: {  	[sflag:s30] =	ssyncset.done $0x0  }
0x65: {  	[sflag:s30] =	ssyncadd.s32 $0xFFFFFF80  }
0x66: {  	_ =	swait.ge [sflag:s30], $0x80  }
0x67: {  	[sflag:s30] =	ssyncset.done $0x0  }
0x68: {  	[sflag:s30] =	ssyncadd.s32 $0xFFFFFF80  }
0x69: {  	_ =	swait.ge [sflag:s30], $0x80  }
0x6a: {  	s31 =	rddreg [dreg:$0x2];
	[sflag:s30] =	ssyncset.done $0x0  }
0x6b: {  	s0 =	simm.s32 $0x100;
	[sflag:s30] =	ssyncadd.s32 $0xFFFFFF80;
	s1 =	sadd.s32 $0x0, s31  }
.LBB2_2:
0x6c: {  	[hbm4b:s1+s2] =	stream.linear.scatter [tilespmem:s8], [sflag:$0x2], $0x800, $0x38;
	[tilespmem:$0x1000] =	vst v63  }
0x6d: {  	_ =	swait.ge [sflag:s6], $0x800  }
0x6e: {  	s1 =	smov.u32 s0;
	[sflag:s6] =	ssyncset.done $0x0  }
0x6f: {  	s5 =	sadd.s32 s1, s3;
	[sflag:s6] =	ssyncadd.s32 $0xFFFFF800  }
0x70: {  	[tilespmem:s2], [sflag:$0x2] =	stream.linear.gather [hbm4b:s5+s2], $0x800, $0x38;
	[tilespmem:$0x1000] =	vst v63  }
0x71: {  	_ =	swait.ge [sflag:s6], $0x800  }
0x72: {  	s5 =	rddreg [dreg:$0xb]  }
0x73: {  	s31 =	rddreg [dreg:$0x9]  }
0x74: {  	[sflag:s6] =	ssyncset.done $0x0;
	s9 =	rddreg [dreg:$0x4]  }
0x75: {  	s10 =	rddreg [dreg:$0x3];
	[sflag:s6] =	ssyncadd.s32 $0xFFFFF800  }
0x76: {  	[tilespmem:s8], [sflag:$0x1] =	stream.indirect.gather [hbm4b:s4+s7], $0x1, s2, s7, $0xb8;
	[tilespmem:$0x1000] =	vst v63  }
0x77: {  	s11 =	rddreg [dreg:$0x5]  }
0x78: {  	[tilespmem:s10], [sflag:$0x1] =	stream.indirect.gather [hbm4b:s4+s7], $0x1, s7, s7, $0xb8;
	[tilespmem:$0x1000] =	vst v63  }
0x79: {  	s12 =	rddreg [dreg:$0x7]  }
0x7a: {  	[tilespmem:s11], [sflag:$0x1] =	stream.indirect.gather [hbm4b:s4+s7], $0x1, s9, s7, $0xb8;
	[tilespmem:$0x1000] =	vst v63  }
0x7b: {  	s10 =	rddreg [dreg:$0x6]  }
0x7c: {  	[tilespmem:s12], [sflag:$0x1] =	stream.indirect.gather [hbm4b:s4+s7], $0x1, s10, s7, $0xb8;
	[tilespmem:$0x1000] =	vst v63  }
0x7d: {  	s9 =	rddreg [dreg:$0x8]  }
0x7e: {  	[tilespmem:s31], [sflag:$0x1] =	stream.indirect.gather [hbm4b:s4+s7], $0x1, s9, s7, $0xb8;
	[tilespmem:$0x1000] =	vst v63  }
0x7f: {  	s10 =	rddreg [dreg:$0xa]  }
0x80: {  	[tilespmem:s5], [sflag:$0x1] =	stream.indirect.gather [hbm4b:s4+s7], $0x1, s10, s7, $0xb8;
	[tilespmem:$0x1000] =	vst v63  }
0x81: {  	s9 =	simm.s32 $0x300;
	s10 =	simm.s32 $0xB00  }
0x82: {  	[tilespmem:s10], [sflag:$0x1] =	stream.indirect.gather [hbm4b:s4+s7], $0x1, s9, s7, $0xb8;
	[tilespmem:$0x1000] =	vst v63  }
0x83: {  	s11 =	simm.s32 $0x380;
	s12 =	simm.s32 $0xB80  }
0x84: {  	[tilespmem:s12], [sflag:$0x1] =	stream.indirect.gather [hbm4b:s4+s7], $0x1, s11, s7, $0xb8;
	[tilespmem:$0x1000] =	vst v63  }
0x85: {  	_ = 	snop  }
0x86: {  	[tilespmem:s14], [sflag:$0x1] =	stream.indirect.gather [hbm4b:s4+s7], $0x1, s13, s7, $0xb8;
	[tilespmem:$0x1000] =	vst v63  }
0x87: {  	_ = 	snop  }
0x88: {  	[tilespmem:s16], [sflag:$0x1] =	stream.indirect.gather [hbm4b:s4+s7], $0x1, s15, s7, $0xb8;
	[tilespmem:$0x1000] =	vst v63  }
0x89: {  	_ = 	snop  }
0x8a: {  	[tilespmem:s18], [sflag:$0x1] =	stream.indirect.gather [hbm4b:s4+s7], $0x1, s17, s7, $0xb8;
	[tilespmem:$0x1000] =	vst v63  }
0x8b: {  	_ = 	snop  }
0x8c: {  	[tilespmem:s20], [sflag:$0x1] =	stream.indirect.gather [hbm4b:s4+s7], $0x1, s19, s7, $0xb8;
	[tilespmem:$0x1000] =	vst v63  }
0x8d: {  	_ = 	snop  }
0x8e: {  	[tilespmem:s22], [sflag:$0x1] =	stream.indirect.gather [hbm4b:s4+s7], $0x1, s21, s7, $0xb8;
	[tilespmem:$0x1000] =	vst v63  }
0x8f: {  	_ = 	snop  }
0x90: {  	[tilespmem:s24], [sflag:$0x1] =	stream.indirect.gather [hbm4b:s4+s7], $0x1, s23, s7, $0xb8;
	[tilespmem:$0x1000] =	vst v63  }
0x91: {  	_ = 	snop  }
0x92: {  	[tilespmem:s26], [sflag:$0x1] =	stream.indirect.gather [hbm4b:s4+s7], $0x1, s25, s7, $0xb8;
	[tilespmem:$0x1000] =	vst v63  }
0x93: {  	_ = 	snop  }
0x94: {  	[tilespmem:s29], [sflag:$0x1] =	stream.indirect.gather [hbm4b:s4+s7], $0x1, s28, s7, $0xb8;
	[tilespmem:$0x1000] =	vst v63  }
0x95: {  	_ =	swait.ge [sflag:s30], $0x80  }
0x96: {  	[sflag:s30] =	ssyncset.done $0x0  }
0x97: {  	[sflag:s30] =	ssyncadd.s32 $0xFFFFFF80  }
0x98: {  	_ =	swait.ge [sflag:s30], $0x80  }
0x99: {  	[sflag:s30] =	ssyncset.done $0x0  }
0x9a: {  	[sflag:s30] =	ssyncadd.s32 $0xFFFFFF80  }
0x9b: {  	_ =	swait.ge [sflag:s30], $0x80  }
0x9c: {  	[sflag:s30] =	ssyncset.done $0x0  }
0x9d: {  	[sflag:s30] =	ssyncadd.s32 $0xFFFFFF80  }
0x9e: {  	_ =	swait.ge [sflag:s30], $0x80  }
0x9f: {  	[sflag:s30] =	ssyncset.done $0x0  }
0xa0: {  	[sflag:s30] =	ssyncadd.s32 $0xFFFFFF80  }
0xa1: {  	_ =	swait.ge [sflag:s30], $0x80  }
0xa2: {  	[sflag:s30] =	ssyncset.done $0x0  }
0xa3: {  	[sflag:s30] =	ssyncadd.s32 $0xFFFFFF80  }
0xa4: {  	_ =	swait.ge [sflag:s30], $0x80  }
0xa5: {  	[sflag:s30] =	ssyncset.done $0x0  }
0xa6: {  	[sflag:s30] =	ssyncadd.s32 $0xFFFFFF80  }
0xa7: {  	_ =	swait.ge [sflag:s30], $0x80  }
0xa8: {  	[sflag:s30] =	ssyncset.done $0x0  }
0xa9: {  	[sflag:s30] =	ssyncadd.s32 $0xFFFFFF80  }
0xaa: {  	_ =	swait.ge [sflag:s30], $0x80  }
0xab: {  	[sflag:s30] =	ssyncset.done $0x0  }
0xac: {  	[sflag:s30] =	ssyncadd.s32 $0xFFFFFF80  }
0xad: {  	_ =	swait.ge [sflag:s30], $0x80  }
0xae: {  	[sflag:s30] =	ssyncset.done $0x0  }
0xaf: {  	[sflag:s30] =	ssyncadd.s32 $0xFFFFFF80  }
0xb0: {  	_ =	swait.ge [sflag:s30], $0x80  }
0xb1: {  	[sflag:s30] =	ssyncset.done $0x0  }
0xb2: {  	[sflag:s30] =	ssyncadd.s32 $0xFFFFFF80  }
0xb3: {  	_ =	swait.ge [sflag:s30], $0x80  }
0xb4: {  	[sflag:s30] =	ssyncset.done $0x0  }
0xb5: {  	[sflag:s30] =	ssyncadd.s32 $0xFFFFFF80  }
0xb6: {  	_ =	swait.ge [sflag:s30], $0x80  }
0xb7: {  	[sflag:s30] =	ssyncset.done $0x0  }
0xb8: {  	[sflag:s30] =	ssyncadd.s32 $0xFFFFFF80  }
0xb9: {  	_ =	swait.ge [sflag:s30], $0x80  }
0xba: {  	[sflag:s30] =	ssyncset.done $0x0  }
0xbb: {  	[sflag:s30] =	ssyncadd.s32 $0xFFFFFF80  }
0xbc: {  	_ =	swait.ge [sflag:s30], $0x80  }
0xbd: {  	[sflag:s30] =	ssyncset.done $0x0  }
0xbe: {  	[sflag:s30] =	ssyncadd.s32 $0xFFFFFF80  }
0xbf: {  	p0 =	sne.s32 s0, $0xF00;
	_ =	swait.ge [sflag:s30], $0x80  }
.Ltmp0:
0xc0: {  	[sflag:s30] =	ssyncset.done $0x0;
	(pc) =	sbr.rel @p0 .LBB2_2-.Ltmp0, $4  }
0xc1: {  	[sflag:s30] =	ssyncadd.s32 $0xFFFFFF80  }
0xc2: {  	_ =	swait.ge [sflag:s30], $0x80  }
0xc3: {  	s31 =	rddreg [dreg:$0x2];
	[sflag:s30] =	ssyncset.done $0x0  }
0xc4: {  	s0 =	sadd.s32 $0x100, s0;
	[sflag:s30] =	ssyncadd.s32 $0xFFFFFF80;
	s1 =	sadd.s32 s1, s31  }
0xc5: {  	[hbm4b:s1+s2] =	stream.linear.scatter [tilespmem:s8], [sflag:$0x2], $0x800, $0x38;
	[tilespmem:$0x1000] =	vst v63  }
0xc6: {  	_ =	swait.ge [sflag:s6], $0x800  }
0xc7: {  	s31 =	rddreg [dreg:$0xd]  }
0xc8: {  	s0 =	rddreg [dreg:$0xc];
	s1 =	sadd.s32 $0x1, s31  }
0xc9: {  	p0 =	sne.s32 s1, s0  }
.Ltmp1:
0xca: {  	_ = 	snop;
	(pc) =	sbr.rel @p0 .LBB2_1-.Ltmp1, $3  }
0xcb: {  	_ =	sdelay $0x1  }
0xcc: {  	[sflag:s6] =	ssyncset.done $0x0  }
0xcd: {  	[sflag:s6] =	ssyncadd.s32 $0xFFFFF800  }
0xce: {  	_ =	sfence.sel $0x180000  }
0xcf: {  	[bflag:$0x0] =	sbarrier.arrive $0xFFFF  }
0xd0: {  	_ =	strace $0x9000004D  }
0xd1: {  	s0 =	stileid.u32;
	[bflag:$0x2] =	sbarrier.arrive $0xFFFF  }
0xd2: {  	p0 =	sne.s32 s0, $0x0;
	s0 =	rddreg [dreg:$0x1]  }
0xd3: {  	s0 =	sadd.s32 @!p0 $0x100000, s0  }
0xd4: {  	[sflag:s0] =	ssyncadd.tile.s32 @!p0 $0x1;
	_ =	shalt  }
.Lfunc_end2:
_tile_overlayer_lowered:
.L_overlay_start_2:
0xd5: {  	(tag) =	ssettag $0x2  }
0xd6: {  	s0 =	rddreg [dreg:$0x0];
	s2 =	stileid.u32  }
0xd7: {  	s1 =	rddreg [dreg:$0x1];
	p0 =	sne.s32 s2, $0x0  }
0xd8: {  	s3 =	rddreg [dreg:$0x2];
	[bflag:$0x3] =	sbarrier.arrive $0xFFFF;
	s2 =	simm.s32 @!p0 $0x1C02  }
0xd9: {  	[timem:s3], [sflag:s2] =	dma.local @!p0 [hbm:s0], s1  }
0xda: {  	s0 =	simm.s32 @!p0 $0x2  }
0xdb: {  	_ =	swait.ge @!p0 [sflag:s0], s1  }
0xdc: {  	s1 =	ssub.s32 @!p0 $0x0, s1;
	[sflag:s0] =	ssyncset.done @!p0 $0x0  }
0xdd: {  	[sflag:s0] =	ssyncadd.s32 @!p0 s1  }
0xde: {  	[bflag:$0x3] =	sbarrier.arrive $0xFFFF  }
0xdf: {  	_ =	shalt  }

// kernel: kernel.15.cloned.1.call-start
scs
__scs_entry_jumppad:
0x0: {  	(pc) =	sbr.rel $0x88, $3  }
0x1: {  	(tag) =	ssettag $0x0;
	lr =	simm.s32 $0x1  }
0x2: {  	[smem:$0x3F9D] =	sst lr;
	_ =	strace $0xD0000000  }
0x3: {  	_ = 	snop  }
0x4: {  	_ = 	snop  }
0x5: {  	_ = 	snop  }
0x6: {  	_ = 	snop  }
0x7: {  	_ = 	snop  }
__scs_overlays_trampoline_lowered:
0x8: {  	[smem:$0x3FAC] =	sst s0  }
0x9: {  	[smem:$0x3FAD] =	sst s1  }
0xa: {  	[smem:$0x3FAE] =	sst s2  }
0xb: {  	[smem:$0x3FAF] =	sst s3  }
0xc: {  	[smem:$0x3FB0] =	sst s4  }
0xd: {  	[smem:$0x3FB1] =	sst s5  }
0xe: {  	[smem:$0x3FB2] =	sst s6  }
0xf: {  	[smem:$0x3FB3] =	sst s7  }
0x10: {  	[smem:$0x3FB4] =	sst s8  }
0x11: {  	[smem:$0x3FB5] =	sst s9;
	s0 =	simm.s32 @!p0 $0x0  }
0x12: {  	s1 =	sld [smem:$0x3F9B];
	s0 =	simm.s32 @p0 $0x1  }
0x13: {  	[smem:$0x3FB6] =	sst s0;
	s0 =	simm.s32 @!p1 $0x0  }
0x14: {  	s2 =	sld [smem:$0x3F9A];
	s0 =	simm.s32 @p1 $0x1  }
0x15: {  	[smem:$0x3FB7] =	sst s0;
	s0 =	simm.s32 @!p2 $0x0  }
0x16: {  	s3 =	sld [smem:$0x3FDB];
	s0 =	simm.s32 @p2 $0x1  }
0x17: {  	s4 =	simm.s32 $0x1BF5;
	[smem:$0x3FB9] =	sst s0  }
0x18: {  	s0 =	sld [smem:$0x3F9C];
	_ =	swait.ge [sflag:s4], $0x0  }
0x19: {  	s7 =	sld [smem:$0x3F9D]  }
0x1a: {  	s8 =	sadd.s32 $0xFFFFE003, lr  }
0x1b: {  	s9 =	sadd.s32 $0xFFFFFEF7, lr;
	s5 =	simm.s32 $0xFFFFFFFF;
	p2 =	slt.u32 s8, $0xFFFFF086  }
0x1c: {  	p1 =	slt.u32 s9, $0xF7A;
	s5 =	simm.s32 @!p2 $0x0  }
0x1d: {  	s5 =	simm.s32 @p1 $0x1;
	p0 =	seq.s32 s7, s2  }
0x1e: {  	s7 =	smul.u32 @!p0 $0xF7A, s2;
	p2 =	seq.s32 @!p0 s5, $0x0  }
0x1f: {  	s9 =	smul.u32 $0xF7A, s1;
	s8 =	simm.s32 @!p0 $0x1BF5;
	p2 =	por !p2, p0  }
0x20: {  	[sflag:s8] =	ssyncset.s32 @!p0 $0xFFFFF086;
	s6 =	sadd.s32 @!p0 s3, s7;
	s7 =	simm.s32 @!p0 $0x108  }
0x21: {  	s3 =	sadd.s32 s3, s9;
	s6 =	sadd.s32 @!p0 $0x88, s6;
	s7 =	simm.s32 @p2 $0x1082  }
0x22: {  	[simem:s7], [sflag:s8] =	dma.local @!p0 [hbm:s6], $0xF7A  }
0x23: {  	s9 =	sor.u32 $0xD0000000, s2;
	s6 =	simm.s32 $0x108;
	_ =	swait.ge @!p0 [sflag:s8], $0x0  }
0x24: {  	s3 =	sadd.s32 $0x88, s3;
	s6 =	simm.s32 @!p1 $0x1082;
	[sflag:s4] =	ssyncset.s32 $0xFFFFF086  }
0x25: {  	[simem:s6], [sflag:s4] =	dma.local [hbm:s3], $0xF7A  }
0x26: {  	[smem:$0x3F9D] =	sst s1;
	(tag) =	ssettag s2;
	_ =	strace s9  }
0x27: {  	s1 =	sld [smem:$0x3FAD]  }
0x28: {  	s2 =	sld [smem:$0x3FAE]  }
0x29: {  	s4 =	sld [smem:$0x3FB0]  }
0x2a: {  	p0 =	seq.s32 s5, $0x0;
	s5 =	sld [smem:$0x3FB1]  }
0x2b: {  	s6 =	sld [smem:$0x3FB2]  }
0x2c: {  	s7 =	sld [smem:$0x3FB3]  }
0x2d: {  	s3 =	simm.s32 $0x108;
	s8 =	sld [smem:$0x3FB4]  }
0x2e: {  	s3 =	simm.s32 @!p0 $0x1082;
	s9 =	sld [smem:$0x3FB5]  }
0x2f: {  	lr =	sadd.s32 s0, s3;
	s0 =	sld [smem:$0x3FAC]  }
0x30: {  	s3 =	sld [smem:$0x3FAF]  }
0x31: {  	[smem:$0x3FB8] =	sst s10  }
0x32: {  	s10 =	sld [smem:$0x3FB6];
	_ =	sdelay $0x3  }
0x33: {  	p0 =	seq.s32 s10, $0x1;
	s10 =	sld [smem:$0x3FB8];
	_ =	sdelay $0x3  }
0x34: {  	[smem:$0x3FB8] =	sst s10  }
0x35: {  	s10 =	sld [smem:$0x3FB7];
	_ =	sdelay $0x3  }
0x36: {  	p1 =	seq.s32 s10, $0x1;
	s10 =	sld [smem:$0x3FB8];
	_ =	sdelay $0x3  }
0x37: {  	[smem:$0x3FB8] =	sst s10  }
0x38: {  	s10 =	sld [smem:$0x3FB9]  }
0x39: {  	_ = 	snop;
	(pc) =	sbr.ind lr, $3  }
0x3a: {  	_ = 	snop  }
0x3b: {  	_ = 	snop  }
0x3c: {  	p2 =	seq.s32 s10, $0x1;
	s10 =	sld [smem:$0x3FB8]  }
0x3d: {  	_ =	shalt  }
0x3e: {  	_ =	shalt  }
0x3f: {  	_ =	shalt  }
0x40: {  	_ =	shalt  }
0x41: {  	_ =	shalt  }
0x42: {  	_ =	shalt  }
0x43: {  	_ =	shalt  }
0x44: {  	_ =	shalt  }
0x45: {  	_ =	shalt  }
0x46: {  	_ =	shalt  }
0x47: {  	_ =	shalt  }
0x48: {  	_ =	shalt  }
0x49: {  	_ =	shalt  }
0x4a: {  	_ =	shalt  }
0x4b: {  	_ =	shalt  }
0x4c: {  	_ =	shalt  }
0x4d: {  	_ =	shalt  }
0x4e: {  	_ =	shalt  }
0x4f: {  	_ =	shalt  }
0x50: {  	_ =	shalt  }
0x51: {  	_ =	shalt  }
0x52: {  	_ =	shalt  }
0x53: {  	_ =	shalt  }
0x54: {  	_ =	shalt  }
0x55: {  	_ =	shalt  }
0x56: {  	_ =	shalt  }
0x57: {  	_ =	shalt  }
0x58: {  	_ =	shalt  }
0x59: {  	_ =	shalt  }
0x5a: {  	_ =	shalt  }
0x5b: {  	_ =	shalt  }
0x5c: {  	_ =	shalt  }
0x5d: {  	_ =	shalt  }
0x5e: {  	_ =	shalt  }
0x5f: {  	_ =	shalt  }
0x60: {  	_ =	shalt  }
0x61: {  	_ =	shalt  }
0x62: {  	_ =	shalt  }
0x63: {  	_ =	shalt  }
0x64: {  	_ =	shalt  }
0x65: {  	_ =	shalt  }
0x66: {  	_ =	shalt  }
0x67: {  	_ =	shalt  }
0x68: {  	_ =	shalt  }
0x69: {  	_ =	shalt  }
0x6a: {  	_ =	shalt  }
0x6b: {  	_ =	shalt  }
0x6c: {  	_ =	shalt  }
0x6d: {  	_ =	shalt  }
0x6e: {  	_ =	shalt  }
0x6f: {  	_ =	shalt  }
0x70: {  	_ =	shalt  }
0x71: {  	_ =	shalt  }
0x72: {  	_ =	shalt  }
0x73: {  	_ =	shalt  }
0x74: {  	_ =	shalt  }
0x75: {  	_ =	shalt  }
0x76: {  	_ =	shalt  }
0x77: {  	_ =	shalt  }
0x78: {  	_ =	shalt  }
0x79: {  	_ =	shalt  }
0x7a: {  	_ =	shalt  }
0x7b: {  	_ =	shalt  }
0x7c: {  	_ =	shalt  }
0x7d: {  	_ =	shalt  }
0x7e: {  	_ =	shalt  }
0x7f: {  	_ =	shalt  }
0x80: {  	_ =	shalt  }
0x81: {  	_ =	shalt  }
0x82: {  	_ =	shalt  }
0x83: {  	_ =	shalt  }
0x84: {  	_ =	shalt  }
0x85: {  	_ =	shalt  }
0x86: {  	_ =	shalt  }
0x87: {  	_ =	shalt  }
.Lfunc_end0:
.L_simem_size_0:
called_computation.2_lowered:
.L_overlay_start_0:
0x88: {  	s2 =	sld [smem:$0x3FD9]  }
0x89: {  	s3 =	sld [smem:$0x3FFE];
	_ =	sdelay $0x1  }
0x8a: {  	s1 =	srdreg.scid  }
0x8b: {  	s0 =	sand.u32 $0x1, s1  }
0x8c: {  	s16 =	sshll.u32 s0, $0xA;
	s2 =	sadd.s32 s3, s2  }
0x8d: {  	s2 =	sadd.s32 s2, s16  }
0x8e: {  	[smem:$0x3FC4] =	sst s2  }
0x8f: {  	_ = 	snop  }
0x90: {  	(tm) =	ssettm $0x1  }
0x91: {  	s17 =	sld [smem:$0x3FFB];
	_ =	sdelay $0x3  }
0x92: {  	_ =	strace s17  }
0x93: {  	s2 =	sld [smem:$0x3FFC];
	_ =	sdelay $0x3  }
0x94: {  	_ =	strace s2  }
0x95: {  	s2 =	sld [smem:$0x3FFD];
	_ =	sdelay $0x3  }
0x96: {  	_ =	strace s2  }
0x97: {  	_ =	strace $0x8FFFFFFF  }
0x98: {  	s18 =	sld [smem:$0x3FDB];
	_ =	sdelay $0x1  }
0x99: {  	s19 =	simm.s32 $_scs_section_size  }
0x9a: {  	s4 =	simm.s32 $_size__tile_overlayer_lowered;
	s5 =	simm.s32 $_tile_overlayer_lowered  }
0x9b: {  	s22 =	simm.s32 $0x1BFF;
	s21 =	sshll.u32 s5, $0x1;
	s2 =	sadd.s32 s19, s18  }
0x9c: {  	s6 =	simm.s32 $0x0;
	s20 =	sshll.u32 s4, $0x1;
	s4 =	sadd.s32 s21, s2  }
0x9d: {  	[timem:s6], [sflag:s22] =	dma.local [hbm:s4], s20  }
0x9e: {  	_ =	swait.ge [sflag:s22], s20  }
0x9f: {  	s3 =	ssub.s32 $0x0, s20;
	[sflag:s22] =	ssyncset.done $0x0  }
0xa0: {  	[sflag:s22] =	ssyncadd.s32 s3;
	_ =	sdelay $0x1  }
0xa1: {  	s23 =	simm.s32 $0x1B8B  }
0xa2: {  	_ =	swait.ge [sflag:s23], $0x1  }
0xa3: {  	[sflag:s23] =	ssyncset.done $0x0  }
0xa4: {  	s25 =	simm.s32 $0x1B8E;
	s24 =	sld [smem:$0x3FFE];
	[sflag:s23] =	ssyncadd.s32 $0xFFFFFFFF  }
0xa5: {  	s26 =	simm.s32 $execute0_lowered;
	[smem:$0x3FD2] =	sst s25  }
0xa6: {  	s4 =	sshll.u32 s26, $0x1;
	_ =	strace $0x80000046;
	[dreg:$0x1] =	wrdreg $0xFFFFFFFF  }
0xa7: {  	s28 =	simm.s32 $_size_execute0_lowered;
	s2 =	sadd.s32 s2, s4;
	[dreg:$0x0] =	wrdreg $0x0  }
0xa8: {  	s4 =	sshll.u32 s28, $0x1;
	[dreg:$0x2] =	wrdreg s2  }
0xa9: {  	[dreg:$0x3] =	wrdreg s4  }
0xaa: {  	[dreg:$0x4] =	wrdreg $0xC0  }
0xab: {  	_ =	task [dreg:s6], $0x5FFFF  }
0xac: {  	[dreg:$0x1] =	wrdreg $0xFFFFFFFF  }
0xad: {  	[dreg:$0x0] =	wrdreg $0x60  }
0xae: {  	[dreg:$0x2] =	wrdreg s24  }
0xaf: {  	[dreg:$0x3] =	wrdreg $0xA  }
0xb0: {  	_ =	task.clear_ibuf [dreg:s6], $0x4FFFF;
	_ =	strace $0x90000046  }
0xb1: {  	s29 =	simm.s32 $0xA;
	_ =	strace $0x80000048  }
0xb2: {  	_ =	swait.ge [sflag:s29], $0x1  }
0xb3: {  	[sflag:s29] =	ssyncadd.s32 $0xFFFFFFFF  }
0xb4: {  	_ =	strace $0x90000048  }
0xb5: {  	_ =	sfence  }
0xb6: {  	s30 =	sld [smem:$0x0];
	_ =	sdelay $0x2  }
0xb7: {  	s31 =	sshll.u32 s1, $0xD;
	s1 =	sshrl.u32 s1, $0x2  }
0xb8: {  	s3 =	sand.u32 $0x4000, s31;
	s1 =	sadd.s32 s1, s30  }
0xb9: {  	s0 =	sor.u32 s3, s0;
	s1 =	sshll.u32 s1, $0x11  }
0xba: {  	s0 =	sor.u32 s1, s0  }
0xbb: {  	s0 =	sadd.s32 $0x8F2B, s0  }
0xbc: {  	[sflag:s0] =	ssyncadd.remote.s32 $0x1  }
0xbd: {  	_ =	sfence.sel $0xFFFF  }
0xbe: {  	[dreg:$0x0] =	wrdreg $0xFFFFFFFF;
	(pc) =	sbr.abs _section_cstart, $3  }
0xbf: {  	[dreg:$0x1] =	wrdreg $0xFFFFFFFF  }
0xc0: {  	_ =	task.clear_ibuf [dreg:s6], $0x2FFFF;
	_ =	strace $0x9FFFFFFF  }
0xc1: {  	(tm) =	ssettm $0x7FFFFFFF  }
tec
execute0_lowered:
.L_overlay_start_1:
0x0: {  	(tag) =	ssettag $0x1  }
0x1: {  	s1 =	stileid.u32  }
0x2: {  	p0 =	sgt.u32 s1, $0x1  }
.Ltmp0:
0x3: {  	_ = 	snop;
	(pc) =	sbr.rel @p0 .LBB2_4-.Ltmp0, $4  }
0x4: {  	_ = 	snop  }
0x5: {  	s22 =	rddreg [dreg:$0x0];
	s2 =	simm.s32 $0x0  }
0x6: {  	[smem:$0x7FF] =	sst s2  }
0x7: {  	s0 =	rddreg [dreg:$0x1];
	_ =	strace $0x80000047  }
0x8: {  	s3 =	srdreg.scid  }
0x9: {  	s23 =	sand.u32 $0x1, s3  }
0xa: {  	s30 =	sshll.u32 s1, $0x8;
	s4 =	sshll.u32 s23, $0x7  }
0xb: {  	s24 =	sor.u32 s4, s30  }
0xc: {  	s3 =	simm.s32 $0x2;
	s4 =	sadd.s32 s22, s24  }
0xd: {  	[tilespmem:s2], [sflag:$0x2] =	stream.linear.gather [hbm4b:s4+s2], $0x400, $0x38;
	[tilespmem:$0x800] =	vst v63  }
0xe: {  	_ =	swait.ge [sflag:s3], $0x400  }
0xf: {  	s5 =	sadd.s32 $0x200, s22;
	[sflag:s3] =	ssyncset.done $0x0  }
0x10: {  	s6 =	simm.s32 $0x80;
	s7 =	simm.s32 $0x400;
	[sflag:s3] =	ssyncadd.s32 $0xFFFFFC00  }
0x11: {  	[tilespmem:s7], [sflag:$0x1] =	stream.indirect.gather [hbm4b:s5+s6], $0x1, s2, s6, $0xb8;
	[tilespmem:$0x800] =	vst v63  }
0x12: {  	s8 =	simm.s32 $0x480  }
0x13: {  	[tilespmem:s8], [sflag:$0x1] =	stream.indirect.gather [hbm4b:s5+s6], $0x1, s6, s6, $0xb8;
	[tilespmem:$0x800] =	vst v63  }
0x14: {  	s9 =	simm.s32 $0x100;
	s10 =	simm.s32 $0x500  }
0x15: {  	[tilespmem:s10], [sflag:$0x1] =	stream.indirect.gather [hbm4b:s5+s6], $0x1, s9, s6, $0xb8;
	[tilespmem:$0x800] =	vst v63  }
0x16: {  	s11 =	simm.s32 $0x180;
	s12 =	simm.s32 $0x580  }
0x17: {  	[tilespmem:s12], [sflag:$0x1] =	stream.indirect.gather [hbm4b:s5+s6], $0x1, s11, s6, $0xb8;
	[tilespmem:$0x800] =	vst v63  }
0x18: {  	s13 =	simm.s32 $0x200;
	s14 =	simm.s32 $0x600  }
0x19: {  	[tilespmem:s14], [sflag:$0x1] =	stream.indirect.gather [hbm4b:s5+s6], $0x1, s13, s6, $0xb8;
	[tilespmem:$0x800] =	vst v63  }
0x1a: {  	s15 =	simm.s32 $0x280;
	s16 =	simm.s32 $0x680  }
0x1b: {  	[tilespmem:s16], [sflag:$0x1] =	stream.indirect.gather [hbm4b:s5+s6], $0x1, s15, s6, $0xb8;
	[tilespmem:$0x800] =	vst v63  }
0x1c: {  	s17 =	simm.s32 $0x300;
	s18 =	simm.s32 $0x700  }
0x1d: {  	[tilespmem:s18], [sflag:$0x1] =	stream.indirect.gather [hbm4b:s5+s6], $0x1, s17, s6, $0xb8;
	[tilespmem:$0x800] =	vst v63  }
0x1e: {  	s19 =	simm.s32 $0x380;
	s20 =	simm.s32 $0x780;
	s21 =	simm.s32 $0x1  }
0x1f: {  	[tilespmem:s20], [sflag:$0x1] =	stream.indirect.gather [hbm4b:s5+s6], $0x1, s19, s6, $0xb8;
	[tilespmem:$0x800] =	vst v63  }
0x20: {  	_ =	swait.ge [sflag:s21], $0x80  }
0x21: {  	[sflag:s21] =	ssyncset.done $0x0  }
0x22: {  	[sflag:s21] =	ssyncadd.s32 $0xFFFFFF80  }
0x23: {  	_ =	swait.ge [sflag:s21], $0x80  }
0x24: {  	[sflag:s21] =	ssyncset.done $0x0  }
0x25: {  	[sflag:s21] =	ssyncadd.s32 $0xFFFFFF80  }
0x26: {  	_ =	swait.ge [sflag:s21], $0x80  }
0x27: {  	[sflag:s21] =	ssyncset.done $0x0  }
0x28: {  	[sflag:s21] =	ssyncadd.s32 $0xFFFFFF80  }
0x29: {  	_ =	swait.ge [sflag:s21], $0x80  }
0x2a: {  	[sflag:s21] =	ssyncset.done $0x0  }
0x2b: {  	[sflag:s21] =	ssyncadd.s32 $0xFFFFFF80  }
0x2c: {  	_ =	swait.ge [sflag:s21], $0x80  }
0x2d: {  	[sflag:s21] =	ssyncset.done $0x0  }
0x2e: {  	[sflag:s21] =	ssyncadd.s32 $0xFFFFFF80  }
0x2f: {  	_ =	swait.ge [sflag:s21], $0x80  }
0x30: {  	[sflag:s21] =	ssyncset.done $0x0  }
0x31: {  	s23 =	ssub.s32 $0x2, s23;
	[sflag:s21] =	ssyncadd.s32 $0xFFFFFF80  }
0x32: {  	s25 =	sshrl.u32 s23, $0x1;
	_ =	swait.ge [sflag:s21], $0x80  }
0x33: {  	s23 =	ssub.s32 s23, s25;
	[sflag:s21] =	ssyncset.done $0x0  }
0x34: {  	s23 =	smax.u32 s23, $0x1;
	[sflag:s21] =	ssyncadd.s32 $0xFFFFFF80  }
0x35: {  	p0 =	sne.s32 s23, $0x1;
	_ =	swait.ge [sflag:s21], $0x80  }
.Ltmp1:
0x36: {  	s31 =	sadd.s32 s24, s22;
	[sflag:s21] =	ssyncset.done $0x0;
	(pc) =	sbr.rel @!p0 .LBB2_3-.Ltmp1, $4  }
0x37: {  	s22 =	sadd.s32 $0x20200, s31;
	[sflag:s21] =	ssyncadd.s32 $0xFFFFFF80  }
0x38: {  	[hbm4b:s22+s2] =	stream.linear.scatter [tilespmem:s7], [sflag:$0x2], $0x400, $0x38;
	[tilespmem:$0x800] =	vst v63  }
0x39: {  	_ =	swait.ge [sflag:s3], $0x400  }
0x3a: {  	s23 =	sadd.s32 $0xFFFFFFFF, s23;
	[sflag:s3] =	ssyncset.done $0x0  }
.LBB2_2:
0x3b: {  	p0 =	sne.s32 s23, $0x1;
	s23 =	sadd.s32 $0xFFFFFFFF, s23;
	[sflag:s3] =	ssyncadd.s32 $0xFFFFFC00  }
0x3c: {  	[tilespmem:s2], [sflag:$0x2] =	stream.linear.gather [hbm4b:s4+s2], $0x400, $0x38;
	[tilespmem:$0x800] =	vst v63  }
0x3d: {  	_ =	swait.ge [sflag:s3], $0x400  }
0x3e: {  	[sflag:s3] =	ssyncset.done $0x0  }
0x3f: {  	[sflag:s3] =	ssyncadd.s32 $0xFFFFFC00  }
0x40: {  	[tilespmem:s7], [sflag:$0x1] =	stream.indirect.gather [hbm4b:s5+s6], $0x1, s2, s6, $0xb8;
	[tilespmem:$0x800] =	vst v63  }
0x41: {  	_ = 	snop  }
0x42: {  	[tilespmem:s8], [sflag:$0x1] =	stream.indirect.gather [hbm4b:s5+s6], $0x1, s6, s6, $0xb8;
	[tilespmem:$0x800] =	vst v63  }
0x43: {  	_ = 	snop  }
0x44: {  	[tilespmem:s10], [sflag:$0x1] =	stream.indirect.gather [hbm4b:s5+s6], $0x1, s9, s6, $0xb8;
	[tilespmem:$0x800] =	vst v63  }
0x45: {  	_ = 	snop  }
0x46: {  	[tilespmem:s12], [sflag:$0x1] =	stream.indirect.gather [hbm4b:s5+s6], $0x1, s11, s6, $0xb8;
	[tilespmem:$0x800] =	vst v63  }
0x47: {  	_ = 	snop  }
0x48: {  	[tilespmem:s14], [sflag:$0x1] =	stream.indirect.gather [hbm4b:s5+s6], $0x1, s13, s6, $0xb8;
	[tilespmem:$0x800] =	vst v63  }
0x49: {  	_ = 	snop  }
0x4a: {  	[tilespmem:s16], [sflag:$0x1] =	stream.indirect.gather [hbm4b:s5+s6], $0x1, s15, s6, $0xb8;
	[tilespmem:$0x800] =	vst v63  }
0x4b: {  	_ = 	snop  }
0x4c: {  	[tilespmem:s18], [sflag:$0x1] =	stream.indirect.gather [hbm4b:s5+s6], $0x1, s17, s6, $0xb8;
	[tilespmem:$0x800] =	vst v63  }
0x4d: {  	_ = 	snop  }
0x4e: {  	[tilespmem:s20], [sflag:$0x1] =	stream.indirect.gather [hbm4b:s5+s6], $0x1, s19, s6, $0xb8;
	[tilespmem:$0x800] =	vst v63  }
0x4f: {  	_ =	swait.ge [sflag:s21], $0x80  }
0x50: {  	[sflag:s21] =	ssyncset.done $0x0  }
0x51: {  	[sflag:s21] =	ssyncadd.s32 $0xFFFFFF80  }
0x52: {  	_ =	swait.ge [sflag:s21], $0x80  }
0x53: {  	[sflag:s21] =	ssyncset.done $0x0  }
0x54: {  	[sflag:s21] =	ssyncadd.s32 $0xFFFFFF80  }
0x55: {  	_ =	swait.ge [sflag:s21], $0x80  }
0x56: {  	[sflag:s21] =	ssyncset.done $0x0  }
0x57: {  	[sflag:s21] =	ssyncadd.s32 $0xFFFFFF80  }
0x58: {  	_ =	swait.ge [sflag:s21], $0x80  }
0x59: {  	[sflag:s21] =	ssyncset.done $0x0  }
0x5a: {  	[sflag:s21] =	ssyncadd.s32 $0xFFFFFF80  }
0x5b: {  	_ =	swait.ge [sflag:s21], $0x80  }
0x5c: {  	[sflag:s21] =	ssyncset.done $0x0  }
0x5d: {  	[sflag:s21] =	ssyncadd.s32 $0xFFFFFF80  }
0x5e: {  	_ =	swait.ge [sflag:s21], $0x80  }
0x5f: {  	[sflag:s21] =	ssyncset.done $0x0  }
0x60: {  	[sflag:s21] =	ssyncadd.s32 $0xFFFFFF80  }
0x61: {  	_ =	swait.ge [sflag:s21], $0x80  }
0x62: {  	[sflag:s21] =	ssyncset.done $0x0  }
0x63: {  	[sflag:s21] =	ssyncadd.s32 $0xFFFFFF80  }
0x64: {  	_ =	swait.ge [sflag:s21], $0x80  }
.Ltmp2:
0x65: {  	[sflag:s21] =	ssyncset.done $0x0;
	(pc) =	sbr.rel @p0 .LBB2_2-.Ltmp2, $4  }
0x66: {  	[sflag:s21] =	ssyncadd.s32 $0xFFFFFF80  }
0x67: {  	[hbm4b:s22+s2] =	stream.linear.scatter [tilespmem:s7], [sflag:$0x2], $0x400, $0x38;
	[tilespmem:$0x800] =	vst v63  }
0x68: {  	_ =	swait.ge [sflag:s3], $0x400  }
0x69: {  	[sflag:s3] =	ssyncset.done $0x0  }
.LBB2_3:
0x6a: {  	[sflag:s3] =	ssyncadd.s32 $0xFFFFFC00  }
.LBB2_4:
0x6b: {  	_ =	sfence.sel $0x180000  }
0x6c: {  	[bflag:$0x0] =	sbarrier.arrive $0xFFFF  }
0x6d: {  	p0 =	sne.s32 s1, $0x0;
	_ =	strace $0x90000047  }
0x6e: {  	s0 =	sadd.s32 @!p0 $0x100000, s0;
	[bflag:$0x2] =	sbarrier.arrive $0xFFFF  }
0x6f: {  	[sflag:s0] =	ssyncadd.tile.s32 @!p0 $0x1;
	_ =	shalt  }
.Lfunc_end2:
_tile_overlayer_lowered:
.L_overlay_start_2:
0x70: {  	(tag) =	ssettag $0x2  }
0x71: {  	s0 =	rddreg [dreg:$0x0];
	s2 =	stileid.u32  }
0x72: {  	s1 =	rddreg [dreg:$0x1];
	p0 =	sne.s32 s2, $0x0  }
0x73: {  	s3 =	rddreg [dreg:$0x2];
	[bflag:$0x3] =	sbarrier.arrive $0xFFFF;
	s2 =	simm.s32 @!p0 $0x1C02  }
0x74: {  	[timem:s3], [sflag:s2] =	dma.local @!p0 [hbm:s0], s1  }
0x75: {  	s0 =	simm.s32 @!p0 $0x2  }
0x76: {  	_ =	swait.ge @!p0 [sflag:s0], s1  }
0x77: {  	s1 =	ssub.s32 @!p0 $0x0, s1;
	[sflag:s0] =	ssyncset.done @!p0 $0x0  }
0x78: {  	[sflag:s0] =	ssyncadd.s32 @!p0 s1  }
0x79: {  	[bflag:$0x3] =	sbarrier.arrive $0xFFFF  }
0x7a: {  	_ =	shalt  }

// kernel: kernel.18.cloned.1.call-start
scs
__scs_entry_jumppad:
0x0: {  	(pc) =	sbr.rel $0x88, $3  }
0x1: {  	(tag) =	ssettag $0x0;
	lr =	simm.s32 $0x1  }
0x2: {  	[smem:$0x3F9D] =	sst lr;
	_ =	strace $0xD0000000  }
0x3: {  	_ = 	snop  }
0x4: {  	_ = 	snop  }
0x5: {  	_ = 	snop  }
0x6: {  	_ = 	snop  }
0x7: {  	_ = 	snop  }
__scs_overlays_trampoline_lowered:
0x8: {  	[smem:$0x3FAC] =	sst s0  }
0x9: {  	[smem:$0x3FAD] =	sst s1  }
0xa: {  	[smem:$0x3FAE] =	sst s2  }
0xb: {  	[smem:$0x3FAF] =	sst s3  }
0xc: {  	[smem:$0x3FB0] =	sst s4  }
0xd: {  	[smem:$0x3FB1] =	sst s5  }
0xe: {  	[smem:$0x3FB2] =	sst s6  }
0xf: {  	[smem:$0x3FB3] =	sst s7  }
0x10: {  	[smem:$0x3FB4] =	sst s8  }
0x11: {  	[smem:$0x3FB5] =	sst s9;
	s0 =	simm.s32 @!p0 $0x0  }
0x12: {  	s1 =	sld [smem:$0x3F9B];
	s0 =	simm.s32 @p0 $0x1  }
0x13: {  	[smem:$0x3FB6] =	sst s0;
	s0 =	simm.s32 @!p1 $0x0  }
0x14: {  	s2 =	sld [smem:$0x3F9A];
	s0 =	simm.s32 @p1 $0x1  }
0x15: {  	[smem:$0x3FB7] =	sst s0;
	s0 =	simm.s32 @!p2 $0x0  }
0x16: {  	s3 =	sld [smem:$0x3FDB];
	s0 =	simm.s32 @p2 $0x1  }
0x17: {  	s4 =	simm.s32 $0x1BF5;
	[smem:$0x3FB9] =	sst s0  }
0x18: {  	s0 =	sld [smem:$0x3F9C];
	_ =	swait.ge [sflag:s4], $0x0  }
0x19: {  	s7 =	sld [smem:$0x3F9D]  }
0x1a: {  	s8 =	sadd.s32 $0xFFFFE003, lr  }
0x1b: {  	s9 =	sadd.s32 $0xFFFFFEF7, lr;
	s5 =	simm.s32 $0xFFFFFFFF;
	p2 =	slt.u32 s8, $0xFFFFF086  }
0x1c: {  	p1 =	slt.u32 s9, $0xF7A;
	s5 =	simm.s32 @!p2 $0x0  }
0x1d: {  	s5 =	simm.s32 @p1 $0x1;
	p0 =	seq.s32 s7, s2  }
0x1e: {  	s7 =	smul.u32 @!p0 $0xF7A, s2;
	p2 =	seq.s32 @!p0 s5, $0x0  }
0x1f: {  	s9 =	smul.u32 $0xF7A, s1;
	s8 =	simm.s32 @!p0 $0x1BF5;
	p2 =	por !p2, p0  }
0x20: {  	[sflag:s8] =	ssyncset.s32 @!p0 $0xFFFFF086;
	s6 =	sadd.s32 @!p0 s3, s7;
	s7 =	simm.s32 @!p0 $0x108  }
0x21: {  	s3 =	sadd.s32 s3, s9;
	s6 =	sadd.s32 @!p0 $0x88, s6;
	s7 =	simm.s32 @p2 $0x1082  }
0x22: {  	[simem:s7], [sflag:s8] =	dma.local @!p0 [hbm:s6], $0xF7A  }
0x23: {  	s9 =	sor.u32 $0xD0000000, s2;
	s6 =	simm.s32 $0x108;
	_ =	swait.ge @!p0 [sflag:s8], $0x0  }
0x24: {  	s3 =	sadd.s32 $0x88, s3;
	s6 =	simm.s32 @!p1 $0x1082;
	[sflag:s4] =	ssyncset.s32 $0xFFFFF086  }
0x25: {  	[simem:s6], [sflag:s4] =	dma.local [hbm:s3], $0xF7A  }
0x26: {  	[smem:$0x3F9D] =	sst s1;
	(tag) =	ssettag s2;
	_ =	strace s9  }
0x27: {  	s1 =	sld [smem:$0x3FAD]  }
0x28: {  	s2 =	sld [smem:$0x3FAE]  }
0x29: {  	s4 =	sld [smem:$0x3FB0]  }
0x2a: {  	p0 =	seq.s32 s5, $0x0;
	s5 =	sld [smem:$0x3FB1]  }
0x2b: {  	s6 =	sld [smem:$0x3FB2]  }
0x2c: {  	s7 =	sld [smem:$0x3FB3]  }
0x2d: {  	s3 =	simm.s32 $0x108;
	s8 =	sld [smem:$0x3FB4]  }
0x2e: {  	s3 =	simm.s32 @!p0 $0x1082;
	s9 =	sld [smem:$0x3FB5]  }
0x2f: {  	lr =	sadd.s32 s0, s3;
	s0 =	sld [smem:$0x3FAC]  }
0x30: {  	s3 =	sld [smem:$0x3FAF]  }
0x31: {  	[smem:$0x3FB8] =	sst s10  }
0x32: {  	s10 =	sld [smem:$0x3FB6];
	_ =	sdelay $0x3  }
0x33: {  	p0 =	seq.s32 s10, $0x1;
	s10 =	sld [smem:$0x3FB8];
	_ =	sdelay $0x3  }
0x34: {  	[smem:$0x3FB8] =	sst s10  }
0x35: {  	s10 =	sld [smem:$0x3FB7];
	_ =	sdelay $0x3  }
0x36: {  	p1 =	seq.s32 s10, $0x1;
	s10 =	sld [smem:$0x3FB8];
	_ =	sdelay $0x3  }
0x37: {  	[smem:$0x3FB8] =	sst s10  }
0x38: {  	s10 =	sld [smem:$0x3FB9]  }
0x39: {  	_ = 	snop;
	(pc) =	sbr.ind lr, $3  }
0x3a: {  	_ = 	snop  }
0x3b: {  	_ = 	snop  }
0x3c: {  	p2 =	seq.s32 s10, $0x1;
	s10 =	sld [smem:$0x3FB8]  }
0x3d: {  	_ =	shalt  }
0x3e: {  	_ =	shalt  }
0x3f: {  	_ =	shalt  }
0x40: {  	_ =	shalt  }
0x41: {  	_ =	shalt  }
0x42: {  	_ =	shalt  }
0x43: {  	_ =	shalt  }
0x44: {  	_ =	shalt  }
0x45: {  	_ =	shalt  }
0x46: {  	_ =	shalt  }
0x47: {  	_ =	shalt  }
0x48: {  	_ =	shalt  }
0x49: {  	_ =	shalt  }
0x4a: {  	_ =	shalt  }
0x4b: {  	_ =	shalt  }
0x4c: {  	_ =	shalt  }
0x4d: {  	_ =	shalt  }
0x4e: {  	_ =	shalt  }
0x4f: {  	_ =	shalt  }
0x50: {  	_ =	shalt  }
0x51: {  	_ =	shalt  }
0x52: {  	_ =	shalt  }
0x53: {  	_ =	shalt  }
0x54: {  	_ =	shalt  }
0x55: {  	_ =	shalt  }
0x56: {  	_ =	shalt  }
0x57: {  	_ =	shalt  }
0x58: {  	_ =	shalt  }
0x59: {  	_ =	shalt  }
0x5a: {  	_ =	shalt  }
0x5b: {  	_ =	shalt  }
0x5c: {  	_ =	shalt  }
0x5d: {  	_ =	shalt  }
0x5e: {  	_ =	shalt  }
0x5f: {  	_ =	shalt  }
0x60: {  	_ =	shalt  }
0x61: {  	_ =	shalt  }
0x62: {  	_ =	shalt  }
0x63: {  	_ =	shalt  }
0x64: {  	_ =	shalt  }
0x65: {  	_ =	shalt  }
0x66: {  	_ =	shalt  }
0x67: {  	_ =	shalt  }
0x68: {  	_ =	shalt  }
0x69: {  	_ =	shalt  }
0x6a: {  	_ =	shalt  }
0x6b: {  	_ =	shalt  }
0x6c: {  	_ =	shalt  }
0x6d: {  	_ =	shalt  }
0x6e: {  	_ =	shalt  }
0x6f: {  	_ =	shalt  }
0x70: {  	_ =	shalt  }
0x71: {  	_ =	shalt  }
0x72: {  	_ =	shalt  }
0x73: {  	_ =	shalt  }
0x74: {  	_ =	shalt  }
0x75: {  	_ =	shalt  }
0x76: {  	_ =	shalt  }
0x77: {  	_ =	shalt  }
0x78: {  	_ =	shalt  }
0x79: {  	_ =	shalt  }
0x7a: {  	_ =	shalt  }
0x7b: {  	_ =	shalt  }
0x7c: {  	_ =	shalt  }
0x7d: {  	_ =	shalt  }
0x7e: {  	_ =	shalt  }
0x7f: {  	_ =	shalt  }
0x80: {  	_ =	shalt  }
0x81: {  	_ =	shalt  }
0x82: {  	_ =	shalt  }
0x83: {  	_ =	shalt  }
0x84: {  	_ =	shalt  }
0x85: {  	_ =	shalt  }
0x86: {  	_ =	shalt  }
0x87: {  	_ =	shalt  }
.Lfunc_end0:
.L_simem_size_0:
called_computation.3_lowered:
.L_overlay_start_0:
0x88: {  	s2 =	sld [smem:$0x3FD9]  }
0x89: {  	s3 =	sld [smem:$0x3FFE];
	_ =	sdelay $0x1  }
0x8a: {  	s1 =	srdreg.scid  }
0x8b: {  	s0 =	sand.u32 $0x1, s1  }
0x8c: {  	s15 =	sshll.u32 s0, $0xA;
	s2 =	sadd.s32 s3, s2  }
0x8d: {  	s2 =	sadd.s32 s2, s15  }
0x8e: {  	[smem:$0x3FC4] =	sst s2  }
0x8f: {  	_ = 	snop  }
0x90: {  	s2 =	sld [smem:$0x3FD0];
	_ =	sdelay $0x2  }
0x91: {  	s16 =	simm.s32 $0xB;
	s4 =	simm.s32 $0x10  }
0x92: {  	[smem:s4], [sflag:s16] =	dma.local [hbm:s2], $0x1  }
0x93: {  	_ =	swait.eq [sflag:s16], $0x1  }
0x94: {  	[sflag:s16] =	ssyncset.done $0x0  }
0x95: {  	[sflag:s16] =	ssyncadd.s32 $0xFFFFFFFF  }
0x96: {  	s17 =	sld [smem:$0x12];
	(tm) =	ssettm $0x1  }
0x97: {  	s18 =	sld [smem:$0x3FFB];
	_ =	sdelay $0x3  }
0x98: {  	_ =	strace s18  }
0x99: {  	s2 =	sld [smem:$0x3FFC];
	_ =	sdelay $0x3  }
0x9a: {  	_ =	strace s2  }
0x9b: {  	s2 =	sld [smem:$0x3FFD];
	_ =	sdelay $0x3  }
0x9c: {  	_ =	strace s2  }
0x9d: {  	_ =	strace $0x8FFFFFFF  }
0x9e: {  	s19 =	sld [smem:$0x3FDB];
	_ =	sdelay $0x1  }
0x9f: {  	s20 =	simm.s32 $_scs_section_size  }
0xa0: {  	s5 =	simm.s32 $_size__tile_overlayer_lowered;
	s6 =	simm.s32 $_tile_overlayer_lowered  }
0xa1: {  	s7 =	simm.s32 $0x1BFF;
	s21 =	sshll.u32 s6, $0x1;
	s4 =	sadd.s32 s20, s19  }
0xa2: {  	s22 =	simm.s32 $0x0;
	s5 =	sshll.u32 s5, $0x1;
	s6 =	sadd.s32 s21, s4  }
0xa3: {  	[timem:s22], [sflag:s7] =	dma.local [hbm:s6], s5  }
0xa4: {  	_ =	swait.ge [sflag:s7], s5  }
0xa5: {  	s5 =	ssub.s32 $0x0, s5;
	[sflag:s7] =	ssyncset.done $0x0  }
0xa6: {  	[sflag:s7] =	ssyncadd.s32 s5;
	_ =	sdelay $0x1  }
0xa7: {  	s23 =	simm.s32 $0x1B8B  }
0xa8: {  	_ =	swait.ge [sflag:s23], $0x1  }
0xa9: {  	[sflag:s23] =	ssyncset.done $0x0  }
0xaa: {  	[sflag:s23] =	ssyncadd.s32 $0xFFFFFFFF  }
0xab: {  	s5 =	sld [smem:$0x0]  }
0xac: {  	s6 =	sand.u32 $0xFFFFFFFE, s1  }
0xad: {  	p0 =	sne.s32 s1, s6  }
0xae: {  	s6 =	sshll.u32 @p0 s6, $0xE  }
0xaf: {  	s6 =	sadd.s32 @p0 $0x11B8D, s6;
	s7 =	sshll.u32 @p0 s5, $0x11  }
0xb0: {  	s6 =	sor.u32 @p0 s7, s6  }
0xb1: {  	[sflag:s6] =	ssyncadd.remote.s32 @p0 $0x1;
	_ =	sdelay $0x1  }
0xb2: {  	s6 =	simm.s32 @p0 $0x1B8D  }
0xb3: {  	_ =	swait.eq @p0 [sflag:s6], $0x1  }
0xb4: {  	[sflag:s6] =	ssyncadd.s32 @p0 $0xFFFFFFFF  }
0xb5: {  	s7 =	sshll.u32 @!p0 s1, $0xE  }
0xb6: {  	s7 =	sor.u32 @!p0 $0x4000, s7;
	s6 =	simm.s32 @!p0 $0x1B8D  }
0xb7: {  	s5 =	sshll.u32 @!p0 s5, $0x11;
	s7 =	sadd.s32 @!p0 $0x11B8D, s7;
	_ =	swait.eq @!p0 [sflag:s6], $0x1  }
0xb8: {  	s5 =	sor.u32 @!p0 s5, s7;
	[sflag:s6] =	ssyncadd.s32 @!p0 $0xFFFFFFFF  }
0xb9: {  	s25 =	simm.s32 $0x1B8E;
	s24 =	sld [smem:$0x3FFE];
	[sflag:s5] =	ssyncadd.remote.s32 @!p0 $0x1  }
0xba: {  	s26 =	simm.s32 $execute0_lowered;
	[smem:$0x3FD2] =	sst s25  }
0xbb: {  	s6 =	sshll.u32 s26, $0x1;
	_ =	strace $0x8000004F;
	[dreg:$0x1] =	wrdreg $0xFFFFFFFF  }
0xbc: {  	s28 =	simm.s32 $_size_execute0_lowered;
	s4 =	sadd.s32 s4, s6;
	[dreg:$0x0] =	wrdreg $0x0  }
0xbd: {  	s6 =	sshll.u32 s28, $0x1;
	[dreg:$0x2] =	wrdreg s4  }
0xbe: {  	[dreg:$0x3] =	wrdreg s6  }
0xbf: {  	[dreg:$0x4] =	wrdreg $0xC0  }
0xc0: {  	_ =	task [dreg:s22], $0x5FFFF  }
0xc1: {  	[dreg:$0x1] =	wrdreg $0xFFFFFFFF  }
0xc2: {  	[dreg:$0x0] =	wrdreg $0x60  }
0xc3: {  	[dreg:$0x2] =	wrdreg s24  }
0xc4: {  	[dreg:$0x3] =	wrdreg s17  }
0xc5: {  	[dreg:$0x4] =	wrdreg $0xA  }
0xc6: {  	_ =	task.clear_ibuf [dreg:s22], $0x5FFFF;
	_ =	strace $0x9000004F  }
0xc7: {  	s29 =	simm.s32 $0xA;
	_ =	strace $0x80000051  }
0xc8: {  	_ =	swait.ge [sflag:s29], $0x1  }
0xc9: {  	[sflag:s29] =	ssyncadd.s32 $0xFFFFFFFF  }
0xca: {  	_ =	strace $0x90000051  }
0xcb: {  	_ =	sfence  }
0xcc: {  	s30 =	sld [smem:$0x0];
	_ =	sdelay $0x2  }
0xcd: {  	s31 =	sshll.u32 s1, $0xD;
	s1 =	sshrl.u32 s1, $0x2  }
0xce: {  	s4 =	sand.u32 $0x4000, s31;
	s1 =	sadd.s32 s1, s30  }
0xcf: {  	s0 =	sor.u32 s4, s0;
	s1 =	sshll.u32 s1, $0x11  }
0xd0: {  	s0 =	sor.u32 s1, s0  }
0xd1: {  	s0 =	sadd.s32 $0x8F2B, s0  }
0xd2: {  	[sflag:s0] =	ssyncadd.remote.s32 $0x1  }
0xd3: {  	_ =	sfence.sel $0xFFFF  }
0xd4: {  	[dreg:$0x0] =	wrdreg $0xFFFFFFFF;
	(pc) =	sbr.abs _section_cstart, $3  }
0xd5: {  	[dreg:$0x1] =	wrdreg $0xFFFFFFFF  }
0xd6: {  	_ =	task.clear_ibuf [dreg:s22], $0x2FFFF;
	_ =	strace $0x9FFFFFFF  }
0xd7: {  	(tm) =	ssettm $0x7FFFFFFF  }
tec
execute0_lowered:
.L_overlay_start_1:
0x0: {  	(tag) =	ssettag $0x1  }
0x1: {  	s0 =	rddreg [dreg:$0x0]  }
0x2: {  	s1 =	rddreg [dreg:$0x1]  }
0x3: {  	s3 =	stileid.u32;
	s2 =	srdreg.scid;
	s19 =	simm.s32 $0x880  }
0x4: {  	s21 =	simm.s32 $0x100;
	s22 =	simm.s32 $0x900;
	s23 =	simm.s32 $0x180  }
0x5: {  	s24 =	simm.s32 $0x980;
	s25 =	simm.s32 $0x200;
	s26 =	simm.s32 $0xA00  }
0x6: {  	s7 =	simm.s32 $0x800;
	s31 =	simm.s32 $0x280;
	s8 =	simm.s32 $0xA80  }
0x7: {  	s9 =	simm.s32 $0x300;
	s10 =	simm.s32 $0xB00;
	s11 =	simm.s32 $0x380  }
0x8: {  	s12 =	simm.s32 $0xB80;
	s13 =	simm.s32 $0x400;
	s14 =	simm.s32 $0xC00  }
0x9: {  	s15 =	simm.s32 $0x480;
	s4 =	sand.u32 $0x1, s2;
	s2 =	simm.s32 $0x0  }
0xa: {  	s16 =	simm.s32 $0xC80;
	s17 =	simm.s32 $0x500;
	[smem:$0x7FF] =	sst s2  }
0xb: {  	s18 =	simm.s32 $0xD00;
	_ =	strace $0x80000050;
	[dreg:$0x5] =	wrdreg s19  }
0xc: {  	s28 =	simm.s32 $0x780;
	s29 =	simm.s32 $0xF80;
	[dreg:$0x6] =	wrdreg s21  }
0xd: {  	s30 =	simm.s32 $0x1;
	s3 =	sshll.u32 s3, $0xD;
	[dreg:$0x7] =	wrdreg s22  }
0xe: {  	s5 =	sadd.s32 s3, s0;
	s6 =	sshll.u32 s4, $0xC;
	[dreg:$0x8] =	wrdreg s23  }
0xf: {  	s1 =	sadd.s32 s3, s1;
	s3 =	sadd.s32 $0x50800, s0;
	[dreg:$0x9] =	wrdreg s24  }
0x10: {  	s20 =	ssub.s32 $0x2, s4;
	s5 =	sadd.s32 s6, s5;
	[dreg:$0xa] =	wrdreg s25  }
0x11: {  	s1 =	sadd.s32 s6, s1;
	s4 =	sshrl.u32 s20, $0x1;
	[dreg:$0xb] =	wrdreg s26  }
0x12: {  	s6 =	simm.s32 $0x80;
	[dreg:$0xc] =	wrdreg s31;
	s19 =	simm.s32 $0x580  }
0x13: {  	s21 =	simm.s32 $0x600;
	s22 =	simm.s32 $0xE00;
	s23 =	simm.s32 $0x680  }
0x14: {  	s24 =	simm.s32 $0xE80;
	s25 =	simm.s32 $0x700;
	s26 =	simm.s32 $0xF00  }
0x15: {  	s5 =	sadd.s32 $0x60800, s5;
	[dreg:$0x4] =	wrdreg s1;
	s1 =	ssub.s32 s20, s4  }
0x16: {  	s20 =	simm.s32 $0xD80;
	[dreg:$0x3] =	wrdreg s5;
	s1 =	smax.u32 s1, $0x1  }
0x17: {  	s5 =	simm.s32 $0x2;
	[dreg:$0xd] =	wrdreg s1;
	s1 =	simm.s32 $0x0  }
.LBB2_1:
0x18: {  	s0 =	rddreg [dreg:$0x4]  }
0x19: {  	[dreg:$0xe] =	wrdreg s1;
	s0 =	sadd.s32 $0x0, s0  }
0x1a: {  	[tilespmem:s2], [sflag:$0x2] =	stream.linear.gather [hbm4b:s0+s2], $0x800, $0x38;
	[tilespmem:$0x1000] =	vst v63  }
0x1b: {  	_ =	swait.ge [sflag:s5], $0x800  }
0x1c: {  	s0 =	rddreg [dreg:$0x6]  }
0x1d: {  	[sflag:s5] =	ssyncset.done $0x0;
	s1 =	rddreg [dreg:$0x5]  }
0x1e: {  	s4 =	rddreg [dreg:$0x7];
	[sflag:s5] =	ssyncadd.s32 $0xFFFFF800  }
0x1f: {  	[tilespmem:s7], [sflag:$0x1] =	stream.indirect.gather [hbm4b:s3+s6], $0x1, s2, s6, $0xb8;
	[tilespmem:$0x1000] =	vst v63  }
0x20: {  	s31 =	rddreg [dreg:$0x9]  }
0x21: {  	[tilespmem:s1], [sflag:$0x1] =	stream.indirect.gather [hbm4b:s3+s6], $0x1, s6, s6, $0xb8;
	[tilespmem:$0x1000] =	vst v63  }
0x22: {  	s1 =	rddreg [dreg:$0x8]  }
0x23: {  	[tilespmem:s4], [sflag:$0x1] =	stream.indirect.gather [hbm4b:s3+s6], $0x1, s0, s6, $0xb8;
	[tilespmem:$0x1000] =	vst v63  }
0x24: {  	s0 =	rddreg [dreg:$0xb]  }
0x25: {  	[tilespmem:s31], [sflag:$0x1] =	stream.indirect.gather [hbm4b:s3+s6], $0x1, s1, s6, $0xb8;
	[tilespmem:$0x1000] =	vst v63  }
0x26: {  	s4 =	rddreg [dreg:$0xa]  }
0x27: {  	[tilespmem:s0], [sflag:$0x1] =	stream.indirect.gather [hbm4b:s3+s6], $0x1, s4, s6, $0xb8;
	[tilespmem:$0x1000] =	vst v63  }
0x28: {  	s31 =	rddreg [dreg:$0xc]  }
0x29: {  	[tilespmem:s8], [sflag:$0x1] =	stream.indirect.gather [hbm4b:s3+s6], $0x1, s31, s6, $0xb8;
	[tilespmem:$0x1000] =	vst v63  }
0x2a: {  	_ = 	snop  }
0x2b: {  	[tilespmem:s10], [sflag:$0x1] =	stream.indirect.gather [hbm4b:s3+s6], $0x1, s9, s6, $0xb8;
	[tilespmem:$0x1000] =	vst v63  }
0x2c: {  	_ = 	snop  }
0x2d: {  	[tilespmem:s12], [sflag:$0x1] =	stream.indirect.gather [hbm4b:s3+s6], $0x1, s11, s6, $0xb8;
	[tilespmem:$0x1000] =	vst v63  }
0x2e: {  	_ = 	snop  }
0x2f: {  	[tilespmem:s14], [sflag:$0x1] =	stream.indirect.gather [hbm4b:s3+s6], $0x1, s13, s6, $0xb8;
	[tilespmem:$0x1000] =	vst v63  }
0x30: {  	_ = 	snop  }
0x31: {  	[tilespmem:s16], [sflag:$0x1] =	stream.indirect.gather [hbm4b:s3+s6], $0x1, s15, s6, $0xb8;
	[tilespmem:$0x1000] =	vst v63  }
0x32: {  	_ = 	snop  }
0x33: {  	[tilespmem:s18], [sflag:$0x1] =	stream.indirect.gather [hbm4b:s3+s6], $0x1, s17, s6, $0xb8;
	[tilespmem:$0x1000] =	vst v63  }
0x34: {  	_ = 	snop  }
0x35: {  	[tilespmem:s20], [sflag:$0x1] =	stream.indirect.gather [hbm4b:s3+s6], $0x1, s19, s6, $0xb8;
	[tilespmem:$0x1000] =	vst v63  }
0x36: {  	_ = 	snop  }
0x37: {  	[tilespmem:s22], [sflag:$0x1] =	stream.indirect.gather [hbm4b:s3+s6], $0x1, s21, s6, $0xb8;
	[tilespmem:$0x1000] =	vst v63  }
0x38: {  	_ = 	snop  }
0x39: {  	[tilespmem:s24], [sflag:$0x1] =	stream.indirect.gather [hbm4b:s3+s6], $0x1, s23, s6, $0xb8;
	[tilespmem:$0x1000] =	vst v63  }
0x3a: {  	_ = 	snop  }
0x3b: {  	[tilespmem:s26], [sflag:$0x1] =	stream.indirect.gather [hbm4b:s3+s6], $0x1, s25, s6, $0xb8;
	[tilespmem:$0x1000] =	vst v63  }
0x3c: {  	_ = 	snop  }
0x3d: {  	[tilespmem:s29], [sflag:$0x1] =	stream.indirect.gather [hbm4b:s3+s6], $0x1, s28, s6, $0xb8;
	[tilespmem:$0x1000] =	vst v63  }
0x3e: {  	_ =	swait.ge [sflag:s30], $0x80  }
0x3f: {  	[sflag:s30] =	ssyncset.done $0x0  }
0x40: {  	[sflag:s30] =	ssyncadd.s32 $0xFFFFFF80  }
0x41: {  	_ =	swait.ge [sflag:s30], $0x80  }
0x42: {  	[sflag:s30] =	ssyncset.done $0x0  }
0x43: {  	[sflag:s30] =	ssyncadd.s32 $0xFFFFFF80  }
0x44: {  	_ =	swait.ge [sflag:s30], $0x80  }
0x45: {  	[sflag:s30] =	ssyncset.done $0x0  }
0x46: {  	[sflag:s30] =	ssyncadd.s32 $0xFFFFFF80  }
0x47: {  	_ =	swait.ge [sflag:s30], $0x80  }
0x48: {  	[sflag:s30] =	ssyncset.done $0x0  }
0x49: {  	[sflag:s30] =	ssyncadd.s32 $0xFFFFFF80  }
0x4a: {  	_ =	swait.ge [sflag:s30], $0x80  }
0x4b: {  	[sflag:s30] =	ssyncset.done $0x0  }
0x4c: {  	[sflag:s30] =	ssyncadd.s32 $0xFFFFFF80  }
0x4d: {  	_ =	swait.ge [sflag:s30], $0x80  }
0x4e: {  	[sflag:s30] =	ssyncset.done $0x0  }
0x4f: {  	[sflag:s30] =	ssyncadd.s32 $0xFFFFFF80  }
0x50: {  	_ =	swait.ge [sflag:s30], $0x80  }
0x51: {  	[sflag:s30] =	ssyncset.done $0x0  }
0x52: {  	[sflag:s30] =	ssyncadd.s32 $0xFFFFFF80  }
0x53: {  	_ =	swait.ge [sflag:s30], $0x80  }
0x54: {  	[sflag:s30] =	ssyncset.done $0x0  }
0x55: {  	[sflag:s30] =	ssyncadd.s32 $0xFFFFFF80  }
0x56: {  	_ =	swait.ge [sflag:s30], $0x80  }
0x57: {  	[sflag:s30] =	ssyncset.done $0x0  }
0x58: {  	[sflag:s30] =	ssyncadd.s32 $0xFFFFFF80  }
0x59: {  	_ =	swait.ge [sflag:s30], $0x80  }
0x5a: {  	[sflag:s30] =	ssyncset.done $0x0  }
0x5b: {  	[sflag:s30] =	ssyncadd.s32 $0xFFFFFF80  }
0x5c: {  	_ =	swait.ge [sflag:s30], $0x80  }
0x5d: {  	[sflag:s30] =	ssyncset.done $0x0  }
0x5e: {  	[sflag:s30] =	ssyncadd.s32 $0xFFFFFF80  }
0x5f: {  	_ =	swait.ge [sflag:s30], $0x80  }
0x60: {  	[sflag:s30] =	ssyncset.done $0x0  }
0x61: {  	[sflag:s30] =	ssyncadd.s32 $0xFFFFFF80  }
0x62: {  	_ =	swait.ge [sflag:s30], $0x80  }
0x63: {  	[sflag:s30] =	ssyncset.done $0x0  }
0x64: {  	[sflag:s30] =	ssyncadd.s32 $0xFFFFFF80  }
0x65: {  	_ =	swait.ge [sflag:s30], $0x80  }
0x66: {  	[sflag:s30] =	ssyncset.done $0x0  }
0x67: {  	[sflag:s30] =	ssyncadd.s32 $0xFFFFFF80  }
0x68: {  	_ =	swait.ge [sflag:s30], $0x80  }
0x69: {  	[sflag:s30] =	ssyncset.done $0x0  }
0x6a: {  	[sflag:s30] =	ssyncadd.s32 $0xFFFFFF80  }
0x6b: {  	_ =	swait.ge [sflag:s30], $0x80  }
0x6c: {  	s31 =	rddreg [dreg:$0x3];
	[sflag:s30] =	ssyncset.done $0x0  }
0x6d: {  	s0 =	simm.s32 $0x100;
	[sflag:s30] =	ssyncadd.s32 $0xFFFFFF80;
	s1 =	sadd.s32 $0x0, s31  }
.LBB2_2:
0x6e: {  	[hbm4b:s1+s2] =	stream.linear.scatter [tilespmem:s7], [sflag:$0x2], $0x800, $0x38;
	[tilespmem:$0x1000] =	vst v63  }
0x6f: {  	_ =	swait.ge [sflag:s5], $0x800  }
0x70: {  	s1 =	smov.u32 s0;
	s4 =	rddreg [dreg:$0x4];
	[sflag:s5] =	ssyncset.done $0x0  }
0x71: {  	[sflag:s5] =	ssyncadd.s32 $0xFFFFF800;
	s4 =	sadd.s32 s1, s4  }
0x72: {  	[tilespmem:s2], [sflag:$0x2] =	stream.linear.gather [hbm4b:s4+s2], $0x800, $0x38;
	[tilespmem:$0x1000] =	vst v63  }
0x73: {  	_ =	swait.ge [sflag:s5], $0x800  }
0x74: {  	s4 =	rddreg [dreg:$0xb]  }
0x75: {  	s31 =	rddreg [dreg:$0x6];
	[sflag:s5] =	ssyncset.done $0x0  }
0x76: {  	s8 =	rddreg [dreg:$0x5];
	[sflag:s5] =	ssyncadd.s32 $0xFFFFF800  }
0x77: {  	[tilespmem:s7], [sflag:$0x1] =	stream.indirect.gather [hbm4b:s3+s6], $0x1, s2, s6, $0xb8;
	[tilespmem:$0x1000] =	vst v63  }
0x78: {  	s9 =	rddreg [dreg:$0x7]  }
0x79: {  	[tilespmem:s8], [sflag:$0x1] =	stream.indirect.gather [hbm4b:s3+s6], $0x1, s6, s6, $0xb8;
	[tilespmem:$0x1000] =	vst v63  }
0x7a: {  	s10 =	rddreg [dreg:$0x9]  }
0x7b: {  	[tilespmem:s9], [sflag:$0x1] =	stream.indirect.gather [hbm4b:s3+s6], $0x1, s31, s6, $0xb8;
	[tilespmem:$0x1000] =	vst v63  }
0x7c: {  	s8 =	rddreg [dreg:$0x8]  }
0x7d: {  	[tilespmem:s10], [sflag:$0x1] =	stream.indirect.gather [hbm4b:s3+s6], $0x1, s8, s6, $0xb8;
	[tilespmem:$0x1000] =	vst v63  }
0x7e: {  	s9 =	rddreg [dreg:$0xa]  }
0x7f: {  	[tilespmem:s4], [sflag:$0x1] =	stream.indirect.gather [hbm4b:s3+s6], $0x1, s9, s6, $0xb8;
	[tilespmem:$0x1000] =	vst v63  }
0x80: {  	s11 =	simm.s32 $0xA80;
	s31 =	rddreg [dreg:$0xc]  }
0x81: {  	[tilespmem:s11], [sflag:$0x1] =	stream.indirect.gather [hbm4b:s3+s6], $0x1, s31, s6, $0xb8;
	[tilespmem:$0x1000] =	vst v63  }
0x82: {  	s10 =	simm.s32 $0xB00;
	s9 =	simm.s32 $0x300  }
0x83: {  	[tilespmem:s10], [sflag:$0x1] =	stream.indirect.gather [hbm4b:s3+s6], $0x1, s9, s6, $0xb8;
	[tilespmem:$0x1000] =	vst v63  }
0x84: {  	s11 =	simm.s32 $0x380  }
0x85: {  	[tilespmem:s12], [sflag:$0x1] =	stream.indirect.gather [hbm4b:s3+s6], $0x1, s11, s6, $0xb8;
	[tilespmem:$0x1000] =	vst v63  }
0x86: {  	_ = 	snop  }
0x87: {  	[tilespmem:s14], [sflag:$0x1] =	stream.indirect.gather [hbm4b:s3+s6], $0x1, s13, s6, $0xb8;
	[tilespmem:$0x1000] =	vst v63  }
0x88: {  	_ = 	snop  }
0x89: {  	[tilespmem:s16], [sflag:$0x1] =	stream.indirect.gather [hbm4b:s3+s6], $0x1, s15, s6, $0xb8;
	[tilespmem:$0x1000] =	vst v63  }
0x8a: {  	_ = 	snop  }
0x8b: {  	[tilespmem:s18], [sflag:$0x1] =	stream.indirect.gather [hbm4b:s3+s6], $0x1, s17, s6, $0xb8;
	[tilespmem:$0x1000] =	vst v63  }
0x8c: {  	_ = 	snop  }
0x8d: {  	[tilespmem:s20], [sflag:$0x1] =	stream.indirect.gather [hbm4b:s3+s6], $0x1, s19, s6, $0xb8;
	[tilespmem:$0x1000] =	vst v63  }
0x8e: {  	_ = 	snop  }
0x8f: {  	[tilespmem:s22], [sflag:$0x1] =	stream.indirect.gather [hbm4b:s3+s6], $0x1, s21, s6, $0xb8;
	[tilespmem:$0x1000] =	vst v63  }
0x90: {  	_ = 	snop  }
0x91: {  	[tilespmem:s24], [sflag:$0x1] =	stream.indirect.gather [hbm4b:s3+s6], $0x1, s23, s6, $0xb8;
	[tilespmem:$0x1000] =	vst v63  }
0x92: {  	_ = 	snop  }
0x93: {  	[tilespmem:s26], [sflag:$0x1] =	stream.indirect.gather [hbm4b:s3+s6], $0x1, s25, s6, $0xb8;
	[tilespmem:$0x1000] =	vst v63  }
0x94: {  	_ = 	snop  }
0x95: {  	[tilespmem:s29], [sflag:$0x1] =	stream.indirect.gather [hbm4b:s3+s6], $0x1, s28, s6, $0xb8;
	[tilespmem:$0x1000] =	vst v63  }
0x96: {  	_ =	swait.ge [sflag:s30], $0x80  }
0x97: {  	[sflag:s30] =	ssyncset.done $0x0  }
0x98: {  	[sflag:s30] =	ssyncadd.s32 $0xFFFFFF80  }
0x99: {  	_ =	swait.ge [sflag:s30], $0x80  }
0x9a: {  	[sflag:s30] =	ssyncset.done $0x0  }
0x9b: {  	[sflag:s30] =	ssyncadd.s32 $0xFFFFFF80  }
0x9c: {  	_ =	swait.ge [sflag:s30], $0x80  }
0x9d: {  	[sflag:s30] =	ssyncset.done $0x0  }
0x9e: {  	[sflag:s30] =	ssyncadd.s32 $0xFFFFFF80  }
0x9f: {  	_ =	swait.ge [sflag:s30], $0x80  }
0xa0: {  	[sflag:s30] =	ssyncset.done $0x0  }
0xa1: {  	[sflag:s30] =	ssyncadd.s32 $0xFFFFFF80  }
0xa2: {  	_ =	swait.ge [sflag:s30], $0x80  }
0xa3: {  	[sflag:s30] =	ssyncset.done $0x0  }
0xa4: {  	[sflag:s30] =	ssyncadd.s32 $0xFFFFFF80  }
0xa5: {  	_ =	swait.ge [sflag:s30], $0x80  }
0xa6: {  	[sflag:s30] =	ssyncset.done $0x0  }
0xa7: {  	[sflag:s30] =	ssyncadd.s32 $0xFFFFFF80  }
0xa8: {  	_ =	swait.ge [sflag:s30], $0x80  }
0xa9: {  	[sflag:s30] =	ssyncset.done $0x0  }
0xaa: {  	[sflag:s30] =	ssyncadd.s32 $0xFFFFFF80  }
0xab: {  	_ =	swait.ge [sflag:s30], $0x80  }
0xac: {  	[sflag:s30] =	ssyncset.done $0x0  }
0xad: {  	[sflag:s30] =	ssyncadd.s32 $0xFFFFFF80  }
0xae: {  	_ =	swait.ge [sflag:s30], $0x80  }
0xaf: {  	[sflag:s30] =	ssyncset.done $0x0  }
0xb0: {  	[sflag:s30] =	ssyncadd.s32 $0xFFFFFF80  }
0xb1: {  	_ =	swait.ge [sflag:s30], $0x80  }
0xb2: {  	[sflag:s30] =	ssyncset.done $0x0  }
0xb3: {  	[sflag:s30] =	ssyncadd.s32 $0xFFFFFF80  }
0xb4: {  	_ =	swait.ge [sflag:s30], $0x80  }
0xb5: {  	[sflag:s30] =	ssyncset.done $0x0  }
0xb6: {  	[sflag:s30] =	ssyncadd.s32 $0xFFFFFF80  }
0xb7: {  	_ =	swait.ge [sflag:s30], $0x80  }
0xb8: {  	[sflag:s30] =	ssyncset.done $0x0  }
0xb9: {  	[sflag:s30] =	ssyncadd.s32 $0xFFFFFF80  }
0xba: {  	_ =	swait.ge [sflag:s30], $0x80  }
0xbb: {  	[sflag:s30] =	ssyncset.done $0x0  }
0xbc: {  	[sflag:s30] =	ssyncadd.s32 $0xFFFFFF80  }
0xbd: {  	_ =	swait.ge [sflag:s30], $0x80  }
0xbe: {  	[sflag:s30] =	ssyncset.done $0x0  }
0xbf: {  	[sflag:s30] =	ssyncadd.s32 $0xFFFFFF80  }
0xc0: {  	p0 =	sne.s32 s0, $0xF00;
	_ =	swait.ge [sflag:s30], $0x80  }
.Ltmp0:
0xc1: {  	[sflag:s30] =	ssyncset.done $0x0;
	(pc) =	sbr.rel @p0 .LBB2_2-.Ltmp0, $4  }
0xc2: {  	[sflag:s30] =	ssyncadd.s32 $0xFFFFFF80  }
0xc3: {  	_ =	swait.ge [sflag:s30], $0x80  }
0xc4: {  	s0 =	sadd.s32 $0x100, s0;
	s31 =	rddreg [dreg:$0x3];
	[sflag:s30] =	ssyncset.done $0x0  }
0xc5: {  	s8 =	simm.s32 $0xA80;
	[sflag:s30] =	ssyncadd.s32 $0xFFFFFF80;
	s1 =	sadd.s32 s1, s31  }
0xc6: {  	[hbm4b:s1+s2] =	stream.linear.scatter [tilespmem:s7], [sflag:$0x2], $0x800, $0x38;
	[tilespmem:$0x1000] =	vst v63  }
0xc7: {  	_ =	swait.ge [sflag:s5], $0x800  }
0xc8: {  	s31 =	rddreg [dreg:$0xe]  }
0xc9: {  	s0 =	rddreg [dreg:$0xd];
	s1 =	sadd.s32 $0x1, s31  }
0xca: {  	p0 =	sne.s32 s1, s0  }
.Ltmp1:
0xcb: {  	_ = 	snop;
	(pc) =	sbr.rel @p0 .LBB2_1-.Ltmp1, $3  }
0xcc: {  	_ =	sdelay $0x1  }
0xcd: {  	[sflag:s5] =	ssyncset.done $0x0  }
0xce: {  	[sflag:s5] =	ssyncadd.s32 $0xFFFFF800  }
0xcf: {  	_ =	sfence.sel $0x180000  }
0xd0: {  	[bflag:$0x0] =	sbarrier.arrive $0xFFFF  }
0xd1: {  	_ =	strace $0x90000050  }
0xd2: {  	s0 =	stileid.u32;
	[bflag:$0x2] =	sbarrier.arrive $0xFFFF  }
0xd3: {  	p0 =	sne.s32 s0, $0x0;
	s0 =	rddreg [dreg:$0x2]  }
0xd4: {  	s0 =	sadd.s32 @!p0 $0x100000, s0  }
0xd5: {  	[sflag:s0] =	ssyncadd.tile.s32 @!p0 $0x1;
	_ =	shalt  }
.Lfunc_end2:
_tile_overlayer_lowered:
.L_overlay_start_2:
0xd6: {  	(tag) =	ssettag $0x2  }
0xd7: {  	s0 =	rddreg [dreg:$0x0];
	s2 =	stileid.u32  }
0xd8: {  	s1 =	rddreg [dreg:$0x1];
	p0 =	sne.s32 s2, $0x0  }
0xd9: {  	s3 =	rddreg [dreg:$0x2];
	[bflag:$0x3] =	sbarrier.arrive $0xFFFF;
	s2 =	simm.s32 @!p0 $0x1C02  }
0xda: {  	[timem:s3], [sflag:s2] =	dma.local @!p0 [hbm:s0], s1  }
0xdb: {  	s0 =	simm.s32 @!p0 $0x2  }
0xdc: {  	_ =	swait.ge @!p0 [sflag:s0], s1  }
0xdd: {  	s1 =	ssub.s32 @!p0 $0x0, s1;
	[sflag:s0] =	ssyncset.done @!p0 $0x0  }
0xde: {  	[sflag:s0] =	ssyncadd.s32 @!p0 s1  }
0xdf: {  	[bflag:$0x3] =	sbarrier.arrive $0xFFFF  }
0xe0: {  	_ =	shalt  }

// kernel: kernel.9.cloned.1.call-start
scs
__scs_entry_jumppad:
0x0: {  	(pc) =	sbr.rel $0x88, $3  }
0x1: {  	(tag) =	ssettag $0x0;
	lr =	simm.s32 $0x1  }
0x2: {  	[smem:$0x3F9D] =	sst lr;
	_ =	strace $0xD0000000  }
0x3: {  	_ = 	snop  }
0x4: {  	_ = 	snop  }
0x5: {  	_ = 	snop  }
0x6: {  	_ = 	snop  }
0x7: {  	_ = 	snop  }
__scs_overlays_trampoline_lowered:
0x8: {  	[smem:$0x3FAC] =	sst s0  }
0x9: {  	[smem:$0x3FAD] =	sst s1  }
0xa: {  	[smem:$0x3FAE] =	sst s2  }
0xb: {  	[smem:$0x3FAF] =	sst s3  }
0xc: {  	[smem:$0x3FB0] =	sst s4  }
0xd: {  	[smem:$0x3FB1] =	sst s5  }
0xe: {  	[smem:$0x3FB2] =	sst s6  }
0xf: {  	[smem:$0x3FB3] =	sst s7  }
0x10: {  	[smem:$0x3FB4] =	sst s8  }
0x11: {  	[smem:$0x3FB5] =	sst s9;
	s0 =	simm.s32 @!p0 $0x0  }
0x12: {  	s1 =	sld [smem:$0x3F9B];
	s0 =	simm.s32 @p0 $0x1  }
0x13: {  	[smem:$0x3FB6] =	sst s0;
	s0 =	simm.s32 @!p1 $0x0  }
0x14: {  	s2 =	sld [smem:$0x3F9A];
	s0 =	simm.s32 @p1 $0x1  }
0x15: {  	[smem:$0x3FB7] =	sst s0;
	s0 =	simm.s32 @!p2 $0x0  }
0x16: {  	s3 =	sld [smem:$0x3FDB];
	s0 =	simm.s32 @p2 $0x1  }
0x17: {  	s4 =	simm.s32 $0x1BF5;
	[smem:$0x3FB9] =	sst s0  }
0x18: {  	s0 =	sld [smem:$0x3F9C];
	_ =	swait.ge [sflag:s4], $0x0  }
0x19: {  	s7 =	sld [smem:$0x3F9D]  }
0x1a: {  	s8 =	sadd.s32 $0xFFFFE003, lr  }
0x1b: {  	s9 =	sadd.s32 $0xFFFFFEF7, lr;
	s5 =	simm.s32 $0xFFFFFFFF;
	p2 =	slt.u32 s8, $0xFFFFF086  }
0x1c: {  	p1 =	slt.u32 s9, $0xF7A;
	s5 =	simm.s32 @!p2 $0x0  }
0x1d: {  	s5 =	simm.s32 @p1 $0x1;
	p0 =	seq.s32 s7, s2  }
0x1e: {  	s7 =	smul.u32 @!p0 $0xF7A, s2;
	p2 =	seq.s32 @!p0 s5, $0x0  }
0x1f: {  	s9 =	smul.u32 $0xF7A, s1;
	s8 =	simm.s32 @!p0 $0x1BF5;
	p2 =	por !p2, p0  }
0x20: {  	[sflag:s8] =	ssyncset.s32 @!p0 $0xFFFFF086;
	s6 =	sadd.s32 @!p0 s3, s7;
	s7 =	simm.s32 @!p0 $0x108  }
0x21: {  	s3 =	sadd.s32 s3, s9;
	s6 =	sadd.s32 @!p0 $0x88, s6;
	s7 =	simm.s32 @p2 $0x1082  }
0x22: {  	[simem:s7], [sflag:s8] =	dma.local @!p0 [hbm:s6], $0xF7A  }
0x23: {  	s9 =	sor.u32 $0xD0000000, s2;
	s6 =	simm.s32 $0x108;
	_ =	swait.ge @!p0 [sflag:s8], $0x0  }
0x24: {  	s3 =	sadd.s32 $0x88, s3;
	s6 =	simm.s32 @!p1 $0x1082;
	[sflag:s4] =	ssyncset.s32 $0xFFFFF086  }
0x25: {  	[simem:s6], [sflag:s4] =	dma.local [hbm:s3], $0xF7A  }
0x26: {  	[smem:$0x3F9D] =	sst s1;
	(tag) =	ssettag s2;
	_ =	strace s9  }
0x27: {  	s1 =	sld [smem:$0x3FAD]  }
0x28: {  	s2 =	sld [smem:$0x3FAE]  }
0x29: {  	s4 =	sld [smem:$0x3FB0]  }
0x2a: {  	p0 =	seq.s32 s5, $0x0;
	s5 =	sld [smem:$0x3FB1]  }
0x2b: {  	s6 =	sld [smem:$0x3FB2]  }
0x2c: {  	s7 =	sld [smem:$0x3FB3]  }
0x2d: {  	s3 =	simm.s32 $0x108;
	s8 =	sld [smem:$0x3FB4]  }
0x2e: {  	s3 =	simm.s32 @!p0 $0x1082;
	s9 =	sld [smem:$0x3FB5]  }
0x2f: {  	lr =	sadd.s32 s0, s3;
	s0 =	sld [smem:$0x3FAC]  }
0x30: {  	s3 =	sld [smem:$0x3FAF]  }
0x31: {  	[smem:$0x3FB8] =	sst s10  }
0x32: {  	s10 =	sld [smem:$0x3FB6];
	_ =	sdelay $0x3  }
0x33: {  	p0 =	seq.s32 s10, $0x1;
	s10 =	sld [smem:$0x3FB8];
	_ =	sdelay $0x3  }
0x34: {  	[smem:$0x3FB8] =	sst s10  }
0x35: {  	s10 =	sld [smem:$0x3FB7];
	_ =	sdelay $0x3  }
0x36: {  	p1 =	seq.s32 s10, $0x1;
	s10 =	sld [smem:$0x3FB8];
	_ =	sdelay $0x3  }
0x37: {  	[smem:$0x3FB8] =	sst s10  }
0x38: {  	s10 =	sld [smem:$0x3FB9]  }
0x39: {  	_ = 	snop;
	(pc) =	sbr.ind lr, $3  }
0x3a: {  	_ = 	snop  }
0x3b: {  	_ = 	snop  }
0x3c: {  	p2 =	seq.s32 s10, $0x1;
	s10 =	sld [smem:$0x3FB8]  }
0x3d: {  	_ =	shalt  }
0x3e: {  	_ =	shalt  }
0x3f: {  	_ =	shalt  }
0x40: {  	_ =	shalt  }
0x41: {  	_ =	shalt  }
0x42: {  	_ =	shalt  }
0x43: {  	_ =	shalt  }
0x44: {  	_ =	shalt  }
0x45: {  	_ =	shalt  }
0x46: {  	_ =	shalt  }
0x47: {  	_ =	shalt  }
0x48: {  	_ =	shalt  }
0x49: {  	_ =	shalt  }
0x4a: {  	_ =	shalt  }
0x4b: {  	_ =	shalt  }
0x4c: {  	_ =	shalt  }
0x4d: {  	_ =	shalt  }
0x4e: {  	_ =	shalt  }
0x4f: {  	_ =	shalt  }
0x50: {  	_ =	shalt  }
0x51: {  	_ =	shalt  }
0x52: {  	_ =	shalt  }
0x53: {  	_ =	shalt  }
0x54: {  	_ =	shalt  }
0x55: {  	_ =	shalt  }
0x56: {  	_ =	shalt  }
0x57: {  	_ =	shalt  }
0x58: {  	_ =	shalt  }
0x59: {  	_ =	shalt  }
0x5a: {  	_ =	shalt  }
0x5b: {  	_ =	shalt  }
0x5c: {  	_ =	shalt  }
0x5d: {  	_ =	shalt  }
0x5e: {  	_ =	shalt  }
0x5f: {  	_ =	shalt  }
0x60: {  	_ =	shalt  }
0x61: {  	_ =	shalt  }
0x62: {  	_ =	shalt  }
0x63: {  	_ =	shalt  }
0x64: {  	_ =	shalt  }
0x65: {  	_ =	shalt  }
0x66: {  	_ =	shalt  }
0x67: {  	_ =	shalt  }
0x68: {  	_ =	shalt  }
0x69: {  	_ =	shalt  }
0x6a: {  	_ =	shalt  }
0x6b: {  	_ =	shalt  }
0x6c: {  	_ =	shalt  }
0x6d: {  	_ =	shalt  }
0x6e: {  	_ =	shalt  }
0x6f: {  	_ =	shalt  }
0x70: {  	_ =	shalt  }
0x71: {  	_ =	shalt  }
0x72: {  	_ =	shalt  }
0x73: {  	_ =	shalt  }
0x74: {  	_ =	shalt  }
0x75: {  	_ =	shalt  }
0x76: {  	_ =	shalt  }
0x77: {  	_ =	shalt  }
0x78: {  	_ =	shalt  }
0x79: {  	_ =	shalt  }
0x7a: {  	_ =	shalt  }
0x7b: {  	_ =	shalt  }
0x7c: {  	_ =	shalt  }
0x7d: {  	_ =	shalt  }
0x7e: {  	_ =	shalt  }
0x7f: {  	_ =	shalt  }
0x80: {  	_ =	shalt  }
0x81: {  	_ =	shalt  }
0x82: {  	_ =	shalt  }
0x83: {  	_ =	shalt  }
0x84: {  	_ =	shalt  }
0x85: {  	_ =	shalt  }
0x86: {  	_ =	shalt  }
0x87: {  	_ =	shalt  }
.Lfunc_end0:
.L_simem_size_0:
called_computation_lowered:
.L_overlay_start_0:
0x88: {  	s2 =	sld [smem:$0x3FD9]  }
0x89: {  	s3 =	sld [smem:$0x3FFE];
	_ =	sdelay $0x1  }
0x8a: {  	s1 =	srdreg.scid  }
0x8b: {  	s0 =	sand.u32 $0x1, s1  }
0x8c: {  	s15 =	sshll.u32 s0, $0xA;
	s2 =	sadd.s32 s3, s2  }
0x8d: {  	s2 =	sadd.s32 s2, s15  }
0x8e: {  	[smem:$0x3FC4] =	sst s2  }
0x8f: {  	_ = 	snop  }
0x90: {  	s2 =	sld [smem:$0x3FD0];
	_ =	sdelay $0x2  }
0x91: {  	s16 =	simm.s32 $0xB;
	s4 =	simm.s32 $0x10  }
0x92: {  	[smem:s4], [sflag:s16] =	dma.local [hbm:s2], $0x1  }
0x93: {  	_ =	swait.eq [sflag:s16], $0x1  }
0x94: {  	[sflag:s16] =	ssyncset.done $0x0  }
0x95: {  	[sflag:s16] =	ssyncadd.s32 $0xFFFFFFFF  }
0x96: {  	s17 =	sld [smem:$0x12];
	(tm) =	ssettm $0x1  }
0x97: {  	s18 =	sld [smem:$0x3FFB];
	_ =	sdelay $0x3  }
0x98: {  	_ =	strace s18  }
0x99: {  	s2 =	sld [smem:$0x3FFC];
	_ =	sdelay $0x3  }
0x9a: {  	_ =	strace s2  }
0x9b: {  	s2 =	sld [smem:$0x3FFD];
	_ =	sdelay $0x3  }
0x9c: {  	_ =	strace s2  }
0x9d: {  	_ =	strace $0x8FFFFFFF  }
0x9e: {  	s19 =	sld [smem:$0x3FDB];
	_ =	sdelay $0x1  }
0x9f: {  	s20 =	simm.s32 $_scs_section_size  }
0xa0: {  	s5 =	simm.s32 $_size__tile_overlayer_lowered;
	s6 =	simm.s32 $_tile_overlayer_lowered  }
0xa1: {  	s7 =	simm.s32 $0x1BFF;
	s21 =	sshll.u32 s6, $0x1;
	s4 =	sadd.s32 s20, s19  }
0xa2: {  	s22 =	simm.s32 $0x0;
	s5 =	sshll.u32 s5, $0x1;
	s6 =	sadd.s32 s21, s4  }
0xa3: {  	[timem:s22], [sflag:s7] =	dma.local [hbm:s6], s5  }
0xa4: {  	_ =	swait.ge [sflag:s7], s5  }
0xa5: {  	s5 =	ssub.s32 $0x0, s5;
	[sflag:s7] =	ssyncset.done $0x0  }
0xa6: {  	[sflag:s7] =	ssyncadd.s32 s5;
	_ =	sdelay $0x1  }
0xa7: {  	s23 =	simm.s32 $0x1B8B  }
0xa8: {  	_ =	swait.ge [sflag:s23], $0x1  }
0xa9: {  	[sflag:s23] =	ssyncset.done $0x0  }
0xaa: {  	[sflag:s23] =	ssyncadd.s32 $0xFFFFFFFF  }
0xab: {  	s5 =	sld [smem:$0x0]  }
0xac: {  	s6 =	sand.u32 $0xFFFFFFFE, s1  }
0xad: {  	p0 =	sne.s32 s1, s6  }
0xae: {  	s6 =	sshll.u32 @p0 s6, $0xE  }
0xaf: {  	s6 =	sadd.s32 @p0 $0x11B8D, s6;
	s7 =	sshll.u32 @p0 s5, $0x11  }
0xb0: {  	s6 =	sor.u32 @p0 s7, s6  }
0xb1: {  	[sflag:s6] =	ssyncadd.remote.s32 @p0 $0x1;
	_ =	sdelay $0x1  }
0xb2: {  	s6 =	simm.s32 @p0 $0x1B8D  }
0xb3: {  	_ =	swait.eq @p0 [sflag:s6], $0x1  }
0xb4: {  	[sflag:s6] =	ssyncadd.s32 @p0 $0xFFFFFFFF  }
0xb5: {  	s7 =	sshll.u32 @!p0 s1, $0xE  }
0xb6: {  	s7 =	sor.u32 @!p0 $0x4000, s7;
	s6 =	simm.s32 @!p0 $0x1B8D  }
0xb7: {  	s5 =	sshll.u32 @!p0 s5, $0x11;
	s7 =	sadd.s32 @!p0 $0x11B8D, s7;
	_ =	swait.eq @!p0 [sflag:s6], $0x1  }
0xb8: {  	s5 =	sor.u32 @!p0 s5, s7;
	[sflag:s6] =	ssyncadd.s32 @!p0 $0xFFFFFFFF  }
0xb9: {  	s25 =	simm.s32 $0x1B8E;
	s24 =	sld [smem:$0x3FFE];
	[sflag:s5] =	ssyncadd.remote.s32 @!p0 $0x1  }
0xba: {  	s26 =	simm.s32 $execute0_lowered;
	[smem:$0x3FD2] =	sst s25  }
0xbb: {  	s6 =	sshll.u32 s26, $0x1;
	_ =	strace $0x80000049;
	[dreg:$0x1] =	wrdreg $0xFFFFFFFF  }
0xbc: {  	s28 =	simm.s32 $_size_execute0_lowered;
	s4 =	sadd.s32 s4, s6;
	[dreg:$0x0] =	wrdreg $0x0  }
0xbd: {  	s6 =	sshll.u32 s28, $0x1;
	[dreg:$0x2] =	wrdreg s4  }
0xbe: {  	[dreg:$0x3] =	wrdreg s6  }
0xbf: {  	[dreg:$0x4] =	wrdreg $0xC0  }
0xc0: {  	_ =	task [dreg:s22], $0x5FFFF  }
0xc1: {  	[dreg:$0x1] =	wrdreg $0xFFFFFFFF  }
0xc2: {  	[dreg:$0x0] =	wrdreg $0x60  }
0xc3: {  	[dreg:$0x2] =	wrdreg s17  }
0xc4: {  	[dreg:$0x3] =	wrdreg s24  }
0xc5: {  	[dreg:$0x4] =	wrdreg $0x9  }
0xc6: {  	_ =	task.clear_ibuf [dreg:s22], $0x5FFFF;
	_ =	strace $0x90000049  }
0xc7: {  	s29 =	simm.s32 $0x9;
	_ =	strace $0x8000004B  }
0xc8: {  	_ =	swait.ge [sflag:s29], $0x1  }
0xc9: {  	[sflag:s29] =	ssyncadd.s32 $0xFFFFFFFF  }
0xca: {  	_ =	strace $0x9000004B  }
0xcb: {  	_ =	sfence  }
0xcc: {  	s30 =	sld [smem:$0x0];
	_ =	sdelay $0x2  }
0xcd: {  	s31 =	sshll.u32 s1, $0xD;
	s1 =	sshrl.u32 s1, $0x2  }
0xce: {  	s4 =	sand.u32 $0x4000, s31;
	s1 =	sadd.s32 s1, s30  }
0xcf: {  	s0 =	sor.u32 s4, s0;
	s1 =	sshll.u32 s1, $0x11  }
0xd0: {  	s0 =	sor.u32 s1, s0  }
0xd1: {  	s0 =	sadd.s32 $0x8F2B, s0  }
0xd2: {  	[sflag:s0] =	ssyncadd.remote.s32 $0x1  }
0xd3: {  	_ =	sfence.sel $0xFFFF  }
0xd4: {  	[dreg:$0x0] =	wrdreg $0xFFFFFFFF;
	(pc) =	sbr.abs _section_cstart, $3  }
0xd5: {  	[dreg:$0x1] =	wrdreg $0xFFFFFFFF  }
0xd6: {  	_ =	task.clear_ibuf [dreg:s22], $0x2FFFF;
	_ =	strace $0x9FFFFFFF  }
0xd7: {  	(tm) =	ssettm $0x7FFFFFFF  }
tec
execute0_lowered:
.L_overlay_start_1:
0x0: {  	(tag) =	ssettag $0x1  }
0x1: {  	s1 =	stileid.u32  }
0x2: {  	p0 =	sgt.u32 s1, $0x1  }
.Ltmp0:
0x3: {  	_ = 	snop;
	(pc) =	sbr.rel @p0 .LBB2_4-.Ltmp0, $4  }
0x4: {  	s2 =	rddreg [dreg:$0x0]  }
0x5: {  	s22 =	rddreg [dreg:$0x1];
	s3 =	simm.s32 $0x0  }
0x6: {  	[smem:$0x7FF] =	sst s3  }
0x7: {  	s0 =	rddreg [dreg:$0x2];
	_ =	strace $0x8000004A  }
0x8: {  	s4 =	srdreg.scid  }
0x9: {  	s23 =	sand.u32 $0x1, s4  }
0xa: {  	s30 =	sshll.u32 s1, $0x8;
	s5 =	sshll.u32 s23, $0x7  }
0xb: {  	s6 =	sadd.s32 $0x20400, s22;
	s24 =	sor.u32 s5, s30  }
0xc: {  	s4 =	simm.s32 $0x2;
	s5 =	sadd.s32 s6, s24  }
0xd: {  	[tilespmem:s3], [sflag:$0x2] =	stream.linear.gather [hbm4b:s5+s3], $0x400, $0x38;
	[tilespmem:$0x800] =	vst v63  }
0xe: {  	_ =	swait.ge [sflag:s4], $0x400  }
0xf: {  	[sflag:s4] =	ssyncset.done $0x0  }
0x10: {  	s7 =	simm.s32 $0x400;
	s6 =	simm.s32 $0x80;
	[sflag:s4] =	ssyncadd.s32 $0xFFFFFC00  }
0x11: {  	[tilespmem:s7], [sflag:$0x1] =	stream.indirect.gather [hbm4b:s2+s6], $0x1, s3, s6, $0xb8;
	[tilespmem:$0x800] =	vst v63  }
0x12: {  	s8 =	simm.s32 $0x480  }
0x13: {  	[tilespmem:s8], [sflag:$0x1] =	stream.indirect.gather [hbm4b:s2+s6], $0x1, s6, s6, $0xb8;
	[tilespmem:$0x800] =	vst v63  }
0x14: {  	s9 =	simm.s32 $0x100;
	s10 =	simm.s32 $0x500  }
0x15: {  	[tilespmem:s10], [sflag:$0x1] =	stream.indirect.gather [hbm4b:s2+s6], $0x1, s9, s6, $0xb8;
	[tilespmem:$0x800] =	vst v63  }
0x16: {  	s11 =	simm.s32 $0x180;
	s12 =	simm.s32 $0x580  }
0x17: {  	[tilespmem:s12], [sflag:$0x1] =	stream.indirect.gather [hbm4b:s2+s6], $0x1, s11, s6, $0xb8;
	[tilespmem:$0x800] =	vst v63  }
0x18: {  	s13 =	simm.s32 $0x200;
	s14 =	simm.s32 $0x600  }
0x19: {  	[tilespmem:s14], [sflag:$0x1] =	stream.indirect.gather [hbm4b:s2+s6], $0x1, s13, s6, $0xb8;
	[tilespmem:$0x800] =	vst v63  }
0x1a: {  	s15 =	simm.s32 $0x280;
	s16 =	simm.s32 $0x680  }
0x1b: {  	[tilespmem:s16], [sflag:$0x1] =	stream.indirect.gather [hbm4b:s2+s6], $0x1, s15, s6, $0xb8;
	[tilespmem:$0x800] =	vst v63  }
0x1c: {  	s17 =	simm.s32 $0x300;
	s18 =	simm.s32 $0x700  }
0x1d: {  	[tilespmem:s18], [sflag:$0x1] =	stream.indirect.gather [hbm4b:s2+s6], $0x1, s17, s6, $0xb8;
	[tilespmem:$0x800] =	vst v63  }
0x1e: {  	s19 =	simm.s32 $0x380;
	s20 =	simm.s32 $0x780;
	s21 =	simm.s32 $0x1  }
0x1f: {  	[tilespmem:s20], [sflag:$0x1] =	stream.indirect.gather [hbm4b:s2+s6], $0x1, s19, s6, $0xb8;
	[tilespmem:$0x800] =	vst v63  }
0x20: {  	_ =	swait.ge [sflag:s21], $0x80  }
0x21: {  	[sflag:s21] =	ssyncset.done $0x0  }
0x22: {  	[sflag:s21] =	ssyncadd.s32 $0xFFFFFF80  }
0x23: {  	_ =	swait.ge [sflag:s21], $0x80  }
0x24: {  	[sflag:s21] =	ssyncset.done $0x0  }
0x25: {  	[sflag:s21] =	ssyncadd.s32 $0xFFFFFF80  }
0x26: {  	_ =	swait.ge [sflag:s21], $0x80  }
0x27: {  	[sflag:s21] =	ssyncset.done $0x0  }
0x28: {  	[sflag:s21] =	ssyncadd.s32 $0xFFFFFF80  }
0x29: {  	_ =	swait.ge [sflag:s21], $0x80  }
0x2a: {  	[sflag:s21] =	ssyncset.done $0x0  }
0x2b: {  	[sflag:s21] =	ssyncadd.s32 $0xFFFFFF80  }
0x2c: {  	_ =	swait.ge [sflag:s21], $0x80  }
0x2d: {  	[sflag:s21] =	ssyncset.done $0x0  }
0x2e: {  	[sflag:s21] =	ssyncadd.s32 $0xFFFFFF80  }
0x2f: {  	_ =	swait.ge [sflag:s21], $0x80  }
0x30: {  	[sflag:s21] =	ssyncset.done $0x0  }
0x31: {  	s23 =	ssub.s32 $0x2, s23;
	[sflag:s21] =	ssyncadd.s32 $0xFFFFFF80  }
0x32: {  	s25 =	sshrl.u32 s23, $0x1;
	_ =	swait.ge [sflag:s21], $0x80  }
0x33: {  	s23 =	ssub.s32 s23, s25;
	[sflag:s21] =	ssyncset.done $0x0  }
0x34: {  	s23 =	smax.u32 s23, $0x1;
	[sflag:s21] =	ssyncadd.s32 $0xFFFFFF80  }
0x35: {  	p0 =	sne.s32 s23, $0x1;
	_ =	swait.ge [sflag:s21], $0x80  }
.Ltmp1:
0x36: {  	s31 =	sadd.s32 s24, s22;
	[sflag:s21] =	ssyncset.done $0x0;
	(pc) =	sbr.rel @!p0 .LBB2_3-.Ltmp1, $4  }
0x37: {  	s22 =	sadd.s32 $0x20600, s31;
	[sflag:s21] =	ssyncadd.s32 $0xFFFFFF80  }
0x38: {  	[hbm4b:s22+s3] =	stream.linear.scatter [tilespmem:s7], [sflag:$0x2], $0x400, $0x38;
	[tilespmem:$0x800] =	vst v63  }
0x39: {  	_ =	swait.ge [sflag:s4], $0x400  }
0x3a: {  	s23 =	sadd.s32 $0xFFFFFFFF, s23;
	[sflag:s4] =	ssyncset.done $0x0  }
.LBB2_2:
0x3b: {  	p0 =	sne.s32 s23, $0x1;
	s23 =	sadd.s32 $0xFFFFFFFF, s23;
	[sflag:s4] =	ssyncadd.s32 $0xFFFFFC00  }
0x3c: {  	[tilespmem:s3], [sflag:$0x2] =	stream.linear.gather [hbm4b:s5+s3], $0x400, $0x38;
	[tilespmem:$0x800] =	vst v63  }
0x3d: {  	_ =	swait.ge [sflag:s4], $0x400  }
0x3e: {  	[sflag:s4] =	ssyncset.done $0x0  }
0x3f: {  	[sflag:s4] =	ssyncadd.s32 $0xFFFFFC00  }
0x40: {  	[tilespmem:s7], [sflag:$0x1] =	stream.indirect.gather [hbm4b:s2+s6], $0x1, s3, s6, $0xb8;
	[tilespmem:$0x800] =	vst v63  }
0x41: {  	_ = 	snop  }
0x42: {  	[tilespmem:s8], [sflag:$0x1] =	stream.indirect.gather [hbm4b:s2+s6], $0x1, s6, s6, $0xb8;
	[tilespmem:$0x800] =	vst v63  }
0x43: {  	_ = 	snop  }
0x44: {  	[tilespmem:s10], [sflag:$0x1] =	stream.indirect.gather [hbm4b:s2+s6], $0x1, s9, s6, $0xb8;
	[tilespmem:$0x800] =	vst v63  }
0x45: {  	_ = 	snop  }
0x46: {  	[tilespmem:s12], [sflag:$0x1] =	stream.indirect.gather [hbm4b:s2+s6], $0x1, s11, s6, $0xb8;
	[tilespmem:$0x800] =	vst v63  }
0x47: {  	_ = 	snop  }
0x48: {  	[tilespmem:s14], [sflag:$0x1] =	stream.indirect.gather [hbm4b:s2+s6], $0x1, s13, s6, $0xb8;
	[tilespmem:$0x800] =	vst v63  }
0x49: {  	_ = 	snop  }
0x4a: {  	[tilespmem:s16], [sflag:$0x1] =	stream.indirect.gather [hbm4b:s2+s6], $0x1, s15, s6, $0xb8;
	[tilespmem:$0x800] =	vst v63  }
0x4b: {  	_ = 	snop  }
0x4c: {  	[tilespmem:s18], [sflag:$0x1] =	stream.indirect.gather [hbm4b:s2+s6], $0x1, s17, s6, $0xb8;
	[tilespmem:$0x800] =	vst v63  }
0x4d: {  	_ = 	snop  }
0x4e: {  	[tilespmem:s20], [sflag:$0x1] =	stream.indirect.gather [hbm4b:s2+s6], $0x1, s19, s6, $0xb8;
	[tilespmem:$0x800] =	vst v63  }
0x4f: {  	_ =	swait.ge [sflag:s21], $0x80  }
0x50: {  	[sflag:s21] =	ssyncset.done $0x0  }
0x51: {  	[sflag:s21] =	ssyncadd.s32 $0xFFFFFF80  }
0x52: {  	_ =	swait.ge [sflag:s21], $0x80  }
0x53: {  	[sflag:s21] =	ssyncset.done $0x0  }
0x54: {  	[sflag:s21] =	ssyncadd.s32 $0xFFFFFF80  }
0x55: {  	_ =	swait.ge [sflag:s21], $0x80  }
0x56: {  	[sflag:s21] =	ssyncset.done $0x0  }
0x57: {  	[sflag:s21] =	ssyncadd.s32 $0xFFFFFF80  }
0x58: {  	_ =	swait.ge [sflag:s21], $0x80  }
0x59: {  	[sflag:s21] =	ssyncset.done $0x0  }
0x5a: {  	[sflag:s21] =	ssyncadd.s32 $0xFFFFFF80  }
0x5b: {  	_ =	swait.ge [sflag:s21], $0x80  }
0x5c: {  	[sflag:s21] =	ssyncset.done $0x0  }
0x5d: {  	[sflag:s21] =	ssyncadd.s32 $0xFFFFFF80  }
0x5e: {  	_ =	swait.ge [sflag:s21], $0x80  }
0x5f: {  	[sflag:s21] =	ssyncset.done $0x0  }
0x60: {  	[sflag:s21] =	ssyncadd.s32 $0xFFFFFF80  }
0x61: {  	_ =	swait.ge [sflag:s21], $0x80  }
0x62: {  	[sflag:s21] =	ssyncset.done $0x0  }
0x63: {  	[sflag:s21] =	ssyncadd.s32 $0xFFFFFF80  }
0x64: {  	_ =	swait.ge [sflag:s21], $0x80  }
.Ltmp2:
0x65: {  	[sflag:s21] =	ssyncset.done $0x0;
	(pc) =	sbr.rel @p0 .LBB2_2-.Ltmp2, $4  }
0x66: {  	[sflag:s21] =	ssyncadd.s32 $0xFFFFFF80  }
0x67: {  	[hbm4b:s22+s3] =	stream.linear.scatter [tilespmem:s7], [sflag:$0x2], $0x400, $0x38;
	[tilespmem:$0x800] =	vst v63  }
0x68: {  	_ =	swait.ge [sflag:s4], $0x400  }
0x69: {  	[sflag:s4] =	ssyncset.done $0x0  }
.LBB2_3:
0x6a: {  	[sflag:s4] =	ssyncadd.s32 $0xFFFFFC00  }
.LBB2_4:
0x6b: {  	_ =	sfence.sel $0x180000  }
0x6c: {  	[bflag:$0x0] =	sbarrier.arrive $0xFFFF  }
0x6d: {  	p0 =	sne.s32 s1, $0x0;
	_ =	strace $0x9000004A  }
0x6e: {  	s0 =	sadd.s32 @!p0 $0x100000, s0;
	[bflag:$0x2] =	sbarrier.arrive $0xFFFF  }
0x6f: {  	[sflag:s0] =	ssyncadd.tile.s32 @!p0 $0x1;
	_ =	shalt  }
.Lfunc_end2:
_tile_overlayer_lowered:
.L_overlay_start_2:
0x70: {  	(tag) =	ssettag $0x2  }
0x71: {  	s0 =	rddreg [dreg:$0x0];
	s2 =	stileid.u32  }
0x72: {  	s1 =	rddreg [dreg:$0x1];
	p0 =	sne.s32 s2, $0x0  }
0x73: {  	s3 =	rddreg [dreg:$0x2];
	[bflag:$0x3] =	sbarrier.arrive $0xFFFF;
	s2 =	simm.s32 @!p0 $0x1C02  }
0x74: {  	[timem:s3], [sflag:s2] =	dma.local @!p0 [hbm:s0], s1  }
0x75: {  	s0 =	simm.s32 @!p0 $0x2  }
0x76: {  	_ =	swait.ge @!p0 [sflag:s0], s1  }
0x77: {  	s1 =	ssub.s32 @!p0 $0x0, s1;
	[sflag:s0] =	ssyncset.done @!p0 $0x0  }
0x78: {  	[sflag:s0] =	ssyncadd.s32 @!p0 s1  }
0x79: {  	[bflag:$0x3] =	sbarrier.arrive $0xFFFF  }
0x7a: {  	_ =	shalt  }

</sc_bundles>
